<compile_context>
chip_gen: v7x
topology: tpu7x:2x2x1
jax: 0.10.2.dev20260603
libtpu: 0.0.44.dev20260713+nightly
codegen_flags: <defaults>
</compile_context>

<pallas_src>
import jax
import jax.numpy as jnp
from jax import lax
from jax.experimental import pallas as pl
from jax.experimental.pallas import tpu as pltpu, tpu_sc as plsc

N_NODES = 10000
N_EDGES = 320000
D_FEAT = 128

NUM_CORES = 2
NUM_SUBCORES = 16
NUM_WORKERS = NUM_CORES * NUM_SUBCORES
EDGES_PER_WORKER = N_EDGES // NUM_WORKERS
CHUNK = 16
NUM_CHUNKS = EDGES_PER_WORKER // CHUNK
NBUF = 5
GROUPS = NUM_CHUNKS // NBUF
LANES = 16
WARM_GROUPS = 2


def _sc_body(h_hbm, u_hbm, v_hbm, out_hbm, h_sp, idx_u, idx_v, rows_u, rows_v,
             out_v, gsem_u, gsem_v, osem, hsem):
  wid = lax.axis_index("s") * NUM_CORES + lax.axis_index("c")
  base_w = pl.multiple_of(wid * EDGES_PER_WORKER, 8)
  lane_iota = lax.iota(jnp.int32, LANES)

  @pl.when(lax.axis_index("s") == 0)
  def _stage_h():
    pltpu.async_copy(h_hbm, h_sp, hsem)

  pltpu.sync_copy(u_hbm.at[pl.ds(base_w, EDGES_PER_WORKER)], idx_u)
  pltpu.sync_copy(v_hbm.at[pl.ds(base_w, EDGES_PER_WORKER)], idx_v)

  def issue_gathers_hbm(ci, b):
    off = pl.multiple_of(ci * CHUNK, 8)
    pltpu.async_copy(h_hbm.at[idx_u.at[pl.ds(off, CHUNK)]], rows_u.at[b],
                     gsem_u.at[b])
    pltpu.async_copy(h_hbm.at[idx_v.at[pl.ds(off, CHUNK)]], rows_v.at[b],
                     gsem_v.at[b])

  def issue_gathers(ci, b):
    off = pl.multiple_of(ci * CHUNK, 8)
    pltpu.async_copy(h_sp.at[idx_u.at[pl.ds(off, CHUNK)]], rows_u.at[b],
                     gsem_u.at[b])
    pltpu.async_copy(h_sp.at[idx_v.at[pl.ds(off, CHUNK)]], rows_v.at[b],
                     gsem_v.at[b])

  def wait_gathers(ci, b):
    off = pl.multiple_of(ci * CHUNK, 8)
    pltpu.make_async_copy(h_sp.at[idx_u.at[pl.ds(off, CHUNK)]],
                          rows_u.at[b], gsem_u.at[b]).wait()
    pltpu.make_async_copy(h_sp.at[idx_v.at[pl.ds(off, CHUNK)]],
                          rows_v.at[b], gsem_v.at[b]).wait()

  def out_slice(ci):
    return out_hbm.at[pl.ds(pl.multiple_of(base_w + ci * CHUNK, 8), CHUNK)]

  lane15 = jnp.full((LANES,), LANES - 1, jnp.int32)

  def compute_chunk(b):
    def edge_body(k, score):
      prods = [
          rows_u[b, k, pl.ds(j * LANES, LANES)] *
          rows_v[b, k, pl.ds(j * LANES, LANES)]
          for j in range(D_FEAT // LANES)
      ]
      while len(prods) > 1:
        prods = [a + c for a, c in zip(prods[::2], prods[1::2])]
      tot = lax.gather(
          plsc.cumsum(prods[0]), lane15[:, None],
          lax.GatherDimensionNumbers(offset_dims=(), collapsed_slice_dims=(0,),
                                     start_index_map=(0,)),
          (1,), mode=lax.GatherScatterMode.PROMISE_IN_BOUNDS)
      return jnp.where(lane_iota == k, tot, score)

    score = lax.fori_loop(0, LANES, edge_body,
                          jnp.zeros((LANES,), jnp.float32), unroll=1)
    out_v[b, pl.ds(0, LANES)] = score

  for b in range(NBUF):
    issue_gathers_hbm(b, b)

  def make_group(issuer):
    def group(g, _):
      for b in range(NBUF):
        ci = g * NBUF + b
        wait_gathers(ci, b)

        @pl.when(g > 0)
        def _wait_prev_out():
          pltpu.make_async_copy(out_v.at[b], out_slice(ci - NBUF),
                                osem.at[b]).wait()

        compute_chunk(b)
        pltpu.async_copy(out_v.at[b], out_slice(ci), osem.at[b])

        @pl.when(g < GROUPS - 1)
        def _issue_next():
          issuer(ci + NBUF, b)

      return 0

    return group

  lax.fori_loop(0, WARM_GROUPS, make_group(issue_gathers_hbm), 0)

  @pl.when(lax.axis_index("s") == 0)
  def _wait_h_staged():
    pltpu.make_async_copy(h_hbm, h_sp, hsem).wait()

  plsc.subcore_barrier()
  lax.fori_loop(WARM_GROUPS, GROUPS, make_group(issue_gathers), 0)

  for b in range(NBUF):
    ci = (GROUPS - 1) * NBUF + b
    pltpu.make_async_copy(out_v.at[b], out_slice(ci), osem.at[b]).wait()


@jax.jit
def kernel(h, u, v):
  mesh = plsc.VectorSubcoreMesh(core_axis_name="c", subcore_axis_name="s")
  return pl.kernel(
      _sc_body,
      out_type=jax.ShapeDtypeStruct((N_EDGES,), jnp.float32),
      mesh=mesh,
      compiler_params=pltpu.CompilerParams(needs_layout_passes=False),
      scratch_types=[
          pltpu.VMEM_SHARED((N_NODES, D_FEAT), jnp.float32),
          pltpu.VMEM((EDGES_PER_WORKER,), jnp.int32),
          pltpu.VMEM((EDGES_PER_WORKER,), jnp.int32),
          pltpu.VMEM((NBUF, CHUNK, D_FEAT), jnp.float32),
          pltpu.VMEM((NBUF, CHUNK, D_FEAT), jnp.float32),
          pltpu.VMEM((NBUF, CHUNK), jnp.float32),
          pltpu.SemaphoreType.DMA((NBUF,)),
          pltpu.SemaphoreType.DMA((NBUF,)),
          pltpu.SemaphoreType.DMA((NBUF,)),
          pltpu.SemaphoreType.DMA,
      ],
  )(h, u, v)

# --- scband reference (transcript-rebuilt; emitter-appended) ---
"""Pipeline reference for scband-dot-predictor-77962246357152 (READ-ONLY COPY).

The authoritative reference and input builder live on the scoring server;
editing this copy changes nothing except your own understanding.
"""

import jax, jax.numpy as jnp
import numpy as np

N_NODES = 10000
N_EDGES = 320000
D_FEAT = 128

def setup_inputs(seed: int = 0) -> dict:
    key = jax.random.key(seed)
    k1, k2, k3 = jax.random.split(key, 3)
    h = jax.random.normal(k1, (N_NODES, D_FEAT), dtype=jnp.float32)
    u = jax.random.randint(k2, (N_EDGES,), 0, N_NODES, dtype=jnp.int32)
    v = jax.random.randint(k3, (N_EDGES,), 0, N_NODES, dtype=jnp.int32)
    return {"h": h, "u": u, "v": v}

def reference(h, u, v):
    # DotPredictor.forward_subg: per-edge dot product between src and dst node embeddings
    # gather src/dst embeddings (SparseCore gather), elementwise mul, row-sum -> [E]
    h_u = jnp.take(h, u, axis=0)
    h_v = jnp.take(h, v, axis=0)
    score = jnp.sum(h_u * h_v, axis=1)
    return score

if __name__ == "__main__":
    import jax
    _d = setup_inputs()
    print(jax.jit(kernel)(*tuple(_d.values())))

</pallas_src>

<mosaic_0001>
#map = affine_map<(d0, d1) -> (0, 0)>
#map1 = affine_map<(d0, d1) -> (0)>
module attributes {stable_mosaic.version = 14 : i64} {
  func.func @_sc_body(%arg0: i32, %arg1: i32, %arg2: memref<10000x128xf32, #tpu.memory_space<hbm>>, %arg3: memref<320000xi32, #tpu.memory_space<hbm>>, %arg4: memref<320000xi32, #tpu.memory_space<hbm>>, %arg5: memref<320000xf32, #tpu.memory_space<hbm>>, %arg6: memref<10000x128xf32, #tpu.memory_space<vmem_shared>>, %arg7: memref<10000xi32, #tpu.memory_space<vmem>>, %arg8: memref<10000xi32, #tpu.memory_space<vmem>>, %arg9: memref<5x16x128xf32, #tpu.memory_space<vmem>>, %arg10: memref<5x16x128xf32, #tpu.memory_space<vmem>>, %arg11: memref<5x16xf32, #tpu.memory_space<vmem>>, %arg12: memref<5x!tpu.dma_semaphore, #tpu.memory_space<semaphore_mem>>, %arg13: memref<5x!tpu.dma_semaphore, #tpu.memory_space<semaphore_mem>>, %arg14: memref<5x!tpu.dma_semaphore, #tpu.memory_space<semaphore_mem>>, %arg15: memref<!tpu.dma_semaphore, #tpu.memory_space<semaphore_mem>>) attributes {dimension_semantics = [#tpu.dimension_semantics<core_parallel>, #tpu.dimension_semantics<subcore_parallel>], iteration_bounds = array<i64: 2, 16>, scalar_prefetch = 0 : i64, scratch_operands = 10 : i64, tpu.core_type = #tpu.core_type<sc_vector_subcore>, window_params = [{transform_indices = #map}, {transform_indices = #map1}, {transform_indices = #map1}, {transform_indices = #map1}]} {
    %mul3A = arith.constant 2 : i32
    %mul3A_0 = arith.muli %arg1, %mul3A : i32
    %add3A = arith.addi %mul3A_0, %arg0 : i32
    %mul3A_1 = arith.constant 10000 : i32
    %mul3A_2 = arith.muli %add3A, %mul3A_1 : i32
    %multiple_of3A = tpu.assume_multiple %mul3A_2, 8 : i32
    %iota3A = tpu.iota {dimensions = array<i32: 0>} : vector<16xi32>
    %eq3A = arith.constant 0 : i32
    %eq3A_3 = arith.cmpi eq, %arg1, %eq3A : i32
    %convert_element_type3A = arith.extui %eq3A_3 : i1 to i32
    %cond3A = arith.constant 0 : i32
    %cond3A_4 = arith.cmpi ne, %convert_element_type3A, %cond3A : i32
    scf.if %cond3A_4 {
      tpu.enqueue_dma source(%arg2 : memref<10000x128xf32, #tpu.memory_space<hbm>>) target(%arg6 : memref<10000x128xf32, #tpu.memory_space<vmem_shared>>) target_semaphore(%arg15 : memref<!tpu.dma_semaphore, #tpu.memory_space<semaphore_mem>>)
    } else {
    }
    "tpu.region"() ({
      %run_scoped3A = tpu.sem_alloc : memref<!tpu.dma_semaphore, #tpu.memory_space<semaphore_mem>>
      %dma_start3A_227 = tpu.memref_slice %arg3[%multiple_of3A] : memref<320000xi32, #tpu.memory_space<hbm>> -> memref<10000xi32, #tpu.memory_space<hbm>>
      %dma_start3A_228 = tpu.memref_slice %arg3[%multiple_of3A] : memref<320000xi32, #tpu.memory_space<hbm>> -> memref<10000xi32, #tpu.memory_space<hbm>>
      tpu.enqueue_dma source(%dma_start3A_228 : memref<10000xi32, #tpu.memory_space<hbm>>) target(%arg7 : memref<10000xi32, #tpu.memory_space<vmem>>) target_semaphore(%run_scoped3A : memref<!tpu.dma_semaphore, #tpu.memory_space<semaphore_mem>>)
      %dma_wait3A_229 = tpu.memref_slice %arg3[%multiple_of3A] : memref<320000xi32, #tpu.memory_space<hbm>> -> memref<10000xi32, #tpu.memory_space<hbm>>
      %dma_wait3A_230 = tpu.memref_slice %arg3[%multiple_of3A] : memref<320000xi32, #tpu.memory_space<hbm>> -> memref<10000xi32, #tpu.memory_space<hbm>>
      tpu.wait_dma2 semaphore(%run_scoped3A : memref<!tpu.dma_semaphore, #tpu.memory_space<semaphore_mem>>) src(%dma_wait3A_230 : memref<10000xi32, #tpu.memory_space<hbm>>) dst(%arg7 : memref<10000xi32, #tpu.memory_space<vmem>>)
      tpu.yield
    }) : () -> ()
    "tpu.region"() ({
      %run_scoped3A = tpu.sem_alloc : memref<!tpu.dma_semaphore, #tpu.memory_space<semaphore_mem>>
      %dma_start3A_227 = tpu.memref_slice %arg4[%multiple_of3A] : memref<320000xi32, #tpu.memory_space<hbm>> -> memref<10000xi32, #tpu.memory_space<hbm>>
      %dma_start3A_228 = tpu.memref_slice %arg4[%multiple_of3A] : memref<320000xi32, #tpu.memory_space<hbm>> -> memref<10000xi32, #tpu.memory_space<hbm>>
      tpu.enqueue_dma source(%dma_start3A_228 : memref<10000xi32, #tpu.memory_space<hbm>>) target(%arg8 : memref<10000xi32, #tpu.memory_space<vmem>>) target_semaphore(%run_scoped3A : memref<!tpu.dma_semaphore, #tpu.memory_space<semaphore_mem>>)
      %dma_wait3A_229 = tpu.memref_slice %arg4[%multiple_of3A] : memref<320000xi32, #tpu.memory_space<hbm>> -> memref<10000xi32, #tpu.memory_space<hbm>>
      %dma_wait3A_230 = tpu.memref_slice %arg4[%multiple_of3A] : memref<320000xi32, #tpu.memory_space<hbm>> -> memref<10000xi32, #tpu.memory_space<hbm>>
      tpu.wait_dma2 semaphore(%run_scoped3A : memref<!tpu.dma_semaphore, #tpu.memory_space<semaphore_mem>>) src(%dma_wait3A_230 : memref<10000xi32, #tpu.memory_space<hbm>>) dst(%arg8 : memref<10000xi32, #tpu.memory_space<vmem>>)
      tpu.yield
    }) : () -> ()
    %broadcast_in_dim3A = arith.constant 15 : i32
    %broadcast_in_dim3A_5 = vector.broadcast %broadcast_in_dim3A : i32 to vector<16xi32>
    %multiple_of3A_6 = arith.constant 0 : i32
    %multiple_of3A_7 = tpu.assume_multiple %multiple_of3A_6, 8 : i32
    %dma_start3A = arith.constant 0 : i32
    %dma_start3A_8 = arith.constant 0 : i32
    %dma_start3A_9 = arith.constant 0 : i32
    %dma_start3A_10 = arith.constant 0 : i32
    %dma_start3A_11 = tpu.memref_slice %arg9[%dma_start3A, %dma_start3A_9, %dma_start3A_10] : memref<5x16x128xf32, #tpu.memory_space<vmem>> -> memref<1x16x128xf32, #tpu.memory_space<vmem>>
    %dma_start3A_12 = tpu.memref_squeeze %dma_start3A_11 : memref<1x16x128xf32, #tpu.memory_space<vmem>> -> memref<16x128xf32, #tpu.memory_space<vmem>>
    %dma_start3A_13 = tpu.memref_slice %arg7[%multiple_of3A_7] : memref<10000xi32, #tpu.memory_space<vmem>> -> memref<16xi32, #tpu.memory_space<vmem>>
    %dma_start3A_14 = arith.constant 0 : i32
    %dma_start3A_15 = arith.constant 0 : i32
    %dma_start3A_16 = tpu.memref_slice %arg2[%dma_start3A_14, %dma_start3A_15] : memref<10000x128xf32, #tpu.memory_space<hbm>> -> memref<10000x128xf32, #tpu.memory_space<hbm>>
    %dma_start3A_17 = tpu.memref_slice %arg12[%dma_start3A_8] : memref<5x!tpu.dma_semaphore, #tpu.memory_space<semaphore_mem>> -> memref<1x!tpu.dma_semaphore, #tpu.memory_space<semaphore_mem>>
    %dma_start3A_18 = tpu.memref_squeeze %dma_start3A_17 : memref<1x!tpu.dma_semaphore, #tpu.memory_space<semaphore_mem>> -> memref<!tpu.dma_semaphore, #tpu.memory_space<semaphore_mem>>
    tpu.enqueue_indirect_dma source(%dma_start3A_16 : memref<10000x128xf32, #tpu.memory_space<hbm>>) target(%dma_start3A_12 : memref<16x128xf32, #tpu.memory_space<vmem>>) offsets(%dma_start3A_13 : memref<16xi32, #tpu.memory_space<vmem>>) semaphore(%dma_start3A_18 : memref<!tpu.dma_semaphore, #tpu.memory_space<semaphore_mem>>)
    %dma_start3A_19 = arith.constant 0 : i32
    %dma_start3A_20 = arith.constant 0 : i32
    %dma_start3A_21 = arith.constant 0 : i32
    %dma_start3A_22 = arith.constant 0 : i32
    %dma_start3A_23 = tpu.memref_slice %arg10[%dma_start3A_19, %dma_start3A_21, %dma_start3A_22] : memref<5x16x128xf32, #tpu.memory_space<vmem>> -> memref<1x16x128xf32, #tpu.memory_space<vmem>>
    %dma_start3A_24 = tpu.memref_squeeze %dma_start3A_23 : memref<1x16x128xf32, #tpu.memory_space<vmem>> -> memref<16x128xf32, #tpu.memory_space<vmem>>
    %dma_start3A_25 = tpu.memref_slice %arg8[%multiple_of3A_7] : memref<10000xi32, #tpu.memory_space<vmem>> -> memref<16xi32, #tpu.memory_space<vmem>>
    %dma_start3A_26 = arith.constant 0 : i32
    %dma_start3A_27 = arith.constant 0 : i32
    %dma_start3A_28 = tpu.memref_slice %arg2[%dma_start3A_26, %dma_start3A_27] : memref<10000x128xf32, #tpu.memory_space<hbm>> -> memref<10000x128xf32, #tpu.memory_space<hbm>>
    %dma_start3A_29 = tpu.memref_slice %arg13[%dma_start3A_20] : memref<5x!tpu.dma_semaphore, #tpu.memory_space<semaphore_mem>> -> memref<1x!tpu.dma_semaphore, #tpu.memory_space<semaphore_mem>>
    %dma_start3A_30 = tpu.memref_squeeze %dma_start3A_29 : memref<1x!tpu.dma_semaphore, #tpu.memory_space<semaphore_mem>> -> memref<!tpu.dma_semaphore, #tpu.memory_space<semaphore_mem>>
    tpu.enqueue_indirect_dma source(%dma_start3A_28 : memref<10000x128xf32, #tpu.memory_space<hbm>>) target(%dma_start3A_24 : memref<16x128xf32, #tpu.memory_space<vmem>>) offsets(%dma_start3A_25 : memref<16xi32, #tpu.memory_space<vmem>>) semaphore(%dma_start3A_30 : memref<!tpu.dma_semaphore, #tpu.memory_space<semaphore_mem>>)
    %multiple_of3A_31 = arith.constant 16 : i32
    %multiple_of3A_32 = tpu.assume_multiple %multiple_of3A_31, 8 : i32
    %dma_start3A_33 = arith.constant 1 : i32
    %dma_start3A_34 = arith.constant 1 : i32
    %dma_start3A_35 = arith.constant 0 : i32
    %dma_start3A_36 = arith.constant 0 : i32
    %dma_start3A_37 = tpu.memref_slice %arg9[%dma_start3A_33, %dma_start3A_35, %dma_start3A_36] : memref<5x16x128xf32, #tpu.memory_space<vmem>> -> memref<1x16x128xf32, #tpu.memory_space<vmem>>
    %dma_start3A_38 = tpu.memref_squeeze %dma_start3A_37 : memref<1x16x128xf32, #tpu.memory_space<vmem>> -> memref<16x128xf32, #tpu.memory_space<vmem>>
    %dma_start3A_39 = tpu.memref_slice %arg7[%multiple_of3A_32] : memref<10000xi32, #tpu.memory_space<vmem>> -> memref<16xi32, #tpu.memory_space<vmem>>
    %dma_start3A_40 = arith.constant 0 : i32
    %dma_start3A_41 = arith.constant 0 : i32
    %dma_start3A_42 = tpu.memref_slice %arg2[%dma_start3A_40, %dma_start3A_41] : memref<10000x128xf32, #tpu.memory_space<hbm>> -> memref<10000x128xf32, #tpu.memory_space<hbm>>
    %dma_start3A_43 = tpu.memref_slice %arg12[%dma_start3A_34] : memref<5x!tpu.dma_semaphore, #tpu.memory_space<semaphore_mem>> -> memref<1x!tpu.dma_semaphore, #tpu.memory_space<semaphore_mem>>
    %dma_start3A_44 = tpu.memref_squeeze %dma_start3A_43 : memref<1x!tpu.dma_semaphore, #tpu.memory_space<semaphore_mem>> -> memref<!tpu.dma_semaphore, #tpu.memory_space<semaphore_mem>>
    tpu.enqueue_indirect_dma source(%dma_start3A_42 : memref<10000x128xf32, #tpu.memory_space<hbm>>) target(%dma_start3A_38 : memref<16x128xf32, #tpu.memory_space<vmem>>) offsets(%dma_start3A_39 : memref<16xi32, #tpu.memory_space<vmem>>) semaphore(%dma_start3A_44 : memref<!tpu.dma_semaphore, #tpu.memory_space<semaphore_mem>>)
    %dma_start3A_45 = arith.constant 1 : i32
    %dma_start3A_46 = arith.constant 1 : i32
    %dma_start3A_47 = arith.constant 0 : i32
    %dma_start3A_48 = arith.constant 0 : i32
    %dma_start3A_49 = tpu.memref_slice %arg10[%dma_start3A_45, %dma_start3A_47, %dma_start3A_48] : memref<5x16x128xf32, #tpu.memory_space<vmem>> -> memref<1x16x128xf32, #tpu.memory_space<vmem>>
    %dma_start3A_50 = tpu.memref_squeeze %dma_start3A_49 : memref<1x16x128xf32, #tpu.memory_space<vmem>> -> memref<16x128xf32, #tpu.memory_space<vmem>>
    %dma_start3A_51 = tpu.memref_slice %arg8[%multiple_of3A_32] : memref<10000xi32, #tpu.memory_space<vmem>> -> memref<16xi32, #tpu.memory_space<vmem>>
    %dma_start3A_52 = arith.constant 0 : i32
    %dma_start3A_53 = arith.constant 0 : i32
    %dma_start3A_54 = tpu.memref_slice %arg2[%dma_start3A_52, %dma_start3A_53] : memref<10000x128xf32, #tpu.memory_space<hbm>> -> memref<10000x128xf32, #tpu.memory_space<hbm>>
    %dma_start3A_55 = tpu.memref_slice %arg13[%dma_start3A_46] : memref<5x!tpu.dma_semaphore, #tpu.memory_space<semaphore_mem>> -> memref<1x!tpu.dma_semaphore, #tpu.memory_space<semaphore_mem>>
    %dma_start3A_56 = tpu.memref_squeeze %dma_start3A_55 : memref<1x!tpu.dma_semaphore, #tpu.memory_space<semaphore_mem>> -> memref<!tpu.dma_semaphore, #tpu.memory_space<semaphore_mem>>
    tpu.enqueue_indirect_dma source(%dma_start3A_54 : memref<10000x128xf32, #tpu.memory_space<hbm>>) target(%dma_start3A_50 : memref<16x128xf32, #tpu.memory_space<vmem>>) offsets(%dma_start3A_51 : memref<16xi32, #tpu.memory_space<vmem>>) semaphore(%dma_start3A_56 : memref<!tpu.dma_semaphore, #tpu.memory_space<semaphore_mem>>)
    %multiple_of3A_57 = arith.constant 32 : i32
    %multiple_of3A_58 = tpu.assume_multiple %multiple_of3A_57, 8 : i32
    %dma_start3A_59 = arith.constant 2 : i32
    %dma_start3A_60 = arith.constant 2 : i32
    %dma_start3A_61 = arith.constant 0 : i32
    %dma_start3A_62 = arith.constant 0 : i32
    %dma_start3A_63 = tpu.memref_slice %arg9[%dma_start3A_59, %dma_start3A_61, %dma_start3A_62] : memref<5x16x128xf32, #tpu.memory_space<vmem>> -> memref<1x16x128xf32, #tpu.memory_space<vmem>>
    %dma_start3A_64 = tpu.memref_squeeze %dma_start3A_63 : memref<1x16x128xf32, #tpu.memory_space<vmem>> -> memref<16x128xf32, #tpu.memory_space<vmem>>
    %dma_start3A_65 = tpu.memref_slice %arg7[%multiple_of3A_58] : memref<10000xi32, #tpu.memory_space<vmem>> -> memref<16xi32, #tpu.memory_space<vmem>>
    %dma_start3A_66 = arith.constant 0 : i32
    %dma_start3A_67 = arith.constant 0 : i32
    %dma_start3A_68 = tpu.memref_slice %arg2[%dma_start3A_66, %dma_start3A_67] : memref<10000x128xf32, #tpu.memory_space<hbm>> -> memref<10000x128xf32, #tpu.memory_space<hbm>>
    %dma_start3A_69 = tpu.memref_slice %arg12[%dma_start3A_60] : memref<5x!tpu.dma_semaphore, #tpu.memory_space<semaphore_mem>> -> memref<1x!tpu.dma_semaphore, #tpu.memory_space<semaphore_mem>>
    %dma_start3A_70 = tpu.memref_squeeze %dma_start3A_69 : memref<1x!tpu.dma_semaphore, #tpu.memory_space<semaphore_mem>> -> memref<!tpu.dma_semaphore, #tpu.memory_space<semaphore_mem>>
    tpu.enqueue_indirect_dma source(%dma_start3A_68 : memref<10000x128xf32, #tpu.memory_space<hbm>>) target(%dma_start3A_64 : memref<16x128xf32, #tpu.memory_space<vmem>>) offsets(%dma_start3A_65 : memref<16xi32, #tpu.memory_space<vmem>>) semaphore(%dma_start3A_70 : memref<!tpu.dma_semaphore, #tpu.memory_space<semaphore_mem>>)
    %dma_start3A_71 = arith.constant 2 : i32
    %dma_start3A_72 = arith.constant 2 : i32
    %dma_start3A_73 = arith.constant 0 : i32
    %dma_start3A_74 = arith.constant 0 : i32
    %dma_start3A_75 = tpu.memref_slice %arg10[%dma_start3A_71, %dma_start3A_73, %dma_start3A_74] : memref<5x16x128xf32, #tpu.memory_space<vmem>> -> memref<1x16x128xf32, #tpu.memory_space<vmem>>
    %dma_start3A_76 = tpu.memref_squeeze %dma_start3A_75 : memref<1x16x128xf32, #tpu.memory_space<vmem>> -> memref<16x128xf32, #tpu.memory_space<vmem>>
    %dma_start3A_77 = tpu.memref_slice %arg8[%multiple_of3A_58] : memref<10000xi32, #tpu.memory_space<vmem>> -> memref<16xi32, #tpu.memory_space<vmem>>
    %dma_start3A_78 = arith.constant 0 : i32
    %dma_start3A_79 = arith.constant 0 : i32
    %dma_start3A_80 = tpu.memref_slice %arg2[%dma_start3A_78, %dma_start3A_79] : memref<10000x128xf32, #tpu.memory_space<hbm>> -> memref<10000x128xf32, #tpu.memory_space<hbm>>
    %dma_start3A_81 = tpu.memref_slice %arg13[%dma_start3A_72] : memref<5x!tpu.dma_semaphore, #tpu.memory_space<semaphore_mem>> -> memref<1x!tpu.dma_semaphore, #tpu.memory_space<semaphore_mem>>
    %dma_start3A_82 = tpu.memref_squeeze %dma_start3A_81 : memref<1x!tpu.dma_semaphore, #tpu.memory_space<semaphore_mem>> -> memref<!tpu.dma_semaphore, #tpu.memory_space<semaphore_mem>>
    tpu.enqueue_indirect_dma source(%dma_start3A_80 : memref<10000x128xf32, #tpu.memory_space<hbm>>) target(%dma_start3A_76 : memref<16x128xf32, #tpu.memory_space<vmem>>) offsets(%dma_start3A_77 : memref<16xi32, #tpu.memory_space<vmem>>) semaphore(%dma_start3A_82 : memref<!tpu.dma_semaphore, #tpu.memory_space<semaphore_mem>>)
    %multiple_of3A_83 = arith.constant 48 : i32
    %multiple_of3A_84 = tpu.assume_multiple %multiple_of3A_83, 8 : i32
    %dma_start3A_85 = arith.constant 3 : i32
    %dma_start3A_86 = arith.constant 3 : i32
    %dma_start3A_87 = arith.constant 0 : i32
    %dma_start3A_88 = arith.constant 0 : i32
    %dma_start3A_89 = tpu.memref_slice %arg9[%dma_start3A_85, %dma_start3A_87, %dma_start3A_88] : memref<5x16x128xf32, #tpu.memory_space<vmem>> -> memref<1x16x128xf32, #tpu.memory_space<vmem>>
    %dma_start3A_90 = tpu.memref_squeeze %dma_start3A_89 : memref<1x16x128xf32, #tpu.memory_space<vmem>> -> memref<16x128xf32, #tpu.memory_space<vmem>>
    %dma_start3A_91 = tpu.memref_slice %arg7[%multiple_of3A_84] : memref<10000xi32, #tpu.memory_space<vmem>> -> memref<16xi32, #tpu.memory_space<vmem>>
    %dma_start3A_92 = arith.constant 0 : i32
    %dma_start3A_93 = arith.constant 0 : i32
    %dma_start3A_94 = tpu.memref_slice %arg2[%dma_start3A_92, %dma_start3A_93] : memref<10000x128xf32, #tpu.memory_space<hbm>> -> memref<10000x128xf32, #tpu.memory_space<hbm>>
    %dma_start3A_95 = tpu.memref_slice %arg12[%dma_start3A_86] : memref<5x!tpu.dma_semaphore, #tpu.memory_space<semaphore_mem>> -> memref<1x!tpu.dma_semaphore, #tpu.memory_space<semaphore_mem>>
    %dma_start3A_96 = tpu.memref_squeeze %dma_start3A_95 : memref<1x!tpu.dma_semaphore, #tpu.memory_space<semaphore_mem>> -> memref<!tpu.dma_semaphore, #tpu.memory_space<semaphore_mem>>
    tpu.enqueue_indirect_dma source(%dma_start3A_94 : memref<10000x128xf32, #tpu.memory_space<hbm>>) target(%dma_start3A_90 : memref<16x128xf32, #tpu.memory_space<vmem>>) offsets(%dma_start3A_91 : memref<16xi32, #tpu.memory_space<vmem>>) semaphore(%dma_start3A_96 : memref<!tpu.dma_semaphore, #tpu.memory_space<semaphore_mem>>)
    %dma_start3A_97 = arith.constant 3 : i32
    %dma_start3A_98 = arith.constant 3 : i32
    %dma_start3A_99 = arith.constant 0 : i32
    %dma_start3A_100 = arith.constant 0 : i32
    %dma_start3A_101 = tpu.memref_slice %arg10[%dma_start3A_97, %dma_start3A_99, %dma_start3A_100] : memref<5x16x128xf32, #tpu.memory_space<vmem>> -> memref<1x16x128xf32, #tpu.memory_space<vmem>>
    %dma_start3A_102 = tpu.memref_squeeze %dma_start3A_101 : memref<1x16x128xf32, #tpu.memory_space<vmem>> -> memref<16x128xf32, #tpu.memory_space<vmem>>
    %dma_start3A_103 = tpu.memref_slice %arg8[%multiple_of3A_84] : memref<10000xi32, #tpu.memory_space<vmem>> -> memref<16xi32, #tpu.memory_space<vmem>>
    %dma_start3A_104 = arith.constant 0 : i32
    %dma_start3A_105 = arith.constant 0 : i32
    %dma_start3A_106 = tpu.memref_slice %arg2[%dma_start3A_104, %dma_start3A_105] : memref<10000x128xf32, #tpu.memory_space<hbm>> -> memref<10000x128xf32, #tpu.memory_space<hbm>>
    %dma_start3A_107 = tpu.memref_slice %arg13[%dma_start3A_98] : memref<5x!tpu.dma_semaphore, #tpu.memory_space<semaphore_mem>> -> memref<1x!tpu.dma_semaphore, #tpu.memory_space<semaphore_mem>>
    %dma_start3A_108 = tpu.memref_squeeze %dma_start3A_107 : memref<1x!tpu.dma_semaphore, #tpu.memory_space<semaphore_mem>> -> memref<!tpu.dma_semaphore, #tpu.memory_space<semaphore_mem>>
    tpu.enqueue_indirect_dma source(%dma_start3A_106 : memref<10000x128xf32, #tpu.memory_space<hbm>>) target(%dma_start3A_102 : memref<16x128xf32, #tpu.memory_space<vmem>>) offsets(%dma_start3A_103 : memref<16xi32, #tpu.memory_space<vmem>>) semaphore(%dma_start3A_108 : memref<!tpu.dma_semaphore, #tpu.memory_space<semaphore_mem>>)
    %multiple_of3A_109 = arith.constant 64 : i32
    %multiple_of3A_110 = tpu.assume_multiple %multiple_of3A_109, 8 : i32
    %dma_start3A_111 = arith.constant 4 : i32
    %dma_start3A_112 = arith.constant 4 : i32
    %dma_start3A_113 = arith.constant 0 : i32
    %dma_start3A_114 = arith.constant 0 : i32
    %dma_start3A_115 = tpu.memref_slice %arg9[%dma_start3A_111, %dma_start3A_113, %dma_start3A_114] : memref<5x16x128xf32, #tpu.memory_space<vmem>> -> memref<1x16x128xf32, #tpu.memory_space<vmem>>
    %dma_start3A_116 = tpu.memref_squeeze %dma_start3A_115 : memref<1x16x128xf32, #tpu.memory_space<vmem>> -> memref<16x128xf32, #tpu.memory_space<vmem>>
    %dma_start3A_117 = tpu.memref_slice %arg7[%multiple_of3A_110] : memref<10000xi32, #tpu.memory_space<vmem>> -> memref<16xi32, #tpu.memory_space<vmem>>
    %dma_start3A_118 = arith.constant 0 : i32
    %dma_start3A_119 = arith.constant 0 : i32
    %dma_start3A_120 = tpu.memref_slice %arg2[%dma_start3A_118, %dma_start3A_119] : memref<10000x128xf32, #tpu.memory_space<hbm>> -> memref<10000x128xf32, #tpu.memory_space<hbm>>
    %dma_start3A_121 = tpu.memref_slice %arg12[%dma_start3A_112] : memref<5x!tpu.dma_semaphore, #tpu.memory_space<semaphore_mem>> -> memref<1x!tpu.dma_semaphore, #tpu.memory_space<semaphore_mem>>
    %dma_start3A_122 = tpu.memref_squeeze %dma_start3A_121 : memref<1x!tpu.dma_semaphore, #tpu.memory_space<semaphore_mem>> -> memref<!tpu.dma_semaphore, #tpu.memory_space<semaphore_mem>>
    tpu.enqueue_indirect_dma source(%dma_start3A_120 : memref<10000x128xf32, #tpu.memory_space<hbm>>) target(%dma_start3A_116 : memref<16x128xf32, #tpu.memory_space<vmem>>) offsets(%dma_start3A_117 : memref<16xi32, #tpu.memory_space<vmem>>) semaphore(%dma_start3A_122 : memref<!tpu.dma_semaphore, #tpu.memory_space<semaphore_mem>>)
    %dma_start3A_123 = arith.constant 4 : i32
    %dma_start3A_124 = arith.constant 4 : i32
    %dma_start3A_125 = arith.constant 0 : i32
    %dma_start3A_126 = arith.constant 0 : i32
    %dma_start3A_127 = tpu.memref_slice %arg10[%dma_start3A_123, %dma_start3A_125, %dma_start3A_126] : memref<5x16x128xf32, #tpu.memory_space<vmem>> -> memref<1x16x128xf32, #tpu.memory_space<vmem>>
    %dma_start3A_128 = tpu.memref_squeeze %dma_start3A_127 : memref<1x16x128xf32, #tpu.memory_space<vmem>> -> memref<16x128xf32, #tpu.memory_space<vmem>>
    %dma_start3A_129 = tpu.memref_slice %arg8[%multiple_of3A_110] : memref<10000xi32, #tpu.memory_space<vmem>> -> memref<16xi32, #tpu.memory_space<vmem>>
    %dma_start3A_130 = arith.constant 0 : i32
    %dma_start3A_131 = arith.constant 0 : i32
    %dma_start3A_132 = tpu.memref_slice %arg2[%dma_start3A_130, %dma_start3A_131] : memref<10000x128xf32, #tpu.memory_space<hbm>> -> memref<10000x128xf32, #tpu.memory_space<hbm>>
    %dma_start3A_133 = tpu.memref_slice %arg13[%dma_start3A_124] : memref<5x!tpu.dma_semaphore, #tpu.memory_space<semaphore_mem>> -> memref<1x!tpu.dma_semaphore, #tpu.memory_space<semaphore_mem>>
    %dma_start3A_134 = tpu.memref_squeeze %dma_start3A_133 : memref<1x!tpu.dma_semaphore, #tpu.memory_space<semaphore_mem>> -> memref<!tpu.dma_semaphore, #tpu.memory_space<semaphore_mem>>
    tpu.enqueue_indirect_dma source(%dma_start3A_132 : memref<10000x128xf32, #tpu.memory_space<hbm>>) target(%dma_start3A_128 : memref<16x128xf32, #tpu.memory_space<vmem>>) offsets(%dma_start3A_129 : memref<16xi32, #tpu.memory_space<vmem>>) semaphore(%dma_start3A_134 : memref<!tpu.dma_semaphore, #tpu.memory_space<semaphore_mem>>)
    %scan3A = arith.constant 0 : i32
    %scan3A_135 = arith.constant 0 : i32
    %scan3A_136 = arith.constant 2 : i32
    %scan3A_137 = arith.addi %scan3A_135, %scan3A_136 : i32
    %scan3A_138 = arith.constant 1 : i32
    %scan3A_139 = scf.for %scan3A_227 = %scan3A_135 to %scan3A_137 step %scan3A_138 iter_args(%scan3A_228 = %scan3A) -> (i32)  : i32 {
      %mul3A_229 = arith.constant 5 : i32
      %mul3A_230 = arith.muli %scan3A_227, %mul3A_229 : i32
      %add3A_231 = arith.constant 0 : i32
      %add3A_232 = arith.addi %mul3A_230, %add3A_231 : i32
      %mul3A_233 = arith.constant 16 : i32
      %mul3A_234 = arith.muli %add3A_232, %mul3A_233 : i32
      %multiple_of3A_235 = tpu.assume_multiple %mul3A_234, 8 : i32
      %dma_wait3A_236 = arith.constant 0 : i32
      %dma_wait3A_237 = arith.constant 0 : i32
      %dma_wait3A_238 = arith.constant 0 : i32
      %dma_wait3A_239 = arith.constant 0 : i32
      %dma_wait3A_240 = tpu.memref_slice %arg9[%dma_wait3A_236, %dma_wait3A_238, %dma_wait3A_239] : memref<5x16x128xf32, #tpu.memory_space<vmem>> -> memref<1x16x128xf32, #tpu.memory_space<vmem>>
      %dma_wait3A_241 = tpu.memref_squeeze %dma_wait3A_240 : memref<1x16x128xf32, #tpu.memory_space<vmem>> -> memref<16x128xf32, #tpu.memory_space<vmem>>
      %dma_wait3A_242 = tpu.memref_slice %arg7[%multiple_of3A_235] : memref<10000xi32, #tpu.memory_space<vmem>> -> memref<16xi32, #tpu.memory_space<vmem>>
      %dma_wait3A_243 = arith.constant 0 : i32
      %dma_wait3A_244 = arith.constant 0 : i32
      %dma_wait3A_245 = tpu.memref_slice %arg6[%dma_wait3A_243, %dma_wait3A_244] : memref<10000x128xf32, #tpu.memory_space<vmem_shared>> -> memref<10000x128xf32, #tpu.memory_space<vmem_shared>>
      %dma_wait3A_246 = tpu.memref_slice %arg12[%dma_wait3A_237] : memref<5x!tpu.dma_semaphore, #tpu.memory_space<semaphore_mem>> -> memref<1x!tpu.dma_semaphore, #tpu.memory_space<semaphore_mem>>
      %dma_wait3A_247 = tpu.memref_squeeze %dma_wait3A_246 : memref<1x!tpu.dma_semaphore, #tpu.memory_space<semaphore_mem>> -> memref<!tpu.dma_semaphore, #tpu.memory_space<semaphore_mem>>
      tpu.wait_indirect_dma semaphore(%dma_wait3A_247 : memref<!tpu.dma_semaphore, #tpu.memory_space<semaphore_mem>>) src(%dma_wait3A_245 : memref<10000x128xf32, #tpu.memory_space<vmem_shared>>) dst(%dma_wait3A_241 : memref<16x128xf32, #tpu.memory_space<vmem>>)
      %dma_wait3A_248 = arith.constant 0 : i32
      %dma_wait3A_249 = arith.constant 0 : i32
      %dma_wait3A_250 = arith.constant 0 : i32
      %dma_wait3A_251 = arith.constant 0 : i32
      %dma_wait3A_252 = tpu.memref_slice %arg10[%dma_wait3A_248, %dma_wait3A_250, %dma_wait3A_251] : memref<5x16x128xf32, #tpu.memory_space<vmem>> -> memref<1x16x128xf32, #tpu.memory_space<vmem>>
      %dma_wait3A_253 = tpu.memref_squeeze %dma_wait3A_252 : memref<1x16x128xf32, #tpu.memory_space<vmem>> -> memref<16x128xf32, #tpu.memory_space<vmem>>
      %dma_wait3A_254 = tpu.memref_slice %arg8[%multiple_of3A_235] : memref<10000xi32, #tpu.memory_space<vmem>> -> memref<16xi32, #tpu.memory_space<vmem>>
      %dma_wait3A_255 = arith.constant 0 : i32
      %dma_wait3A_256 = arith.constant 0 : i32
      %dma_wait3A_257 = tpu.memref_slice %arg6[%dma_wait3A_255, %dma_wait3A_256] : memref<10000x128xf32, #tpu.memory_space<vmem_shared>> -> memref<10000x128xf32, #tpu.memory_space<vmem_shared>>
      %dma_wait3A_258 = tpu.memref_slice %arg13[%dma_wait3A_249] : memref<5x!tpu.dma_semaphore, #tpu.memory_space<semaphore_mem>> -> memref<1x!tpu.dma_semaphore, #tpu.memory_space<semaphore_mem>>
      %dma_wait3A_259 = tpu.memref_squeeze %dma_wait3A_258 : memref<1x!tpu.dma_semaphore, #tpu.memory_space<semaphore_mem>> -> memref<!tpu.dma_semaphore, #tpu.memory_space<semaphore_mem>>
      tpu.wait_indirect_dma semaphore(%dma_wait3A_259 : memref<!tpu.dma_semaphore, #tpu.memory_space<semaphore_mem>>) src(%dma_wait3A_257 : memref<10000x128xf32, #tpu.memory_space<vmem_shared>>) dst(%dma_wait3A_253 : memref<16x128xf32, #tpu.memory_space<vmem>>)
      %gt3A = arith.constant 0 : i32
      %gt3A_260 = arith.cmpi sgt, %scan3A_227, %gt3A : i32
      %convert_element_type3A_261 = arith.extui %gt3A_260 : i1 to i32
      %cond3A_262 = arith.constant 0 : i32
      %cond3A_263 = arith.cmpi ne, %convert_element_type3A_261, %cond3A_262 : i32
      scf.if %cond3A_263 {
        %sub3A = arith.constant 5 : i32
        %sub3A_572 = arith.subi %add3A_232, %sub3A : i32
        %mul3A_573 = arith.constant 16 : i32
        %mul3A_574 = arith.muli %sub3A_572, %mul3A_573 : i32
        %add3A_575 = arith.addi %multiple_of3A, %mul3A_574 : i32
        %multiple_of3A_576 = tpu.assume_multiple %add3A_575, 8 : i32
        %dma_wait3A_577 = arith.constant 0 : i32
        %dma_wait3A_578 = arith.constant 0 : i32
        %dma_wait3A_579 = arith.constant 0 : i32
        %dma_wait3A_580 = tpu.memref_slice %arg11[%dma_wait3A_577, %dma_wait3A_579] : memref<5x16xf32, #tpu.memory_space<vmem>> -> memref<1x16xf32, #tpu.memory_space<vmem>>
        %dma_wait3A_581 = tpu.memref_squeeze %dma_wait3A_580 : memref<1x16xf32, #tpu.memory_space<vmem>> -> memref<16xf32, #tpu.memory_space<vmem>>
        %dma_wait3A_582 = tpu.memref_slice %arg5[%multiple_of3A_576] : memref<320000xf32, #tpu.memory_space<hbm>> -> memref<16xf32, #tpu.memory_space<hbm>>
        %dma_wait3A_583 = tpu.memref_slice %arg14[%dma_wait3A_578] : memref<5x!tpu.dma_semaphore, #tpu.memory_space<semaphore_mem>> -> memref<1x!tpu.dma_semaphore, #tpu.memory_space<semaphore_mem>>
        %dma_wait3A_584 = tpu.memref_squeeze %dma_wait3A_583 : memref<1x!tpu.dma_semaphore, #tpu.memory_space<semaphore_mem>> -> memref<!tpu.dma_semaphore, #tpu.memory_space<semaphore_mem>>
        %dma_wait3A_585 = tpu.memref_slice %arg5[%multiple_of3A_576] : memref<320000xf32, #tpu.memory_space<hbm>> -> memref<16xf32, #tpu.memory_space<hbm>>
        %dma_wait3A_586 = arith.constant 0 : i32
        %dma_wait3A_587 = tpu.memref_slice %arg11[%dma_wait3A_577, %dma_wait3A_586] : memref<5x16xf32, #tpu.memory_space<vmem>> -> memref<1x16xf32, #tpu.memory_space<vmem>>
        %dma_wait3A_588 = tpu.memref_squeeze %dma_wait3A_587 : memref<1x16xf32, #tpu.memory_space<vmem>> -> memref<16xf32, #tpu.memory_space<vmem>>
        tpu.wait_dma2 semaphore(%dma_wait3A_584 : memref<!tpu.dma_semaphore, #tpu.memory_space<semaphore_mem>>) src(%dma_wait3A_588 : memref<16xf32, #tpu.memory_space<vmem>>) dst(%dma_wait3A_585 : memref<16xf32, #tpu.memory_space<hbm>>)
      } else {
      }
      %broadcast_in_dim3A_264 = arith.constant 0.000000e+00 : f32
      %broadcast_in_dim3A_265 = vector.broadcast %broadcast_in_dim3A_264 : f32 to vector<16xf32>
      %scan3A_266 = arith.constant 0 : i32
      %scan3A_267 = arith.constant 16 : i32
      %scan3A_268 = arith.addi %scan3A_266, %scan3A_267 : i32
      %scan3A_269 = arith.constant 1 : i32
      %scan3A_270 = scf.for %scan3A_572 = %scan3A_266 to %scan3A_268 step %scan3A_269 iter_args(%scan3A_573 = %broadcast_in_dim3A_265) -> (vector<16xf32>)  : i32 {
        %get3A = arith.constant 0 : i32
        %get3A_574 = arith.index_cast %get3A : i32 to index
        %get3A_575 = arith.index_cast %scan3A_572 : i32 to index
        %get3A_576 = arith.constant 0 : index
        %get3A_577 = tpu.vector_load %arg9[%get3A_574, %get3A_575, %get3A_576] {strides = array<i32>} : memref<5x16x128xf32, #tpu.memory_space<vmem>>, vector<16xf32>,
        %get3A_578 = arith.constant 0 : i32
        %get3A_579 = arith.index_cast %get3A_578 : i32 to index
        %get3A_580 = arith.index_cast %scan3A_572 : i32 to index
        %get3A_581 = arith.constant 0 : index
        %get3A_582 = tpu.vector_load %arg10[%get3A_579, %get3A_580, %get3A_581] {strides = array<i32>} : memref<5x16x128xf32, #tpu.memory_space<vmem>>, vector<16xf32>,
        %mul3A_583 = arith.mulf %get3A_577, %get3A_582 : vector<16xf32>
        %get3A_584 = arith.constant 0 : i32
        %get3A_585 = arith.index_cast %get3A_584 : i32 to index
        %get3A_586 = arith.index_cast %scan3A_572 : i32 to index
        %get3A_587 = arith.constant 16 : index
        %get3A_588 = tpu.vector_load %arg9[%get3A_585, %get3A_586, %get3A_587] {strides = array<i32>} : memref<5x16x128xf32, #tpu.memory_space<vmem>>, vector<16xf32>,
        %get3A_589 = arith.constant 0 : i32
        %get3A_590 = arith.index_cast %get3A_589 : i32 to index
        %get3A_591 = arith.index_cast %scan3A_572 : i32 to index
        %get3A_592 = arith.constant 16 : index
        %get3A_593 = tpu.vector_load %arg10[%get3A_590, %get3A_591, %get3A_592] {strides = array<i32>} : memref<5x16x128xf32, #tpu.memory_space<vmem>>, vector<16xf32>,
        %mul3A_594 = arith.mulf %get3A_588, %get3A_593 : vector<16xf32>
        %get3A_595 = arith.constant 0 : i32
        %get3A_596 = arith.index_cast %get3A_595 : i32 to index
        %get3A_597 = arith.index_cast %scan3A_572 : i32 to index
        %get3A_598 = arith.constant 32 : index
        %get3A_599 = tpu.vector_load %arg9[%get3A_596, %get3A_597, %get3A_598] {strides = array<i32>} : memref<5x16x128xf32, #tpu.memory_space<vmem>>, vector<16xf32>,
        %get3A_600 = arith.constant 0 : i32
        %get3A_601 = arith.index_cast %get3A_600 : i32 to index
        %get3A_602 = arith.index_cast %scan3A_572 : i32 to index
        %get3A_603 = arith.constant 32 : index
        %get3A_604 = tpu.vector_load %arg10[%get3A_601, %get3A_602, %get3A_603] {strides = array<i32>} : memref<5x16x128xf32, #tpu.memory_space<vmem>>, vector<16xf32>,
        %mul3A_605 = arith.mulf %get3A_599, %get3A_604 : vector<16xf32>
        %get3A_606 = arith.constant 0 : i32
        %get3A_607 = arith.index_cast %get3A_606 : i32 to index
        %get3A_608 = arith.index_cast %scan3A_572 : i32 to index
        %get3A_609 = arith.constant 48 : index
        %get3A_610 = tpu.vector_load %arg9[%get3A_607, %get3A_608, %get3A_609] {strides = array<i32>} : memref<5x16x128xf32, #tpu.memory_space<vmem>>, vector<16xf32>,
        %get3A_611 = arith.constant 0 : i32
        %get3A_612 = arith.index_cast %get3A_611 : i32 to index
        %get3A_613 = arith.index_cast %scan3A_572 : i32 to index
        %get3A_614 = arith.constant 48 : index
        %get3A_615 = tpu.vector_load %arg10[%get3A_612, %get3A_613, %get3A_614] {strides = array<i32>} : memref<5x16x128xf32, #tpu.memory_space<vmem>>, vector<16xf32>,
        %mul3A_616 = arith.mulf %get3A_610, %get3A_615 : vector<16xf32>
        %get3A_617 = arith.constant 0 : i32
        %get3A_618 = arith.index_cast %get3A_617 : i32 to index
        %get3A_619 = arith.index_cast %scan3A_572 : i32 to index
        %get3A_620 = arith.constant 64 : index
        %get3A_621 = tpu.vector_load %arg9[%get3A_618, %get3A_619, %get3A_620] {strides = array<i32>} : memref<5x16x128xf32, #tpu.memory_space<vmem>>, vector<16xf32>,
        %get3A_622 = arith.constant 0 : i32
        %get3A_623 = arith.index_cast %get3A_622 : i32 to index
        %get3A_624 = arith.index_cast %scan3A_572 : i32 to index
        %get3A_625 = arith.constant 64 : index
        %get3A_626 = tpu.vector_load %arg10[%get3A_623, %get3A_624, %get3A_625] {strides = array<i32>} : memref<5x16x128xf32, #tpu.memory_space<vmem>>, vector<16xf32>,
        %mul3A_627 = arith.mulf %get3A_621, %get3A_626 : vector<16xf32>
        %get3A_628 = arith.constant 0 : i32
        %get3A_629 = arith.index_cast %get3A_628 : i32 to index
        %get3A_630 = arith.index_cast %scan3A_572 : i32 to index
        %get3A_631 = arith.constant 80 : index
        %get3A_632 = tpu.vector_load %arg9[%get3A_629, %get3A_630, %get3A_631] {strides = array<i32>} : memref<5x16x128xf32, #tpu.memory_space<vmem>>, vector<16xf32>,
        %get3A_633 = arith.constant 0 : i32
        %get3A_634 = arith.index_cast %get3A_633 : i32 to index
        %get3A_635 = arith.index_cast %scan3A_572 : i32 to index
        %get3A_636 = arith.constant 80 : index
        %get3A_637 = tpu.vector_load %arg10[%get3A_634, %get3A_635, %get3A_636] {strides = array<i32>} : memref<5x16x128xf32, #tpu.memory_space<vmem>>, vector<16xf32>,
        %mul3A_638 = arith.mulf %get3A_632, %get3A_637 : vector<16xf32>
        %get3A_639 = arith.constant 0 : i32
        %get3A_640 = arith.index_cast %get3A_639 : i32 to index
        %get3A_641 = arith.index_cast %scan3A_572 : i32 to index
        %get3A_642 = arith.constant 96 : index
        %get3A_643 = tpu.vector_load %arg9[%get3A_640, %get3A_641, %get3A_642] {strides = array<i32>} : memref<5x16x128xf32, #tpu.memory_space<vmem>>, vector<16xf32>,
        %get3A_644 = arith.constant 0 : i32
        %get3A_645 = arith.index_cast %get3A_644 : i32 to index
        %get3A_646 = arith.index_cast %scan3A_572 : i32 to index
        %get3A_647 = arith.constant 96 : index
        %get3A_648 = tpu.vector_load %arg10[%get3A_645, %get3A_646, %get3A_647] {strides = array<i32>} : memref<5x16x128xf32, #tpu.memory_space<vmem>>, vector<16xf32>,
        %mul3A_649 = arith.mulf %get3A_643, %get3A_648 : vector<16xf32>
        %get3A_650 = arith.constant 0 : i32
        %get3A_651 = arith.index_cast %get3A_650 : i32 to index
        %get3A_652 = arith.index_cast %scan3A_572 : i32 to index
        %get3A_653 = arith.constant 112 : index
        %get3A_654 = tpu.vector_load %arg9[%get3A_651, %get3A_652, %get3A_653] {strides = array<i32>} : memref<5x16x128xf32, #tpu.memory_space<vmem>>, vector<16xf32>,
        %get3A_655 = arith.constant 0 : i32
        %get3A_656 = arith.index_cast %get3A_655 : i32 to index
        %get3A_657 = arith.index_cast %scan3A_572 : i32 to index
        %get3A_658 = arith.constant 112 : index
        %get3A_659 = tpu.vector_load %arg10[%get3A_656, %get3A_657, %get3A_658] {strides = array<i32>} : memref<5x16x128xf32, #tpu.memory_space<vmem>>, vector<16xf32>,
        %mul3A_660 = arith.mulf %get3A_654, %get3A_659 : vector<16xf32>
        %add3A_661 = arith.addf %mul3A_583, %mul3A_594 : vector<16xf32>
        %add3A_662 = arith.addf %mul3A_605, %mul3A_616 : vector<16xf32>
        %add3A_663 = arith.addf %mul3A_627, %mul3A_638 : vector<16xf32>
        %add3A_664 = arith.addf %mul3A_649, %mul3A_660 : vector<16xf32>
        %add3A_665 = arith.addf %add3A_661, %add3A_662 : vector<16xf32>
        %add3A_666 = arith.addf %add3A_663, %add3A_664 : vector<16xf32>
        %add3A_667 = arith.addf %add3A_665, %add3A_666 : vector<16xf32>
        %broadcast_in_dim3A_668 = arith.constant true
        %broadcast_in_dim3A_669 = vector.broadcast %broadcast_in_dim3A_668 : i1 to vector<16xi1>
        %masked_cumsum3A = tpu.scan <sum>, %add3A_667 masked %broadcast_in_dim3A_669 : vector<16xf32>, vector<16xi1> -> vector<16xf32>
        %broadcast_in_dim3A_670 = vector.shape_cast %broadcast_in_dim3A_5 : vector<16xi32> to vector<16x1xi32>
        %gather3A = vector.shape_cast %broadcast_in_dim3A_670 : vector<16x1xi32> to vector<16xi32>
        %gather3A_671 = tpu.dynamic_gather %masked_cumsum3A[%gather3A] in [0] : vector<16xf32>, vector<16xi32> -> vector<16xf32>
        %eq3A_672 = vector.broadcast %scan3A_572 : i32 to vector<16xi32>
        %eq3A_673 = arith.cmpi eq, %iota3A, %eq3A_672 : vector<16xi32>
        %select_n3A = arith.select %eq3A_673, %gather3A_671, %scan3A_573 : vector<16xi1>, vector<16xf32>
        scf.yield %select_n3A : vector<16xf32>
      }
      %scan3A_271 = arith.constant 16 : i32
      %swap3A = arith.constant 0 : i32
      %swap3A_272 = arith.index_cast %swap3A : i32 to index
      %swap3A_273 = arith.constant 0 : index
      %swap3A_274 = tpu.vector_load %arg11[%swap3A_272, %swap3A_273] {strides = array<i32>} : memref<5x16xf32, #tpu.memory_space<vmem>>, vector<16xf32>,
      tpu.vector_store %arg11[%swap3A_272, %swap3A_273], %scan3A_270 {strides = array<i32>} : memref<5x16xf32, #tpu.memory_space<vmem>>, vector<16xf32>,
      %mul3A_275 = arith.constant 16 : i32
      %mul3A_276 = arith.muli %add3A_232, %mul3A_275 : i32
      %add3A_277 = arith.addi %multiple_of3A, %mul3A_276 : i32
      %multiple_of3A_278 = tpu.assume_multiple %add3A_277, 8 : i32
      %dma_start3A_279 = arith.constant 0 : i32
      %dma_start3A_280 = arith.constant 0 : i32
      %dma_start3A_281 = arith.constant 0 : i32
      %dma_start3A_282 = tpu.memref_slice %arg11[%dma_start3A_279, %dma_start3A_281] : memref<5x16xf32, #tpu.memory_space<vmem>> -> memref<1x16xf32, #tpu.memory_space<vmem>>
      %dma_start3A_283 = tpu.memref_squeeze %dma_start3A_282 : memref<1x16xf32, #tpu.memory_space<vmem>> -> memref<16xf32, #tpu.memory_space<vmem>>
      %dma_start3A_284 = tpu.memref_slice %arg5[%multiple_of3A_278] : memref<320000xf32, #tpu.memory_space<hbm>> -> memref<16xf32, #tpu.memory_space<hbm>>
      %dma_start3A_285 = tpu.memref_slice %arg14[%dma_start3A_280] : memref<5x!tpu.dma_semaphore, #tpu.memory_space<semaphore_mem>> -> memref<1x!tpu.dma_semaphore, #tpu.memory_space<semaphore_mem>>
      %dma_start3A_286 = tpu.memref_squeeze %dma_start3A_285 : memref<1x!tpu.dma_semaphore, #tpu.memory_space<semaphore_mem>> -> memref<!tpu.dma_semaphore, #tpu.memory_space<semaphore_mem>>
      %dma_start3A_287 = tpu.memref_slice %arg5[%multiple_of3A_278] : memref<320000xf32, #tpu.memory_space<hbm>> -> memref<16xf32, #tpu.memory_space<hbm>>
      %dma_start3A_288 = arith.constant 0 : i32
      %dma_start3A_289 = tpu.memref_slice %arg11[%dma_start3A_279, %dma_start3A_288] : memref<5x16xf32, #tpu.memory_space<vmem>> -> memref<1x16xf32, #tpu.memory_space<vmem>>
      %dma_start3A_290 = tpu.memref_squeeze %dma_start3A_289 : memref<1x16xf32, #tpu.memory_space<vmem>> -> memref<16xf32, #tpu.memory_space<vmem>>
      tpu.enqueue_dma source(%dma_start3A_290 : memref<16xf32, #tpu.memory_space<vmem>>) target(%dma_start3A_287 : memref<16xf32, #tpu.memory_space<hbm>>) target_semaphore(%dma_start3A_286 : memref<!tpu.dma_semaphore, #tpu.memory_space<semaphore_mem>>)
      %lt3A = arith.constant 124 : i32
      %lt3A_291 = arith.cmpi slt, %scan3A_227, %lt3A : i32
      %convert_element_type3A_292 = arith.extui %lt3A_291 : i1 to i32
      %cond3A_293 = arith.constant 0 : i32
      %cond3A_294 = arith.cmpi ne, %convert_element_type3A_292, %cond3A_293 : i32
      scf.if %cond3A_294 {
        %add3A_572 = arith.constant 5 : i32
        %add3A_573 = arith.addi %add3A_232, %add3A_572 : i32
        %mul3A_574 = arith.constant 16 : i32
        %mul3A_575 = arith.muli %add3A_573, %mul3A_574 : i32
        %multiple_of3A_576 = tpu.assume_multiple %mul3A_575, 8 : i32
        %dma_start3A_577 = arith.constant 0 : i32
        %dma_start3A_578 = arith.constant 0 : i32
        %dma_start3A_579 = arith.constant 0 : i32
        %dma_start3A_580 = arith.constant 0 : i32
        %dma_start3A_581 = tpu.memref_slice %arg9[%dma_start3A_577, %dma_start3A_579, %dma_start3A_580] : memref<5x16x128xf32, #tpu.memory_space<vmem>> -> memref<1x16x128xf32, #tpu.memory_space<vmem>>
        %dma_start3A_582 = tpu.memref_squeeze %dma_start3A_581 : memref<1x16x128xf32, #tpu.memory_space<vmem>> -> memref<16x128xf32, #tpu.memory_space<vmem>>
        %dma_start3A_583 = tpu.memref_slice %arg7[%multiple_of3A_576] : memref<10000xi32, #tpu.memory_space<vmem>> -> memref<16xi32, #tpu.memory_space<vmem>>
        %dma_start3A_584 = arith.constant 0 : i32
        %dma_start3A_585 = arith.constant 0 : i32
        %dma_start3A_586 = tpu.memref_slice %arg2[%dma_start3A_584, %dma_start3A_585] : memref<10000x128xf32, #tpu.memory_space<hbm>> -> memref<10000x128xf32, #tpu.memory_space<hbm>>
        %dma_start3A_587 = tpu.memref_slice %arg12[%dma_start3A_578] : memref<5x!tpu.dma_semaphore, #tpu.memory_space<semaphore_mem>> -> memref<1x!tpu.dma_semaphore, #tpu.memory_space<semaphore_mem>>
        %dma_start3A_588 = tpu.memref_squeeze %dma_start3A_587 : memref<1x!tpu.dma_semaphore, #tpu.memory_space<semaphore_mem>> -> memref<!tpu.dma_semaphore, #tpu.memory_space<semaphore_mem>>
        tpu.enqueue_indirect_dma source(%dma_start3A_586 : memref<10000x128xf32, #tpu.memory_space<hbm>>) target(%dma_start3A_582 : memref<16x128xf32, #tpu.memory_space<vmem>>) offsets(%dma_start3A_583 : memref<16xi32, #tpu.memory_space<vmem>>) semaphore(%dma_start3A_588 : memref<!tpu.dma_semaphore, #tpu.memory_space<semaphore_mem>>)
        %dma_start3A_589 = arith.constant 0 : i32
        %dma_start3A_590 = arith.constant 0 : i32
        %dma_start3A_591 = arith.constant 0 : i32
        %dma_start3A_592 = arith.constant 0 : i32
        %dma_start3A_593 = tpu.memref_slice %arg10[%dma_start3A_589, %dma_start3A_591, %dma_start3A_592] : memref<5x16x128xf32, #tpu.memory_space<vmem>> -> memref<1x16x128xf32, #tpu.memory_space<vmem>>
        %dma_start3A_594 = tpu.memref_squeeze %dma_start3A_593 : memref<1x16x128xf32, #tpu.memory_space<vmem>> -> memref<16x128xf32, #tpu.memory_space<vmem>>
        %dma_start3A_595 = tpu.memref_slice %arg8[%multiple_of3A_576] : memref<10000xi32, #tpu.memory_space<vmem>> -> memref<16xi32, #tpu.memory_space<vmem>>
        %dma_start3A_596 = arith.constant 0 : i32
        %dma_start3A_597 = arith.constant 0 : i32
        %dma_start3A_598 = tpu.memref_slice %arg2[%dma_start3A_596, %dma_start3A_597] : memref<10000x128xf32, #tpu.memory_space<hbm>> -> memref<10000x128xf32, #tpu.memory_space<hbm>>
        %dma_start3A_599 = tpu.memref_slice %arg13[%dma_start3A_590] : memref<5x!tpu.dma_semaphore, #tpu.memory_space<semaphore_mem>> -> memref<1x!tpu.dma_semaphore, #tpu.memory_space<semaphore_mem>>
        %dma_start3A_600 = tpu.memref_squeeze %dma_start3A_599 : memref<1x!tpu.dma_semaphore, #tpu.memory_space<semaphore_mem>> -> memref<!tpu.dma_semaphore, #tpu.memory_space<semaphore_mem>>
        tpu.enqueue_indirect_dma source(%dma_start3A_598 : memref<10000x128xf32, #tpu.memory_space<hbm>>) target(%dma_start3A_594 : memref<16x128xf32, #tpu.memory_space<vmem>>) offsets(%dma_start3A_595 : memref<16xi32, #tpu.memory_space<vmem>>) semaphore(%dma_start3A_600 : memref<!tpu.dma_semaphore, #tpu.memory_space<semaphore_mem>>)
      } else {
      }
      %mul3A_295 = arith.constant 5 : i32
      %mul3A_296 = arith.muli %scan3A_227, %mul3A_295 : i32
      %add3A_297 = arith.constant 1 : i32
      %add3A_298 = arith.addi %mul3A_296, %add3A_297 : i32
      %mul3A_299 = arith.constant 16 : i32
      %mul3A_300 = arith.muli %add3A_298, %mul3A_299 : i32
      %multiple_of3A_301 = tpu.assume_multiple %mul3A_300, 8 : i32
      %dma_wait3A_302 = arith.constant 1 : i32
      %dma_wait3A_303 = arith.constant 1 : i32
      %dma_wait3A_304 = arith.constant 0 : i32
      %dma_wait3A_305 = arith.constant 0 : i32
      %dma_wait3A_306 = tpu.memref_slice %arg9[%dma_wait3A_302, %dma_wait3A_304, %dma_wait3A_305] : memref<5x16x128xf32, #tpu.memory_space<vmem>> -> memref<1x16x128xf32, #tpu.memory_space<vmem>>
      %dma_wait3A_307 = tpu.memref_squeeze %dma_wait3A_306 : memref<1x16x128xf32, #tpu.memory_space<vmem>> -> memref<16x128xf32, #tpu.memory_space<vmem>>
      %dma_wait3A_308 = tpu.memref_slice %arg7[%multiple_of3A_301] : memref<10000xi32, #tpu.memory_space<vmem>> -> memref<16xi32, #tpu.memory_space<vmem>>
      %dma_wait3A_309 = arith.constant 0 : i32
      %dma_wait3A_310 = arith.constant 0 : i32
      %dma_wait3A_311 = tpu.memref_slice %arg6[%dma_wait3A_309, %dma_wait3A_310] : memref<10000x128xf32, #tpu.memory_space<vmem_shared>> -> memref<10000x128xf32, #tpu.memory_space<vmem_shared>>
      %dma_wait3A_312 = tpu.memref_slice %arg12[%dma_wait3A_303] : memref<5x!tpu.dma_semaphore, #tpu.memory_space<semaphore_mem>> -> memref<1x!tpu.dma_semaphore, #tpu.memory_space<semaphore_mem>>
      %dma_wait3A_313 = tpu.memref_squeeze %dma_wait3A_312 : memref<1x!tpu.dma_semaphore, #tpu.memory_space<semaphore_mem>> -> memref<!tpu.dma_semaphore, #tpu.memory_space<semaphore_mem>>
      tpu.wait_indirect_dma semaphore(%dma_wait3A_313 : memref<!tpu.dma_semaphore, #tpu.memory_space<semaphore_mem>>) src(%dma_wait3A_311 : memref<10000x128xf32, #tpu.memory_space<vmem_shared>>) dst(%dma_wait3A_307 : memref<16x128xf32, #tpu.memory_space<vmem>>)
      %dma_wait3A_314 = arith.constant 1 : i32
      %dma_wait3A_315 = arith.constant 1 : i32
      %dma_wait3A_316 = arith.constant 0 : i32
      %dma_wait3A_317 = arith.constant 0 : i32
      %dma_wait3A_318 = tpu.memref_slice %arg10[%dma_wait3A_314, %dma_wait3A_316, %dma_wait3A_317] : memref<5x16x128xf32, #tpu.memory_space<vmem>> -> memref<1x16x128xf32, #tpu.memory_space<vmem>>
      %dma_wait3A_319 = tpu.memref_squeeze %dma_wait3A_318 : memref<1x16x128xf32, #tpu.memory_space<vmem>> -> memref<16x128xf32, #tpu.memory_space<vmem>>
      %dma_wait3A_320 = tpu.memref_slice %arg8[%multiple_of3A_301] : memref<10000xi32, #tpu.memory_space<vmem>> -> memref<16xi32, #tpu.memory_space<vmem>>
      %dma_wait3A_321 = arith.constant 0 : i32
      %dma_wait3A_322 = arith.constant 0 : i32
      %dma_wait3A_323 = tpu.memref_slice %arg6[%dma_wait3A_321, %dma_wait3A_322] : memref<10000x128xf32, #tpu.memory_space<vmem_shared>> -> memref<10000x128xf32, #tpu.memory_space<vmem_shared>>
      %dma_wait3A_324 = tpu.memref_slice %arg13[%dma_wait3A_315] : memref<5x!tpu.dma_semaphore, #tpu.memory_space<semaphore_mem>> -> memref<1x!tpu.dma_semaphore, #tpu.memory_space<semaphore_mem>>
      %dma_wait3A_325 = tpu.memref_squeeze %dma_wait3A_324 : memref<1x!tpu.dma_semaphore, #tpu.memory_space<semaphore_mem>> -> memref<!tpu.dma_semaphore, #tpu.memory_space<semaphore_mem>>
      tpu.wait_indirect_dma semaphore(%dma_wait3A_325 : memref<!tpu.dma_semaphore, #tpu.memory_space<semaphore_mem>>) src(%dma_wait3A_323 : memref<10000x128xf32, #tpu.memory_space<vmem_shared>>) dst(%dma_wait3A_319 : memref<16x128xf32, #tpu.memory_space<vmem>>)
      %gt3A_326 = arith.constant 0 : i32
      %gt3A_327 = arith.cmpi sgt, %scan3A_227, %gt3A_326 : i32
      %convert_element_type3A_328 = arith.extui %gt3A_327 : i1 to i32
      %cond3A_329 = arith.constant 0 : i32
      %cond3A_330 = arith.cmpi ne, %convert_element_type3A_328, %cond3A_329 : i32
      scf.if %cond3A_330 {
        %sub3A = arith.constant 5 : i32
        %sub3A_572 = arith.subi %add3A_298, %sub3A : i32
        %mul3A_573 = arith.constant 16 : i32
        %mul3A_574 = arith.muli %sub3A_572, %mul3A_573 : i32
        %add3A_575 = arith.addi %multiple_of3A, %mul3A_574 : i32
        %multiple_of3A_576 = tpu.assume_multiple %add3A_575, 8 : i32
        %dma_wait3A_577 = arith.constant 1 : i32
        %dma_wait3A_578 = arith.constant 1 : i32
        %dma_wait3A_579 = arith.constant 0 : i32
        %dma_wait3A_580 = tpu.memref_slice %arg11[%dma_wait3A_577, %dma_wait3A_579] : memref<5x16xf32, #tpu.memory_space<vmem>> -> memref<1x16xf32, #tpu.memory_space<vmem>>
        %dma_wait3A_581 = tpu.memref_squeeze %dma_wait3A_580 : memref<1x16xf32, #tpu.memory_space<vmem>> -> memref<16xf32, #tpu.memory_space<vmem>>
        %dma_wait3A_582 = tpu.memref_slice %arg5[%multiple_of3A_576] : memref<320000xf32, #tpu.memory_space<hbm>> -> memref<16xf32, #tpu.memory_space<hbm>>
        %dma_wait3A_583 = tpu.memref_slice %arg14[%dma_wait3A_578] : memref<5x!tpu.dma_semaphore, #tpu.memory_space<semaphore_mem>> -> memref<1x!tpu.dma_semaphore, #tpu.memory_space<semaphore_mem>>
        %dma_wait3A_584 = tpu.memref_squeeze %dma_wait3A_583 : memref<1x!tpu.dma_semaphore, #tpu.memory_space<semaphore_mem>> -> memref<!tpu.dma_semaphore, #tpu.memory_space<semaphore_mem>>
        %dma_wait3A_585 = tpu.memref_slice %arg5[%multiple_of3A_576] : memref<320000xf32, #tpu.memory_space<hbm>> -> memref<16xf32, #tpu.memory_space<hbm>>
        %dma_wait3A_586 = arith.constant 0 : i32
        %dma_wait3A_587 = tpu.memref_slice %arg11[%dma_wait3A_577, %dma_wait3A_586] : memref<5x16xf32, #tpu.memory_space<vmem>> -> memref<1x16xf32, #tpu.memory_space<vmem>>
        %dma_wait3A_588 = tpu.memref_squeeze %dma_wait3A_587 : memref<1x16xf32, #tpu.memory_space<vmem>> -> memref<16xf32, #tpu.memory_space<vmem>>
        tpu.wait_dma2 semaphore(%dma_wait3A_584 : memref<!tpu.dma_semaphore, #tpu.memory_space<semaphore_mem>>) src(%dma_wait3A_588 : memref<16xf32, #tpu.memory_space<vmem>>) dst(%dma_wait3A_585 : memref<16xf32, #tpu.memory_space<hbm>>)
      } else {
      }
      %broadcast_in_dim3A_331 = arith.constant 0.000000e+00 : f32
      %broadcast_in_dim3A_332 = vector.broadcast %broadcast_in_dim3A_331 : f32 to vector<16xf32>
      %scan3A_333 = arith.constant 0 : i32
      %scan3A_334 = arith.constant 16 : i32
      %scan3A_335 = arith.addi %scan3A_333, %scan3A_334 : i32
      %scan3A_336 = arith.constant 1 : i32
      %scan3A_337 = scf.for %scan3A_572 = %scan3A_333 to %scan3A_335 step %scan3A_336 iter_args(%scan3A_573 = %broadcast_in_dim3A_332) -> (vector<16xf32>)  : i32 {
        %get3A = arith.constant 1 : i32
        %get3A_574 = arith.index_cast %get3A : i32 to index
        %get3A_575 = arith.index_cast %scan3A_572 : i32 to index
        %get3A_576 = arith.constant 0 : index
        %get3A_577 = tpu.vector_load %arg9[%get3A_574, %get3A_575, %get3A_576] {strides = array<i32>} : memref<5x16x128xf32, #tpu.memory_space<vmem>>, vector<16xf32>,
        %get3A_578 = arith.constant 1 : i32
        %get3A_579 = arith.index_cast %get3A_578 : i32 to index
        %get3A_580 = arith.index_cast %scan3A_572 : i32 to index
        %get3A_581 = arith.constant 0 : index
        %get3A_582 = tpu.vector_load %arg10[%get3A_579, %get3A_580, %get3A_581] {strides = array<i32>} : memref<5x16x128xf32, #tpu.memory_space<vmem>>, vector<16xf32>,
        %mul3A_583 = arith.mulf %get3A_577, %get3A_582 : vector<16xf32>
        %get3A_584 = arith.constant 1 : i32
        %get3A_585 = arith.index_cast %get3A_584 : i32 to index
        %get3A_586 = arith.index_cast %scan3A_572 : i32 to index
        %get3A_587 = arith.constant 16 : index
        %get3A_588 = tpu.vector_load %arg9[%get3A_585, %get3A_586, %get3A_587] {strides = array<i32>} : memref<5x16x128xf32, #tpu.memory_space<vmem>>, vector<16xf32>,
        %get3A_589 = arith.constant 1 : i32
        %get3A_590 = arith.index_cast %get3A_589 : i32 to index
        %get3A_591 = arith.index_cast %scan3A_572 : i32 to index
        %get3A_592 = arith.constant 16 : index
        %get3A_593 = tpu.vector_load %arg10[%get3A_590, %get3A_591, %get3A_592] {strides = array<i32>} : memref<5x16x128xf32, #tpu.memory_space<vmem>>, vector<16xf32>,
        %mul3A_594 = arith.mulf %get3A_588, %get3A_593 : vector<16xf32>
        %get3A_595 = arith.constant 1 : i32
        %get3A_596 = arith.index_cast %get3A_595 : i32 to index
        %get3A_597 = arith.index_cast %scan3A_572 : i32 to index
        %get3A_598 = arith.constant 32 : index
        %get3A_599 = tpu.vector_load %arg9[%get3A_596, %get3A_597, %get3A_598] {strides = array<i32>} : memref<5x16x128xf32, #tpu.memory_space<vmem>>, vector<16xf32>,
        %get3A_600 = arith.constant 1 : i32
        %get3A_601 = arith.index_cast %get3A_600 : i32 to index
        %get3A_602 = arith.index_cast %scan3A_572 : i32 to index
        %get3A_603 = arith.constant 32 : index
        %get3A_604 = tpu.vector_load %arg10[%get3A_601, %get3A_602, %get3A_603] {strides = array<i32>} : memref<5x16x128xf32, #tpu.memory_space<vmem>>, vector<16xf32>,
        %mul3A_605 = arith.mulf %get3A_599, %get3A_604 : vector<16xf32>
        %get3A_606 = arith.constant 1 : i32
        %get3A_607 = arith.index_cast %get3A_606 : i32 to index
        %get3A_608 = arith.index_cast %scan3A_572 : i32 to index
        %get3A_609 = arith.constant 48 : index
        %get3A_610 = tpu.vector_load %arg9[%get3A_607, %get3A_608, %get3A_609] {strides = array<i32>} : memref<5x16x128xf32, #tpu.memory_space<vmem>>, vector<16xf32>,
        %get3A_611 = arith.constant 1 : i32
        %get3A_612 = arith.index_cast %get3A_611 : i32 to index
        %get3A_613 = arith.index_cast %scan3A_572 : i32 to index
        %get3A_614 = arith.constant 48 : index
        %get3A_615 = tpu.vector_load %arg10[%get3A_612, %get3A_613, %get3A_614] {strides = array<i32>} : memref<5x16x128xf32, #tpu.memory_space<vmem>>, vector<16xf32>,
        %mul3A_616 = arith.mulf %get3A_610, %get3A_615 : vector<16xf32>
        %get3A_617 = arith.constant 1 : i32
        %get3A_618 = arith.index_cast %get3A_617 : i32 to index
        %get3A_619 = arith.index_cast %scan3A_572 : i32 to index
        %get3A_620 = arith.constant 64 : index
        %get3A_621 = tpu.vector_load %arg9[%get3A_618, %get3A_619, %get3A_620] {strides = array<i32>} : memref<5x16x128xf32, #tpu.memory_space<vmem>>, vector<16xf32>,
        %get3A_622 = arith.constant 1 : i32
        %get3A_623 = arith.index_cast %get3A_622 : i32 to index
        %get3A_624 = arith.index_cast %scan3A_572 : i32 to index
        %get3A_625 = arith.constant 64 : index
        %get3A_626 = tpu.vector_load %arg10[%get3A_623, %get3A_624, %get3A_625] {strides = array<i32>} : memref<5x16x128xf32, #tpu.memory_space<vmem>>, vector<16xf32>,
        %mul3A_627 = arith.mulf %get3A_621, %get3A_626 : vector<16xf32>
        %get3A_628 = arith.constant 1 : i32
        %get3A_629 = arith.index_cast %get3A_628 : i32 to index
        %get3A_630 = arith.index_cast %scan3A_572 : i32 to index
        %get3A_631 = arith.constant 80 : index
        %get3A_632 = tpu.vector_load %arg9[%get3A_629, %get3A_630, %get3A_631] {strides = array<i32>} : memref<5x16x128xf32, #tpu.memory_space<vmem>>, vector<16xf32>,
        %get3A_633 = arith.constant 1 : i32
        %get3A_634 = arith.index_cast %get3A_633 : i32 to index
        %get3A_635 = arith.index_cast %scan3A_572 : i32 to index
        %get3A_636 = arith.constant 80 : index
        %get3A_637 = tpu.vector_load %arg10[%get3A_634, %get3A_635, %get3A_636] {strides = array<i32>} : memref<5x16x128xf32, #tpu.memory_space<vmem>>, vector<16xf32>,
        %mul3A_638 = arith.mulf %get3A_632, %get3A_637 : vector<16xf32>
        %get3A_639 = arith.constant 1 : i32
        %get3A_640 = arith.index_cast %get3A_639 : i32 to index
        %get3A_641 = arith.index_cast %scan3A_572 : i32 to index
        %get3A_642 = arith.constant 96 : index
        %get3A_643 = tpu.vector_load %arg9[%get3A_640, %get3A_641, %get3A_642] {strides = array<i32>} : memref<5x16x128xf32, #tpu.memory_space<vmem>>, vector<16xf32>,
        %get3A_644 = arith.constant 1 : i32
        %get3A_645 = arith.index_cast %get3A_644 : i32 to index
        %get3A_646 = arith.index_cast %scan3A_572 : i32 to index
        %get3A_647 = arith.constant 96 : index
        %get3A_648 = tpu.vector_load %arg10[%get3A_645, %get3A_646, %get3A_647] {strides = array<i32>} : memref<5x16x128xf32, #tpu.memory_space<vmem>>, vector<16xf32>,
        %mul3A_649 = arith.mulf %get3A_643, %get3A_648 : vector<16xf32>
        %get3A_650 = arith.constant 1 : i32
        %get3A_651 = arith.index_cast %get3A_650 : i32 to index
        %get3A_652 = arith.index_cast %scan3A_572 : i32 to index
        %get3A_653 = arith.constant 112 : index
        %get3A_654 = tpu.vector_load %arg9[%get3A_651, %get3A_652, %get3A_653] {strides = array<i32>} : memref<5x16x128xf32, #tpu.memory_space<vmem>>, vector<16xf32>,
        %get3A_655 = arith.constant 1 : i32
        %get3A_656 = arith.index_cast %get3A_655 : i32 to index
        %get3A_657 = arith.index_cast %scan3A_572 : i32 to index
        %get3A_658 = arith.constant 112 : index
        %get3A_659 = tpu.vector_load %arg10[%get3A_656, %get3A_657, %get3A_658] {strides = array<i32>} : memref<5x16x128xf32, #tpu.memory_space<vmem>>, vector<16xf32>,
        %mul3A_660 = arith.mulf %get3A_654, %get3A_659 : vector<16xf32>
        %add3A_661 = arith.addf %mul3A_583, %mul3A_594 : vector<16xf32>
        %add3A_662 = arith.addf %mul3A_605, %mul3A_616 : vector<16xf32>
        %add3A_663 = arith.addf %mul3A_627, %mul3A_638 : vector<16xf32>
        %add3A_664 = arith.addf %mul3A_649, %mul3A_660 : vector<16xf32>
        %add3A_665 = arith.addf %add3A_661, %add3A_662 : vector<16xf32>
        %add3A_666 = arith.addf %add3A_663, %add3A_664 : vector<16xf32>
        %add3A_667 = arith.addf %add3A_665, %add3A_666 : vector<16xf32>
        %broadcast_in_dim3A_668 = arith.constant true
        %broadcast_in_dim3A_669 = vector.broadcast %broadcast_in_dim3A_668 : i1 to vector<16xi1>
        %masked_cumsum3A = tpu.scan <sum>, %add3A_667 masked %broadcast_in_dim3A_669 : vector<16xf32>, vector<16xi1> -> vector<16xf32>
        %broadcast_in_dim3A_670 = vector.shape_cast %broadcast_in_dim3A_5 : vector<16xi32> to vector<16x1xi32>
        %gather3A = vector.shape_cast %broadcast_in_dim3A_670 : vector<16x1xi32> to vector<16xi32>
        %gather3A_671 = tpu.dynamic_gather %masked_cumsum3A[%gather3A] in [0] : vector<16xf32>, vector<16xi32> -> vector<16xf32>
        %eq3A_672 = vector.broadcast %scan3A_572 : i32 to vector<16xi32>
        %eq3A_673 = arith.cmpi eq, %iota3A, %eq3A_672 : vector<16xi32>
        %select_n3A = arith.select %eq3A_673, %gather3A_671, %scan3A_573 : vector<16xi1>, vector<16xf32>
        scf.yield %select_n3A : vector<16xf32>
      }
      %scan3A_338 = arith.constant 16 : i32
      %swap3A_339 = arith.constant 1 : i32
      %swap3A_340 = arith.index_cast %swap3A_339 : i32 to index
      %swap3A_341 = arith.constant 0 : index
      %swap3A_342 = tpu.vector_load %arg11[%swap3A_340, %swap3A_341] {strides = array<i32>} : memref<5x16xf32, #tpu.memory_space<vmem>>, vector<16xf32>,
      tpu.vector_store %arg11[%swap3A_340, %swap3A_341], %scan3A_337 {strides = array<i32>} : memref<5x16xf32, #tpu.memory_space<vmem>>, vector<16xf32>,
      %mul3A_343 = arith.constant 16 : i32
      %mul3A_344 = arith.muli %add3A_298, %mul3A_343 : i32
      %add3A_345 = arith.addi %multiple_of3A, %mul3A_344 : i32
      %multiple_of3A_346 = tpu.assume_multiple %add3A_345, 8 : i32
      %dma_start3A_347 = arith.constant 1 : i32
      %dma_start3A_348 = arith.constant 1 : i32
      %dma_start3A_349 = arith.constant 0 : i32
      %dma_start3A_350 = tpu.memref_slice %arg11[%dma_start3A_347, %dma_start3A_349] : memref<5x16xf32, #tpu.memory_space<vmem>> -> memref<1x16xf32, #tpu.memory_space<vmem>>
      %dma_start3A_351 = tpu.memref_squeeze %dma_start3A_350 : memref<1x16xf32, #tpu.memory_space<vmem>> -> memref<16xf32, #tpu.memory_space<vmem>>
      %dma_start3A_352 = tpu.memref_slice %arg5[%multiple_of3A_346] : memref<320000xf32, #tpu.memory_space<hbm>> -> memref<16xf32, #tpu.memory_space<hbm>>
      %dma_start3A_353 = tpu.memref_slice %arg14[%dma_start3A_348] : memref<5x!tpu.dma_semaphore, #tpu.memory_space<semaphore_mem>> -> memref<1x!tpu.dma_semaphore, #tpu.memory_space<semaphore_mem>>
      %dma_start3A_354 = tpu.memref_squeeze %dma_start3A_353 : memref<1x!tpu.dma_semaphore, #tpu.memory_space<semaphore_mem>> -> memref<!tpu.dma_semaphore, #tpu.memory_space<semaphore_mem>>
      %dma_start3A_355 = tpu.memref_slice %arg5[%multiple_of3A_346] : memref<320000xf32, #tpu.memory_space<hbm>> -> memref<16xf32, #tpu.memory_space<hbm>>
      %dma_start3A_356 = arith.constant 0 : i32
      %dma_start3A_357 = tpu.memref_slice %arg11[%dma_start3A_347, %dma_start3A_356] : memref<5x16xf32, #tpu.memory_space<vmem>> -> memref<1x16xf32, #tpu.memory_space<vmem>>
      %dma_start3A_358 = tpu.memref_squeeze %dma_start3A_357 : memref<1x16xf32, #tpu.memory_space<vmem>> -> memref<16xf32, #tpu.memory_space<vmem>>
      tpu.enqueue_dma source(%dma_start3A_358 : memref<16xf32, #tpu.memory_space<vmem>>) target(%dma_start3A_355 : memref<16xf32, #tpu.memory_space<hbm>>) target_semaphore(%dma_start3A_354 : memref<!tpu.dma_semaphore, #tpu.memory_space<semaphore_mem>>)
      %lt3A_359 = arith.constant 124 : i32
      %lt3A_360 = arith.cmpi slt, %scan3A_227, %lt3A_359 : i32
      %convert_element_type3A_361 = arith.extui %lt3A_360 : i1 to i32
      %cond3A_362 = arith.constant 0 : i32
      %cond3A_363 = arith.cmpi ne, %convert_element_type3A_361, %cond3A_362 : i32
      scf.if %cond3A_363 {
        %add3A_572 = arith.constant 5 : i32
        %add3A_573 = arith.addi %add3A_298, %add3A_572 : i32
        %mul3A_574 = arith.constant 16 : i32
        %mul3A_575 = arith.muli %add3A_573, %mul3A_574 : i32
        %multiple_of3A_576 = tpu.assume_multiple %mul3A_575, 8 : i32
        %dma_start3A_577 = arith.constant 1 : i32
        %dma_start3A_578 = arith.constant 1 : i32
        %dma_start3A_579 = arith.constant 0 : i32
        %dma_start3A_580 = arith.constant 0 : i32
        %dma_start3A_581 = tpu.memref_slice %arg9[%dma_start3A_577, %dma_start3A_579, %dma_start3A_580] : memref<5x16x128xf32, #tpu.memory_space<vmem>> -> memref<1x16x128xf32, #tpu.memory_space<vmem>>
        %dma_start3A_582 = tpu.memref_squeeze %dma_start3A_581 : memref<1x16x128xf32, #tpu.memory_space<vmem>> -> memref<16x128xf32, #tpu.memory_space<vmem>>
        %dma_start3A_583 = tpu.memref_slice %arg7[%multiple_of3A_576] : memref<10000xi32, #tpu.memory_space<vmem>> -> memref<16xi32, #tpu.memory_space<vmem>>
        %dma_start3A_584 = arith.constant 0 : i32
        %dma_start3A_585 = arith.constant 0 : i32
        %dma_start3A_586 = tpu.memref_slice %arg2[%dma_start3A_584, %dma_start3A_585] : memref<10000x128xf32, #tpu.memory_space<hbm>> -> memref<10000x128xf32, #tpu.memory_space<hbm>>
        %dma_start3A_587 = tpu.memref_slice %arg12[%dma_start3A_578] : memref<5x!tpu.dma_semaphore, #tpu.memory_space<semaphore_mem>> -> memref<1x!tpu.dma_semaphore, #tpu.memory_space<semaphore_mem>>
        %dma_start3A_588 = tpu.memref_squeeze %dma_start3A_587 : memref<1x!tpu.dma_semaphore, #tpu.memory_space<semaphore_mem>> -> memref<!tpu.dma_semaphore, #tpu.memory_space<semaphore_mem>>
        tpu.enqueue_indirect_dma source(%dma_start3A_586 : memref<10000x128xf32, #tpu.memory_space<hbm>>) target(%dma_start3A_582 : memref<16x128xf32, #tpu.memory_space<vmem>>) offsets(%dma_start3A_583 : memref<16xi32, #tpu.memory_space<vmem>>) semaphore(%dma_start3A_588 : memref<!tpu.dma_semaphore, #tpu.memory_space<semaphore_mem>>)
        %dma_start3A_589 = arith.constant 1 : i32
        %dma_start3A_590 = arith.constant 1 : i32
        %dma_start3A_591 = arith.constant 0 : i32
        %dma_start3A_592 = arith.constant 0 : i32
        %dma_start3A_593 = tpu.memref_slice %arg10[%dma_start3A_589, %dma_start3A_591, %dma_start3A_592] : memref<5x16x128xf32, #tpu.memory_space<vmem>> -> memref<1x16x128xf32, #tpu.memory_space<vmem>>
        %dma_start3A_594 = tpu.memref_squeeze %dma_start3A_593 : memref<1x16x128xf32, #tpu.memory_space<vmem>> -> memref<16x128xf32, #tpu.memory_space<vmem>>
        %dma_start3A_595 = tpu.memref_slice %arg8[%multiple_of3A_576] : memref<10000xi32, #tpu.memory_space<vmem>> -> memref<16xi32, #tpu.memory_space<vmem>>
        %dma_start3A_596 = arith.constant 0 : i32
        %dma_start3A_597 = arith.constant 0 : i32
        %dma_start3A_598 = tpu.memref_slice %arg2[%dma_start3A_596, %dma_start3A_597] : memref<10000x128xf32, #tpu.memory_space<hbm>> -> memref<10000x128xf32, #tpu.memory_space<hbm>>
        %dma_start3A_599 = tpu.memref_slice %arg13[%dma_start3A_590] : memref<5x!tpu.dma_semaphore, #tpu.memory_space<semaphore_mem>> -> memref<1x!tpu.dma_semaphore, #tpu.memory_space<semaphore_mem>>
        %dma_start3A_600 = tpu.memref_squeeze %dma_start3A_599 : memref<1x!tpu.dma_semaphore, #tpu.memory_space<semaphore_mem>> -> memref<!tpu.dma_semaphore, #tpu.memory_space<semaphore_mem>>
        tpu.enqueue_indirect_dma source(%dma_start3A_598 : memref<10000x128xf32, #tpu.memory_space<hbm>>) target(%dma_start3A_594 : memref<16x128xf32, #tpu.memory_space<vmem>>) offsets(%dma_start3A_595 : memref<16xi32, #tpu.memory_space<vmem>>) semaphore(%dma_start3A_600 : memref<!tpu.dma_semaphore, #tpu.memory_space<semaphore_mem>>)
      } else {
      }
      %mul3A_364 = arith.constant 5 : i32
      %mul3A_365 = arith.muli %scan3A_227, %mul3A_364 : i32
      %add3A_366 = arith.constant 2 : i32
      %add3A_367 = arith.addi %mul3A_365, %add3A_366 : i32
      %mul3A_368 = arith.constant 16 : i32
      %mul3A_369 = arith.muli %add3A_367, %mul3A_368 : i32
      %multiple_of3A_370 = tpu.assume_multiple %mul3A_369, 8 : i32
      %dma_wait3A_371 = arith.constant 2 : i32
      %dma_wait3A_372 = arith.constant 2 : i32
      %dma_wait3A_373 = arith.constant 0 : i32
      %dma_wait3A_374 = arith.constant 0 : i32
      %dma_wait3A_375 = tpu.memref_slice %arg9[%dma_wait3A_371, %dma_wait3A_373, %dma_wait3A_374] : memref<5x16x128xf32, #tpu.memory_space<vmem>> -> memref<1x16x128xf32, #tpu.memory_space<vmem>>
      %dma_wait3A_376 = tpu.memref_squeeze %dma_wait3A_375 : memref<1x16x128xf32, #tpu.memory_space<vmem>> -> memref<16x128xf32, #tpu.memory_space<vmem>>
      %dma_wait3A_377 = tpu.memref_slice %arg7[%multiple_of3A_370] : memref<10000xi32, #tpu.memory_space<vmem>> -> memref<16xi32, #tpu.memory_space<vmem>>
      %dma_wait3A_378 = arith.constant 0 : i32
      %dma_wait3A_379 = arith.constant 0 : i32
      %dma_wait3A_380 = tpu.memref_slice %arg6[%dma_wait3A_378, %dma_wait3A_379] : memref<10000x128xf32, #tpu.memory_space<vmem_shared>> -> memref<10000x128xf32, #tpu.memory_space<vmem_shared>>
      %dma_wait3A_381 = tpu.memref_slice %arg12[%dma_wait3A_372] : memref<5x!tpu.dma_semaphore, #tpu.memory_space<semaphore_mem>> -> memref<1x!tpu.dma_semaphore, #tpu.memory_space<semaphore_mem>>
      %dma_wait3A_382 = tpu.memref_squeeze %dma_wait3A_381 : memref<1x!tpu.dma_semaphore, #tpu.memory_space<semaphore_mem>> -> memref<!tpu.dma_semaphore, #tpu.memory_space<semaphore_mem>>
      tpu.wait_indirect_dma semaphore(%dma_wait3A_382 : memref<!tpu.dma_semaphore, #tpu.memory_space<semaphore_mem>>) src(%dma_wait3A_380 : memref<10000x128xf32, #tpu.memory_space<vmem_shared>>) dst(%dma_wait3A_376 : memref<16x128xf32, #tpu.memory_space<vmem>>)
      %dma_wait3A_383 = arith.constant 2 : i32
      %dma_wait3A_384 = arith.constant 2 : i32
      %dma_wait3A_385 = arith.constant 0 : i32
      %dma_wait3A_386 = arith.constant 0 : i32
      %dma_wait3A_387 = tpu.memref_slice %arg10[%dma_wait3A_383, %dma_wait3A_385, %dma_wait3A_386] : memref<5x16x128xf32, #tpu.memory_space<vmem>> -> memref<1x16x128xf32, #tpu.memory_space<vmem>>
      %dma_wait3A_388 = tpu.memref_squeeze %dma_wait3A_387 : memref<1x16x128xf32, #tpu.memory_space<vmem>> -> memref<16x128xf32, #tpu.memory_space<vmem>>
      %dma_wait3A_389 = tpu.memref_slice %arg8[%multiple_of3A_370] : memref<10000xi32, #tpu.memory_space<vmem>> -> memref<16xi32, #tpu.memory_space<vmem>>
      %dma_wait3A_390 = arith.constant 0 : i32
      %dma_wait3A_391 = arith.constant 0 : i32
      %dma_wait3A_392 = tpu.memref_slice %arg6[%dma_wait3A_390, %dma_wait3A_391] : memref<10000x128xf32, #tpu.memory_space<vmem_shared>> -> memref<10000x128xf32, #tpu.memory_space<vmem_shared>>
      %dma_wait3A_393 = tpu.memref_slice %arg13[%dma_wait3A_384] : memref<5x!tpu.dma_semaphore, #tpu.memory_space<semaphore_mem>> -> memref<1x!tpu.dma_semaphore, #tpu.memory_space<semaphore_mem>>
      %dma_wait3A_394 = tpu.memref_squeeze %dma_wait3A_393 : memref<1x!tpu.dma_semaphore, #tpu.memory_space<semaphore_mem>> -> memref<!tpu.dma_semaphore, #tpu.memory_space<semaphore_mem>>
      tpu.wait_indirect_dma semaphore(%dma_wait3A_394 : memref<!tpu.dma_semaphore, #tpu.memory_space<semaphore_mem>>) src(%dma_wait3A_392 : memref<10000x128xf32, #tpu.memory_space<vmem_shared>>) dst(%dma_wait3A_388 : memref<16x128xf32, #tpu.memory_space<vmem>>)
      %gt3A_395 = arith.constant 0 : i32
      %gt3A_396 = arith.cmpi sgt, %scan3A_227, %gt3A_395 : i32
      %convert_element_type3A_397 = arith.extui %gt3A_396 : i1 to i32
      %cond3A_398 = arith.constant 0 : i32
      %cond3A_399 = arith.cmpi ne, %convert_element_type3A_397, %cond3A_398 : i32
      scf.if %cond3A_399 {
        %sub3A = arith.constant 5 : i32
        %sub3A_572 = arith.subi %add3A_367, %sub3A : i32
        %mul3A_573 = arith.constant 16 : i32
        %mul3A_574 = arith.muli %sub3A_572, %mul3A_573 : i32
        %add3A_575 = arith.addi %multiple_of3A, %mul3A_574 : i32
        %multiple_of3A_576 = tpu.assume_multiple %add3A_575, 8 : i32
        %dma_wait3A_577 = arith.constant 2 : i32
        %dma_wait3A_578 = arith.constant 2 : i32
        %dma_wait3A_579 = arith.constant 0 : i32
        %dma_wait3A_580 = tpu.memref_slice %arg11[%dma_wait3A_577, %dma_wait3A_579] : memref<5x16xf32, #tpu.memory_space<vmem>> -> memref<1x16xf32, #tpu.memory_space<vmem>>
        %dma_wait3A_581 = tpu.memref_squeeze %dma_wait3A_580 : memref<1x16xf32, #tpu.memory_space<vmem>> -> memref<16xf32, #tpu.memory_space<vmem>>
        %dma_wait3A_582 = tpu.memref_slice %arg5[%multiple_of3A_576] : memref<320000xf32, #tpu.memory_space<hbm>> -> memref<16xf32, #tpu.memory_space<hbm>>
        %dma_wait3A_583 = tpu.memref_slice %arg14[%dma_wait3A_578] : memref<5x!tpu.dma_semaphore, #tpu.memory_space<semaphore_mem>> -> memref<1x!tpu.dma_semaphore, #tpu.memory_space<semaphore_mem>>
        %dma_wait3A_584 = tpu.memref_squeeze %dma_wait3A_583 : memref<1x!tpu.dma_semaphore, #tpu.memory_space<semaphore_mem>> -> memref<!tpu.dma_semaphore, #tpu.memory_space<semaphore_mem>>
        %dma_wait3A_585 = tpu.memref_slice %arg5[%multiple_of3A_576] : memref<320000xf32, #tpu.memory_space<hbm>> -> memref<16xf32, #tpu.memory_space<hbm>>
        %dma_wait3A_586 = arith.constant 0 : i32
        %dma_wait3A_587 = tpu.memref_slice %arg11[%dma_wait3A_577, %dma_wait3A_586] : memref<5x16xf32, #tpu.memory_space<vmem>> -> memref<1x16xf32, #tpu.memory_space<vmem>>
        %dma_wait3A_588 = tpu.memref_squeeze %dma_wait3A_587 : memref<1x16xf32, #tpu.memory_space<vmem>> -> memref<16xf32, #tpu.memory_space<vmem>>
        tpu.wait_dma2 semaphore(%dma_wait3A_584 : memref<!tpu.dma_semaphore, #tpu.memory_space<semaphore_mem>>) src(%dma_wait3A_588 : memref<16xf32, #tpu.memory_space<vmem>>) dst(%dma_wait3A_585 : memref<16xf32, #tpu.memory_space<hbm>>)
      } else {
      }
      %broadcast_in_dim3A_400 = arith.constant 0.000000e+00 : f32
      %broadcast_in_dim3A_401 = vector.broadcast %broadcast_in_dim3A_400 : f32 to vector<16xf32>
      %scan3A_402 = arith.constant 0 : i32
      %scan3A_403 = arith.constant 16 : i32
      %scan3A_404 = arith.addi %scan3A_402, %scan3A_403 : i32
      %scan3A_405 = arith.constant 1 : i32
      %scan3A_406 = scf.for %scan3A_572 = %scan3A_402 to %scan3A_404 step %scan3A_405 iter_args(%scan3A_573 = %broadcast_in_dim3A_401) -> (vector<16xf32>)  : i32 {
        %get3A = arith.constant 2 : i32
        %get3A_574 = arith.index_cast %get3A : i32 to index
        %get3A_575 = arith.index_cast %scan3A_572 : i32 to index
        %get3A_576 = arith.constant 0 : index
        %get3A_577 = tpu.vector_load %arg9[%get3A_574, %get3A_575, %get3A_576] {strides = array<i32>} : memref<5x16x128xf32, #tpu.memory_space<vmem>>, vector<16xf32>,
        %get3A_578 = arith.constant 2 : i32
        %get3A_579 = arith.index_cast %get3A_578 : i32 to index
        %get3A_580 = arith.index_cast %scan3A_572 : i32 to index
        %get3A_581 = arith.constant 0 : index
        %get3A_582 = tpu.vector_load %arg10[%get3A_579, %get3A_580, %get3A_581] {strides = array<i32>} : memref<5x16x128xf32, #tpu.memory_space<vmem>>, vector<16xf32>,
        %mul3A_583 = arith.mulf %get3A_577, %get3A_582 : vector<16xf32>
        %get3A_584 = arith.constant 2 : i32
        %get3A_585 = arith.index_cast %get3A_584 : i32 to index
        %get3A_586 = arith.index_cast %scan3A_572 : i32 to index
        %get3A_587 = arith.constant 16 : index
        %get3A_588 = tpu.vector_load %arg9[%get3A_585, %get3A_586, %get3A_587] {strides = array<i32>} : memref<5x16x128xf32, #tpu.memory_space<vmem>>, vector<16xf32>,
        %get3A_589 = arith.constant 2 : i32
        %get3A_590 = arith.index_cast %get3A_589 : i32 to index
        %get3A_591 = arith.index_cast %scan3A_572 : i32 to index
        %get3A_592 = arith.constant 16 : index
        %get3A_593 = tpu.vector_load %arg10[%get3A_590, %get3A_591, %get3A_592] {strides = array<i32>} : memref<5x16x128xf32, #tpu.memory_space<vmem>>, vector<16xf32>,
        %mul3A_594 = arith.mulf %get3A_588, %get3A_593 : vector<16xf32>
        %get3A_595 = arith.constant 2 : i32
        %get3A_596 = arith.index_cast %get3A_595 : i32 to index
        %get3A_597 = arith.index_cast %scan3A_572 : i32 to index
        %get3A_598 = arith.constant 32 : index
        %get3A_599 = tpu.vector_load %arg9[%get3A_596, %get3A_597, %get3A_598] {strides = array<i32>} : memref<5x16x128xf32, #tpu.memory_space<vmem>>, vector<16xf32>,
        %get3A_600 = arith.constant 2 : i32
        %get3A_601 = arith.index_cast %get3A_600 : i32 to index
        %get3A_602 = arith.index_cast %scan3A_572 : i32 to index
        %get3A_603 = arith.constant 32 : index
        %get3A_604 = tpu.vector_load %arg10[%get3A_601, %get3A_602, %get3A_603] {strides = array<i32>} : memref<5x16x128xf32, #tpu.memory_space<vmem>>, vector<16xf32>,
        %mul3A_605 = arith.mulf %get3A_599, %get3A_604 : vector<16xf32>
        %get3A_606 = arith.constant 2 : i32
        %get3A_607 = arith.index_cast %get3A_606 : i32 to index
        %get3A_608 = arith.index_cast %scan3A_572 : i32 to index
        %get3A_609 = arith.constant 48 : index
        %get3A_610 = tpu.vector_load %arg9[%get3A_607, %get3A_608, %get3A_609] {strides = array<i32>} : memref<5x16x128xf32, #tpu.memory_space<vmem>>, vector<16xf32>,
        %get3A_611 = arith.constant 2 : i32
        %get3A_612 = arith.index_cast %get3A_611 : i32 to index
        %get3A_613 = arith.index_cast %scan3A_572 : i32 to index
        %get3A_614 = arith.constant 48 : index
        %get3A_615 = tpu.vector_load %arg10[%get3A_612, %get3A_613, %get3A_614] {strides = array<i32>} : memref<5x16x128xf32, #tpu.memory_space<vmem>>, vector<16xf32>,
        %mul3A_616 = arith.mulf %get3A_610, %get3A_615 : vector<16xf32>
        %get3A_617 = arith.constant 2 : i32
        %get3A_618 = arith.index_cast %get3A_617 : i32 to index
        %get3A_619 = arith.index_cast %scan3A_572 : i32 to index
        %get3A_620 = arith.constant 64 : index
        %get3A_621 = tpu.vector_load %arg9[%get3A_618, %get3A_619, %get3A_620] {strides = array<i32>} : memref<5x16x128xf32, #tpu.memory_space<vmem>>, vector<16xf32>,
        %get3A_622 = arith.constant 2 : i32
        %get3A_623 = arith.index_cast %get3A_622 : i32 to index
        %get3A_624 = arith.index_cast %scan3A_572 : i32 to index
        %get3A_625 = arith.constant 64 : index
        %get3A_626 = tpu.vector_load %arg10[%get3A_623, %get3A_624, %get3A_625] {strides = array<i32>} : memref<5x16x128xf32, #tpu.memory_space<vmem>>, vector<16xf32>,
        %mul3A_627 = arith.mulf %get3A_621, %get3A_626 : vector<16xf32>
        %get3A_628 = arith.constant 2 : i32
        %get3A_629 = arith.index_cast %get3A_628 : i32 to index
        %get3A_630 = arith.index_cast %scan3A_572 : i32 to index
        %get3A_631 = arith.constant 80 : index
        %get3A_632 = tpu.vector_load %arg9[%get3A_629, %get3A_630, %get3A_631] {strides = array<i32>} : memref<5x16x128xf32, #tpu.memory_space<vmem>>, vector<16xf32>,
        %get3A_633 = arith.constant 2 : i32
        %get3A_634 = arith.index_cast %get3A_633 : i32 to index
        %get3A_635 = arith.index_cast %scan3A_572 : i32 to index
        %get3A_636 = arith.constant 80 : index
        %get3A_637 = tpu.vector_load %arg10[%get3A_634, %get3A_635, %get3A_636] {strides = array<i32>} : memref<5x16x128xf32, #tpu.memory_space<vmem>>, vector<16xf32>,
        %mul3A_638 = arith.mulf %get3A_632, %get3A_637 : vector<16xf32>
        %get3A_639 = arith.constant 2 : i32
        %get3A_640 = arith.index_cast %get3A_639 : i32 to index
        %get3A_641 = arith.index_cast %scan3A_572 : i32 to index
        %get3A_642 = arith.constant 96 : index
        %get3A_643 = tpu.vector_load %arg9[%get3A_640, %get3A_641, %get3A_642] {strides = array<i32>} : memref<5x16x128xf32, #tpu.memory_space<vmem>>, vector<16xf32>,
        %get3A_644 = arith.constant 2 : i32
        %get3A_645 = arith.index_cast %get3A_644 : i32 to index
        %get3A_646 = arith.index_cast %scan3A_572 : i32 to index
        %get3A_647 = arith.constant 96 : index
        %get3A_648 = tpu.vector_load %arg10[%get3A_645, %get3A_646, %get3A_647] {strides = array<i32>} : memref<5x16x128xf32, #tpu.memory_space<vmem>>, vector<16xf32>,
        %mul3A_649 = arith.mulf %get3A_643, %get3A_648 : vector<16xf32>
        %get3A_650 = arith.constant 2 : i32
        %get3A_651 = arith.index_cast %get3A_650 : i32 to index
        %get3A_652 = arith.index_cast %scan3A_572 : i32 to index
        %get3A_653 = arith.constant 112 : index
        %get3A_654 = tpu.vector_load %arg9[%get3A_651, %get3A_652, %get3A_653] {strides = array<i32>} : memref<5x16x128xf32, #tpu.memory_space<vmem>>, vector<16xf32>,
        %get3A_655 = arith.constant 2 : i32
        %get3A_656 = arith.index_cast %get3A_655 : i32 to index
        %get3A_657 = arith.index_cast %scan3A_572 : i32 to index
        %get3A_658 = arith.constant 112 : index
        %get3A_659 = tpu.vector_load %arg10[%get3A_656, %get3A_657, %get3A_658] {strides = array<i32>} : memref<5x16x128xf32, #tpu.memory_space<vmem>>, vector<16xf32>,
        %mul3A_660 = arith.mulf %get3A_654, %get3A_659 : vector<16xf32>
        %add3A_661 = arith.addf %mul3A_583, %mul3A_594 : vector<16xf32>
        %add3A_662 = arith.addf %mul3A_605, %mul3A_616 : vector<16xf32>
        %add3A_663 = arith.addf %mul3A_627, %mul3A_638 : vector<16xf32>
        %add3A_664 = arith.addf %mul3A_649, %mul3A_660 : vector<16xf32>
        %add3A_665 = arith.addf %add3A_661, %add3A_662 : vector<16xf32>
        %add3A_666 = arith.addf %add3A_663, %add3A_664 : vector<16xf32>
        %add3A_667 = arith.addf %add3A_665, %add3A_666 : vector<16xf32>
        %broadcast_in_dim3A_668 = arith.constant true
        %broadcast_in_dim3A_669 = vector.broadcast %broadcast_in_dim3A_668 : i1 to vector<16xi1>
        %masked_cumsum3A = tpu.scan <sum>, %add3A_667 masked %broadcast_in_dim3A_669 : vector<16xf32>, vector<16xi1> -> vector<16xf32>
        %broadcast_in_dim3A_670 = vector.shape_cast %broadcast_in_dim3A_5 : vector<16xi32> to vector<16x1xi32>
        %gather3A = vector.shape_cast %broadcast_in_dim3A_670 : vector<16x1xi32> to vector<16xi32>
        %gather3A_671 = tpu.dynamic_gather %masked_cumsum3A[%gather3A] in [0] : vector<16xf32>, vector<16xi32> -> vector<16xf32>
        %eq3A_672 = vector.broadcast %scan3A_572 : i32 to vector<16xi32>
        %eq3A_673 = arith.cmpi eq, %iota3A, %eq3A_672 : vector<16xi32>
        %select_n3A = arith.select %eq3A_673, %gather3A_671, %scan3A_573 : vector<16xi1>, vector<16xf32>
        scf.yield %select_n3A : vector<16xf32>
      }
      %scan3A_407 = arith.constant 16 : i32
      %swap3A_408 = arith.constant 2 : i32
      %swap3A_409 = arith.index_cast %swap3A_408 : i32 to index
      %swap3A_410 = arith.constant 0 : index
      %swap3A_411 = tpu.vector_load %arg11[%swap3A_409, %swap3A_410] {strides = array<i32>} : memref<5x16xf32, #tpu.memory_space<vmem>>, vector<16xf32>,
      tpu.vector_store %arg11[%swap3A_409, %swap3A_410], %scan3A_406 {strides = array<i32>} : memref<5x16xf32, #tpu.memory_space<vmem>>, vector<16xf32>,
      %mul3A_412 = arith.constant 16 : i32
      %mul3A_413 = arith.muli %add3A_367, %mul3A_412 : i32
      %add3A_414 = arith.addi %multiple_of3A, %mul3A_413 : i32
      %multiple_of3A_415 = tpu.assume_multiple %add3A_414, 8 : i32
      %dma_start3A_416 = arith.constant 2 : i32
      %dma_start3A_417 = arith.constant 2 : i32
      %dma_start3A_418 = arith.constant 0 : i32
      %dma_start3A_419 = tpu.memref_slice %arg11[%dma_start3A_416, %dma_start3A_418] : memref<5x16xf32, #tpu.memory_space<vmem>> -> memref<1x16xf32, #tpu.memory_space<vmem>>
      %dma_start3A_420 = tpu.memref_squeeze %dma_start3A_419 : memref<1x16xf32, #tpu.memory_space<vmem>> -> memref<16xf32, #tpu.memory_space<vmem>>
      %dma_start3A_421 = tpu.memref_slice %arg5[%multiple_of3A_415] : memref<320000xf32, #tpu.memory_space<hbm>> -> memref<16xf32, #tpu.memory_space<hbm>>
      %dma_start3A_422 = tpu.memref_slice %arg14[%dma_start3A_417] : memref<5x!tpu.dma_semaphore, #tpu.memory_space<semaphore_mem>> -> memref<1x!tpu.dma_semaphore, #tpu.memory_space<semaphore_mem>>
      %dma_start3A_423 = tpu.memref_squeeze %dma_start3A_422 : memref<1x!tpu.dma_semaphore, #tpu.memory_space<semaphore_mem>> -> memref<!tpu.dma_semaphore, #tpu.memory_space<semaphore_mem>>
      %dma_start3A_424 = tpu.memref_slice %arg5[%multiple_of3A_415] : memref<320000xf32, #tpu.memory_space<hbm>> -> memref<16xf32, #tpu.memory_space<hbm>>
      %dma_start3A_425 = arith.constant 0 : i32
      %dma_start3A_426 = tpu.memref_slice %arg11[%dma_start3A_416, %dma_start3A_425] : memref<5x16xf32, #tpu.memory_space<vmem>> -> memref<1x16xf32, #tpu.memory_space<vmem>>
      %dma_start3A_427 = tpu.memref_squeeze %dma_start3A_426 : memref<1x16xf32, #tpu.memory_space<vmem>> -> memref<16xf32, #tpu.memory_space<vmem>>
      tpu.enqueue_dma source(%dma_start3A_427 : memref<16xf32, #tpu.memory_space<vmem>>) target(%dma_start3A_424 : memref<16xf32, #tpu.memory_space<hbm>>) target_semaphore(%dma_start3A_423 : memref<!tpu.dma_semaphore, #tpu.memory_space<semaphore_mem>>)
      %lt3A_428 = arith.constant 124 : i32
      %lt3A_429 = arith.cmpi slt, %scan3A_227, %lt3A_428 : i32
      %convert_element_type3A_430 = arith.extui %lt3A_429 : i1 to i32
      %cond3A_431 = arith.constant 0 : i32
      %cond3A_432 = arith.cmpi ne, %convert_element_type3A_430, %cond3A_431 : i32
      scf.if %cond3A_432 {
        %add3A_572 = arith.constant 5 : i32
        %add3A_573 = arith.addi %add3A_367, %add3A_572 : i32
        %mul3A_574 = arith.constant 16 : i32
        %mul3A_575 = arith.muli %add3A_573, %mul3A_574 : i32
        %multiple_of3A_576 = tpu.assume_multiple %mul3A_575, 8 : i32
        %dma_start3A_577 = arith.constant 2 : i32
        %dma_start3A_578 = arith.constant 2 : i32
        %dma_start3A_579 = arith.constant 0 : i32
        %dma_start3A_580 = arith.constant 0 : i32
        %dma_start3A_581 = tpu.memref_slice %arg9[%dma_start3A_577, %dma_start3A_579, %dma_start3A_580] : memref<5x16x128xf32, #tpu.memory_space<vmem>> -> memref<1x16x128xf32, #tpu.memory_space<vmem>>
        %dma_start3A_582 = tpu.memref_squeeze %dma_start3A_581 : memref<1x16x128xf32, #tpu.memory_space<vmem>> -> memref<16x128xf32, #tpu.memory_space<vmem>>
        %dma_start3A_583 = tpu.memref_slice %arg7[%multiple_of3A_576] : memref<10000xi32, #tpu.memory_space<vmem>> -> memref<16xi32, #tpu.memory_space<vmem>>
        %dma_start3A_584 = arith.constant 0 : i32
        %dma_start3A_585 = arith.constant 0 : i32
        %dma_start3A_586 = tpu.memref_slice %arg2[%dma_start3A_584, %dma_start3A_585] : memref<10000x128xf32, #tpu.memory_space<hbm>> -> memref<10000x128xf32, #tpu.memory_space<hbm>>
        %dma_start3A_587 = tpu.memref_slice %arg12[%dma_start3A_578] : memref<5x!tpu.dma_semaphore, #tpu.memory_space<semaphore_mem>> -> memref<1x!tpu.dma_semaphore, #tpu.memory_space<semaphore_mem>>
        %dma_start3A_588 = tpu.memref_squeeze %dma_start3A_587 : memref<1x!tpu.dma_semaphore, #tpu.memory_space<semaphore_mem>> -> memref<!tpu.dma_semaphore, #tpu.memory_space<semaphore_mem>>
        tpu.enqueue_indirect_dma source(%dma_start3A_586 : memref<10000x128xf32, #tpu.memory_space<hbm>>) target(%dma_start3A_582 : memref<16x128xf32, #tpu.memory_space<vmem>>) offsets(%dma_start3A_583 : memref<16xi32, #tpu.memory_space<vmem>>) semaphore(%dma_start3A_588 : memref<!tpu.dma_semaphore, #tpu.memory_space<semaphore_mem>>)
        %dma_start3A_589 = arith.constant 2 : i32
        %dma_start3A_590 = arith.constant 2 : i32
        %dma_start3A_591 = arith.constant 0 : i32
        %dma_start3A_592 = arith.constant 0 : i32
        %dma_start3A_593 = tpu.memref_slice %arg10[%dma_start3A_589, %dma_start3A_591, %dma_start3A_592] : memref<5x16x128xf32, #tpu.memory_space<vmem>> -> memref<1x16x128xf32, #tpu.memory_space<vmem>>
        %dma_start3A_594 = tpu.memref_squeeze %dma_start3A_593 : memref<1x16x128xf32, #tpu.memory_space<vmem>> -> memref<16x128xf32, #tpu.memory_space<vmem>>
        %dma_start3A_595 = tpu.memref_slice %arg8[%multiple_of3A_576] : memref<10000xi32, #tpu.memory_space<vmem>> -> memref<16xi32, #tpu.memory_space<vmem>>
        %dma_start3A_596 = arith.constant 0 : i32
        %dma_start3A_597 = arith.constant 0 : i32
        %dma_start3A_598 = tpu.memref_slice %arg2[%dma_start3A_596, %dma_start3A_597] : memref<10000x128xf32, #tpu.memory_space<hbm>> -> memref<10000x128xf32, #tpu.memory_space<hbm>>
        %dma_start3A_599 = tpu.memref_slice %arg13[%dma_start3A_590] : memref<5x!tpu.dma_semaphore, #tpu.memory_space<semaphore_mem>> -> memref<1x!tpu.dma_semaphore, #tpu.memory_space<semaphore_mem>>
        %dma_start3A_600 = tpu.memref_squeeze %dma_start3A_599 : memref<1x!tpu.dma_semaphore, #tpu.memory_space<semaphore_mem>> -> memref<!tpu.dma_semaphore, #tpu.memory_space<semaphore_mem>>
        tpu.enqueue_indirect_dma source(%dma_start3A_598 : memref<10000x128xf32, #tpu.memory_space<hbm>>) target(%dma_start3A_594 : memref<16x128xf32, #tpu.memory_space<vmem>>) offsets(%dma_start3A_595 : memref<16xi32, #tpu.memory_space<vmem>>) semaphore(%dma_start3A_600 : memref<!tpu.dma_semaphore, #tpu.memory_space<semaphore_mem>>)
      } else {
      }
      %mul3A_433 = arith.constant 5 : i32
      %mul3A_434 = arith.muli %scan3A_227, %mul3A_433 : i32
      %add3A_435 = arith.constant 3 : i32
      %add3A_436 = arith.addi %mul3A_434, %add3A_435 : i32
      %mul3A_437 = arith.constant 16 : i32
      %mul3A_438 = arith.muli %add3A_436, %mul3A_437 : i32
      %multiple_of3A_439 = tpu.assume_multiple %mul3A_438, 8 : i32
      %dma_wait3A_440 = arith.constant 3 : i32
      %dma_wait3A_441 = arith.constant 3 : i32
      %dma_wait3A_442 = arith.constant 0 : i32
      %dma_wait3A_443 = arith.constant 0 : i32
      %dma_wait3A_444 = tpu.memref_slice %arg9[%dma_wait3A_440, %dma_wait3A_442, %dma_wait3A_443] : memref<5x16x128xf32, #tpu.memory_space<vmem>> -> memref<1x16x128xf32, #tpu.memory_space<vmem>>
      %dma_wait3A_445 = tpu.memref_squeeze %dma_wait3A_444 : memref<1x16x128xf32, #tpu.memory_space<vmem>> -> memref<16x128xf32, #tpu.memory_space<vmem>>
      %dma_wait3A_446 = tpu.memref_slice %arg7[%multiple_of3A_439] : memref<10000xi32, #tpu.memory_space<vmem>> -> memref<16xi32, #tpu.memory_space<vmem>>
      %dma_wait3A_447 = arith.constant 0 : i32
      %dma_wait3A_448 = arith.constant 0 : i32
      %dma_wait3A_449 = tpu.memref_slice %arg6[%dma_wait3A_447, %dma_wait3A_448] : memref<10000x128xf32, #tpu.memory_space<vmem_shared>> -> memref<10000x128xf32, #tpu.memory_space<vmem_shared>>
      %dma_wait3A_450 = tpu.memref_slice %arg12[%dma_wait3A_441] : memref<5x!tpu.dma_semaphore, #tpu.memory_space<semaphore_mem>> -> memref<1x!tpu.dma_semaphore, #tpu.memory_space<semaphore_mem>>
      %dma_wait3A_451 = tpu.memref_squeeze %dma_wait3A_450 : memref<1x!tpu.dma_semaphore, #tpu.memory_space<semaphore_mem>> -> memref<!tpu.dma_semaphore, #tpu.memory_space<semaphore_mem>>
      tpu.wait_indirect_dma semaphore(%dma_wait3A_451 : memref<!tpu.dma_semaphore, #tpu.memory_space<semaphore_mem>>) src(%dma_wait3A_449 : memref<10000x128xf32, #tpu.memory_space<vmem_shared>>) dst(%dma_wait3A_445 : memref<16x128xf32, #tpu.memory_space<vmem>>)
      %dma_wait3A_452 = arith.constant 3 : i32
      %dma_wait3A_453 = arith.constant 3 : i32
      %dma_wait3A_454 = arith.constant 0 : i32
      %dma_wait3A_455 = arith.constant 0 : i32
      %dma_wait3A_456 = tpu.memref_slice %arg10[%dma_wait3A_452, %dma_wait3A_454, %dma_wait3A_455] : memref<5x16x128xf32, #tpu.memory_space<vmem>> -> memref<1x16x128xf32, #tpu.memory_space<vmem>>
      %dma_wait3A_457 = tpu.memref_squeeze %dma_wait3A_456 : memref<1x16x128xf32, #tpu.memory_space<vmem>> -> memref<16x128xf32, #tpu.memory_space<vmem>>
      %dma_wait3A_458 = tpu.memref_slice %arg8[%multiple_of3A_439] : memref<10000xi32, #tpu.memory_space<vmem>> -> memref<16xi32, #tpu.memory_space<vmem>>
      %dma_wait3A_459 = arith.constant 0 : i32
      %dma_wait3A_460 = arith.constant 0 : i32
      %dma_wait3A_461 = tpu.memref_slice %arg6[%dma_wait3A_459, %dma_wait3A_460] : memref<10000x128xf32, #tpu.memory_space<vmem_shared>> -> memref<10000x128xf32, #tpu.memory_space<vmem_shared>>
      %dma_wait3A_462 = tpu.memref_slice %arg13[%dma_wait3A_453] : memref<5x!tpu.dma_semaphore, #tpu.memory_space<semaphore_mem>> -> memref<1x!tpu.dma_semaphore, #tpu.memory_space<semaphore_mem>>
      %dma_wait3A_463 = tpu.memref_squeeze %dma_wait3A_462 : memref<1x!tpu.dma_semaphore, #tpu.memory_space<semaphore_mem>> -> memref<!tpu.dma_semaphore, #tpu.memory_space<semaphore_mem>>
      tpu.wait_indirect_dma semaphore(%dma_wait3A_463 : memref<!tpu.dma_semaphore, #tpu.memory_space<semaphore_mem>>) src(%dma_wait3A_461 : memref<10000x128xf32, #tpu.memory_space<vmem_shared>>) dst(%dma_wait3A_457 : memref<16x128xf32, #tpu.memory_space<vmem>>)
      %gt3A_464 = arith.constant 0 : i32
      %gt3A_465 = arith.cmpi sgt, %scan3A_227, %gt3A_464 : i32
      %convert_element_type3A_466 = arith.extui %gt3A_465 : i1 to i32
      %cond3A_467 = arith.constant 0 : i32
      %cond3A_468 = arith.cmpi ne, %convert_element_type3A_466, %cond3A_467 : i32
      scf.if %cond3A_468 {
        %sub3A = arith.constant 5 : i32
        %sub3A_572 = arith.subi %add3A_436, %sub3A : i32
        %mul3A_573 = arith.constant 16 : i32
        %mul3A_574 = arith.muli %sub3A_572, %mul3A_573 : i32
        %add3A_575 = arith.addi %multiple_of3A, %mul3A_574 : i32
        %multiple_of3A_576 = tpu.assume_multiple %add3A_575, 8 : i32
        %dma_wait3A_577 = arith.constant 3 : i32
        %dma_wait3A_578 = arith.constant 3 : i32
        %dma_wait3A_579 = arith.constant 0 : i32
        %dma_wait3A_580 = tpu.memref_slice %arg11[%dma_wait3A_577, %dma_wait3A_579] : memref<5x16xf32, #tpu.memory_space<vmem>> -> memref<1x16xf32, #tpu.memory_space<vmem>>
        %dma_wait3A_581 = tpu.memref_squeeze %dma_wait3A_580 : memref<1x16xf32, #tpu.memory_space<vmem>> -> memref<16xf32, #tpu.memory_space<vmem>>
        %dma_wait3A_582 = tpu.memref_slice %arg5[%multiple_of3A_576] : memref<320000xf32, #tpu.memory_space<hbm>> -> memref<16xf32, #tpu.memory_space<hbm>>
        %dma_wait3A_583 = tpu.memref_slice %arg14[%dma_wait3A_578] : memref<5x!tpu.dma_semaphore, #tpu.memory_space<semaphore_mem>> -> memref<1x!tpu.dma_semaphore, #tpu.memory_space<semaphore_mem>>
        %dma_wait3A_584 = tpu.memref_squeeze %dma_wait3A_583 : memref<1x!tpu.dma_semaphore, #tpu.memory_space<semaphore_mem>> -> memref<!tpu.dma_semaphore, #tpu.memory_space<semaphore_mem>>
        %dma_wait3A_585 = tpu.memref_slice %arg5[%multiple_of3A_576] : memref<320000xf32, #tpu.memory_space<hbm>> -> memref<16xf32, #tpu.memory_space<hbm>>
        %dma_wait3A_586 = arith.constant 0 : i32
        %dma_wait3A_587 = tpu.memref_slice %arg11[%dma_wait3A_577, %dma_wait3A_586] : memref<5x16xf32, #tpu.memory_space<vmem>> -> memref<1x16xf32, #tpu.memory_space<vmem>>
        %dma_wait3A_588 = tpu.memref_squeeze %dma_wait3A_587 : memref<1x16xf32, #tpu.memory_space<vmem>> -> memref<16xf32, #tpu.memory_space<vmem>>
        tpu.wait_dma2 semaphore(%dma_wait3A_584 : memref<!tpu.dma_semaphore, #tpu.memory_space<semaphore_mem>>) src(%dma_wait3A_588 : memref<16xf32, #tpu.memory_space<vmem>>) dst(%dma_wait3A_585 : memref<16xf32, #tpu.memory_space<hbm>>)
      } else {
      }
      %broadcast_in_dim3A_469 = arith.constant 0.000000e+00 : f32
      %broadcast_in_dim3A_470 = vector.broadcast %broadcast_in_dim3A_469 : f32 to vector<16xf32>
      %scan3A_471 = arith.constant 0 : i32
      %scan3A_472 = arith.constant 16 : i32
      %scan3A_473 = arith.addi %scan3A_471, %scan3A_472 : i32
      %scan3A_474 = arith.constant 1 : i32
      %scan3A_475 = scf.for %scan3A_572 = %scan3A_471 to %scan3A_473 step %scan3A_474 iter_args(%scan3A_573 = %broadcast_in_dim3A_470) -> (vector<16xf32>)  : i32 {
        %get3A = arith.constant 3 : i32
        %get3A_574 = arith.index_cast %get3A : i32 to index
        %get3A_575 = arith.index_cast %scan3A_572 : i32 to index
        %get3A_576 = arith.constant 0 : index
        %get3A_577 = tpu.vector_load %arg9[%get3A_574, %get3A_575, %get3A_576] {strides = array<i32>} : memref<5x16x128xf32, #tpu.memory_space<vmem>>, vector<16xf32>,
        %get3A_578 = arith.constant 3 : i32
        %get3A_579 = arith.index_cast %get3A_578 : i32 to index
        %get3A_580 = arith.index_cast %scan3A_572 : i32 to index
        %get3A_581 = arith.constant 0 : index
        %get3A_582 = tpu.vector_load %arg10[%get3A_579, %get3A_580, %get3A_581] {strides = array<i32>} : memref<5x16x128xf32, #tpu.memory_space<vmem>>, vector<16xf32>,
        %mul3A_583 = arith.mulf %get3A_577, %get3A_582 : vector<16xf32>
        %get3A_584 = arith.constant 3 : i32
        %get3A_585 = arith.index_cast %get3A_584 : i32 to index
        %get3A_586 = arith.index_cast %scan3A_572 : i32 to index
        %get3A_587 = arith.constant 16 : index
        %get3A_588 = tpu.vector_load %arg9[%get3A_585, %get3A_586, %get3A_587] {strides = array<i32>} : memref<5x16x128xf32, #tpu.memory_space<vmem>>, vector<16xf32>,
        %get3A_589 = arith.constant 3 : i32
        %get3A_590 = arith.index_cast %get3A_589 : i32 to index
        %get3A_591 = arith.index_cast %scan3A_572 : i32 to index
        %get3A_592 = arith.constant 16 : index
        %get3A_593 = tpu.vector_load %arg10[%get3A_590, %get3A_591, %get3A_592] {strides = array<i32>} : memref<5x16x128xf32, #tpu.memory_space<vmem>>, vector<16xf32>,
        %mul3A_594 = arith.mulf %get3A_588, %get3A_593 : vector<16xf32>
        %get3A_595 = arith.constant 3 : i32
        %get3A_596 = arith.index_cast %get3A_595 : i32 to index
        %get3A_597 = arith.index_cast %scan3A_572 : i32 to index
        %get3A_598 = arith.constant 32 : index
        %get3A_599 = tpu.vector_load %arg9[%get3A_596, %get3A_597, %get3A_598] {strides = array<i32>} : memref<5x16x128xf32, #tpu.memory_space<vmem>>, vector<16xf32>,
        %get3A_600 = arith.constant 3 : i32
        %get3A_601 = arith.index_cast %get3A_600 : i32 to index
        %get3A_602 = arith.index_cast %scan3A_572 : i32 to index
        %get3A_603 = arith.constant 32 : index
        %get3A_604 = tpu.vector_load %arg10[%get3A_601, %get3A_602, %get3A_603] {strides = array<i32>} : memref<5x16x128xf32, #tpu.memory_space<vmem>>, vector<16xf32>,
        %mul3A_605 = arith.mulf %get3A_599, %get3A_604 : vector<16xf32>
        %get3A_606 = arith.constant 3 : i32
        %get3A_607 = arith.index_cast %get3A_606 : i32 to index
        %get3A_608 = arith.index_cast %scan3A_572 : i32 to index
        %get3A_609 = arith.constant 48 : index
        %get3A_610 = tpu.vector_load %arg9[%get3A_607, %get3A_608, %get3A_609] {strides = array<i32>} : memref<5x16x128xf32, #tpu.memory_space<vmem>>, vector<16xf32>,
        %get3A_611 = arith.constant 3 : i32
        %get3A_612 = arith.index_cast %get3A_611 : i32 to index
        %get3A_613 = arith.index_cast %scan3A_572 : i32 to index
        %get3A_614 = arith.constant 48 : index
        %get3A_615 = tpu.vector_load %arg10[%get3A_612, %get3A_613, %get3A_614] {strides = array<i32>} : memref<5x16x128xf32, #tpu.memory_space<vmem>>, vector<16xf32>,
        %mul3A_616 = arith.mulf %get3A_610, %get3A_615 : vector<16xf32>
        %get3A_617 = arith.constant 3 : i32
        %get3A_618 = arith.index_cast %get3A_617 : i32 to index
        %get3A_619 = arith.index_cast %scan3A_572 : i32 to index
        %get3A_620 = arith.constant 64 : index
        %get3A_621 = tpu.vector_load %arg9[%get3A_618, %get3A_619, %get3A_620] {strides = array<i32>} : memref<5x16x128xf32, #tpu.memory_space<vmem>>, vector<16xf32>,
        %get3A_622 = arith.constant 3 : i32
        %get3A_623 = arith.index_cast %get3A_622 : i32 to index
        %get3A_624 = arith.index_cast %scan3A_572 : i32 to index
        %get3A_625 = arith.constant 64 : index
        %get3A_626 = tpu.vector_load %arg10[%get3A_623, %get3A_624, %get3A_625] {strides = array<i32>} : memref<5x16x128xf32, #tpu.memory_space<vmem>>, vector<16xf32>,
        %mul3A_627 = arith.mulf %get3A_621, %get3A_626 : vector<16xf32>
        %get3A_628 = arith.constant 3 : i32
        %get3A_629 = arith.index_cast %get3A_628 : i32 to index
        %get3A_630 = arith.index_cast %scan3A_572 : i32 to index
        %get3A_631 = arith.constant 80 : index
        %get3A_632 = tpu.vector_load %arg9[%get3A_629, %get3A_630, %get3A_631] {strides = array<i32>} : memref<5x16x128xf32, #tpu.memory_space<vmem>>, vector<16xf32>,
        %get3A_633 = arith.constant 3 : i32
        %get3A_634 = arith.index_cast %get3A_633 : i32 to index
        %get3A_635 = arith.index_cast %scan3A_572 : i32 to index
        %get3A_636 = arith.constant 80 : index
        %get3A_637 = tpu.vector_load %arg10[%get3A_634, %get3A_635, %get3A_636] {strides = array<i32>} : memref<5x16x128xf32, #tpu.memory_space<vmem>>, vector<16xf32>,
        %mul3A_638 = arith.mulf %get3A_632, %get3A_637 : vector<16xf32>
        %get3A_639 = arith.constant 3 : i32
        %get3A_640 = arith.index_cast %get3A_639 : i32 to index
        %get3A_641 = arith.index_cast %scan3A_572 : i32 to index
        %get3A_642 = arith.constant 96 : index
        %get3A_643 = tpu.vector_load %arg9[%get3A_640, %get3A_641, %get3A_642] {strides = array<i32>} : memref<5x16x128xf32, #tpu.memory_space<vmem>>, vector<16xf32>,
        %get3A_644 = arith.constant 3 : i32
        %get3A_645 = arith.index_cast %get3A_644 : i32 to index
        %get3A_646 = arith.index_cast %scan3A_572 : i32 to index
        %get3A_647 = arith.constant 96 : index
        %get3A_648 = tpu.vector_load %arg10[%get3A_645, %get3A_646, %get3A_647] {strides = array<i32>} : memref<5x16x128xf32, #tpu.memory_space<vmem>>, vector<16xf32>,
        %mul3A_649 = arith.mulf %get3A_643, %get3A_648 : vector<16xf32>
        %get3A_650 = arith.constant 3 : i32
        %get3A_651 = arith.index_cast %get3A_650 : i32 to index
        %get3A_652 = arith.index_cast %scan3A_572 : i32 to index
        %get3A_653 = arith.constant 112 : index
        %get3A_654 = tpu.vector_load %arg9[%get3A_651, %get3A_652, %get3A_653] {strides = array<i32>} : memref<5x16x128xf32, #tpu.memory_space<vmem>>, vector<16xf32>,
        %get3A_655 = arith.constant 3 : i32
        %get3A_656 = arith.index_cast %get3A_655 : i32 to index
        %get3A_657 = arith.index_cast %scan3A_572 : i32 to index
        %get3A_658 = arith.constant 112 : index
        %get3A_659 = tpu.vector_load %arg10[%get3A_656, %get3A_657, %get3A_658] {strides = array<i32>} : memref<5x16x128xf32, #tpu.memory_space<vmem>>, vector<16xf32>,
        %mul3A_660 = arith.mulf %get3A_654, %get3A_659 : vector<16xf32>
        %add3A_661 = arith.addf %mul3A_583, %mul3A_594 : vector<16xf32>
        %add3A_662 = arith.addf %mul3A_605, %mul3A_616 : vector<16xf32>
        %add3A_663 = arith.addf %mul3A_627, %mul3A_638 : vector<16xf32>
        %add3A_664 = arith.addf %mul3A_649, %mul3A_660 : vector<16xf32>
        %add3A_665 = arith.addf %add3A_661, %add3A_662 : vector<16xf32>
        %add3A_666 = arith.addf %add3A_663, %add3A_664 : vector<16xf32>
        %add3A_667 = arith.addf %add3A_665, %add3A_666 : vector<16xf32>
        %broadcast_in_dim3A_668 = arith.constant true
        %broadcast_in_dim3A_669 = vector.broadcast %broadcast_in_dim3A_668 : i1 to vector<16xi1>
        %masked_cumsum3A = tpu.scan <sum>, %add3A_667 masked %broadcast_in_dim3A_669 : vector<16xf32>, vector<16xi1> -> vector<16xf32>
        %broadcast_in_dim3A_670 = vector.shape_cast %broadcast_in_dim3A_5 : vector<16xi32> to vector<16x1xi32>
        %gather3A = vector.shape_cast %broadcast_in_dim3A_670 : vector<16x1xi32> to vector<16xi32>
        %gather3A_671 = tpu.dynamic_gather %masked_cumsum3A[%gather3A] in [0] : vector<16xf32>, vector<16xi32> -> vector<16xf32>
        %eq3A_672 = vector.broadcast %scan3A_572 : i32 to vector<16xi32>
        %eq3A_673 = arith.cmpi eq, %iota3A, %eq3A_672 : vector<16xi32>
        %select_n3A = arith.select %eq3A_673, %gather3A_671, %scan3A_573 : vector<16xi1>, vector<16xf32>
        scf.yield %select_n3A : vector<16xf32>
      }
      %scan3A_476 = arith.constant 16 : i32
      %swap3A_477 = arith.constant 3 : i32
      %swap3A_478 = arith.index_cast %swap3A_477 : i32 to index
      %swap3A_479 = arith.constant 0 : index
      %swap3A_480 = tpu.vector_load %arg11[%swap3A_478, %swap3A_479] {strides = array<i32>} : memref<5x16xf32, #tpu.memory_space<vmem>>, vector<16xf32>,
      tpu.vector_store %arg11[%swap3A_478, %swap3A_479], %scan3A_475 {strides = array<i32>} : memref<5x16xf32, #tpu.memory_space<vmem>>, vector<16xf32>,
      %mul3A_481 = arith.constant 16 : i32
      %mul3A_482 = arith.muli %add3A_436, %mul3A_481 : i32
      %add3A_483 = arith.addi %multiple_of3A, %mul3A_482 : i32
      %multiple_of3A_484 = tpu.assume_multiple %add3A_483, 8 : i32
      %dma_start3A_485 = arith.constant 3 : i32
      %dma_start3A_486 = arith.constant 3 : i32
      %dma_start3A_487 = arith.constant 0 : i32
      %dma_start3A_488 = tpu.memref_slice %arg11[%dma_start3A_485, %dma_start3A_487] : memref<5x16xf32, #tpu.memory_space<vmem>> -> memref<1x16xf32, #tpu.memory_space<vmem>>
      %dma_start3A_489 = tpu.memref_squeeze %dma_start3A_488 : memref<1x16xf32, #tpu.memory_space<vmem>> -> memref<16xf32, #tpu.memory_space<vmem>>
      %dma_start3A_490 = tpu.memref_slice %arg5[%multiple_of3A_484] : memref<320000xf32, #tpu.memory_space<hbm>> -> memref<16xf32, #tpu.memory_space<hbm>>
      %dma_start3A_491 = tpu.memref_slice %arg14[%dma_start3A_486] : memref<5x!tpu.dma_semaphore, #tpu.memory_space<semaphore_mem>> -> memref<1x!tpu.dma_semaphore, #tpu.memory_space<semaphore_mem>>
      %dma_start3A_492 = tpu.memref_squeeze %dma_start3A_491 : memref<1x!tpu.dma_semaphore, #tpu.memory_space<semaphore_mem>> -> memref<!tpu.dma_semaphore, #tpu.memory_space<semaphore_mem>>
      %dma_start3A_493 = tpu.memref_slice %arg5[%multiple_of3A_484] : memref<320000xf32, #tpu.memory_space<hbm>> -> memref<16xf32, #tpu.memory_space<hbm>>
      %dma_start3A_494 = arith.constant 0 : i32
      %dma_start3A_495 = tpu.memref_slice %arg11[%dma_start3A_485, %dma_start3A_494] : memref<5x16xf32, #tpu.memory_space<vmem>> -> memref<1x16xf32, #tpu.memory_space<vmem>>
      %dma_start3A_496 = tpu.memref_squeeze %dma_start3A_495 : memref<1x16xf32, #tpu.memory_space<vmem>> -> memref<16xf32, #tpu.memory_space<vmem>>
      tpu.enqueue_dma source(%dma_start3A_496 : memref<16xf32, #tpu.memory_space<vmem>>) target(%dma_start3A_493 : memref<16xf32, #tpu.memory_space<hbm>>) target_semaphore(%dma_start3A_492 : memref<!tpu.dma_semaphore, #tpu.memory_space<semaphore_mem>>)
      %lt3A_497 = arith.constant 124 : i32
      %lt3A_498 = arith.cmpi slt, %scan3A_227, %lt3A_497 : i32
      %convert_element_type3A_499 = arith.extui %lt3A_498 : i1 to i32
      %cond3A_500 = arith.constant 0 : i32
      %cond3A_501 = arith.cmpi ne, %convert_element_type3A_499, %cond3A_500 : i32
      scf.if %cond3A_501 {
        %add3A_572 = arith.constant 5 : i32
        %add3A_573 = arith.addi %add3A_436, %add3A_572 : i32
        %mul3A_574 = arith.constant 16 : i32
        %mul3A_575 = arith.muli %add3A_573, %mul3A_574 : i32
        %multiple_of3A_576 = tpu.assume_multiple %mul3A_575, 8 : i32
        %dma_start3A_577 = arith.constant 3 : i32
        %dma_start3A_578 = arith.constant 3 : i32
        %dma_start3A_579 = arith.constant 0 : i32
        %dma_start3A_580 = arith.constant 0 : i32
        %dma_start3A_581 = tpu.memref_slice %arg9[%dma_start3A_577, %dma_start3A_579, %dma_start3A_580] : memref<5x16x128xf32, #tpu.memory_space<vmem>> -> memref<1x16x128xf32, #tpu.memory_space<vmem>>
        %dma_start3A_582 = tpu.memref_squeeze %dma_start3A_581 : memref<1x16x128xf32, #tpu.memory_space<vmem>> -> memref<16x128xf32, #tpu.memory_space<vmem>>
        %dma_start3A_583 = tpu.memref_slice %arg7[%multiple_of3A_576] : memref<10000xi32, #tpu.memory_space<vmem>> -> memref<16xi32, #tpu.memory_space<vmem>>
        %dma_start3A_584 = arith.constant 0 : i32
        %dma_start3A_585 = arith.constant 0 : i32
        %dma_start3A_586 = tpu.memref_slice %arg2[%dma_start3A_584, %dma_start3A_585] : memref<10000x128xf32, #tpu.memory_space<hbm>> -> memref<10000x128xf32, #tpu.memory_space<hbm>>
        %dma_start3A_587 = tpu.memref_slice %arg12[%dma_start3A_578] : memref<5x!tpu.dma_semaphore, #tpu.memory_space<semaphore_mem>> -> memref<1x!tpu.dma_semaphore, #tpu.memory_space<semaphore_mem>>
        %dma_start3A_588 = tpu.memref_squeeze %dma_start3A_587 : memref<1x!tpu.dma_semaphore, #tpu.memory_space<semaphore_mem>> -> memref<!tpu.dma_semaphore, #tpu.memory_space<semaphore_mem>>
        tpu.enqueue_indirect_dma source(%dma_start3A_586 : memref<10000x128xf32, #tpu.memory_space<hbm>>) target(%dma_start3A_582 : memref<16x128xf32, #tpu.memory_space<vmem>>) offsets(%dma_start3A_583 : memref<16xi32, #tpu.memory_space<vmem>>) semaphore(%dma_start3A_588 : memref<!tpu.dma_semaphore, #tpu.memory_space<semaphore_mem>>)
        %dma_start3A_589 = arith.constant 3 : i32
        %dma_start3A_590 = arith.constant 3 : i32
        %dma_start3A_591 = arith.constant 0 : i32
        %dma_start3A_592 = arith.constant 0 : i32
        %dma_start3A_593 = tpu.memref_slice %arg10[%dma_start3A_589, %dma_start3A_591, %dma_start3A_592] : memref<5x16x128xf32, #tpu.memory_space<vmem>> -> memref<1x16x128xf32, #tpu.memory_space<vmem>>
        %dma_start3A_594 = tpu.memref_squeeze %dma_start3A_593 : memref<1x16x128xf32, #tpu.memory_space<vmem>> -> memref<16x128xf32, #tpu.memory_space<vmem>>
        %dma_start3A_595 = tpu.memref_slice %arg8[%multiple_of3A_576] : memref<10000xi32, #tpu.memory_space<vmem>> -> memref<16xi32, #tpu.memory_space<vmem>>
        %dma_start3A_596 = arith.constant 0 : i32
        %dma_start3A_597 = arith.constant 0 : i32
        %dma_start3A_598 = tpu.memref_slice %arg2[%dma_start3A_596, %dma_start3A_597] : memref<10000x128xf32, #tpu.memory_space<hbm>> -> memref<10000x128xf32, #tpu.memory_space<hbm>>
        %dma_start3A_599 = tpu.memref_slice %arg13[%dma_start3A_590] : memref<5x!tpu.dma_semaphore, #tpu.memory_space<semaphore_mem>> -> memref<1x!tpu.dma_semaphore, #tpu.memory_space<semaphore_mem>>
        %dma_start3A_600 = tpu.memref_squeeze %dma_start3A_599 : memref<1x!tpu.dma_semaphore, #tpu.memory_space<semaphore_mem>> -> memref<!tpu.dma_semaphore, #tpu.memory_space<semaphore_mem>>
        tpu.enqueue_indirect_dma source(%dma_start3A_598 : memref<10000x128xf32, #tpu.memory_space<hbm>>) target(%dma_start3A_594 : memref<16x128xf32, #tpu.memory_space<vmem>>) offsets(%dma_start3A_595 : memref<16xi32, #tpu.memory_space<vmem>>) semaphore(%dma_start3A_600 : memref<!tpu.dma_semaphore, #tpu.memory_space<semaphore_mem>>)
      } else {
      }
      %mul3A_502 = arith.constant 5 : i32
      %mul3A_503 = arith.muli %scan3A_227, %mul3A_502 : i32
      %add3A_504 = arith.constant 4 : i32
      %add3A_505 = arith.addi %mul3A_503, %add3A_504 : i32
      %mul3A_506 = arith.constant 16 : i32
      %mul3A_507 = arith.muli %add3A_505, %mul3A_506 : i32
      %multiple_of3A_508 = tpu.assume_multiple %mul3A_507, 8 : i32
      %dma_wait3A_509 = arith.constant 4 : i32
      %dma_wait3A_510 = arith.constant 4 : i32
      %dma_wait3A_511 = arith.constant 0 : i32
      %dma_wait3A_512 = arith.constant 0 : i32
      %dma_wait3A_513 = tpu.memref_slice %arg9[%dma_wait3A_509, %dma_wait3A_511, %dma_wait3A_512] : memref<5x16x128xf32, #tpu.memory_space<vmem>> -> memref<1x16x128xf32, #tpu.memory_space<vmem>>
      %dma_wait3A_514 = tpu.memref_squeeze %dma_wait3A_513 : memref<1x16x128xf32, #tpu.memory_space<vmem>> -> memref<16x128xf32, #tpu.memory_space<vmem>>
      %dma_wait3A_515 = tpu.memref_slice %arg7[%multiple_of3A_508] : memref<10000xi32, #tpu.memory_space<vmem>> -> memref<16xi32, #tpu.memory_space<vmem>>
      %dma_wait3A_516 = arith.constant 0 : i32
      %dma_wait3A_517 = arith.constant 0 : i32
      %dma_wait3A_518 = tpu.memref_slice %arg6[%dma_wait3A_516, %dma_wait3A_517] : memref<10000x128xf32, #tpu.memory_space<vmem_shared>> -> memref<10000x128xf32, #tpu.memory_space<vmem_shared>>
      %dma_wait3A_519 = tpu.memref_slice %arg12[%dma_wait3A_510] : memref<5x!tpu.dma_semaphore, #tpu.memory_space<semaphore_mem>> -> memref<1x!tpu.dma_semaphore, #tpu.memory_space<semaphore_mem>>
      %dma_wait3A_520 = tpu.memref_squeeze %dma_wait3A_519 : memref<1x!tpu.dma_semaphore, #tpu.memory_space<semaphore_mem>> -> memref<!tpu.dma_semaphore, #tpu.memory_space<semaphore_mem>>
      tpu.wait_indirect_dma semaphore(%dma_wait3A_520 : memref<!tpu.dma_semaphore, #tpu.memory_space<semaphore_mem>>) src(%dma_wait3A_518 : memref<10000x128xf32, #tpu.memory_space<vmem_shared>>) dst(%dma_wait3A_514 : memref<16x128xf32, #tpu.memory_space<vmem>>)
      %dma_wait3A_521 = arith.constant 4 : i32
      %dma_wait3A_522 = arith.constant 4 : i32
      %dma_wait3A_523 = arith.constant 0 : i32
      %dma_wait3A_524 = arith.constant 0 : i32
      %dma_wait3A_525 = tpu.memref_slice %arg10[%dma_wait3A_521, %dma_wait3A_523, %dma_wait3A_524] : memref<5x16x128xf32, #tpu.memory_space<vmem>> -> memref<1x16x128xf32, #tpu.memory_space<vmem>>
      %dma_wait3A_526 = tpu.memref_squeeze %dma_wait3A_525 : memref<1x16x128xf32, #tpu.memory_space<vmem>> -> memref<16x128xf32, #tpu.memory_space<vmem>>
      %dma_wait3A_527 = tpu.memref_slice %arg8[%multiple_of3A_508] : memref<10000xi32, #tpu.memory_space<vmem>> -> memref<16xi32, #tpu.memory_space<vmem>>
      %dma_wait3A_528 = arith.constant 0 : i32
      %dma_wait3A_529 = arith.constant 0 : i32
      %dma_wait3A_530 = tpu.memref_slice %arg6[%dma_wait3A_528, %dma_wait3A_529] : memref<10000x128xf32, #tpu.memory_space<vmem_shared>> -> memref<10000x128xf32, #tpu.memory_space<vmem_shared>>
      %dma_wait3A_531 = tpu.memref_slice %arg13[%dma_wait3A_522] : memref<5x!tpu.dma_semaphore, #tpu.memory_space<semaphore_mem>> -> memref<1x!tpu.dma_semaphore, #tpu.memory_space<semaphore_mem>>
      %dma_wait3A_532 = tpu.memref_squeeze %dma_wait3A_531 : memref<1x!tpu.dma_semaphore, #tpu.memory_space<semaphore_mem>> -> memref<!tpu.dma_semaphore, #tpu.memory_space<semaphore_mem>>
      tpu.wait_indirect_dma semaphore(%dma_wait3A_532 : memref<!tpu.dma_semaphore, #tpu.memory_space<semaphore_mem>>) src(%dma_wait3A_530 : memref<10000x128xf32, #tpu.memory_space<vmem_shared>>) dst(%dma_wait3A_526 : memref<16x128xf32, #tpu.memory_space<vmem>>)
      %gt3A_533 = arith.constant 0 : i32
      %gt3A_534 = arith.cmpi sgt, %scan3A_227, %gt3A_533 : i32
      %convert_element_type3A_535 = arith.extui %gt3A_534 : i1 to i32
      %cond3A_536 = arith.constant 0 : i32
      %cond3A_537 = arith.cmpi ne, %convert_element_type3A_535, %cond3A_536 : i32
      scf.if %cond3A_537 {
        %sub3A = arith.constant 5 : i32
        %sub3A_572 = arith.subi %add3A_505, %sub3A : i32
        %mul3A_573 = arith.constant 16 : i32
        %mul3A_574 = arith.muli %sub3A_572, %mul3A_573 : i32
        %add3A_575 = arith.addi %multiple_of3A, %mul3A_574 : i32
        %multiple_of3A_576 = tpu.assume_multiple %add3A_575, 8 : i32
        %dma_wait3A_577 = arith.constant 4 : i32
        %dma_wait3A_578 = arith.constant 4 : i32
        %dma_wait3A_579 = arith.constant 0 : i32
        %dma_wait3A_580 = tpu.memref_slice %arg11[%dma_wait3A_577, %dma_wait3A_579] : memref<5x16xf32, #tpu.memory_space<vmem>> -> memref<1x16xf32, #tpu.memory_space<vmem>>
        %dma_wait3A_581 = tpu.memref_squeeze %dma_wait3A_580 : memref<1x16xf32, #tpu.memory_space<vmem>> -> memref<16xf32, #tpu.memory_space<vmem>>
        %dma_wait3A_582 = tpu.memref_slice %arg5[%multiple_of3A_576] : memref<320000xf32, #tpu.memory_space<hbm>> -> memref<16xf32, #tpu.memory_space<hbm>>
        %dma_wait3A_583 = tpu.memref_slice %arg14[%dma_wait3A_578] : memref<5x!tpu.dma_semaphore, #tpu.memory_space<semaphore_mem>> -> memref<1x!tpu.dma_semaphore, #tpu.memory_space<semaphore_mem>>
        %dma_wait3A_584 = tpu.memref_squeeze %dma_wait3A_583 : memref<1x!tpu.dma_semaphore, #tpu.memory_space<semaphore_mem>> -> memref<!tpu.dma_semaphore, #tpu.memory_space<semaphore_mem>>
        %dma_wait3A_585 = tpu.memref_slice %arg5[%multiple_of3A_576] : memref<320000xf32, #tpu.memory_space<hbm>> -> memref<16xf32, #tpu.memory_space<hbm>>
        %dma_wait3A_586 = arith.constant 0 : i32
        %dma_wait3A_587 = tpu.memref_slice %arg11[%dma_wait3A_577, %dma_wait3A_586] : memref<5x16xf32, #tpu.memory_space<vmem>> -> memref<1x16xf32, #tpu.memory_space<vmem>>
        %dma_wait3A_588 = tpu.memref_squeeze %dma_wait3A_587 : memref<1x16xf32, #tpu.memory_space<vmem>> -> memref<16xf32, #tpu.memory_space<vmem>>
        tpu.wait_dma2 semaphore(%dma_wait3A_584 : memref<!tpu.dma_semaphore, #tpu.memory_space<semaphore_mem>>) src(%dma_wait3A_588 : memref<16xf32, #tpu.memory_space<vmem>>) dst(%dma_wait3A_585 : memref<16xf32, #tpu.memory_space<hbm>>)
      } else {
      }
      %broadcast_in_dim3A_538 = arith.constant 0.000000e+00 : f32
      %broadcast_in_dim3A_539 = vector.broadcast %broadcast_in_dim3A_538 : f32 to vector<16xf32>
      %scan3A_540 = arith.constant 0 : i32
      %scan3A_541 = arith.constant 16 : i32
      %scan3A_542 = arith.addi %scan3A_540, %scan3A_541 : i32
      %scan3A_543 = arith.constant 1 : i32
      %scan3A_544 = scf.for %scan3A_572 = %scan3A_540 to %scan3A_542 step %scan3A_543 iter_args(%scan3A_573 = %broadcast_in_dim3A_539) -> (vector<16xf32>)  : i32 {
        %get3A = arith.constant 4 : i32
        %get3A_574 = arith.index_cast %get3A : i32 to index
        %get3A_575 = arith.index_cast %scan3A_572 : i32 to index
        %get3A_576 = arith.constant 0 : index
        %get3A_577 = tpu.vector_load %arg9[%get3A_574, %get3A_575, %get3A_576] {strides = array<i32>} : memref<5x16x128xf32, #tpu.memory_space<vmem>>, vector<16xf32>,
        %get3A_578 = arith.constant 4 : i32
        %get3A_579 = arith.index_cast %get3A_578 : i32 to index
        %get3A_580 = arith.index_cast %scan3A_572 : i32 to index
        %get3A_581 = arith.constant 0 : index
        %get3A_582 = tpu.vector_load %arg10[%get3A_579, %get3A_580, %get3A_581] {strides = array<i32>} : memref<5x16x128xf32, #tpu.memory_space<vmem>>, vector<16xf32>,
        %mul3A_583 = arith.mulf %get3A_577, %get3A_582 : vector<16xf32>
        %get3A_584 = arith.constant 4 : i32
        %get3A_585 = arith.index_cast %get3A_584 : i32 to index
        %get3A_586 = arith.index_cast %scan3A_572 : i32 to index
        %get3A_587 = arith.constant 16 : index
        %get3A_588 = tpu.vector_load %arg9[%get3A_585, %get3A_586, %get3A_587] {strides = array<i32>} : memref<5x16x128xf32, #tpu.memory_space<vmem>>, vector<16xf32>,
        %get3A_589 = arith.constant 4 : i32
        %get3A_590 = arith.index_cast %get3A_589 : i32 to index
        %get3A_591 = arith.index_cast %scan3A_572 : i32 to index
        %get3A_592 = arith.constant 16 : index
        %get3A_593 = tpu.vector_load %arg10[%get3A_590, %get3A_591, %get3A_592] {strides = array<i32>} : memref<5x16x128xf32, #tpu.memory_space<vmem>>, vector<16xf32>,
        %mul3A_594 = arith.mulf %get3A_588, %get3A_593 : vector<16xf32>
        %get3A_595 = arith.constant 4 : i32
        %get3A_596 = arith.index_cast %get3A_595 : i32 to index
        %get3A_597 = arith.index_cast %scan3A_572 : i32 to index
        %get3A_598 = arith.constant 32 : index
        %get3A_599 = tpu.vector_load %arg9[%get3A_596, %get3A_597, %get3A_598] {strides = array<i32>} : memref<5x16x128xf32, #tpu.memory_space<vmem>>, vector<16xf32>,
        %get3A_600 = arith.constant 4 : i32
        %get3A_601 = arith.index_cast %get3A_600 : i32 to index
        %get3A_602 = arith.index_cast %scan3A_572 : i32 to index
        %get3A_603 = arith.constant 32 : index
        %get3A_604 = tpu.vector_load %arg10[%get3A_601, %get3A_602, %get3A_603] {strides = array<i32>} : memref<5x16x128xf32, #tpu.memory_space<vmem>>, vector<16xf32>,
        %mul3A_605 = arith.mulf %get3A_599, %get3A_604 : vector<16xf32>
        %get3A_606 = arith.constant 4 : i32
        %get3A_607 = arith.index_cast %get3A_606 : i32 to index
        %get3A_608 = arith.index_cast %scan3A_572 : i32 to index
        %get3A_609 = arith.constant 48 : index
        %get3A_610 = tpu.vector_load %arg9[%get3A_607, %get3A_608, %get3A_609] {strides = array<i32>} : memref<5x16x128xf32, #tpu.memory_space<vmem>>, vector<16xf32>,
        %get3A_611 = arith.constant 4 : i32
        %get3A_612 = arith.index_cast %get3A_611 : i32 to index
        %get3A_613 = arith.index_cast %scan3A_572 : i32 to index
        %get3A_614 = arith.constant 48 : index
        %get3A_615 = tpu.vector_load %arg10[%get3A_612, %get3A_613, %get3A_614] {strides = array<i32>} : memref<5x16x128xf32, #tpu.memory_space<vmem>>, vector<16xf32>,
        %mul3A_616 = arith.mulf %get3A_610, %get3A_615 : vector<16xf32>
        %get3A_617 = arith.constant 4 : i32
        %get3A_618 = arith.index_cast %get3A_617 : i32 to index
        %get3A_619 = arith.index_cast %scan3A_572 : i32 to index
        %get3A_620 = arith.constant 64 : index
        %get3A_621 = tpu.vector_load %arg9[%get3A_618, %get3A_619, %get3A_620] {strides = array<i32>} : memref<5x16x128xf32, #tpu.memory_space<vmem>>, vector<16xf32>,
        %get3A_622 = arith.constant 4 : i32
        %get3A_623 = arith.index_cast %get3A_622 : i32 to index
        %get3A_624 = arith.index_cast %scan3A_572 : i32 to index
        %get3A_625 = arith.constant 64 : index
        %get3A_626 = tpu.vector_load %arg10[%get3A_623, %get3A_624, %get3A_625] {strides = array<i32>} : memref<5x16x128xf32, #tpu.memory_space<vmem>>, vector<16xf32>,
        %mul3A_627 = arith.mulf %get3A_621, %get3A_626 : vector<16xf32>
        %get3A_628 = arith.constant 4 : i32
        %get3A_629 = arith.index_cast %get3A_628 : i32 to index
        %get3A_630 = arith.index_cast %scan3A_572 : i32 to index
        %get3A_631 = arith.constant 80 : index
        %get3A_632 = tpu.vector_load %arg9[%get3A_629, %get3A_630, %get3A_631] {strides = array<i32>} : memref<5x16x128xf32, #tpu.memory_space<vmem>>, vector<16xf32>,
        %get3A_633 = arith.constant 4 : i32
        %get3A_634 = arith.index_cast %get3A_633 : i32 to index
        %get3A_635 = arith.index_cast %scan3A_572 : i32 to index
        %get3A_636 = arith.constant 80 : index
        %get3A_637 = tpu.vector_load %arg10[%get3A_634, %get3A_635, %get3A_636] {strides = array<i32>} : memref<5x16x128xf32, #tpu.memory_space<vmem>>, vector<16xf32>,
        %mul3A_638 = arith.mulf %get3A_632, %get3A_637 : vector<16xf32>
        %get3A_639 = arith.constant 4 : i32
        %get3A_640 = arith.index_cast %get3A_639 : i32 to index
        %get3A_641 = arith.index_cast %scan3A_572 : i32 to index
        %get3A_642 = arith.constant 96 : index
        %get3A_643 = tpu.vector_load %arg9[%get3A_640, %get3A_641, %get3A_642] {strides = array<i32>} : memref<5x16x128xf32, #tpu.memory_space<vmem>>, vector<16xf32>,
        %get3A_644 = arith.constant 4 : i32
        %get3A_645 = arith.index_cast %get3A_644 : i32 to index
        %get3A_646 = arith.index_cast %scan3A_572 : i32 to index
        %get3A_647 = arith.constant 96 : index
        %get3A_648 = tpu.vector_load %arg10[%get3A_645, %get3A_646, %get3A_647] {strides = array<i32>} : memref<5x16x128xf32, #tpu.memory_space<vmem>>, vector<16xf32>,
        %mul3A_649 = arith.mulf %get3A_643, %get3A_648 : vector<16xf32>
        %get3A_650 = arith.constant 4 : i32
        %get3A_651 = arith.index_cast %get3A_650 : i32 to index
        %get3A_652 = arith.index_cast %scan3A_572 : i32 to index
        %get3A_653 = arith.constant 112 : index
        %get3A_654 = tpu.vector_load %arg9[%get3A_651, %get3A_652, %get3A_653] {strides = array<i32>} : memref<5x16x128xf32, #tpu.memory_space<vmem>>, vector<16xf32>,
        %get3A_655 = arith.constant 4 : i32
        %get3A_656 = arith.index_cast %get3A_655 : i32 to index
        %get3A_657 = arith.index_cast %scan3A_572 : i32 to index
        %get3A_658 = arith.constant 112 : index
        %get3A_659 = tpu.vector_load %arg10[%get3A_656, %get3A_657, %get3A_658] {strides = array<i32>} : memref<5x16x128xf32, #tpu.memory_space<vmem>>, vector<16xf32>,
        %mul3A_660 = arith.mulf %get3A_654, %get3A_659 : vector<16xf32>
        %add3A_661 = arith.addf %mul3A_583, %mul3A_594 : vector<16xf32>
        %add3A_662 = arith.addf %mul3A_605, %mul3A_616 : vector<16xf32>
        %add3A_663 = arith.addf %mul3A_627, %mul3A_638 : vector<16xf32>
        %add3A_664 = arith.addf %mul3A_649, %mul3A_660 : vector<16xf32>
        %add3A_665 = arith.addf %add3A_661, %add3A_662 : vector<16xf32>
        %add3A_666 = arith.addf %add3A_663, %add3A_664 : vector<16xf32>
        %add3A_667 = arith.addf %add3A_665, %add3A_666 : vector<16xf32>
        %broadcast_in_dim3A_668 = arith.constant true
        %broadcast_in_dim3A_669 = vector.broadcast %broadcast_in_dim3A_668 : i1 to vector<16xi1>
        %masked_cumsum3A = tpu.scan <sum>, %add3A_667 masked %broadcast_in_dim3A_669 : vector<16xf32>, vector<16xi1> -> vector<16xf32>
        %broadcast_in_dim3A_670 = vector.shape_cast %broadcast_in_dim3A_5 : vector<16xi32> to vector<16x1xi32>
        %gather3A = vector.shape_cast %broadcast_in_dim3A_670 : vector<16x1xi32> to vector<16xi32>
        %gather3A_671 = tpu.dynamic_gather %masked_cumsum3A[%gather3A] in [0] : vector<16xf32>, vector<16xi32> -> vector<16xf32>
        %eq3A_672 = vector.broadcast %scan3A_572 : i32 to vector<16xi32>
        %eq3A_673 = arith.cmpi eq, %iota3A, %eq3A_672 : vector<16xi32>
        %select_n3A = arith.select %eq3A_673, %gather3A_671, %scan3A_573 : vector<16xi1>, vector<16xf32>
        scf.yield %select_n3A : vector<16xf32>
      }
      %scan3A_545 = arith.constant 16 : i32
      %swap3A_546 = arith.constant 4 : i32
      %swap3A_547 = arith.index_cast %swap3A_546 : i32 to index
      %swap3A_548 = arith.constant 0 : index
      %swap3A_549 = tpu.vector_load %arg11[%swap3A_547, %swap3A_548] {strides = array<i32>} : memref<5x16xf32, #tpu.memory_space<vmem>>, vector<16xf32>,
      tpu.vector_store %arg11[%swap3A_547, %swap3A_548], %scan3A_544 {strides = array<i32>} : memref<5x16xf32, #tpu.memory_space<vmem>>, vector<16xf32>,
      %mul3A_550 = arith.constant 16 : i32
      %mul3A_551 = arith.muli %add3A_505, %mul3A_550 : i32
      %add3A_552 = arith.addi %multiple_of3A, %mul3A_551 : i32
      %multiple_of3A_553 = tpu.assume_multiple %add3A_552, 8 : i32
      %dma_start3A_554 = arith.constant 4 : i32
      %dma_start3A_555 = arith.constant 4 : i32
      %dma_start3A_556 = arith.constant 0 : i32
      %dma_start3A_557 = tpu.memref_slice %arg11[%dma_start3A_554, %dma_start3A_556] : memref<5x16xf32, #tpu.memory_space<vmem>> -> memref<1x16xf32, #tpu.memory_space<vmem>>
      %dma_start3A_558 = tpu.memref_squeeze %dma_start3A_557 : memref<1x16xf32, #tpu.memory_space<vmem>> -> memref<16xf32, #tpu.memory_space<vmem>>
      %dma_start3A_559 = tpu.memref_slice %arg5[%multiple_of3A_553] : memref<320000xf32, #tpu.memory_space<hbm>> -> memref<16xf32, #tpu.memory_space<hbm>>
      %dma_start3A_560 = tpu.memref_slice %arg14[%dma_start3A_555] : memref<5x!tpu.dma_semaphore, #tpu.memory_space<semaphore_mem>> -> memref<1x!tpu.dma_semaphore, #tpu.memory_space<semaphore_mem>>
      %dma_start3A_561 = tpu.memref_squeeze %dma_start3A_560 : memref<1x!tpu.dma_semaphore, #tpu.memory_space<semaphore_mem>> -> memref<!tpu.dma_semaphore, #tpu.memory_space<semaphore_mem>>
      %dma_start3A_562 = tpu.memref_slice %arg5[%multiple_of3A_553] : memref<320000xf32, #tpu.memory_space<hbm>> -> memref<16xf32, #tpu.memory_space<hbm>>
      %dma_start3A_563 = arith.constant 0 : i32
      %dma_start3A_564 = tpu.memref_slice %arg11[%dma_start3A_554, %dma_start3A_563] : memref<5x16xf32, #tpu.memory_space<vmem>> -> memref<1x16xf32, #tpu.memory_space<vmem>>
      %dma_start3A_565 = tpu.memref_squeeze %dma_start3A_564 : memref<1x16xf32, #tpu.memory_space<vmem>> -> memref<16xf32, #tpu.memory_space<vmem>>
      tpu.enqueue_dma source(%dma_start3A_565 : memref<16xf32, #tpu.memory_space<vmem>>) target(%dma_start3A_562 : memref<16xf32, #tpu.memory_space<hbm>>) target_semaphore(%dma_start3A_561 : memref<!tpu.dma_semaphore, #tpu.memory_space<semaphore_mem>>)
      %lt3A_566 = arith.constant 124 : i32
      %lt3A_567 = arith.cmpi slt, %scan3A_227, %lt3A_566 : i32
      %convert_element_type3A_568 = arith.extui %lt3A_567 : i1 to i32
      %cond3A_569 = arith.constant 0 : i32
      %cond3A_570 = arith.cmpi ne, %convert_element_type3A_568, %cond3A_569 : i32
      scf.if %cond3A_570 {
        %add3A_572 = arith.constant 5 : i32
        %add3A_573 = arith.addi %add3A_505, %add3A_572 : i32
        %mul3A_574 = arith.constant 16 : i32
        %mul3A_575 = arith.muli %add3A_573, %mul3A_574 : i32
        %multiple_of3A_576 = tpu.assume_multiple %mul3A_575, 8 : i32
        %dma_start3A_577 = arith.constant 4 : i32
        %dma_start3A_578 = arith.constant 4 : i32
        %dma_start3A_579 = arith.constant 0 : i32
        %dma_start3A_580 = arith.constant 0 : i32
        %dma_start3A_581 = tpu.memref_slice %arg9[%dma_start3A_577, %dma_start3A_579, %dma_start3A_580] : memref<5x16x128xf32, #tpu.memory_space<vmem>> -> memref<1x16x128xf32, #tpu.memory_space<vmem>>
        %dma_start3A_582 = tpu.memref_squeeze %dma_start3A_581 : memref<1x16x128xf32, #tpu.memory_space<vmem>> -> memref<16x128xf32, #tpu.memory_space<vmem>>
        %dma_start3A_583 = tpu.memref_slice %arg7[%multiple_of3A_576] : memref<10000xi32, #tpu.memory_space<vmem>> -> memref<16xi32, #tpu.memory_space<vmem>>
        %dma_start3A_584 = arith.constant 0 : i32
        %dma_start3A_585 = arith.constant 0 : i32
        %dma_start3A_586 = tpu.memref_slice %arg2[%dma_start3A_584, %dma_start3A_585] : memref<10000x128xf32, #tpu.memory_space<hbm>> -> memref<10000x128xf32, #tpu.memory_space<hbm>>
        %dma_start3A_587 = tpu.memref_slice %arg12[%dma_start3A_578] : memref<5x!tpu.dma_semaphore, #tpu.memory_space<semaphore_mem>> -> memref<1x!tpu.dma_semaphore, #tpu.memory_space<semaphore_mem>>
        %dma_start3A_588 = tpu.memref_squeeze %dma_start3A_587 : memref<1x!tpu.dma_semaphore, #tpu.memory_space<semaphore_mem>> -> memref<!tpu.dma_semaphore, #tpu.memory_space<semaphore_mem>>
        tpu.enqueue_indirect_dma source(%dma_start3A_586 : memref<10000x128xf32, #tpu.memory_space<hbm>>) target(%dma_start3A_582 : memref<16x128xf32, #tpu.memory_space<vmem>>) offsets(%dma_start3A_583 : memref<16xi32, #tpu.memory_space<vmem>>) semaphore(%dma_start3A_588 : memref<!tpu.dma_semaphore, #tpu.memory_space<semaphore_mem>>)
        %dma_start3A_589 = arith.constant 4 : i32
        %dma_start3A_590 = arith.constant 4 : i32
        %dma_start3A_591 = arith.constant 0 : i32
        %dma_start3A_592 = arith.constant 0 : i32
        %dma_start3A_593 = tpu.memref_slice %arg10[%dma_start3A_589, %dma_start3A_591, %dma_start3A_592] : memref<5x16x128xf32, #tpu.memory_space<vmem>> -> memref<1x16x128xf32, #tpu.memory_space<vmem>>
        %dma_start3A_594 = tpu.memref_squeeze %dma_start3A_593 : memref<1x16x128xf32, #tpu.memory_space<vmem>> -> memref<16x128xf32, #tpu.memory_space<vmem>>
        %dma_start3A_595 = tpu.memref_slice %arg8[%multiple_of3A_576] : memref<10000xi32, #tpu.memory_space<vmem>> -> memref<16xi32, #tpu.memory_space<vmem>>
        %dma_start3A_596 = arith.constant 0 : i32
        %dma_start3A_597 = arith.constant 0 : i32
        %dma_start3A_598 = tpu.memref_slice %arg2[%dma_start3A_596, %dma_start3A_597] : memref<10000x128xf32, #tpu.memory_space<hbm>> -> memref<10000x128xf32, #tpu.memory_space<hbm>>
        %dma_start3A_599 = tpu.memref_slice %arg13[%dma_start3A_590] : memref<5x!tpu.dma_semaphore, #tpu.memory_space<semaphore_mem>> -> memref<1x!tpu.dma_semaphore, #tpu.memory_space<semaphore_mem>>
        %dma_start3A_600 = tpu.memref_squeeze %dma_start3A_599 : memref<1x!tpu.dma_semaphore, #tpu.memory_space<semaphore_mem>> -> memref<!tpu.dma_semaphore, #tpu.memory_space<semaphore_mem>>
        tpu.enqueue_indirect_dma source(%dma_start3A_598 : memref<10000x128xf32, #tpu.memory_space<hbm>>) target(%dma_start3A_594 : memref<16x128xf32, #tpu.memory_space<vmem>>) offsets(%dma_start3A_595 : memref<16xi32, #tpu.memory_space<vmem>>) semaphore(%dma_start3A_600 : memref<!tpu.dma_semaphore, #tpu.memory_space<semaphore_mem>>)
      } else {
      }
      %scan3A_571 = arith.constant 0 : i32
      scf.yield %scan3A_571 : i32
    }
    %scan3A_140 = arith.constant 2 : i32
    %eq3A_141 = arith.constant 0 : i32
    %eq3A_142 = arith.cmpi eq, %arg1, %eq3A_141 : i32
    %convert_element_type3A_143 = arith.extui %eq3A_142 : i1 to i32
    %cond3A_144 = arith.constant 0 : i32
    %cond3A_145 = arith.cmpi ne, %convert_element_type3A_143, %cond3A_144 : i32
    scf.if %cond3A_145 {
      tpu.wait_dma2 semaphore(%arg15 : memref<!tpu.dma_semaphore, #tpu.memory_space<semaphore_mem>>) src(%arg2 : memref<10000x128xf32, #tpu.memory_space<hbm>>) dst(%arg6 : memref<10000x128xf32, #tpu.memory_space<vmem_shared>>)
    } else {
    }
    %barrier3A = arith.constant 0 : index
    tpu.barrier barrier_id(%barrier3A)
    %scan3A_146 = arith.constant 0 : i32
    %scan3A_147 = arith.constant 2 : i32
    %scan3A_148 = arith.constant 123 : i32
    %scan3A_149 = arith.addi %scan3A_147, %scan3A_148 : i32
    %scan3A_150 = arith.constant 1 : i32
    %scan3A_151 = scf.for %scan3A_227 = %scan3A_147 to %scan3A_149 step %scan3A_150 iter_args(%scan3A_228 = %scan3A_146) -> (i32)  : i32 {
      %mul3A_229 = arith.constant 5 : i32
      %mul3A_230 = arith.muli %scan3A_227, %mul3A_229 : i32
      %add3A_231 = arith.constant 0 : i32
      %add3A_232 = arith.addi %mul3A_230, %add3A_231 : i32
      %mul3A_233 = arith.constant 16 : i32
      %mul3A_234 = arith.muli %add3A_232, %mul3A_233 : i32
      %multiple_of3A_235 = tpu.assume_multiple %mul3A_234, 8 : i32
      %dma_wait3A_236 = arith.constant 0 : i32
      %dma_wait3A_237 = arith.constant 0 : i32
      %dma_wait3A_238 = arith.constant 0 : i32
      %dma_wait3A_239 = arith.constant 0 : i32
      %dma_wait3A_240 = tpu.memref_slice %arg9[%dma_wait3A_236, %dma_wait3A_238, %dma_wait3A_239] : memref<5x16x128xf32, #tpu.memory_space<vmem>> -> memref<1x16x128xf32, #tpu.memory_space<vmem>>
      %dma_wait3A_241 = tpu.memref_squeeze %dma_wait3A_240 : memref<1x16x128xf32, #tpu.memory_space<vmem>> -> memref<16x128xf32, #tpu.memory_space<vmem>>
      %dma_wait3A_242 = tpu.memref_slice %arg7[%multiple_of3A_235] : memref<10000xi32, #tpu.memory_space<vmem>> -> memref<16xi32, #tpu.memory_space<vmem>>
      %dma_wait3A_243 = arith.constant 0 : i32
      %dma_wait3A_244 = arith.constant 0 : i32
      %dma_wait3A_245 = tpu.memref_slice %arg6[%dma_wait3A_243, %dma_wait3A_244] : memref<10000x128xf32, #tpu.memory_space<vmem_shared>> -> memref<10000x128xf32, #tpu.memory_space<vmem_shared>>
      %dma_wait3A_246 = tpu.memref_slice %arg12[%dma_wait3A_237] : memref<5x!tpu.dma_semaphore, #tpu.memory_space<semaphore_mem>> -> memref<1x!tpu.dma_semaphore, #tpu.memory_space<semaphore_mem>>
      %dma_wait3A_247 = tpu.memref_squeeze %dma_wait3A_246 : memref<1x!tpu.dma_semaphore, #tpu.memory_space<semaphore_mem>> -> memref<!tpu.dma_semaphore, #tpu.memory_space<semaphore_mem>>
      tpu.wait_indirect_dma semaphore(%dma_wait3A_247 : memref<!tpu.dma_semaphore, #tpu.memory_space<semaphore_mem>>) src(%dma_wait3A_245 : memref<10000x128xf32, #tpu.memory_space<vmem_shared>>) dst(%dma_wait3A_241 : memref<16x128xf32, #tpu.memory_space<vmem>>)
      %dma_wait3A_248 = arith.constant 0 : i32
      %dma_wait3A_249 = arith.constant 0 : i32
      %dma_wait3A_250 = arith.constant 0 : i32
      %dma_wait3A_251 = arith.constant 0 : i32
      %dma_wait3A_252 = tpu.memref_slice %arg10[%dma_wait3A_248, %dma_wait3A_250, %dma_wait3A_251] : memref<5x16x128xf32, #tpu.memory_space<vmem>> -> memref<1x16x128xf32, #tpu.memory_space<vmem>>
      %dma_wait3A_253 = tpu.memref_squeeze %dma_wait3A_252 : memref<1x16x128xf32, #tpu.memory_space<vmem>> -> memref<16x128xf32, #tpu.memory_space<vmem>>
      %dma_wait3A_254 = tpu.memref_slice %arg8[%multiple_of3A_235] : memref<10000xi32, #tpu.memory_space<vmem>> -> memref<16xi32, #tpu.memory_space<vmem>>
      %dma_wait3A_255 = arith.constant 0 : i32
      %dma_wait3A_256 = arith.constant 0 : i32
      %dma_wait3A_257 = tpu.memref_slice %arg6[%dma_wait3A_255, %dma_wait3A_256] : memref<10000x128xf32, #tpu.memory_space<vmem_shared>> -> memref<10000x128xf32, #tpu.memory_space<vmem_shared>>
      %dma_wait3A_258 = tpu.memref_slice %arg13[%dma_wait3A_249] : memref<5x!tpu.dma_semaphore, #tpu.memory_space<semaphore_mem>> -> memref<1x!tpu.dma_semaphore, #tpu.memory_space<semaphore_mem>>
      %dma_wait3A_259 = tpu.memref_squeeze %dma_wait3A_258 : memref<1x!tpu.dma_semaphore, #tpu.memory_space<semaphore_mem>> -> memref<!tpu.dma_semaphore, #tpu.memory_space<semaphore_mem>>
      tpu.wait_indirect_dma semaphore(%dma_wait3A_259 : memref<!tpu.dma_semaphore, #tpu.memory_space<semaphore_mem>>) src(%dma_wait3A_257 : memref<10000x128xf32, #tpu.memory_space<vmem_shared>>) dst(%dma_wait3A_253 : memref<16x128xf32, #tpu.memory_space<vmem>>)
      %gt3A = arith.constant 0 : i32
      %gt3A_260 = arith.cmpi sgt, %scan3A_227, %gt3A : i32
      %convert_element_type3A_261 = arith.extui %gt3A_260 : i1 to i32
      %cond3A_262 = arith.constant 0 : i32
      %cond3A_263 = arith.cmpi ne, %convert_element_type3A_261, %cond3A_262 : i32
      scf.if %cond3A_263 {
        %sub3A = arith.constant 5 : i32
        %sub3A_572 = arith.subi %add3A_232, %sub3A : i32
        %mul3A_573 = arith.constant 16 : i32
        %mul3A_574 = arith.muli %sub3A_572, %mul3A_573 : i32
        %add3A_575 = arith.addi %multiple_of3A, %mul3A_574 : i32
        %multiple_of3A_576 = tpu.assume_multiple %add3A_575, 8 : i32
        %dma_wait3A_577 = arith.constant 0 : i32
        %dma_wait3A_578 = arith.constant 0 : i32
        %dma_wait3A_579 = arith.constant 0 : i32
        %dma_wait3A_580 = tpu.memref_slice %arg11[%dma_wait3A_577, %dma_wait3A_579] : memref<5x16xf32, #tpu.memory_space<vmem>> -> memref<1x16xf32, #tpu.memory_space<vmem>>
        %dma_wait3A_581 = tpu.memref_squeeze %dma_wait3A_580 : memref<1x16xf32, #tpu.memory_space<vmem>> -> memref<16xf32, #tpu.memory_space<vmem>>
        %dma_wait3A_582 = tpu.memref_slice %arg5[%multiple_of3A_576] : memref<320000xf32, #tpu.memory_space<hbm>> -> memref<16xf32, #tpu.memory_space<hbm>>
        %dma_wait3A_583 = tpu.memref_slice %arg14[%dma_wait3A_578] : memref<5x!tpu.dma_semaphore, #tpu.memory_space<semaphore_mem>> -> memref<1x!tpu.dma_semaphore, #tpu.memory_space<semaphore_mem>>
        %dma_wait3A_584 = tpu.memref_squeeze %dma_wait3A_583 : memref<1x!tpu.dma_semaphore, #tpu.memory_space<semaphore_mem>> -> memref<!tpu.dma_semaphore, #tpu.memory_space<semaphore_mem>>
        %dma_wait3A_585 = tpu.memref_slice %arg5[%multiple_of3A_576] : memref<320000xf32, #tpu.memory_space<hbm>> -> memref<16xf32, #tpu.memory_space<hbm>>
        %dma_wait3A_586 = arith.constant 0 : i32
        %dma_wait3A_587 = tpu.memref_slice %arg11[%dma_wait3A_577, %dma_wait3A_586] : memref<5x16xf32, #tpu.memory_space<vmem>> -> memref<1x16xf32, #tpu.memory_space<vmem>>
        %dma_wait3A_588 = tpu.memref_squeeze %dma_wait3A_587 : memref<1x16xf32, #tpu.memory_space<vmem>> -> memref<16xf32, #tpu.memory_space<vmem>>
        tpu.wait_dma2 semaphore(%dma_wait3A_584 : memref<!tpu.dma_semaphore, #tpu.memory_space<semaphore_mem>>) src(%dma_wait3A_588 : memref<16xf32, #tpu.memory_space<vmem>>) dst(%dma_wait3A_585 : memref<16xf32, #tpu.memory_space<hbm>>)
      } else {
      }
      %broadcast_in_dim3A_264 = arith.constant 0.000000e+00 : f32
      %broadcast_in_dim3A_265 = vector.broadcast %broadcast_in_dim3A_264 : f32 to vector<16xf32>
      %scan3A_266 = arith.constant 0 : i32
      %scan3A_267 = arith.constant 16 : i32
      %scan3A_268 = arith.addi %scan3A_266, %scan3A_267 : i32
      %scan3A_269 = arith.constant 1 : i32
      %scan3A_270 = scf.for %scan3A_572 = %scan3A_266 to %scan3A_268 step %scan3A_269 iter_args(%scan3A_573 = %broadcast_in_dim3A_265) -> (vector<16xf32>)  : i32 {
        %get3A = arith.constant 0 : i32
        %get3A_574 = arith.index_cast %get3A : i32 to index
        %get3A_575 = arith.index_cast %scan3A_572 : i32 to index
        %get3A_576 = arith.constant 0 : index
        %get3A_577 = tpu.vector_load %arg9[%get3A_574, %get3A_575, %get3A_576] {strides = array<i32>} : memref<5x16x128xf32, #tpu.memory_space<vmem>>, vector<16xf32>,
        %get3A_578 = arith.constant 0 : i32
        %get3A_579 = arith.index_cast %get3A_578 : i32 to index
        %get3A_580 = arith.index_cast %scan3A_572 : i32 to index
        %get3A_581 = arith.constant 0 : index
        %get3A_582 = tpu.vector_load %arg10[%get3A_579, %get3A_580, %get3A_581] {strides = array<i32>} : memref<5x16x128xf32, #tpu.memory_space<vmem>>, vector<16xf32>,
        %mul3A_583 = arith.mulf %get3A_577, %get3A_582 : vector<16xf32>
        %get3A_584 = arith.constant 0 : i32
        %get3A_585 = arith.index_cast %get3A_584 : i32 to index
        %get3A_586 = arith.index_cast %scan3A_572 : i32 to index
        %get3A_587 = arith.constant 16 : index
        %get3A_588 = tpu.vector_load %arg9[%get3A_585, %get3A_586, %get3A_587] {strides = array<i32>} : memref<5x16x128xf32, #tpu.memory_space<vmem>>, vector<16xf32>,
        %get3A_589 = arith.constant 0 : i32
        %get3A_590 = arith.index_cast %get3A_589 : i32 to index
        %get3A_591 = arith.index_cast %scan3A_572 : i32 to index
        %get3A_592 = arith.constant 16 : index
        %get3A_593 = tpu.vector_load %arg10[%get3A_590, %get3A_591, %get3A_592] {strides = array<i32>} : memref<5x16x128xf32, #tpu.memory_space<vmem>>, vector<16xf32>,
        %mul3A_594 = arith.mulf %get3A_588, %get3A_593 : vector<16xf32>
        %get3A_595 = arith.constant 0 : i32
        %get3A_596 = arith.index_cast %get3A_595 : i32 to index
        %get3A_597 = arith.index_cast %scan3A_572 : i32 to index
        %get3A_598 = arith.constant 32 : index
        %get3A_599 = tpu.vector_load %arg9[%get3A_596, %get3A_597, %get3A_598] {strides = array<i32>} : memref<5x16x128xf32, #tpu.memory_space<vmem>>, vector<16xf32>,
        %get3A_600 = arith.constant 0 : i32
        %get3A_601 = arith.index_cast %get3A_600 : i32 to index
        %get3A_602 = arith.index_cast %scan3A_572 : i32 to index
        %get3A_603 = arith.constant 32 : index
        %get3A_604 = tpu.vector_load %arg10[%get3A_601, %get3A_602, %get3A_603] {strides = array<i32>} : memref<5x16x128xf32, #tpu.memory_space<vmem>>, vector<16xf32>,
        %mul3A_605 = arith.mulf %get3A_599, %get3A_604 : vector<16xf32>
        %get3A_606 = arith.constant 0 : i32
        %get3A_607 = arith.index_cast %get3A_606 : i32 to index
        %get3A_608 = arith.index_cast %scan3A_572 : i32 to index
        %get3A_609 = arith.constant 48 : index
        %get3A_610 = tpu.vector_load %arg9[%get3A_607, %get3A_608, %get3A_609] {strides = array<i32>} : memref<5x16x128xf32, #tpu.memory_space<vmem>>, vector<16xf32>,
        %get3A_611 = arith.constant 0 : i32
        %get3A_612 = arith.index_cast %get3A_611 : i32 to index
        %get3A_613 = arith.index_cast %scan3A_572 : i32 to index
        %get3A_614 = arith.constant 48 : index
        %get3A_615 = tpu.vector_load %arg10[%get3A_612, %get3A_613, %get3A_614] {strides = array<i32>} : memref<5x16x128xf32, #tpu.memory_space<vmem>>, vector<16xf32>,
        %mul3A_616 = arith.mulf %get3A_610, %get3A_615 : vector<16xf32>
        %get3A_617 = arith.constant 0 : i32
        %get3A_618 = arith.index_cast %get3A_617 : i32 to index
        %get3A_619 = arith.index_cast %scan3A_572 : i32 to index
        %get3A_620 = arith.constant 64 : index
        %get3A_621 = tpu.vector_load %arg9[%get3A_618, %get3A_619, %get3A_620] {strides = array<i32>} : memref<5x16x128xf32, #tpu.memory_space<vmem>>, vector<16xf32>,
        %get3A_622 = arith.constant 0 : i32
        %get3A_623 = arith.index_cast %get3A_622 : i32 to index
        %get3A_624 = arith.index_cast %scan3A_572 : i32 to index
        %get3A_625 = arith.constant 64 : index
        %get3A_626 = tpu.vector_load %arg10[%get3A_623, %get3A_624, %get3A_625] {strides = array<i32>} : memref<5x16x128xf32, #tpu.memory_space<vmem>>, vector<16xf32>,
        %mul3A_627 = arith.mulf %get3A_621, %get3A_626 : vector<16xf32>
        %get3A_628 = arith.constant 0 : i32
        %get3A_629 = arith.index_cast %get3A_628 : i32 to index
        %get3A_630 = arith.index_cast %scan3A_572 : i32 to index
        %get3A_631 = arith.constant 80 : index
        %get3A_632 = tpu.vector_load %arg9[%get3A_629, %get3A_630, %get3A_631] {strides = array<i32>} : memref<5x16x128xf32, #tpu.memory_space<vmem>>, vector<16xf32>,
        %get3A_633 = arith.constant 0 : i32
        %get3A_634 = arith.index_cast %get3A_633 : i32 to index
        %get3A_635 = arith.index_cast %scan3A_572 : i32 to index
        %get3A_636 = arith.constant 80 : index
        %get3A_637 = tpu.vector_load %arg10[%get3A_634, %get3A_635, %get3A_636] {strides = array<i32>} : memref<5x16x128xf32, #tpu.memory_space<vmem>>, vector<16xf32>,
        %mul3A_638 = arith.mulf %get3A_632, %get3A_637 : vector<16xf32>
        %get3A_639 = arith.constant 0 : i32
        %get3A_640 = arith.index_cast %get3A_639 : i32 to index
        %get3A_641 = arith.index_cast %scan3A_572 : i32 to index
        %get3A_642 = arith.constant 96 : index
        %get3A_643 = tpu.vector_load %arg9[%get3A_640, %get3A_641, %get3A_642] {strides = array<i32>} : memref<5x16x128xf32, #tpu.memory_space<vmem>>, vector<16xf32>,
        %get3A_644 = arith.constant 0 : i32
        %get3A_645 = arith.index_cast %get3A_644 : i32 to index
        %get3A_646 = arith.index_cast %scan3A_572 : i32 to index
        %get3A_647 = arith.constant 96 : index
        %get3A_648 = tpu.vector_load %arg10[%get3A_645, %get3A_646, %get3A_647] {strides = array<i32>} : memref<5x16x128xf32, #tpu.memory_space<vmem>>, vector<16xf32>,
        %mul3A_649 = arith.mulf %get3A_643, %get3A_648 : vector<16xf32>
        %get3A_650 = arith.constant 0 : i32
        %get3A_651 = arith.index_cast %get3A_650 : i32 to index
        %get3A_652 = arith.index_cast %scan3A_572 : i32 to index
        %get3A_653 = arith.constant 112 : index
        %get3A_654 = tpu.vector_load %arg9[%get3A_651, %get3A_652, %get3A_653] {strides = array<i32>} : memref<5x16x128xf32, #tpu.memory_space<vmem>>, vector<16xf32>,
        %get3A_655 = arith.constant 0 : i32
        %get3A_656 = arith.index_cast %get3A_655 : i32 to index
        %get3A_657 = arith.index_cast %scan3A_572 : i32 to index
        %get3A_658 = arith.constant 112 : index
        %get3A_659 = tpu.vector_load %arg10[%get3A_656, %get3A_657, %get3A_658] {strides = array<i32>} : memref<5x16x128xf32, #tpu.memory_space<vmem>>, vector<16xf32>,
        %mul3A_660 = arith.mulf %get3A_654, %get3A_659 : vector<16xf32>
        %add3A_661 = arith.addf %mul3A_583, %mul3A_594 : vector<16xf32>
        %add3A_662 = arith.addf %mul3A_605, %mul3A_616 : vector<16xf32>
        %add3A_663 = arith.addf %mul3A_627, %mul3A_638 : vector<16xf32>
        %add3A_664 = arith.addf %mul3A_649, %mul3A_660 : vector<16xf32>
        %add3A_665 = arith.addf %add3A_661, %add3A_662 : vector<16xf32>
        %add3A_666 = arith.addf %add3A_663, %add3A_664 : vector<16xf32>
        %add3A_667 = arith.addf %add3A_665, %add3A_666 : vector<16xf32>
        %broadcast_in_dim3A_668 = arith.constant true
        %broadcast_in_dim3A_669 = vector.broadcast %broadcast_in_dim3A_668 : i1 to vector<16xi1>
        %masked_cumsum3A = tpu.scan <sum>, %add3A_667 masked %broadcast_in_dim3A_669 : vector<16xf32>, vector<16xi1> -> vector<16xf32>
        %broadcast_in_dim3A_670 = vector.shape_cast %broadcast_in_dim3A_5 : vector<16xi32> to vector<16x1xi32>
        %gather3A = vector.shape_cast %broadcast_in_dim3A_670 : vector<16x1xi32> to vector<16xi32>
        %gather3A_671 = tpu.dynamic_gather %masked_cumsum3A[%gather3A] in [0] : vector<16xf32>, vector<16xi32> -> vector<16xf32>
        %eq3A_672 = vector.broadcast %scan3A_572 : i32 to vector<16xi32>
        %eq3A_673 = arith.cmpi eq, %iota3A, %eq3A_672 : vector<16xi32>
        %select_n3A = arith.select %eq3A_673, %gather3A_671, %scan3A_573 : vector<16xi1>, vector<16xf32>
        scf.yield %select_n3A : vector<16xf32>
      }
      %scan3A_271 = arith.constant 16 : i32
      %swap3A = arith.constant 0 : i32
      %swap3A_272 = arith.index_cast %swap3A : i32 to index
      %swap3A_273 = arith.constant 0 : index
      %swap3A_274 = tpu.vector_load %arg11[%swap3A_272, %swap3A_273] {strides = array<i32>} : memref<5x16xf32, #tpu.memory_space<vmem>>, vector<16xf32>,
      tpu.vector_store %arg11[%swap3A_272, %swap3A_273], %scan3A_270 {strides = array<i32>} : memref<5x16xf32, #tpu.memory_space<vmem>>, vector<16xf32>,
      %mul3A_275 = arith.constant 16 : i32
      %mul3A_276 = arith.muli %add3A_232, %mul3A_275 : i32
      %add3A_277 = arith.addi %multiple_of3A, %mul3A_276 : i32
      %multiple_of3A_278 = tpu.assume_multiple %add3A_277, 8 : i32
      %dma_start3A_279 = arith.constant 0 : i32
      %dma_start3A_280 = arith.constant 0 : i32
      %dma_start3A_281 = arith.constant 0 : i32
      %dma_start3A_282 = tpu.memref_slice %arg11[%dma_start3A_279, %dma_start3A_281] : memref<5x16xf32, #tpu.memory_space<vmem>> -> memref<1x16xf32, #tpu.memory_space<vmem>>
      %dma_start3A_283 = tpu.memref_squeeze %dma_start3A_282 : memref<1x16xf32, #tpu.memory_space<vmem>> -> memref<16xf32, #tpu.memory_space<vmem>>
      %dma_start3A_284 = tpu.memref_slice %arg5[%multiple_of3A_278] : memref<320000xf32, #tpu.memory_space<hbm>> -> memref<16xf32, #tpu.memory_space<hbm>>
      %dma_start3A_285 = tpu.memref_slice %arg14[%dma_start3A_280] : memref<5x!tpu.dma_semaphore, #tpu.memory_space<semaphore_mem>> -> memref<1x!tpu.dma_semaphore, #tpu.memory_space<semaphore_mem>>
      %dma_start3A_286 = tpu.memref_squeeze %dma_start3A_285 : memref<1x!tpu.dma_semaphore, #tpu.memory_space<semaphore_mem>> -> memref<!tpu.dma_semaphore, #tpu.memory_space<semaphore_mem>>
      %dma_start3A_287 = tpu.memref_slice %arg5[%multiple_of3A_278] : memref<320000xf32, #tpu.memory_space<hbm>> -> memref<16xf32, #tpu.memory_space<hbm>>
      %dma_start3A_288 = arith.constant 0 : i32
      %dma_start3A_289 = tpu.memref_slice %arg11[%dma_start3A_279, %dma_start3A_288] : memref<5x16xf32, #tpu.memory_space<vmem>> -> memref<1x16xf32, #tpu.memory_space<vmem>>
      %dma_start3A_290 = tpu.memref_squeeze %dma_start3A_289 : memref<1x16xf32, #tpu.memory_space<vmem>> -> memref<16xf32, #tpu.memory_space<vmem>>
      tpu.enqueue_dma source(%dma_start3A_290 : memref<16xf32, #tpu.memory_space<vmem>>) target(%dma_start3A_287 : memref<16xf32, #tpu.memory_space<hbm>>) target_semaphore(%dma_start3A_286 : memref<!tpu.dma_semaphore, #tpu.memory_space<semaphore_mem>>)
      %lt3A = arith.constant 124 : i32
      %lt3A_291 = arith.cmpi slt, %scan3A_227, %lt3A : i32
      %convert_element_type3A_292 = arith.extui %lt3A_291 : i1 to i32
      %cond3A_293 = arith.constant 0 : i32
      %cond3A_294 = arith.cmpi ne, %convert_element_type3A_292, %cond3A_293 : i32
      scf.if %cond3A_294 {
        %add3A_572 = arith.constant 5 : i32
        %add3A_573 = arith.addi %add3A_232, %add3A_572 : i32
        %mul3A_574 = arith.constant 16 : i32
        %mul3A_575 = arith.muli %add3A_573, %mul3A_574 : i32
        %multiple_of3A_576 = tpu.assume_multiple %mul3A_575, 8 : i32
        %dma_start3A_577 = arith.constant 0 : i32
        %dma_start3A_578 = arith.constant 0 : i32
        %dma_start3A_579 = arith.constant 0 : i32
        %dma_start3A_580 = arith.constant 0 : i32
        %dma_start3A_581 = tpu.memref_slice %arg9[%dma_start3A_577, %dma_start3A_579, %dma_start3A_580] : memref<5x16x128xf32, #tpu.memory_space<vmem>> -> memref<1x16x128xf32, #tpu.memory_space<vmem>>
        %dma_start3A_582 = tpu.memref_squeeze %dma_start3A_581 : memref<1x16x128xf32, #tpu.memory_space<vmem>> -> memref<16x128xf32, #tpu.memory_space<vmem>>
        %dma_start3A_583 = tpu.memref_slice %arg7[%multiple_of3A_576] : memref<10000xi32, #tpu.memory_space<vmem>> -> memref<16xi32, #tpu.memory_space<vmem>>
        %dma_start3A_584 = arith.constant 0 : i32
        %dma_start3A_585 = arith.constant 0 : i32
        %dma_start3A_586 = tpu.memref_slice %arg6[%dma_start3A_584, %dma_start3A_585] : memref<10000x128xf32, #tpu.memory_space<vmem_shared>> -> memref<10000x128xf32, #tpu.memory_space<vmem_shared>>
        %dma_start3A_587 = tpu.memref_slice %arg12[%dma_start3A_578] : memref<5x!tpu.dma_semaphore, #tpu.memory_space<semaphore_mem>> -> memref<1x!tpu.dma_semaphore, #tpu.memory_space<semaphore_mem>>
        %dma_start3A_588 = tpu.memref_squeeze %dma_start3A_587 : memref<1x!tpu.dma_semaphore, #tpu.memory_space<semaphore_mem>> -> memref<!tpu.dma_semaphore, #tpu.memory_space<semaphore_mem>>
        tpu.enqueue_indirect_dma source(%dma_start3A_586 : memref<10000x128xf32, #tpu.memory_space<vmem_shared>>) target(%dma_start3A_582 : memref<16x128xf32, #tpu.memory_space<vmem>>) offsets(%dma_start3A_583 : memref<16xi32, #tpu.memory_space<vmem>>) semaphore(%dma_start3A_588 : memref<!tpu.dma_semaphore, #tpu.memory_space<semaphore_mem>>)
        %dma_start3A_589 = arith.constant 0 : i32
        %dma_start3A_590 = arith.constant 0 : i32
        %dma_start3A_591 = arith.constant 0 : i32
        %dma_start3A_592 = arith.constant 0 : i32
        %dma_start3A_593 = tpu.memref_slice %arg10[%dma_start3A_589, %dma_start3A_591, %dma_start3A_592] : memref<5x16x128xf32, #tpu.memory_space<vmem>> -> memref<1x16x128xf32, #tpu.memory_space<vmem>>
        %dma_start3A_594 = tpu.memref_squeeze %dma_start3A_593 : memref<1x16x128xf32, #tpu.memory_space<vmem>> -> memref<16x128xf32, #tpu.memory_space<vmem>>
        %dma_start3A_595 = tpu.memref_slice %arg8[%multiple_of3A_576] : memref<10000xi32, #tpu.memory_space<vmem>> -> memref<16xi32, #tpu.memory_space<vmem>>
        %dma_start3A_596 = arith.constant 0 : i32
        %dma_start3A_597 = arith.constant 0 : i32
        %dma_start3A_598 = tpu.memref_slice %arg6[%dma_start3A_596, %dma_start3A_597] : memref<10000x128xf32, #tpu.memory_space<vmem_shared>> -> memref<10000x128xf32, #tpu.memory_space<vmem_shared>>
        %dma_start3A_599 = tpu.memref_slice %arg13[%dma_start3A_590] : memref<5x!tpu.dma_semaphore, #tpu.memory_space<semaphore_mem>> -> memref<1x!tpu.dma_semaphore, #tpu.memory_space<semaphore_mem>>
        %dma_start3A_600 = tpu.memref_squeeze %dma_start3A_599 : memref<1x!tpu.dma_semaphore, #tpu.memory_space<semaphore_mem>> -> memref<!tpu.dma_semaphore, #tpu.memory_space<semaphore_mem>>
        tpu.enqueue_indirect_dma source(%dma_start3A_598 : memref<10000x128xf32, #tpu.memory_space<vmem_shared>>) target(%dma_start3A_594 : memref<16x128xf32, #tpu.memory_space<vmem>>) offsets(%dma_start3A_595 : memref<16xi32, #tpu.memory_space<vmem>>) semaphore(%dma_start3A_600 : memref<!tpu.dma_semaphore, #tpu.memory_space<semaphore_mem>>)
      } else {
      }
      %mul3A_295 = arith.constant 5 : i32
      %mul3A_296 = arith.muli %scan3A_227, %mul3A_295 : i32
      %add3A_297 = arith.constant 1 : i32
      %add3A_298 = arith.addi %mul3A_296, %add3A_297 : i32
      %mul3A_299 = arith.constant 16 : i32
      %mul3A_300 = arith.muli %add3A_298, %mul3A_299 : i32
      %multiple_of3A_301 = tpu.assume_multiple %mul3A_300, 8 : i32
      %dma_wait3A_302 = arith.constant 1 : i32
      %dma_wait3A_303 = arith.constant 1 : i32
      %dma_wait3A_304 = arith.constant 0 : i32
      %dma_wait3A_305 = arith.constant 0 : i32
      %dma_wait3A_306 = tpu.memref_slice %arg9[%dma_wait3A_302, %dma_wait3A_304, %dma_wait3A_305] : memref<5x16x128xf32, #tpu.memory_space<vmem>> -> memref<1x16x128xf32, #tpu.memory_space<vmem>>
      %dma_wait3A_307 = tpu.memref_squeeze %dma_wait3A_306 : memref<1x16x128xf32, #tpu.memory_space<vmem>> -> memref<16x128xf32, #tpu.memory_space<vmem>>
      %dma_wait3A_308 = tpu.memref_slice %arg7[%multiple_of3A_301] : memref<10000xi32, #tpu.memory_space<vmem>> -> memref<16xi32, #tpu.memory_space<vmem>>
      %dma_wait3A_309 = arith.constant 0 : i32
      %dma_wait3A_310 = arith.constant 0 : i32
      %dma_wait3A_311 = tpu.memref_slice %arg6[%dma_wait3A_309, %dma_wait3A_310] : memref<10000x128xf32, #tpu.memory_space<vmem_shared>> -> memref<10000x128xf32, #tpu.memory_space<vmem_shared>>
      %dma_wait3A_312 = tpu.memref_slice %arg12[%dma_wait3A_303] : memref<5x!tpu.dma_semaphore, #tpu.memory_space<semaphore_mem>> -> memref<1x!tpu.dma_semaphore, #tpu.memory_space<semaphore_mem>>
      %dma_wait3A_313 = tpu.memref_squeeze %dma_wait3A_312 : memref<1x!tpu.dma_semaphore, #tpu.memory_space<semaphore_mem>> -> memref<!tpu.dma_semaphore, #tpu.memory_space<semaphore_mem>>
      tpu.wait_indirect_dma semaphore(%dma_wait3A_313 : memref<!tpu.dma_semaphore, #tpu.memory_space<semaphore_mem>>) src(%dma_wait3A_311 : memref<10000x128xf32, #tpu.memory_space<vmem_shared>>) dst(%dma_wait3A_307 : memref<16x128xf32, #tpu.memory_space<vmem>>)
      %dma_wait3A_314 = arith.constant 1 : i32
      %dma_wait3A_315 = arith.constant 1 : i32
      %dma_wait3A_316 = arith.constant 0 : i32
      %dma_wait3A_317 = arith.constant 0 : i32
      %dma_wait3A_318 = tpu.memref_slice %arg10[%dma_wait3A_314, %dma_wait3A_316, %dma_wait3A_317] : memref<5x16x128xf32, #tpu.memory_space<vmem>> -> memref<1x16x128xf32, #tpu.memory_space<vmem>>
      %dma_wait3A_319 = tpu.memref_squeeze %dma_wait3A_318 : memref<1x16x128xf32, #tpu.memory_space<vmem>> -> memref<16x128xf32, #tpu.memory_space<vmem>>
      %dma_wait3A_320 = tpu.memref_slice %arg8[%multiple_of3A_301] : memref<10000xi32, #tpu.memory_space<vmem>> -> memref<16xi32, #tpu.memory_space<vmem>>
      %dma_wait3A_321 = arith.constant 0 : i32
      %dma_wait3A_322 = arith.constant 0 : i32
      %dma_wait3A_323 = tpu.memref_slice %arg6[%dma_wait3A_321, %dma_wait3A_322] : memref<10000x128xf32, #tpu.memory_space<vmem_shared>> -> memref<10000x128xf32, #tpu.memory_space<vmem_shared>>
      %dma_wait3A_324 = tpu.memref_slice %arg13[%dma_wait3A_315] : memref<5x!tpu.dma_semaphore, #tpu.memory_space<semaphore_mem>> -> memref<1x!tpu.dma_semaphore, #tpu.memory_space<semaphore_mem>>
      %dma_wait3A_325 = tpu.memref_squeeze %dma_wait3A_324 : memref<1x!tpu.dma_semaphore, #tpu.memory_space<semaphore_mem>> -> memref<!tpu.dma_semaphore, #tpu.memory_space<semaphore_mem>>
      tpu.wait_indirect_dma semaphore(%dma_wait3A_325 : memref<!tpu.dma_semaphore, #tpu.memory_space<semaphore_mem>>) src(%dma_wait3A_323 : memref<10000x128xf32, #tpu.memory_space<vmem_shared>>) dst(%dma_wait3A_319 : memref<16x128xf32, #tpu.memory_space<vmem>>)
      %gt3A_326 = arith.constant 0 : i32
      %gt3A_327 = arith.cmpi sgt, %scan3A_227, %gt3A_326 : i32
      %convert_element_type3A_328 = arith.extui %gt3A_327 : i1 to i32
      %cond3A_329 = arith.constant 0 : i32
      %cond3A_330 = arith.cmpi ne, %convert_element_type3A_328, %cond3A_329 : i32
      scf.if %cond3A_330 {
        %sub3A = arith.constant 5 : i32
        %sub3A_572 = arith.subi %add3A_298, %sub3A : i32
        %mul3A_573 = arith.constant 16 : i32
        %mul3A_574 = arith.muli %sub3A_572, %mul3A_573 : i32
        %add3A_575 = arith.addi %multiple_of3A, %mul3A_574 : i32
        %multiple_of3A_576 = tpu.assume_multiple %add3A_575, 8 : i32
        %dma_wait3A_577 = arith.constant 1 : i32
        %dma_wait3A_578 = arith.constant 1 : i32
        %dma_wait3A_579 = arith.constant 0 : i32
        %dma_wait3A_580 = tpu.memref_slice %arg11[%dma_wait3A_577, %dma_wait3A_579] : memref<5x16xf32, #tpu.memory_space<vmem>> -> memref<1x16xf32, #tpu.memory_space<vmem>>
        %dma_wait3A_581 = tpu.memref_squeeze %dma_wait3A_580 : memref<1x16xf32, #tpu.memory_space<vmem>> -> memref<16xf32, #tpu.memory_space<vmem>>
        %dma_wait3A_582 = tpu.memref_slice %arg5[%multiple_of3A_576] : memref<320000xf32, #tpu.memory_space<hbm>> -> memref<16xf32, #tpu.memory_space<hbm>>
        %dma_wait3A_583 = tpu.memref_slice %arg14[%dma_wait3A_578] : memref<5x!tpu.dma_semaphore, #tpu.memory_space<semaphore_mem>> -> memref<1x!tpu.dma_semaphore, #tpu.memory_space<semaphore_mem>>
        %dma_wait3A_584 = tpu.memref_squeeze %dma_wait3A_583 : memref<1x!tpu.dma_semaphore, #tpu.memory_space<semaphore_mem>> -> memref<!tpu.dma_semaphore, #tpu.memory_space<semaphore_mem>>
        %dma_wait3A_585 = tpu.memref_slice %arg5[%multiple_of3A_576] : memref<320000xf32, #tpu.memory_space<hbm>> -> memref<16xf32, #tpu.memory_space<hbm>>
        %dma_wait3A_586 = arith.constant 0 : i32
        %dma_wait3A_587 = tpu.memref_slice %arg11[%dma_wait3A_577, %dma_wait3A_586] : memref<5x16xf32, #tpu.memory_space<vmem>> -> memref<1x16xf32, #tpu.memory_space<vmem>>
        %dma_wait3A_588 = tpu.memref_squeeze %dma_wait3A_587 : memref<1x16xf32, #tpu.memory_space<vmem>> -> memref<16xf32, #tpu.memory_space<vmem>>
        tpu.wait_dma2 semaphore(%dma_wait3A_584 : memref<!tpu.dma_semaphore, #tpu.memory_space<semaphore_mem>>) src(%dma_wait3A_588 : memref<16xf32, #tpu.memory_space<vmem>>) dst(%dma_wait3A_585 : memref<16xf32, #tpu.memory_space<hbm>>)
      } else {
      }
      %broadcast_in_dim3A_331 = arith.constant 0.000000e+00 : f32
      %broadcast_in_dim3A_332 = vector.broadcast %broadcast_in_dim3A_331 : f32 to vector<16xf32>
      %scan3A_333 = arith.constant 0 : i32
      %scan3A_334 = arith.constant 16 : i32
      %scan3A_335 = arith.addi %scan3A_333, %scan3A_334 : i32
      %scan3A_336 = arith.constant 1 : i32
      %scan3A_337 = scf.for %scan3A_572 = %scan3A_333 to %scan3A_335 step %scan3A_336 iter_args(%scan3A_573 = %broadcast_in_dim3A_332) -> (vector<16xf32>)  : i32 {
        %get3A = arith.constant 1 : i32
        %get3A_574 = arith.index_cast %get3A : i32 to index
        %get3A_575 = arith.index_cast %scan3A_572 : i32 to index
        %get3A_576 = arith.constant 0 : index
        %get3A_577 = tpu.vector_load %arg9[%get3A_574, %get3A_575, %get3A_576] {strides = array<i32>} : memref<5x16x128xf32, #tpu.memory_space<vmem>>, vector<16xf32>,
        %get3A_578 = arith.constant 1 : i32
        %get3A_579 = arith.index_cast %get3A_578 : i32 to index
        %get3A_580 = arith.index_cast %scan3A_572 : i32 to index
        %get3A_581 = arith.constant 0 : index
        %get3A_582 = tpu.vector_load %arg10[%get3A_579, %get3A_580, %get3A_581] {strides = array<i32>} : memref<5x16x128xf32, #tpu.memory_space<vmem>>, vector<16xf32>,
        %mul3A_583 = arith.mulf %get3A_577, %get3A_582 : vector<16xf32>
        %get3A_584 = arith.constant 1 : i32
        %get3A_585 = arith.index_cast %get3A_584 : i32 to index
        %get3A_586 = arith.index_cast %scan3A_572 : i32 to index
        %get3A_587 = arith.constant 16 : index
        %get3A_588 = tpu.vector_load %arg9[%get3A_585, %get3A_586, %get3A_587] {strides = array<i32>} : memref<5x16x128xf32, #tpu.memory_space<vmem>>, vector<16xf32>,
        %get3A_589 = arith.constant 1 : i32
        %get3A_590 = arith.index_cast %get3A_589 : i32 to index
        %get3A_591 = arith.index_cast %scan3A_572 : i32 to index
        %get3A_592 = arith.constant 16 : index
        %get3A_593 = tpu.vector_load %arg10[%get3A_590, %get3A_591, %get3A_592] {strides = array<i32>} : memref<5x16x128xf32, #tpu.memory_space<vmem>>, vector<16xf32>,
        %mul3A_594 = arith.mulf %get3A_588, %get3A_593 : vector<16xf32>
        %get3A_595 = arith.constant 1 : i32
        %get3A_596 = arith.index_cast %get3A_595 : i32 to index
        %get3A_597 = arith.index_cast %scan3A_572 : i32 to index
        %get3A_598 = arith.constant 32 : index
        %get3A_599 = tpu.vector_load %arg9[%get3A_596, %get3A_597, %get3A_598] {strides = array<i32>} : memref<5x16x128xf32, #tpu.memory_space<vmem>>, vector<16xf32>,
        %get3A_600 = arith.constant 1 : i32
        %get3A_601 = arith.index_cast %get3A_600 : i32 to index
        %get3A_602 = arith.index_cast %scan3A_572 : i32 to index
        %get3A_603 = arith.constant 32 : index
        %get3A_604 = tpu.vector_load %arg10[%get3A_601, %get3A_602, %get3A_603] {strides = array<i32>} : memref<5x16x128xf32, #tpu.memory_space<vmem>>, vector<16xf32>,
        %mul3A_605 = arith.mulf %get3A_599, %get3A_604 : vector<16xf32>
        %get3A_606 = arith.constant 1 : i32
        %get3A_607 = arith.index_cast %get3A_606 : i32 to index
        %get3A_608 = arith.index_cast %scan3A_572 : i32 to index
        %get3A_609 = arith.constant 48 : index
        %get3A_610 = tpu.vector_load %arg9[%get3A_607, %get3A_608, %get3A_609] {strides = array<i32>} : memref<5x16x128xf32, #tpu.memory_space<vmem>>, vector<16xf32>,
        %get3A_611 = arith.constant 1 : i32
        %get3A_612 = arith.index_cast %get3A_611 : i32 to index
        %get3A_613 = arith.index_cast %scan3A_572 : i32 to index
        %get3A_614 = arith.constant 48 : index
        %get3A_615 = tpu.vector_load %arg10[%get3A_612, %get3A_613, %get3A_614] {strides = array<i32>} : memref<5x16x128xf32, #tpu.memory_space<vmem>>, vector<16xf32>,
        %mul3A_616 = arith.mulf %get3A_610, %get3A_615 : vector<16xf32>
        %get3A_617 = arith.constant 1 : i32
        %get3A_618 = arith.index_cast %get3A_617 : i32 to index
        %get3A_619 = arith.index_cast %scan3A_572 : i32 to index
        %get3A_620 = arith.constant 64 : index
        %get3A_621 = tpu.vector_load %arg9[%get3A_618, %get3A_619, %get3A_620] {strides = array<i32>} : memref<5x16x128xf32, #tpu.memory_space<vmem>>, vector<16xf32>,
        %get3A_622 = arith.constant 1 : i32
        %get3A_623 = arith.index_cast %get3A_622 : i32 to index
        %get3A_624 = arith.index_cast %scan3A_572 : i32 to index
        %get3A_625 = arith.constant 64 : index
        %get3A_626 = tpu.vector_load %arg10[%get3A_623, %get3A_624, %get3A_625] {strides = array<i32>} : memref<5x16x128xf32, #tpu.memory_space<vmem>>, vector<16xf32>,
        %mul3A_627 = arith.mulf %get3A_621, %get3A_626 : vector<16xf32>
        %get3A_628 = arith.constant 1 : i32
        %get3A_629 = arith.index_cast %get3A_628 : i32 to index
        %get3A_630 = arith.index_cast %scan3A_572 : i32 to index
        %get3A_631 = arith.constant 80 : index
        %get3A_632 = tpu.vector_load %arg9[%get3A_629, %get3A_630, %get3A_631] {strides = array<i32>} : memref<5x16x128xf32, #tpu.memory_space<vmem>>, vector<16xf32>,
        %get3A_633 = arith.constant 1 : i32
        %get3A_634 = arith.index_cast %get3A_633 : i32 to index
        %get3A_635 = arith.index_cast %scan3A_572 : i32 to index
        %get3A_636 = arith.constant 80 : index
        %get3A_637 = tpu.vector_load %arg10[%get3A_634, %get3A_635, %get3A_636] {strides = array<i32>} : memref<5x16x128xf32, #tpu.memory_space<vmem>>, vector<16xf32>,
        %mul3A_638 = arith.mulf %get3A_632, %get3A_637 : vector<16xf32>
        %get3A_639 = arith.constant 1 : i32
        %get3A_640 = arith.index_cast %get3A_639 : i32 to index
        %get3A_641 = arith.index_cast %scan3A_572 : i32 to index
        %get3A_642 = arith.constant 96 : index
        %get3A_643 = tpu.vector_load %arg9[%get3A_640, %get3A_641, %get3A_642] {strides = array<i32>} : memref<5x16x128xf32, #tpu.memory_space<vmem>>, vector<16xf32>,
        %get3A_644 = arith.constant 1 : i32
        %get3A_645 = arith.index_cast %get3A_644 : i32 to index
        %get3A_646 = arith.index_cast %scan3A_572 : i32 to index
        %get3A_647 = arith.constant 96 : index
        %get3A_648 = tpu.vector_load %arg10[%get3A_645, %get3A_646, %get3A_647] {strides = array<i32>} : memref<5x16x128xf32, #tpu.memory_space<vmem>>, vector<16xf32>,
        %mul3A_649 = arith.mulf %get3A_643, %get3A_648 : vector<16xf32>
        %get3A_650 = arith.constant 1 : i32
        %get3A_651 = arith.index_cast %get3A_650 : i32 to index
        %get3A_652 = arith.index_cast %scan3A_572 : i32 to index
        %get3A_653 = arith.constant 112 : index
        %get3A_654 = tpu.vector_load %arg9[%get3A_651, %get3A_652, %get3A_653] {strides = array<i32>} : memref<5x16x128xf32, #tpu.memory_space<vmem>>, vector<16xf32>,
        %get3A_655 = arith.constant 1 : i32
        %get3A_656 = arith.index_cast %get3A_655 : i32 to index
        %get3A_657 = arith.index_cast %scan3A_572 : i32 to index
        %get3A_658 = arith.constant 112 : index
        %get3A_659 = tpu.vector_load %arg10[%get3A_656, %get3A_657, %get3A_658] {strides = array<i32>} : memref<5x16x128xf32, #tpu.memory_space<vmem>>, vector<16xf32>,
        %mul3A_660 = arith.mulf %get3A_654, %get3A_659 : vector<16xf32>
        %add3A_661 = arith.addf %mul3A_583, %mul3A_594 : vector<16xf32>
        %add3A_662 = arith.addf %mul3A_605, %mul3A_616 : vector<16xf32>
        %add3A_663 = arith.addf %mul3A_627, %mul3A_638 : vector<16xf32>
        %add3A_664 = arith.addf %mul3A_649, %mul3A_660 : vector<16xf32>
        %add3A_665 = arith.addf %add3A_661, %add3A_662 : vector<16xf32>
        %add3A_666 = arith.addf %add3A_663, %add3A_664 : vector<16xf32>
        %add3A_667 = arith.addf %add3A_665, %add3A_666 : vector<16xf32>
        %broadcast_in_dim3A_668 = arith.constant true
        %broadcast_in_dim3A_669 = vector.broadcast %broadcast_in_dim3A_668 : i1 to vector<16xi1>
        %masked_cumsum3A = tpu.scan <sum>, %add3A_667 masked %broadcast_in_dim3A_669 : vector<16xf32>, vector<16xi1> -> vector<16xf32>
        %broadcast_in_dim3A_670 = vector.shape_cast %broadcast_in_dim3A_5 : vector<16xi32> to vector<16x1xi32>
        %gather3A = vector.shape_cast %broadcast_in_dim3A_670 : vector<16x1xi32> to vector<16xi32>
        %gather3A_671 = tpu.dynamic_gather %masked_cumsum3A[%gather3A] in [0] : vector<16xf32>, vector<16xi32> -> vector<16xf32>
        %eq3A_672 = vector.broadcast %scan3A_572 : i32 to vector<16xi32>
        %eq3A_673 = arith.cmpi eq, %iota3A, %eq3A_672 : vector<16xi32>
        %select_n3A = arith.select %eq3A_673, %gather3A_671, %scan3A_573 : vector<16xi1>, vector<16xf32>
        scf.yield %select_n3A : vector<16xf32>
      }
      %scan3A_338 = arith.constant 16 : i32
      %swap3A_339 = arith.constant 1 : i32
      %swap3A_340 = arith.index_cast %swap3A_339 : i32 to index
      %swap3A_341 = arith.constant 0 : index
      %swap3A_342 = tpu.vector_load %arg11[%swap3A_340, %swap3A_341] {strides = array<i32>} : memref<5x16xf32, #tpu.memory_space<vmem>>, vector<16xf32>,
      tpu.vector_store %arg11[%swap3A_340, %swap3A_341], %scan3A_337 {strides = array<i32>} : memref<5x16xf32, #tpu.memory_space<vmem>>, vector<16xf32>,
      %mul3A_343 = arith.constant 16 : i32
      %mul3A_344 = arith.muli %add3A_298, %mul3A_343 : i32
      %add3A_345 = arith.addi %multiple_of3A, %mul3A_344 : i32
      %multiple_of3A_346 = tpu.assume_multiple %add3A_345, 8 : i32
      %dma_start3A_347 = arith.constant 1 : i32
      %dma_start3A_348 = arith.constant 1 : i32
      %dma_start3A_349 = arith.constant 0 : i32
      %dma_start3A_350 = tpu.memref_slice %arg11[%dma_start3A_347, %dma_start3A_349] : memref<5x16xf32, #tpu.memory_space<vmem>> -> memref<1x16xf32, #tpu.memory_space<vmem>>
      %dma_start3A_351 = tpu.memref_squeeze %dma_start3A_350 : memref<1x16xf32, #tpu.memory_space<vmem>> -> memref<16xf32, #tpu.memory_space<vmem>>
      %dma_start3A_352 = tpu.memref_slice %arg5[%multiple_of3A_346] : memref<320000xf32, #tpu.memory_space<hbm>> -> memref<16xf32, #tpu.memory_space<hbm>>
      %dma_start3A_353 = tpu.memref_slice %arg14[%dma_start3A_348] : memref<5x!tpu.dma_semaphore, #tpu.memory_space<semaphore_mem>> -> memref<1x!tpu.dma_semaphore, #tpu.memory_space<semaphore_mem>>
      %dma_start3A_354 = tpu.memref_squeeze %dma_start3A_353 : memref<1x!tpu.dma_semaphore, #tpu.memory_space<semaphore_mem>> -> memref<!tpu.dma_semaphore, #tpu.memory_space<semaphore_mem>>
      %dma_start3A_355 = tpu.memref_slice %arg5[%multiple_of3A_346] : memref<320000xf32, #tpu.memory_space<hbm>> -> memref<16xf32, #tpu.memory_space<hbm>>
      %dma_start3A_356 = arith.constant 0 : i32
      %dma_start3A_357 = tpu.memref_slice %arg11[%dma_start3A_347, %dma_start3A_356] : memref<5x16xf32, #tpu.memory_space<vmem>> -> memref<1x16xf32, #tpu.memory_space<vmem>>
      %dma_start3A_358 = tpu.memref_squeeze %dma_start3A_357 : memref<1x16xf32, #tpu.memory_space<vmem>> -> memref<16xf32, #tpu.memory_space<vmem>>
      tpu.enqueue_dma source(%dma_start3A_358 : memref<16xf32, #tpu.memory_space<vmem>>) target(%dma_start3A_355 : memref<16xf32, #tpu.memory_space<hbm>>) target_semaphore(%dma_start3A_354 : memref<!tpu.dma_semaphore, #tpu.memory_space<semaphore_mem>>)
      %lt3A_359 = arith.constant 124 : i32
      %lt3A_360 = arith.cmpi slt, %scan3A_227, %lt3A_359 : i32
      %convert_element_type3A_361 = arith.extui %lt3A_360 : i1 to i32
      %cond3A_362 = arith.constant 0 : i32
      %cond3A_363 = arith.cmpi ne, %convert_element_type3A_361, %cond3A_362 : i32
      scf.if %cond3A_363 {
        %add3A_572 = arith.constant 5 : i32
        %add3A_573 = arith.addi %add3A_298, %add3A_572 : i32
        %mul3A_574 = arith.constant 16 : i32
        %mul3A_575 = arith.muli %add3A_573, %mul3A_574 : i32
        %multiple_of3A_576 = tpu.assume_multiple %mul3A_575, 8 : i32
        %dma_start3A_577 = arith.constant 1 : i32
        %dma_start3A_578 = arith.constant 1 : i32
        %dma_start3A_579 = arith.constant 0 : i32
        %dma_start3A_580 = arith.constant 0 : i32
        %dma_start3A_581 = tpu.memref_slice %arg9[%dma_start3A_577, %dma_start3A_579, %dma_start3A_580] : memref<5x16x128xf32, #tpu.memory_space<vmem>> -> memref<1x16x128xf32, #tpu.memory_space<vmem>>
        %dma_start3A_582 = tpu.memref_squeeze %dma_start3A_581 : memref<1x16x128xf32, #tpu.memory_space<vmem>> -> memref<16x128xf32, #tpu.memory_space<vmem>>
        %dma_start3A_583 = tpu.memref_slice %arg7[%multiple_of3A_576] : memref<10000xi32, #tpu.memory_space<vmem>> -> memref<16xi32, #tpu.memory_space<vmem>>
        %dma_start3A_584 = arith.constant 0 : i32
        %dma_start3A_585 = arith.constant 0 : i32
        %dma_start3A_586 = tpu.memref_slice %arg6[%dma_start3A_584, %dma_start3A_585] : memref<10000x128xf32, #tpu.memory_space<vmem_shared>> -> memref<10000x128xf32, #tpu.memory_space<vmem_shared>>
        %dma_start3A_587 = tpu.memref_slice %arg12[%dma_start3A_578] : memref<5x!tpu.dma_semaphore, #tpu.memory_space<semaphore_mem>> -> memref<1x!tpu.dma_semaphore, #tpu.memory_space<semaphore_mem>>
        %dma_start3A_588 = tpu.memref_squeeze %dma_start3A_587 : memref<1x!tpu.dma_semaphore, #tpu.memory_space<semaphore_mem>> -> memref<!tpu.dma_semaphore, #tpu.memory_space<semaphore_mem>>
        tpu.enqueue_indirect_dma source(%dma_start3A_586 : memref<10000x128xf32, #tpu.memory_space<vmem_shared>>) target(%dma_start3A_582 : memref<16x128xf32, #tpu.memory_space<vmem>>) offsets(%dma_start3A_583 : memref<16xi32, #tpu.memory_space<vmem>>) semaphore(%dma_start3A_588 : memref<!tpu.dma_semaphore, #tpu.memory_space<semaphore_mem>>)
        %dma_start3A_589 = arith.constant 1 : i32
        %dma_start3A_590 = arith.constant 1 : i32
        %dma_start3A_591 = arith.constant 0 : i32
        %dma_start3A_592 = arith.constant 0 : i32
        %dma_start3A_593 = tpu.memref_slice %arg10[%dma_start3A_589, %dma_start3A_591, %dma_start3A_592] : memref<5x16x128xf32, #tpu.memory_space<vmem>> -> memref<1x16x128xf32, #tpu.memory_space<vmem>>
        %dma_start3A_594 = tpu.memref_squeeze %dma_start3A_593 : memref<1x16x128xf32, #tpu.memory_space<vmem>> -> memref<16x128xf32, #tpu.memory_space<vmem>>
        %dma_start3A_595 = tpu.memref_slice %arg8[%multiple_of3A_576] : memref<10000xi32, #tpu.memory_space<vmem>> -> memref<16xi32, #tpu.memory_space<vmem>>
        %dma_start3A_596 = arith.constant 0 : i32
        %dma_start3A_597 = arith.constant 0 : i32
        %dma_start3A_598 = tpu.memref_slice %arg6[%dma_start3A_596, %dma_start3A_597] : memref<10000x128xf32, #tpu.memory_space<vmem_shared>> -> memref<10000x128xf32, #tpu.memory_space<vmem_shared>>
        %dma_start3A_599 = tpu.memref_slice %arg13[%dma_start3A_590] : memref<5x!tpu.dma_semaphore, #tpu.memory_space<semaphore_mem>> -> memref<1x!tpu.dma_semaphore, #tpu.memory_space<semaphore_mem>>
        %dma_start3A_600 = tpu.memref_squeeze %dma_start3A_599 : memref<1x!tpu.dma_semaphore, #tpu.memory_space<semaphore_mem>> -> memref<!tpu.dma_semaphore, #tpu.memory_space<semaphore_mem>>
        tpu.enqueue_indirect_dma source(%dma_start3A_598 : memref<10000x128xf32, #tpu.memory_space<vmem_shared>>) target(%dma_start3A_594 : memref<16x128xf32, #tpu.memory_space<vmem>>) offsets(%dma_start3A_595 : memref<16xi32, #tpu.memory_space<vmem>>) semaphore(%dma_start3A_600 : memref<!tpu.dma_semaphore, #tpu.memory_space<semaphore_mem>>)
      } else {
      }
      %mul3A_364 = arith.constant 5 : i32
      %mul3A_365 = arith.muli %scan3A_227, %mul3A_364 : i32
      %add3A_366 = arith.constant 2 : i32
      %add3A_367 = arith.addi %mul3A_365, %add3A_366 : i32
      %mul3A_368 = arith.constant 16 : i32
      %mul3A_369 = arith.muli %add3A_367, %mul3A_368 : i32
      %multiple_of3A_370 = tpu.assume_multiple %mul3A_369, 8 : i32
      %dma_wait3A_371 = arith.constant 2 : i32
      %dma_wait3A_372 = arith.constant 2 : i32
      %dma_wait3A_373 = arith.constant 0 : i32
      %dma_wait3A_374 = arith.constant 0 : i32
      %dma_wait3A_375 = tpu.memref_slice %arg9[%dma_wait3A_371, %dma_wait3A_373, %dma_wait3A_374] : memref<5x16x128xf32, #tpu.memory_space<vmem>> -> memref<1x16x128xf32, #tpu.memory_space<vmem>>
      %dma_wait3A_376 = tpu.memref_squeeze %dma_wait3A_375 : memref<1x16x128xf32, #tpu.memory_space<vmem>> -> memref<16x128xf32, #tpu.memory_space<vmem>>
      %dma_wait3A_377 = tpu.memref_slice %arg7[%multiple_of3A_370] : memref<10000xi32, #tpu.memory_space<vmem>> -> memref<16xi32, #tpu.memory_space<vmem>>
      %dma_wait3A_378 = arith.constant 0 : i32
      %dma_wait3A_379 = arith.constant 0 : i32
      %dma_wait3A_380 = tpu.memref_slice %arg6[%dma_wait3A_378, %dma_wait3A_379] : memref<10000x128xf32, #tpu.memory_space<vmem_shared>> -> memref<10000x128xf32, #tpu.memory_space<vmem_shared>>
      %dma_wait3A_381 = tpu.memref_slice %arg12[%dma_wait3A_372] : memref<5x!tpu.dma_semaphore, #tpu.memory_space<semaphore_mem>> -> memref<1x!tpu.dma_semaphore, #tpu.memory_space<semaphore_mem>>
      %dma_wait3A_382 = tpu.memref_squeeze %dma_wait3A_381 : memref<1x!tpu.dma_semaphore, #tpu.memory_space<semaphore_mem>> -> memref<!tpu.dma_semaphore, #tpu.memory_space<semaphore_mem>>
      tpu.wait_indirect_dma semaphore(%dma_wait3A_382 : memref<!tpu.dma_semaphore, #tpu.memory_space<semaphore_mem>>) src(%dma_wait3A_380 : memref<10000x128xf32, #tpu.memory_space<vmem_shared>>) dst(%dma_wait3A_376 : memref<16x128xf32, #tpu.memory_space<vmem>>)
      %dma_wait3A_383 = arith.constant 2 : i32
      %dma_wait3A_384 = arith.constant 2 : i32
      %dma_wait3A_385 = arith.constant 0 : i32
      %dma_wait3A_386 = arith.constant 0 : i32
      %dma_wait3A_387 = tpu.memref_slice %arg10[%dma_wait3A_383, %dma_wait3A_385, %dma_wait3A_386] : memref<5x16x128xf32, #tpu.memory_space<vmem>> -> memref<1x16x128xf32, #tpu.memory_space<vmem>>
      %dma_wait3A_388 = tpu.memref_squeeze %dma_wait3A_387 : memref<1x16x128xf32, #tpu.memory_space<vmem>> -> memref<16x128xf32, #tpu.memory_space<vmem>>
      %dma_wait3A_389 = tpu.memref_slice %arg8[%multiple_of3A_370] : memref<10000xi32, #tpu.memory_space<vmem>> -> memref<16xi32, #tpu.memory_space<vmem>>
      %dma_wait3A_390 = arith.constant 0 : i32
      %dma_wait3A_391 = arith.constant 0 : i32
      %dma_wait3A_392 = tpu.memref_slice %arg6[%dma_wait3A_390, %dma_wait3A_391] : memref<10000x128xf32, #tpu.memory_space<vmem_shared>> -> memref<10000x128xf32, #tpu.memory_space<vmem_shared>>
      %dma_wait3A_393 = tpu.memref_slice %arg13[%dma_wait3A_384] : memref<5x!tpu.dma_semaphore, #tpu.memory_space<semaphore_mem>> -> memref<1x!tpu.dma_semaphore, #tpu.memory_space<semaphore_mem>>
      %dma_wait3A_394 = tpu.memref_squeeze %dma_wait3A_393 : memref<1x!tpu.dma_semaphore, #tpu.memory_space<semaphore_mem>> -> memref<!tpu.dma_semaphore, #tpu.memory_space<semaphore_mem>>
      tpu.wait_indirect_dma semaphore(%dma_wait3A_394 : memref<!tpu.dma_semaphore, #tpu.memory_space<semaphore_mem>>) src(%dma_wait3A_392 : memref<10000x128xf32, #tpu.memory_space<vmem_shared>>) dst(%dma_wait3A_388 : memref<16x128xf32, #tpu.memory_space<vmem>>)
      %gt3A_395 = arith.constant 0 : i32
      %gt3A_396 = arith.cmpi sgt, %scan3A_227, %gt3A_395 : i32
      %convert_element_type3A_397 = arith.extui %gt3A_396 : i1 to i32
      %cond3A_398 = arith.constant 0 : i32
      %cond3A_399 = arith.cmpi ne, %convert_element_type3A_397, %cond3A_398 : i32
      scf.if %cond3A_399 {
        %sub3A = arith.constant 5 : i32
        %sub3A_572 = arith.subi %add3A_367, %sub3A : i32
        %mul3A_573 = arith.constant 16 : i32
        %mul3A_574 = arith.muli %sub3A_572, %mul3A_573 : i32
        %add3A_575 = arith.addi %multiple_of3A, %mul3A_574 : i32
        %multiple_of3A_576 = tpu.assume_multiple %add3A_575, 8 : i32
        %dma_wait3A_577 = arith.constant 2 : i32
        %dma_wait3A_578 = arith.constant 2 : i32
        %dma_wait3A_579 = arith.constant 0 : i32
        %dma_wait3A_580 = tpu.memref_slice %arg11[%dma_wait3A_577, %dma_wait3A_579] : memref<5x16xf32, #tpu.memory_space<vmem>> -> memref<1x16xf32, #tpu.memory_space<vmem>>
        %dma_wait3A_581 = tpu.memref_squeeze %dma_wait3A_580 : memref<1x16xf32, #tpu.memory_space<vmem>> -> memref<16xf32, #tpu.memory_space<vmem>>
        %dma_wait3A_582 = tpu.memref_slice %arg5[%multiple_of3A_576] : memref<320000xf32, #tpu.memory_space<hbm>> -> memref<16xf32, #tpu.memory_space<hbm>>
        %dma_wait3A_583 = tpu.memref_slice %arg14[%dma_wait3A_578] : memref<5x!tpu.dma_semaphore, #tpu.memory_space<semaphore_mem>> -> memref<1x!tpu.dma_semaphore, #tpu.memory_space<semaphore_mem>>
        %dma_wait3A_584 = tpu.memref_squeeze %dma_wait3A_583 : memref<1x!tpu.dma_semaphore, #tpu.memory_space<semaphore_mem>> -> memref<!tpu.dma_semaphore, #tpu.memory_space<semaphore_mem>>
        %dma_wait3A_585 = tpu.memref_slice %arg5[%multiple_of3A_576] : memref<320000xf32, #tpu.memory_space<hbm>> -> memref<16xf32, #tpu.memory_space<hbm>>
        %dma_wait3A_586 = arith.constant 0 : i32
        %dma_wait3A_587 = tpu.memref_slice %arg11[%dma_wait3A_577, %dma_wait3A_586] : memref<5x16xf32, #tpu.memory_space<vmem>> -> memref<1x16xf32, #tpu.memory_space<vmem>>
        %dma_wait3A_588 = tpu.memref_squeeze %dma_wait3A_587 : memref<1x16xf32, #tpu.memory_space<vmem>> -> memref<16xf32, #tpu.memory_space<vmem>>
        tpu.wait_dma2 semaphore(%dma_wait3A_584 : memref<!tpu.dma_semaphore, #tpu.memory_space<semaphore_mem>>) src(%dma_wait3A_588 : memref<16xf32, #tpu.memory_space<vmem>>) dst(%dma_wait3A_585 : memref<16xf32, #tpu.memory_space<hbm>>)
      } else {
      }
      %broadcast_in_dim3A_400 = arith.constant 0.000000e+00 : f32
      %broadcast_in_dim3A_401 = vector.broadcast %broadcast_in_dim3A_400 : f32 to vector<16xf32>
      %scan3A_402 = arith.constant 0 : i32
      %scan3A_403 = arith.constant 16 : i32
      %scan3A_404 = arith.addi %scan3A_402, %scan3A_403 : i32
      %scan3A_405 = arith.constant 1 : i32
      %scan3A_406 = scf.for %scan3A_572 = %scan3A_402 to %scan3A_404 step %scan3A_405 iter_args(%scan3A_573 = %broadcast_in_dim3A_401) -> (vector<16xf32>)  : i32 {
        %get3A = arith.constant 2 : i32
        %get3A_574 = arith.index_cast %get3A : i32 to index
        %get3A_575 = arith.index_cast %scan3A_572 : i32 to index
        %get3A_576 = arith.constant 0 : index
        %get3A_577 = tpu.vector_load %arg9[%get3A_574, %get3A_575, %get3A_576] {strides = array<i32>} : memref<5x16x128xf32, #tpu.memory_space<vmem>>, vector<16xf32>,
        %get3A_578 = arith.constant 2 : i32
        %get3A_579 = arith.index_cast %get3A_578 : i32 to index
        %get3A_580 = arith.index_cast %scan3A_572 : i32 to index
        %get3A_581 = arith.constant 0 : index
        %get3A_582 = tpu.vector_load %arg10[%get3A_579, %get3A_580, %get3A_581] {strides = array<i32>} : memref<5x16x128xf32, #tpu.memory_space<vmem>>, vector<16xf32>,
        %mul3A_583 = arith.mulf %get3A_577, %get3A_582 : vector<16xf32>
        %get3A_584 = arith.constant 2 : i32
        %get3A_585 = arith.index_cast %get3A_584 : i32 to index
        %get3A_586 = arith.index_cast %scan3A_572 : i32 to index
        %get3A_587 = arith.constant 16 : index
        %get3A_588 = tpu.vector_load %arg9[%get3A_585, %get3A_586, %get3A_587] {strides = array<i32>} : memref<5x16x128xf32, #tpu.memory_space<vmem>>, vector<16xf32>,
        %get3A_589 = arith.constant 2 : i32
        %get3A_590 = arith.index_cast %get3A_589 : i32 to index
        %get3A_591 = arith.index_cast %scan3A_572 : i32 to index
        %get3A_592 = arith.constant 16 : index
        %get3A_593 = tpu.vector_load %arg10[%get3A_590, %get3A_591, %get3A_592] {strides = array<i32>} : memref<5x16x128xf32, #tpu.memory_space<vmem>>, vector<16xf32>,
        %mul3A_594 = arith.mulf %get3A_588, %get3A_593 : vector<16xf32>
        %get3A_595 = arith.constant 2 : i32
        %get3A_596 = arith.index_cast %get3A_595 : i32 to index
        %get3A_597 = arith.index_cast %scan3A_572 : i32 to index
        %get3A_598 = arith.constant 32 : index
        %get3A_599 = tpu.vector_load %arg9[%get3A_596, %get3A_597, %get3A_598] {strides = array<i32>} : memref<5x16x128xf32, #tpu.memory_space<vmem>>, vector<16xf32>,
        %get3A_600 = arith.constant 2 : i32
        %get3A_601 = arith.index_cast %get3A_600 : i32 to index
        %get3A_602 = arith.index_cast %scan3A_572 : i32 to index
        %get3A_603 = arith.constant 32 : index
        %get3A_604 = tpu.vector_load %arg10[%get3A_601, %get3A_602, %get3A_603] {strides = array<i32>} : memref<5x16x128xf32, #tpu.memory_space<vmem>>, vector<16xf32>,
        %mul3A_605 = arith.mulf %get3A_599, %get3A_604 : vector<16xf32>
        %get3A_606 = arith.constant 2 : i32
        %get3A_607 = arith.index_cast %get3A_606 : i32 to index
        %get3A_608 = arith.index_cast %scan3A_572 : i32 to index
        %get3A_609 = arith.constant 48 : index
        %get3A_610 = tpu.vector_load %arg9[%get3A_607, %get3A_608, %get3A_609] {strides = array<i32>} : memref<5x16x128xf32, #tpu.memory_space<vmem>>, vector<16xf32>,
        %get3A_611 = arith.constant 2 : i32
        %get3A_612 = arith.index_cast %get3A_611 : i32 to index
        %get3A_613 = arith.index_cast %scan3A_572 : i32 to index
        %get3A_614 = arith.constant 48 : index
        %get3A_615 = tpu.vector_load %arg10[%get3A_612, %get3A_613, %get3A_614] {strides = array<i32>} : memref<5x16x128xf32, #tpu.memory_space<vmem>>, vector<16xf32>,
        %mul3A_616 = arith.mulf %get3A_610, %get3A_615 : vector<16xf32>
        %get3A_617 = arith.constant 2 : i32
        %get3A_618 = arith.index_cast %get3A_617 : i32 to index
        %get3A_619 = arith.index_cast %scan3A_572 : i32 to index
        %get3A_620 = arith.constant 64 : index
        %get3A_621 = tpu.vector_load %arg9[%get3A_618, %get3A_619, %get3A_620] {strides = array<i32>} : memref<5x16x128xf32, #tpu.memory_space<vmem>>, vector<16xf32>,
        %get3A_622 = arith.constant 2 : i32
        %get3A_623 = arith.index_cast %get3A_622 : i32 to index
        %get3A_624 = arith.index_cast %scan3A_572 : i32 to index
        %get3A_625 = arith.constant 64 : index
        %get3A_626 = tpu.vector_load %arg10[%get3A_623, %get3A_624, %get3A_625] {strides = array<i32>} : memref<5x16x128xf32, #tpu.memory_space<vmem>>, vector<16xf32>,
        %mul3A_627 = arith.mulf %get3A_621, %get3A_626 : vector<16xf32>
        %get3A_628 = arith.constant 2 : i32
        %get3A_629 = arith.index_cast %get3A_628 : i32 to index
        %get3A_630 = arith.index_cast %scan3A_572 : i32 to index
        %get3A_631 = arith.constant 80 : index
        %get3A_632 = tpu.vector_load %arg9[%get3A_629, %get3A_630, %get3A_631] {strides = array<i32>} : memref<5x16x128xf32, #tpu.memory_space<vmem>>, vector<16xf32>,
        %get3A_633 = arith.constant 2 : i32
        %get3A_634 = arith.index_cast %get3A_633 : i32 to index
        %get3A_635 = arith.index_cast %scan3A_572 : i32 to index
        %get3A_636 = arith.constant 80 : index
        %get3A_637 = tpu.vector_load %arg10[%get3A_634, %get3A_635, %get3A_636] {strides = array<i32>} : memref<5x16x128xf32, #tpu.memory_space<vmem>>, vector<16xf32>,
        %mul3A_638 = arith.mulf %get3A_632, %get3A_637 : vector<16xf32>
        %get3A_639 = arith.constant 2 : i32
        %get3A_640 = arith.index_cast %get3A_639 : i32 to index
        %get3A_641 = arith.index_cast %scan3A_572 : i32 to index
        %get3A_642 = arith.constant 96 : index
        %get3A_643 = tpu.vector_load %arg9[%get3A_640, %get3A_641, %get3A_642] {strides = array<i32>} : memref<5x16x128xf32, #tpu.memory_space<vmem>>, vector<16xf32>,
        %get3A_644 = arith.constant 2 : i32
        %get3A_645 = arith.index_cast %get3A_644 : i32 to index
        %get3A_646 = arith.index_cast %scan3A_572 : i32 to index
        %get3A_647 = arith.constant 96 : index
        %get3A_648 = tpu.vector_load %arg10[%get3A_645, %get3A_646, %get3A_647] {strides = array<i32>} : memref<5x16x128xf32, #tpu.memory_space<vmem>>, vector<16xf32>,
        %mul3A_649 = arith.mulf %get3A_643, %get3A_648 : vector<16xf32>
        %get3A_650 = arith.constant 2 : i32
        %get3A_651 = arith.index_cast %get3A_650 : i32 to index
        %get3A_652 = arith.index_cast %scan3A_572 : i32 to index
        %get3A_653 = arith.constant 112 : index
        %get3A_654 = tpu.vector_load %arg9[%get3A_651, %get3A_652, %get3A_653] {strides = array<i32>} : memref<5x16x128xf32, #tpu.memory_space<vmem>>, vector<16xf32>,
        %get3A_655 = arith.constant 2 : i32
        %get3A_656 = arith.index_cast %get3A_655 : i32 to index
        %get3A_657 = arith.index_cast %scan3A_572 : i32 to index
        %get3A_658 = arith.constant 112 : index
        %get3A_659 = tpu.vector_load %arg10[%get3A_656, %get3A_657, %get3A_658] {strides = array<i32>} : memref<5x16x128xf32, #tpu.memory_space<vmem>>, vector<16xf32>,
        %mul3A_660 = arith.mulf %get3A_654, %get3A_659 : vector<16xf32>
        %add3A_661 = arith.addf %mul3A_583, %mul3A_594 : vector<16xf32>
        %add3A_662 = arith.addf %mul3A_605, %mul3A_616 : vector<16xf32>
        %add3A_663 = arith.addf %mul3A_627, %mul3A_638 : vector<16xf32>
        %add3A_664 = arith.addf %mul3A_649, %mul3A_660 : vector<16xf32>
        %add3A_665 = arith.addf %add3A_661, %add3A_662 : vector<16xf32>
        %add3A_666 = arith.addf %add3A_663, %add3A_664 : vector<16xf32>
        %add3A_667 = arith.addf %add3A_665, %add3A_666 : vector<16xf32>
        %broadcast_in_dim3A_668 = arith.constant true
        %broadcast_in_dim3A_669 = vector.broadcast %broadcast_in_dim3A_668 : i1 to vector<16xi1>
        %masked_cumsum3A = tpu.scan <sum>, %add3A_667 masked %broadcast_in_dim3A_669 : vector<16xf32>, vector<16xi1> -> vector<16xf32>
        %broadcast_in_dim3A_670 = vector.shape_cast %broadcast_in_dim3A_5 : vector<16xi32> to vector<16x1xi32>
        %gather3A = vector.shape_cast %broadcast_in_dim3A_670 : vector<16x1xi32> to vector<16xi32>
        %gather3A_671 = tpu.dynamic_gather %masked_cumsum3A[%gather3A] in [0] : vector<16xf32>, vector<16xi32> -> vector<16xf32>
        %eq3A_672 = vector.broadcast %scan3A_572 : i32 to vector<16xi32>
        %eq3A_673 = arith.cmpi eq, %iota3A, %eq3A_672 : vector<16xi32>
        %select_n3A = arith.select %eq3A_673, %gather3A_671, %scan3A_573 : vector<16xi1>, vector<16xf32>
        scf.yield %select_n3A : vector<16xf32>
      }
      %scan3A_407 = arith.constant 16 : i32
      %swap3A_408 = arith.constant 2 : i32
      %swap3A_409 = arith.index_cast %swap3A_408 : i32 to index
      %swap3A_410 = arith.constant 0 : index
      %swap3A_411 = tpu.vector_load %arg11[%swap3A_409, %swap3A_410] {strides = array<i32>} : memref<5x16xf32, #tpu.memory_space<vmem>>, vector<16xf32>,
      tpu.vector_store %arg11[%swap3A_409, %swap3A_410], %scan3A_406 {strides = array<i32>} : memref<5x16xf32, #tpu.memory_space<vmem>>, vector<16xf32>,
      %mul3A_412 = arith.constant 16 : i32
      %mul3A_413 = arith.muli %add3A_367, %mul3A_412 : i32
      %add3A_414 = arith.addi %multiple_of3A, %mul3A_413 : i32
      %multiple_of3A_415 = tpu.assume_multiple %add3A_414, 8 : i32
      %dma_start3A_416 = arith.constant 2 : i32
      %dma_start3A_417 = arith.constant 2 : i32
      %dma_start3A_418 = arith.constant 0 : i32
      %dma_start3A_419 = tpu.memref_slice %arg11[%dma_start3A_416, %dma_start3A_418] : memref<5x16xf32, #tpu.memory_space<vmem>> -> memref<1x16xf32, #tpu.memory_space<vmem>>
      %dma_start3A_420 = tpu.memref_squeeze %dma_start3A_419 : memref<1x16xf32, #tpu.memory_space<vmem>> -> memref<16xf32, #tpu.memory_space<vmem>>
      %dma_start3A_421 = tpu.memref_slice %arg5[%multiple_of3A_415] : memref<320000xf32, #tpu.memory_space<hbm>> -> memref<16xf32, #tpu.memory_space<hbm>>
      %dma_start3A_422 = tpu.memref_slice %arg14[%dma_start3A_417] : memref<5x!tpu.dma_semaphore, #tpu.memory_space<semaphore_mem>> -> memref<1x!tpu.dma_semaphore, #tpu.memory_space<semaphore_mem>>
      %dma_start3A_423 = tpu.memref_squeeze %dma_start3A_422 : memref<1x!tpu.dma_semaphore, #tpu.memory_space<semaphore_mem>> -> memref<!tpu.dma_semaphore, #tpu.memory_space<semaphore_mem>>
      %dma_start3A_424 = tpu.memref_slice %arg5[%multiple_of3A_415] : memref<320000xf32, #tpu.memory_space<hbm>> -> memref<16xf32, #tpu.memory_space<hbm>>
      %dma_start3A_425 = arith.constant 0 : i32
      %dma_start3A_426 = tpu.memref_slice %arg11[%dma_start3A_416, %dma_start3A_425] : memref<5x16xf32, #tpu.memory_space<vmem>> -> memref<1x16xf32, #tpu.memory_space<vmem>>
      %dma_start3A_427 = tpu.memref_squeeze %dma_start3A_426 : memref<1x16xf32, #tpu.memory_space<vmem>> -> memref<16xf32, #tpu.memory_space<vmem>>
      tpu.enqueue_dma source(%dma_start3A_427 : memref<16xf32, #tpu.memory_space<vmem>>) target(%dma_start3A_424 : memref<16xf32, #tpu.memory_space<hbm>>) target_semaphore(%dma_start3A_423 : memref<!tpu.dma_semaphore, #tpu.memory_space<semaphore_mem>>)
      %lt3A_428 = arith.constant 124 : i32
      %lt3A_429 = arith.cmpi slt, %scan3A_227, %lt3A_428 : i32
      %convert_element_type3A_430 = arith.extui %lt3A_429 : i1 to i32
      %cond3A_431 = arith.constant 0 : i32
      %cond3A_432 = arith.cmpi ne, %convert_element_type3A_430, %cond3A_431 : i32
      scf.if %cond3A_432 {
        %add3A_572 = arith.constant 5 : i32
        %add3A_573 = arith.addi %add3A_367, %add3A_572 : i32
        %mul3A_574 = arith.constant 16 : i32
        %mul3A_575 = arith.muli %add3A_573, %mul3A_574 : i32
        %multiple_of3A_576 = tpu.assume_multiple %mul3A_575, 8 : i32
        %dma_start3A_577 = arith.constant 2 : i32
        %dma_start3A_578 = arith.constant 2 : i32
        %dma_start3A_579 = arith.constant 0 : i32
        %dma_start3A_580 = arith.constant 0 : i32
        %dma_start3A_581 = tpu.memref_slice %arg9[%dma_start3A_577, %dma_start3A_579, %dma_start3A_580] : memref<5x16x128xf32, #tpu.memory_space<vmem>> -> memref<1x16x128xf32, #tpu.memory_space<vmem>>
        %dma_start3A_582 = tpu.memref_squeeze %dma_start3A_581 : memref<1x16x128xf32, #tpu.memory_space<vmem>> -> memref<16x128xf32, #tpu.memory_space<vmem>>
        %dma_start3A_583 = tpu.memref_slice %arg7[%multiple_of3A_576] : memref<10000xi32, #tpu.memory_space<vmem>> -> memref<16xi32, #tpu.memory_space<vmem>>
        %dma_start3A_584 = arith.constant 0 : i32
        %dma_start3A_585 = arith.constant 0 : i32
        %dma_start3A_586 = tpu.memref_slice %arg6[%dma_start3A_584, %dma_start3A_585] : memref<10000x128xf32, #tpu.memory_space<vmem_shared>> -> memref<10000x128xf32, #tpu.memory_space<vmem_shared>>
        %dma_start3A_587 = tpu.memref_slice %arg12[%dma_start3A_578] : memref<5x!tpu.dma_semaphore, #tpu.memory_space<semaphore_mem>> -> memref<1x!tpu.dma_semaphore, #tpu.memory_space<semaphore_mem>>
        %dma_start3A_588 = tpu.memref_squeeze %dma_start3A_587 : memref<1x!tpu.dma_semaphore, #tpu.memory_space<semaphore_mem>> -> memref<!tpu.dma_semaphore, #tpu.memory_space<semaphore_mem>>
        tpu.enqueue_indirect_dma source(%dma_start3A_586 : memref<10000x128xf32, #tpu.memory_space<vmem_shared>>) target(%dma_start3A_582 : memref<16x128xf32, #tpu.memory_space<vmem>>) offsets(%dma_start3A_583 : memref<16xi32, #tpu.memory_space<vmem>>) semaphore(%dma_start3A_588 : memref<!tpu.dma_semaphore, #tpu.memory_space<semaphore_mem>>)
        %dma_start3A_589 = arith.constant 2 : i32
        %dma_start3A_590 = arith.constant 2 : i32
        %dma_start3A_591 = arith.constant 0 : i32
        %dma_start3A_592 = arith.constant 0 : i32
        %dma_start3A_593 = tpu.memref_slice %arg10[%dma_start3A_589, %dma_start3A_591, %dma_start3A_592] : memref<5x16x128xf32, #tpu.memory_space<vmem>> -> memref<1x16x128xf32, #tpu.memory_space<vmem>>
        %dma_start3A_594 = tpu.memref_squeeze %dma_start3A_593 : memref<1x16x128xf32, #tpu.memory_space<vmem>> -> memref<16x128xf32, #tpu.memory_space<vmem>>
        %dma_start3A_595 = tpu.memref_slice %arg8[%multiple_of3A_576] : memref<10000xi32, #tpu.memory_space<vmem>> -> memref<16xi32, #tpu.memory_space<vmem>>
        %dma_start3A_596 = arith.constant 0 : i32
        %dma_start3A_597 = arith.constant 0 : i32
        %dma_start3A_598 = tpu.memref_slice %arg6[%dma_start3A_596, %dma_start3A_597] : memref<10000x128xf32, #tpu.memory_space<vmem_shared>> -> memref<10000x128xf32, #tpu.memory_space<vmem_shared>>
        %dma_start3A_599 = tpu.memref_slice %arg13[%dma_start3A_590] : memref<5x!tpu.dma_semaphore, #tpu.memory_space<semaphore_mem>> -> memref<1x!tpu.dma_semaphore, #tpu.memory_space<semaphore_mem>>
        %dma_start3A_600 = tpu.memref_squeeze %dma_start3A_599 : memref<1x!tpu.dma_semaphore, #tpu.memory_space<semaphore_mem>> -> memref<!tpu.dma_semaphore, #tpu.memory_space<semaphore_mem>>
        tpu.enqueue_indirect_dma source(%dma_start3A_598 : memref<10000x128xf32, #tpu.memory_space<vmem_shared>>) target(%dma_start3A_594 : memref<16x128xf32, #tpu.memory_space<vmem>>) offsets(%dma_start3A_595 : memref<16xi32, #tpu.memory_space<vmem>>) semaphore(%dma_start3A_600 : memref<!tpu.dma_semaphore, #tpu.memory_space<semaphore_mem>>)
      } else {
      }
      %mul3A_433 = arith.constant 5 : i32
      %mul3A_434 = arith.muli %scan3A_227, %mul3A_433 : i32
      %add3A_435 = arith.constant 3 : i32
      %add3A_436 = arith.addi %mul3A_434, %add3A_435 : i32
      %mul3A_437 = arith.constant 16 : i32
      %mul3A_438 = arith.muli %add3A_436, %mul3A_437 : i32
      %multiple_of3A_439 = tpu.assume_multiple %mul3A_438, 8 : i32
      %dma_wait3A_440 = arith.constant 3 : i32
      %dma_wait3A_441 = arith.constant 3 : i32
      %dma_wait3A_442 = arith.constant 0 : i32
      %dma_wait3A_443 = arith.constant 0 : i32
      %dma_wait3A_444 = tpu.memref_slice %arg9[%dma_wait3A_440, %dma_wait3A_442, %dma_wait3A_443] : memref<5x16x128xf32, #tpu.memory_space<vmem>> -> memref<1x16x128xf32, #tpu.memory_space<vmem>>
      %dma_wait3A_445 = tpu.memref_squeeze %dma_wait3A_444 : memref<1x16x128xf32, #tpu.memory_space<vmem>> -> memref<16x128xf32, #tpu.memory_space<vmem>>
      %dma_wait3A_446 = tpu.memref_slice %arg7[%multiple_of3A_439] : memref<10000xi32, #tpu.memory_space<vmem>> -> memref<16xi32, #tpu.memory_space<vmem>>
      %dma_wait3A_447 = arith.constant 0 : i32
      %dma_wait3A_448 = arith.constant 0 : i32
      %dma_wait3A_449 = tpu.memref_slice %arg6[%dma_wait3A_447, %dma_wait3A_448] : memref<10000x128xf32, #tpu.memory_space<vmem_shared>> -> memref<10000x128xf32, #tpu.memory_space<vmem_shared>>
      %dma_wait3A_450 = tpu.memref_slice %arg12[%dma_wait3A_441] : memref<5x!tpu.dma_semaphore, #tpu.memory_space<semaphore_mem>> -> memref<1x!tpu.dma_semaphore, #tpu.memory_space<semaphore_mem>>
      %dma_wait3A_451 = tpu.memref_squeeze %dma_wait3A_450 : memref<1x!tpu.dma_semaphore, #tpu.memory_space<semaphore_mem>> -> memref<!tpu.dma_semaphore, #tpu.memory_space<semaphore_mem>>
      tpu.wait_indirect_dma semaphore(%dma_wait3A_451 : memref<!tpu.dma_semaphore, #tpu.memory_space<semaphore_mem>>) src(%dma_wait3A_449 : memref<10000x128xf32, #tpu.memory_space<vmem_shared>>) dst(%dma_wait3A_445 : memref<16x128xf32, #tpu.memory_space<vmem>>)
      %dma_wait3A_452 = arith.constant 3 : i32
      %dma_wait3A_453 = arith.constant 3 : i32
      %dma_wait3A_454 = arith.constant 0 : i32
      %dma_wait3A_455 = arith.constant 0 : i32
      %dma_wait3A_456 = tpu.memref_slice %arg10[%dma_wait3A_452, %dma_wait3A_454, %dma_wait3A_455] : memref<5x16x128xf32, #tpu.memory_space<vmem>> -> memref<1x16x128xf32, #tpu.memory_space<vmem>>
      %dma_wait3A_457 = tpu.memref_squeeze %dma_wait3A_456 : memref<1x16x128xf32, #tpu.memory_space<vmem>> -> memref<16x128xf32, #tpu.memory_space<vmem>>
      %dma_wait3A_458 = tpu.memref_slice %arg8[%multiple_of3A_439] : memref<10000xi32, #tpu.memory_space<vmem>> -> memref<16xi32, #tpu.memory_space<vmem>>
      %dma_wait3A_459 = arith.constant 0 : i32
      %dma_wait3A_460 = arith.constant 0 : i32
      %dma_wait3A_461 = tpu.memref_slice %arg6[%dma_wait3A_459, %dma_wait3A_460] : memref<10000x128xf32, #tpu.memory_space<vmem_shared>> -> memref<10000x128xf32, #tpu.memory_space<vmem_shared>>
      %dma_wait3A_462 = tpu.memref_slice %arg13[%dma_wait3A_453] : memref<5x!tpu.dma_semaphore, #tpu.memory_space<semaphore_mem>> -> memref<1x!tpu.dma_semaphore, #tpu.memory_space<semaphore_mem>>
      %dma_wait3A_463 = tpu.memref_squeeze %dma_wait3A_462 : memref<1x!tpu.dma_semaphore, #tpu.memory_space<semaphore_mem>> -> memref<!tpu.dma_semaphore, #tpu.memory_space<semaphore_mem>>
      tpu.wait_indirect_dma semaphore(%dma_wait3A_463 : memref<!tpu.dma_semaphore, #tpu.memory_space<semaphore_mem>>) src(%dma_wait3A_461 : memref<10000x128xf32, #tpu.memory_space<vmem_shared>>) dst(%dma_wait3A_457 : memref<16x128xf32, #tpu.memory_space<vmem>>)
      %gt3A_464 = arith.constant 0 : i32
      %gt3A_465 = arith.cmpi sgt, %scan3A_227, %gt3A_464 : i32
      %convert_element_type3A_466 = arith.extui %gt3A_465 : i1 to i32
      %cond3A_467 = arith.constant 0 : i32
      %cond3A_468 = arith.cmpi ne, %convert_element_type3A_466, %cond3A_467 : i32
      scf.if %cond3A_468 {
        %sub3A = arith.constant 5 : i32
        %sub3A_572 = arith.subi %add3A_436, %sub3A : i32
        %mul3A_573 = arith.constant 16 : i32
        %mul3A_574 = arith.muli %sub3A_572, %mul3A_573 : i32
        %add3A_575 = arith.addi %multiple_of3A, %mul3A_574 : i32
        %multiple_of3A_576 = tpu.assume_multiple %add3A_575, 8 : i32
        %dma_wait3A_577 = arith.constant 3 : i32
        %dma_wait3A_578 = arith.constant 3 : i32
        %dma_wait3A_579 = arith.constant 0 : i32
        %dma_wait3A_580 = tpu.memref_slice %arg11[%dma_wait3A_577, %dma_wait3A_579] : memref<5x16xf32, #tpu.memory_space<vmem>> -> memref<1x16xf32, #tpu.memory_space<vmem>>
        %dma_wait3A_581 = tpu.memref_squeeze %dma_wait3A_580 : memref<1x16xf32, #tpu.memory_space<vmem>> -> memref<16xf32, #tpu.memory_space<vmem>>
        %dma_wait3A_582 = tpu.memref_slice %arg5[%multiple_of3A_576] : memref<320000xf32, #tpu.memory_space<hbm>> -> memref<16xf32, #tpu.memory_space<hbm>>
        %dma_wait3A_583 = tpu.memref_slice %arg14[%dma_wait3A_578] : memref<5x!tpu.dma_semaphore, #tpu.memory_space<semaphore_mem>> -> memref<1x!tpu.dma_semaphore, #tpu.memory_space<semaphore_mem>>
        %dma_wait3A_584 = tpu.memref_squeeze %dma_wait3A_583 : memref<1x!tpu.dma_semaphore, #tpu.memory_space<semaphore_mem>> -> memref<!tpu.dma_semaphore, #tpu.memory_space<semaphore_mem>>
        %dma_wait3A_585 = tpu.memref_slice %arg5[%multiple_of3A_576] : memref<320000xf32, #tpu.memory_space<hbm>> -> memref<16xf32, #tpu.memory_space<hbm>>
        %dma_wait3A_586 = arith.constant 0 : i32
        %dma_wait3A_587 = tpu.memref_slice %arg11[%dma_wait3A_577, %dma_wait3A_586] : memref<5x16xf32, #tpu.memory_space<vmem>> -> memref<1x16xf32, #tpu.memory_space<vmem>>
        %dma_wait3A_588 = tpu.memref_squeeze %dma_wait3A_587 : memref<1x16xf32, #tpu.memory_space<vmem>> -> memref<16xf32, #tpu.memory_space<vmem>>
        tpu.wait_dma2 semaphore(%dma_wait3A_584 : memref<!tpu.dma_semaphore, #tpu.memory_space<semaphore_mem>>) src(%dma_wait3A_588 : memref<16xf32, #tpu.memory_space<vmem>>) dst(%dma_wait3A_585 : memref<16xf32, #tpu.memory_space<hbm>>)
      } else {
      }
      %broadcast_in_dim3A_469 = arith.constant 0.000000e+00 : f32
      %broadcast_in_dim3A_470 = vector.broadcast %broadcast_in_dim3A_469 : f32 to vector<16xf32>
      %scan3A_471 = arith.constant 0 : i32
      %scan3A_472 = arith.constant 16 : i32
      %scan3A_473 = arith.addi %scan3A_471, %scan3A_472 : i32
      %scan3A_474 = arith.constant 1 : i32
      %scan3A_475 = scf.for %scan3A_572 = %scan3A_471 to %scan3A_473 step %scan3A_474 iter_args(%scan3A_573 = %broadcast_in_dim3A_470) -> (vector<16xf32>)  : i32 {
        %get3A = arith.constant 3 : i32
        %get3A_574 = arith.index_cast %get3A : i32 to index
        %get3A_575 = arith.index_cast %scan3A_572 : i32 to index
        %get3A_576 = arith.constant 0 : index
        %get3A_577 = tpu.vector_load %arg9[%get3A_574, %get3A_575, %get3A_576] {strides = array<i32>} : memref<5x16x128xf32, #tpu.memory_space<vmem>>, vector<16xf32>,
        %get3A_578 = arith.constant 3 : i32
        %get3A_579 = arith.index_cast %get3A_578 : i32 to index
        %get3A_580 = arith.index_cast %scan3A_572 : i32 to index
        %get3A_581 = arith.constant 0 : index
        %get3A_582 = tpu.vector_load %arg10[%get3A_579, %get3A_580, %get3A_581] {strides = array<i32>} : memref<5x16x128xf32, #tpu.memory_space<vmem>>, vector<16xf32>,
        %mul3A_583 = arith.mulf %get3A_577, %get3A_582 : vector<16xf32>
        %get3A_584 = arith.constant 3 : i32
        %get3A_585 = arith.index_cast %get3A_584 : i32 to index
        %get3A_586 = arith.index_cast %scan3A_572 : i32 to index
        %get3A_587 = arith.constant 16 : index
        %get3A_588 = tpu.vector_load %arg9[%get3A_585, %get3A_586, %get3A_587] {strides = array<i32>} : memref<5x16x128xf32, #tpu.memory_space<vmem>>, vector<16xf32>,
        %get3A_589 = arith.constant 3 : i32
        %get3A_590 = arith.index_cast %get3A_589 : i32 to index
        %get3A_591 = arith.index_cast %scan3A_572 : i32 to index
        %get3A_592 = arith.constant 16 : index
        %get3A_593 = tpu.vector_load %arg10[%get3A_590, %get3A_591, %get3A_592] {strides = array<i32>} : memref<5x16x128xf32, #tpu.memory_space<vmem>>, vector<16xf32>,
        %mul3A_594 = arith.mulf %get3A_588, %get3A_593 : vector<16xf32>
        %get3A_595 = arith.constant 3 : i32
        %get3A_596 = arith.index_cast %get3A_595 : i32 to index
        %get3A_597 = arith.index_cast %scan3A_572 : i32 to index
        %get3A_598 = arith.constant 32 : index
        %get3A_599 = tpu.vector_load %arg9[%get3A_596, %get3A_597, %get3A_598] {strides = array<i32>} : memref<5x16x128xf32, #tpu.memory_space<vmem>>, vector<16xf32>,
        %get3A_600 = arith.constant 3 : i32
        %get3A_601 = arith.index_cast %get3A_600 : i32 to index
        %get3A_602 = arith.index_cast %scan3A_572 : i32 to index
        %get3A_603 = arith.constant 32 : index
        %get3A_604 = tpu.vector_load %arg10[%get3A_601, %get3A_602, %get3A_603] {strides = array<i32>} : memref<5x16x128xf32, #tpu.memory_space<vmem>>, vector<16xf32>,
        %mul3A_605 = arith.mulf %get3A_599, %get3A_604 : vector<16xf32>
        %get3A_606 = arith.constant 3 : i32
        %get3A_607 = arith.index_cast %get3A_606 : i32 to index
        %get3A_608 = arith.index_cast %scan3A_572 : i32 to index
        %get3A_609 = arith.constant 48 : index
        %get3A_610 = tpu.vector_load %arg9[%get3A_607, %get3A_608, %get3A_609] {strides = array<i32>} : memref<5x16x128xf32, #tpu.memory_space<vmem>>, vector<16xf32>,
        %get3A_611 = arith.constant 3 : i32
        %get3A_612 = arith.index_cast %get3A_611 : i32 to index
        %get3A_613 = arith.index_cast %scan3A_572 : i32 to index
        %get3A_614 = arith.constant 48 : index
        %get3A_615 = tpu.vector_load %arg10[%get3A_612, %get3A_613, %get3A_614] {strides = array<i32>} : memref<5x16x128xf32, #tpu.memory_space<vmem>>, vector<16xf32>,
        %mul3A_616 = arith.mulf %get3A_610, %get3A_615 : vector<16xf32>
        %get3A_617 = arith.constant 3 : i32
        %get3A_618 = arith.index_cast %get3A_617 : i32 to index
        %get3A_619 = arith.index_cast %scan3A_572 : i32 to index
        %get3A_620 = arith.constant 64 : index
        %get3A_621 = tpu.vector_load %arg9[%get3A_618, %get3A_619, %get3A_620] {strides = array<i32>} : memref<5x16x128xf32, #tpu.memory_space<vmem>>, vector<16xf32>,
        %get3A_622 = arith.constant 3 : i32
        %get3A_623 = arith.index_cast %get3A_622 : i32 to index
        %get3A_624 = arith.index_cast %scan3A_572 : i32 to index
        %get3A_625 = arith.constant 64 : index
        %get3A_626 = tpu.vector_load %arg10[%get3A_623, %get3A_624, %get3A_625] {strides = array<i32>} : memref<5x16x128xf32, #tpu.memory_space<vmem>>, vector<16xf32>,
        %mul3A_627 = arith.mulf %get3A_621, %get3A_626 : vector<16xf32>
        %get3A_628 = arith.constant 3 : i32
        %get3A_629 = arith.index_cast %get3A_628 : i32 to index
        %get3A_630 = arith.index_cast %scan3A_572 : i32 to index
        %get3A_631 = arith.constant 80 : index
        %get3A_632 = tpu.vector_load %arg9[%get3A_629, %get3A_630, %get3A_631] {strides = array<i32>} : memref<5x16x128xf32, #tpu.memory_space<vmem>>, vector<16xf32>,
        %get3A_633 = arith.constant 3 : i32
        %get3A_634 = arith.index_cast %get3A_633 : i32 to index
        %get3A_635 = arith.index_cast %scan3A_572 : i32 to index
        %get3A_636 = arith.constant 80 : index
        %get3A_637 = tpu.vector_load %arg10[%get3A_634, %get3A_635, %get3A_636] {strides = array<i32>} : memref<5x16x128xf32, #tpu.memory_space<vmem>>, vector<16xf32>,
        %mul3A_638 = arith.mulf %get3A_632, %get3A_637 : vector<16xf32>
        %get3A_639 = arith.constant 3 : i32
        %get3A_640 = arith.index_cast %get3A_639 : i32 to index
        %get3A_641 = arith.index_cast %scan3A_572 : i32 to index
        %get3A_642 = arith.constant 96 : index
        %get3A_643 = tpu.vector_load %arg9[%get3A_640, %get3A_641, %get3A_642] {strides = array<i32>} : memref<5x16x128xf32, #tpu.memory_space<vmem>>, vector<16xf32>,
        %get3A_644 = arith.constant 3 : i32
        %get3A_645 = arith.index_cast %get3A_644 : i32 to index
        %get3A_646 = arith.index_cast %scan3A_572 : i32 to index
        %get3A_647 = arith.constant 96 : index
        %get3A_648 = tpu.vector_load %arg10[%get3A_645, %get3A_646, %get3A_647] {strides = array<i32>} : memref<5x16x128xf32, #tpu.memory_space<vmem>>, vector<16xf32>,
        %mul3A_649 = arith.mulf %get3A_643, %get3A_648 : vector<16xf32>
        %get3A_650 = arith.constant 3 : i32
        %get3A_651 = arith.index_cast %get3A_650 : i32 to index
        %get3A_652 = arith.index_cast %scan3A_572 : i32 to index
        %get3A_653 = arith.constant 112 : index
        %get3A_654 = tpu.vector_load %arg9[%get3A_651, %get3A_652, %get3A_653] {strides = array<i32>} : memref<5x16x128xf32, #tpu.memory_space<vmem>>, vector<16xf32>,
        %get3A_655 = arith.constant 3 : i32
        %get3A_656 = arith.index_cast %get3A_655 : i32 to index
        %get3A_657 = arith.index_cast %scan3A_572 : i32 to index
        %get3A_658 = arith.constant 112 : index
        %get3A_659 = tpu.vector_load %arg10[%get3A_656, %get3A_657, %get3A_658] {strides = array<i32>} : memref<5x16x128xf32, #tpu.memory_space<vmem>>, vector<16xf32>,
        %mul3A_660 = arith.mulf %get3A_654, %get3A_659 : vector<16xf32>
        %add3A_661 = arith.addf %mul3A_583, %mul3A_594 : vector<16xf32>
        %add3A_662 = arith.addf %mul3A_605, %mul3A_616 : vector<16xf32>
        %add3A_663 = arith.addf %mul3A_627, %mul3A_638 : vector<16xf32>
        %add3A_664 = arith.addf %mul3A_649, %mul3A_660 : vector<16xf32>
        %add3A_665 = arith.addf %add3A_661, %add3A_662 : vector<16xf32>
        %add3A_666 = arith.addf %add3A_663, %add3A_664 : vector<16xf32>
        %add3A_667 = arith.addf %add3A_665, %add3A_666 : vector<16xf32>
        %broadcast_in_dim3A_668 = arith.constant true
        %broadcast_in_dim3A_669 = vector.broadcast %broadcast_in_dim3A_668 : i1 to vector<16xi1>
        %masked_cumsum3A = tpu.scan <sum>, %add3A_667 masked %broadcast_in_dim3A_669 : vector<16xf32>, vector<16xi1> -> vector<16xf32>
        %broadcast_in_dim3A_670 = vector.shape_cast %broadcast_in_dim3A_5 : vector<16xi32> to vector<16x1xi32>
        %gather3A = vector.shape_cast %broadcast_in_dim3A_670 : vector<16x1xi32> to vector<16xi32>
        %gather3A_671 = tpu.dynamic_gather %masked_cumsum3A[%gather3A] in [0] : vector<16xf32>, vector<16xi32> -> vector<16xf32>
        %eq3A_672 = vector.broadcast %scan3A_572 : i32 to vector<16xi32>
        %eq3A_673 = arith.cmpi eq, %iota3A, %eq3A_672 : vector<16xi32>
        %select_n3A = arith.select %eq3A_673, %gather3A_671, %scan3A_573 : vector<16xi1>, vector<16xf32>
        scf.yield %select_n3A : vector<16xf32>
      }
      %scan3A_476 = arith.constant 16 : i32
      %swap3A_477 = arith.constant 3 : i32
      %swap3A_478 = arith.index_cast %swap3A_477 : i32 to index
      %swap3A_479 = arith.constant 0 : index
      %swap3A_480 = tpu.vector_load %arg11[%swap3A_478, %swap3A_479] {strides = array<i32>} : memref<5x16xf32, #tpu.memory_space<vmem>>, vector<16xf32>,
      tpu.vector_store %arg11[%swap3A_478, %swap3A_479], %scan3A_475 {strides = array<i32>} : memref<5x16xf32, #tpu.memory_space<vmem>>, vector<16xf32>,
      %mul3A_481 = arith.constant 16 : i32
      %mul3A_482 = arith.muli %add3A_436, %mul3A_481 : i32
      %add3A_483 = arith.addi %multiple_of3A, %mul3A_482 : i32
      %multiple_of3A_484 = tpu.assume_multiple %add3A_483, 8 : i32
      %dma_start3A_485 = arith.constant 3 : i32
      %dma_start3A_486 = arith.constant 3 : i32
      %dma_start3A_487 = arith.constant 0 : i32
      %dma_start3A_488 = tpu.memref_slice %arg11[%dma_start3A_485, %dma_start3A_487] : memref<5x16xf32, #tpu.memory_space<vmem>> -> memref<1x16xf32, #tpu.memory_space<vmem>>
      %dma_start3A_489 = tpu.memref_squeeze %dma_start3A_488 : memref<1x16xf32, #tpu.memory_space<vmem>> -> memref<16xf32, #tpu.memory_space<vmem>>
      %dma_start3A_490 = tpu.memref_slice %arg5[%multiple_of3A_484] : memref<320000xf32, #tpu.memory_space<hbm>> -> memref<16xf32, #tpu.memory_space<hbm>>
      %dma_start3A_491 = tpu.memref_slice %arg14[%dma_start3A_486] : memref<5x!tpu.dma_semaphore, #tpu.memory_space<semaphore_mem>> -> memref<1x!tpu.dma_semaphore, #tpu.memory_space<semaphore_mem>>
      %dma_start3A_492 = tpu.memref_squeeze %dma_start3A_491 : memref<1x!tpu.dma_semaphore, #tpu.memory_space<semaphore_mem>> -> memref<!tpu.dma_semaphore, #tpu.memory_space<semaphore_mem>>
      %dma_start3A_493 = tpu.memref_slice %arg5[%multiple_of3A_484] : memref<320000xf32, #tpu.memory_space<hbm>> -> memref<16xf32, #tpu.memory_space<hbm>>
      %dma_start3A_494 = arith.constant 0 : i32
      %dma_start3A_495 = tpu.memref_slice %arg11[%dma_start3A_485, %dma_start3A_494] : memref<5x16xf32, #tpu.memory_space<vmem>> -> memref<1x16xf32, #tpu.memory_space<vmem>>
      %dma_start3A_496 = tpu.memref_squeeze %dma_start3A_495 : memref<1x16xf32, #tpu.memory_space<vmem>> -> memref<16xf32, #tpu.memory_space<vmem>>
      tpu.enqueue_dma source(%dma_start3A_496 : memref<16xf32, #tpu.memory_space<vmem>>) target(%dma_start3A_493 : memref<16xf32, #tpu.memory_space<hbm>>) target_semaphore(%dma_start3A_492 : memref<!tpu.dma_semaphore, #tpu.memory_space<semaphore_mem>>)
      %lt3A_497 = arith.constant 124 : i32
      %lt3A_498 = arith.cmpi slt, %scan3A_227, %lt3A_497 : i32
      %convert_element_type3A_499 = arith.extui %lt3A_498 : i1 to i32
      %cond3A_500 = arith.constant 0 : i32
      %cond3A_501 = arith.cmpi ne, %convert_element_type3A_499, %cond3A_500 : i32
      scf.if %cond3A_501 {
        %add3A_572 = arith.constant 5 : i32
        %add3A_573 = arith.addi %add3A_436, %add3A_572 : i32
        %mul3A_574 = arith.constant 16 : i32
        %mul3A_575 = arith.muli %add3A_573, %mul3A_574 : i32
        %multiple_of3A_576 = tpu.assume_multiple %mul3A_575, 8 : i32
        %dma_start3A_577 = arith.constant 3 : i32
        %dma_start3A_578 = arith.constant 3 : i32
        %dma_start3A_579 = arith.constant 0 : i32
        %dma_start3A_580 = arith.constant 0 : i32
        %dma_start3A_581 = tpu.memref_slice %arg9[%dma_start3A_577, %dma_start3A_579, %dma_start3A_580] : memref<5x16x128xf32, #tpu.memory_space<vmem>> -> memref<1x16x128xf32, #tpu.memory_space<vmem>>
        %dma_start3A_582 = tpu.memref_squeeze %dma_start3A_581 : memref<1x16x128xf32, #tpu.memory_space<vmem>> -> memref<16x128xf32, #tpu.memory_space<vmem>>
        %dma_start3A_583 = tpu.memref_slice %arg7[%multiple_of3A_576] : memref<10000xi32, #tpu.memory_space<vmem>> -> memref<16xi32, #tpu.memory_space<vmem>>
        %dma_start3A_584 = arith.constant 0 : i32
        %dma_start3A_585 = arith.constant 0 : i32
        %dma_start3A_586 = tpu.memref_slice %arg6[%dma_start3A_584, %dma_start3A_585] : memref<10000x128xf32, #tpu.memory_space<vmem_shared>> -> memref<10000x128xf32, #tpu.memory_space<vmem_shared>>
        %dma_start3A_587 = tpu.memref_slice %arg12[%dma_start3A_578] : memref<5x!tpu.dma_semaphore, #tpu.memory_space<semaphore_mem>> -> memref<1x!tpu.dma_semaphore, #tpu.memory_space<semaphore_mem>>
        %dma_start3A_588 = tpu.memref_squeeze %dma_start3A_587 : memref<1x!tpu.dma_semaphore, #tpu.memory_space<semaphore_mem>> -> memref<!tpu.dma_semaphore, #tpu.memory_space<semaphore_mem>>
        tpu.enqueue_indirect_dma source(%dma_start3A_586 : memref<10000x128xf32, #tpu.memory_space<vmem_shared>>) target(%dma_start3A_582 : memref<16x128xf32, #tpu.memory_space<vmem>>) offsets(%dma_start3A_583 : memref<16xi32, #tpu.memory_space<vmem>>) semaphore(%dma_start3A_588 : memref<!tpu.dma_semaphore, #tpu.memory_space<semaphore_mem>>)
        %dma_start3A_589 = arith.constant 3 : i32
        %dma_start3A_590 = arith.constant 3 : i32
        %dma_start3A_591 = arith.constant 0 : i32
        %dma_start3A_592 = arith.constant 0 : i32
        %dma_start3A_593 = tpu.memref_slice %arg10[%dma_start3A_589, %dma_start3A_591, %dma_start3A_592] : memref<5x16x128xf32, #tpu.memory_space<vmem>> -> memref<1x16x128xf32, #tpu.memory_space<vmem>>
        %dma_start3A_594 = tpu.memref_squeeze %dma_start3A_593 : memref<1x16x128xf32, #tpu.memory_space<vmem>> -> memref<16x128xf32, #tpu.memory_space<vmem>>
        %dma_start3A_595 = tpu.memref_slice %arg8[%multiple_of3A_576] : memref<10000xi32, #tpu.memory_space<vmem>> -> memref<16xi32, #tpu.memory_space<vmem>>
        %dma_start3A_596 = arith.constant 0 : i32
        %dma_start3A_597 = arith.constant 0 : i32
        %dma_start3A_598 = tpu.memref_slice %arg6[%dma_start3A_596, %dma_start3A_597] : memref<10000x128xf32, #tpu.memory_space<vmem_shared>> -> memref<10000x128xf32, #tpu.memory_space<vmem_shared>>
        %dma_start3A_599 = tpu.memref_slice %arg13[%dma_start3A_590] : memref<5x!tpu.dma_semaphore, #tpu.memory_space<semaphore_mem>> -> memref<1x!tpu.dma_semaphore, #tpu.memory_space<semaphore_mem>>
        %dma_start3A_600 = tpu.memref_squeeze %dma_start3A_599 : memref<1x!tpu.dma_semaphore, #tpu.memory_space<semaphore_mem>> -> memref<!tpu.dma_semaphore, #tpu.memory_space<semaphore_mem>>
        tpu.enqueue_indirect_dma source(%dma_start3A_598 : memref<10000x128xf32, #tpu.memory_space<vmem_shared>>) target(%dma_start3A_594 : memref<16x128xf32, #tpu.memory_space<vmem>>) offsets(%dma_start3A_595 : memref<16xi32, #tpu.memory_space<vmem>>) semaphore(%dma_start3A_600 : memref<!tpu.dma_semaphore, #tpu.memory_space<semaphore_mem>>)
      } else {
      }
      %mul3A_502 = arith.constant 5 : i32
      %mul3A_503 = arith.muli %scan3A_227, %mul3A_502 : i32
      %add3A_504 = arith.constant 4 : i32
      %add3A_505 = arith.addi %mul3A_503, %add3A_504 : i32
      %mul3A_506 = arith.constant 16 : i32
      %mul3A_507 = arith.muli %add3A_505, %mul3A_506 : i32
      %multiple_of3A_508 = tpu.assume_multiple %mul3A_507, 8 : i32
      %dma_wait3A_509 = arith.constant 4 : i32
      %dma_wait3A_510 = arith.constant 4 : i32
      %dma_wait3A_511 = arith.constant 0 : i32
      %dma_wait3A_512 = arith.constant 0 : i32
      %dma_wait3A_513 = tpu.memref_slice %arg9[%dma_wait3A_509, %dma_wait3A_511, %dma_wait3A_512] : memref<5x16x128xf32, #tpu.memory_space<vmem>> -> memref<1x16x128xf32, #tpu.memory_space<vmem>>
      %dma_wait3A_514 = tpu.memref_squeeze %dma_wait3A_513 : memref<1x16x128xf32, #tpu.memory_space<vmem>> -> memref<16x128xf32, #tpu.memory_space<vmem>>
      %dma_wait3A_515 = tpu.memref_slice %arg7[%multiple_of3A_508] : memref<10000xi32, #tpu.memory_space<vmem>> -> memref<16xi32, #tpu.memory_space<vmem>>
      %dma_wait3A_516 = arith.constant 0 : i32
      %dma_wait3A_517 = arith.constant 0 : i32
      %dma_wait3A_518 = tpu.memref_slice %arg6[%dma_wait3A_516, %dma_wait3A_517] : memref<10000x128xf32, #tpu.memory_space<vmem_shared>> -> memref<10000x128xf32, #tpu.memory_space<vmem_shared>>
      %dma_wait3A_519 = tpu.memref_slice %arg12[%dma_wait3A_510] : memref<5x!tpu.dma_semaphore, #tpu.memory_space<semaphore_mem>> -> memref<1x!tpu.dma_semaphore, #tpu.memory_space<semaphore_mem>>
      %dma_wait3A_520 = tpu.memref_squeeze %dma_wait3A_519 : memref<1x!tpu.dma_semaphore, #tpu.memory_space<semaphore_mem>> -> memref<!tpu.dma_semaphore, #tpu.memory_space<semaphore_mem>>
      tpu.wait_indirect_dma semaphore(%dma_wait3A_520 : memref<!tpu.dma_semaphore, #tpu.memory_space<semaphore_mem>>) src(%dma_wait3A_518 : memref<10000x128xf32, #tpu.memory_space<vmem_shared>>) dst(%dma_wait3A_514 : memref<16x128xf32, #tpu.memory_space<vmem>>)
      %dma_wait3A_521 = arith.constant 4 : i32
      %dma_wait3A_522 = arith.constant 4 : i32
      %dma_wait3A_523 = arith.constant 0 : i32
      %dma_wait3A_524 = arith.constant 0 : i32
      %dma_wait3A_525 = tpu.memref_slice %arg10[%dma_wait3A_521, %dma_wait3A_523, %dma_wait3A_524] : memref<5x16x128xf32, #tpu.memory_space<vmem>> -> memref<1x16x128xf32, #tpu.memory_space<vmem>>
      %dma_wait3A_526 = tpu.memref_squeeze %dma_wait3A_525 : memref<1x16x128xf32, #tpu.memory_space<vmem>> -> memref<16x128xf32, #tpu.memory_space<vmem>>
      %dma_wait3A_527 = tpu.memref_slice %arg8[%multiple_of3A_508] : memref<10000xi32, #tpu.memory_space<vmem>> -> memref<16xi32, #tpu.memory_space<vmem>>
      %dma_wait3A_528 = arith.constant 0 : i32
      %dma_wait3A_529 = arith.constant 0 : i32
      %dma_wait3A_530 = tpu.memref_slice %arg6[%dma_wait3A_528, %dma_wait3A_529] : memref<10000x128xf32, #tpu.memory_space<vmem_shared>> -> memref<10000x128xf32, #tpu.memory_space<vmem_shared>>
      %dma_wait3A_531 = tpu.memref_slice %arg13[%dma_wait3A_522] : memref<5x!tpu.dma_semaphore, #tpu.memory_space<semaphore_mem>> -> memref<1x!tpu.dma_semaphore, #tpu.memory_space<semaphore_mem>>
      %dma_wait3A_532 = tpu.memref_squeeze %dma_wait3A_531 : memref<1x!tpu.dma_semaphore, #tpu.memory_space<semaphore_mem>> -> memref<!tpu.dma_semaphore, #tpu.memory_space<semaphore_mem>>
      tpu.wait_indirect_dma semaphore(%dma_wait3A_532 : memref<!tpu.dma_semaphore, #tpu.memory_space<semaphore_mem>>) src(%dma_wait3A_530 : memref<10000x128xf32, #tpu.memory_space<vmem_shared>>) dst(%dma_wait3A_526 : memref<16x128xf32, #tpu.memory_space<vmem>>)
      %gt3A_533 = arith.constant 0 : i32
      %gt3A_534 = arith.cmpi sgt, %scan3A_227, %gt3A_533 : i32
      %convert_element_type3A_535 = arith.extui %gt3A_534 : i1 to i32
      %cond3A_536 = arith.constant 0 : i32
      %cond3A_537 = arith.cmpi ne, %convert_element_type3A_535, %cond3A_536 : i32
      scf.if %cond3A_537 {
        %sub3A = arith.constant 5 : i32
        %sub3A_572 = arith.subi %add3A_505, %sub3A : i32
        %mul3A_573 = arith.constant 16 : i32
        %mul3A_574 = arith.muli %sub3A_572, %mul3A_573 : i32
        %add3A_575 = arith.addi %multiple_of3A, %mul3A_574 : i32
        %multiple_of3A_576 = tpu.assume_multiple %add3A_575, 8 : i32
        %dma_wait3A_577 = arith.constant 4 : i32
        %dma_wait3A_578 = arith.constant 4 : i32
        %dma_wait3A_579 = arith.constant 0 : i32
        %dma_wait3A_580 = tpu.memref_slice %arg11[%dma_wait3A_577, %dma_wait3A_579] : memref<5x16xf32, #tpu.memory_space<vmem>> -> memref<1x16xf32, #tpu.memory_space<vmem>>
        %dma_wait3A_581 = tpu.memref_squeeze %dma_wait3A_580 : memref<1x16xf32, #tpu.memory_space<vmem>> -> memref<16xf32, #tpu.memory_space<vmem>>
        %dma_wait3A_582 = tpu.memref_slice %arg5[%multiple_of3A_576] : memref<320000xf32, #tpu.memory_space<hbm>> -> memref<16xf32, #tpu.memory_space<hbm>>
        %dma_wait3A_583 = tpu.memref_slice %arg14[%dma_wait3A_578] : memref<5x!tpu.dma_semaphore, #tpu.memory_space<semaphore_mem>> -> memref<1x!tpu.dma_semaphore, #tpu.memory_space<semaphore_mem>>
        %dma_wait3A_584 = tpu.memref_squeeze %dma_wait3A_583 : memref<1x!tpu.dma_semaphore, #tpu.memory_space<semaphore_mem>> -> memref<!tpu.dma_semaphore, #tpu.memory_space<semaphore_mem>>
        %dma_wait3A_585 = tpu.memref_slice %arg5[%multiple_of3A_576] : memref<320000xf32, #tpu.memory_space<hbm>> -> memref<16xf32, #tpu.memory_space<hbm>>
        %dma_wait3A_586 = arith.constant 0 : i32
        %dma_wait3A_587 = tpu.memref_slice %arg11[%dma_wait3A_577, %dma_wait3A_586] : memref<5x16xf32, #tpu.memory_space<vmem>> -> memref<1x16xf32, #tpu.memory_space<vmem>>
        %dma_wait3A_588 = tpu.memref_squeeze %dma_wait3A_587 : memref<1x16xf32, #tpu.memory_space<vmem>> -> memref<16xf32, #tpu.memory_space<vmem>>
        tpu.wait_dma2 semaphore(%dma_wait3A_584 : memref<!tpu.dma_semaphore, #tpu.memory_space<semaphore_mem>>) src(%dma_wait3A_588 : memref<16xf32, #tpu.memory_space<vmem>>) dst(%dma_wait3A_585 : memref<16xf32, #tpu.memory_space<hbm>>)
      } else {
      }
      %broadcast_in_dim3A_538 = arith.constant 0.000000e+00 : f32
      %broadcast_in_dim3A_539 = vector.broadcast %broadcast_in_dim3A_538 : f32 to vector<16xf32>
      %scan3A_540 = arith.constant 0 : i32
      %scan3A_541 = arith.constant 16 : i32
      %scan3A_542 = arith.addi %scan3A_540, %scan3A_541 : i32
      %scan3A_543 = arith.constant 1 : i32
      %scan3A_544 = scf.for %scan3A_572 = %scan3A_540 to %scan3A_542 step %scan3A_543 iter_args(%scan3A_573 = %broadcast_in_dim3A_539) -> (vector<16xf32>)  : i32 {
        %get3A = arith.constant 4 : i32
        %get3A_574 = arith.index_cast %get3A : i32 to index
        %get3A_575 = arith.index_cast %scan3A_572 : i32 to index
        %get3A_576 = arith.constant 0 : index
        %get3A_577 = tpu.vector_load %arg9[%get3A_574, %get3A_575, %get3A_576] {strides = array<i32>} : memref<5x16x128xf32, #tpu.memory_space<vmem>>, vector<16xf32>,
        %get3A_578 = arith.constant 4 : i32
        %get3A_579 = arith.index_cast %get3A_578 : i32 to index
        %get3A_580 = arith.index_cast %scan3A_572 : i32 to index
        %get3A_581 = arith.constant 0 : index
        %get3A_582 = tpu.vector_load %arg10[%get3A_579, %get3A_580, %get3A_581] {strides = array<i32>} : memref<5x16x128xf32, #tpu.memory_space<vmem>>, vector<16xf32>,
        %mul3A_583 = arith.mulf %get3A_577, %get3A_582 : vector<16xf32>
        %get3A_584 = arith.constant 4 : i32
        %get3A_585 = arith.index_cast %get3A_584 : i32 to index
        %get3A_586 = arith.index_cast %scan3A_572 : i32 to index
        %get3A_587 = arith.constant 16 : index
        %get3A_588 = tpu.vector_load %arg9[%get3A_585, %get3A_586, %get3A_587] {strides = array<i32>} : memref<5x16x128xf32, #tpu.memory_space<vmem>>, vector<16xf32>,
        %get3A_589 = arith.constant 4 : i32
        %get3A_590 = arith.index_cast %get3A_589 : i32 to index
        %get3A_591 = arith.index_cast %scan3A_572 : i32 to index
        %get3A_592 = arith.constant 16 : index
        %get3A_593 = tpu.vector_load %arg10[%get3A_590, %get3A_591, %get3A_592] {strides = array<i32>} : memref<5x16x128xf32, #tpu.memory_space<vmem>>, vector<16xf32>,
        %mul3A_594 = arith.mulf %get3A_588, %get3A_593 : vector<16xf32>
        %get3A_595 = arith.constant 4 : i32
        %get3A_596 = arith.index_cast %get3A_595 : i32 to index
        %get3A_597 = arith.index_cast %scan3A_572 : i32 to index
        %get3A_598 = arith.constant 32 : index
        %get3A_599 = tpu.vector_load %arg9[%get3A_596, %get3A_597, %get3A_598] {strides = array<i32>} : memref<5x16x128xf32, #tpu.memory_space<vmem>>, vector<16xf32>,
        %get3A_600 = arith.constant 4 : i32
        %get3A_601 = arith.index_cast %get3A_600 : i32 to index
        %get3A_602 = arith.index_cast %scan3A_572 : i32 to index
        %get3A_603 = arith.constant 32 : index
        %get3A_604 = tpu.vector_load %arg10[%get3A_601, %get3A_602, %get3A_603] {strides = array<i32>} : memref<5x16x128xf32, #tpu.memory_space<vmem>>, vector<16xf32>,
        %mul3A_605 = arith.mulf %get3A_599, %get3A_604 : vector<16xf32>
        %get3A_606 = arith.constant 4 : i32
        %get3A_607 = arith.index_cast %get3A_606 : i32 to index
        %get3A_608 = arith.index_cast %scan3A_572 : i32 to index
        %get3A_609 = arith.constant 48 : index
        %get3A_610 = tpu.vector_load %arg9[%get3A_607, %get3A_608, %get3A_609] {strides = array<i32>} : memref<5x16x128xf32, #tpu.memory_space<vmem>>, vector<16xf32>,
        %get3A_611 = arith.constant 4 : i32
        %get3A_612 = arith.index_cast %get3A_611 : i32 to index
        %get3A_613 = arith.index_cast %scan3A_572 : i32 to index
        %get3A_614 = arith.constant 48 : index
        %get3A_615 = tpu.vector_load %arg10[%get3A_612, %get3A_613, %get3A_614] {strides = array<i32>} : memref<5x16x128xf32, #tpu.memory_space<vmem>>, vector<16xf32>,
        %mul3A_616 = arith.mulf %get3A_610, %get3A_615 : vector<16xf32>
        %get3A_617 = arith.constant 4 : i32
        %get3A_618 = arith.index_cast %get3A_617 : i32 to index
        %get3A_619 = arith.index_cast %scan3A_572 : i32 to index
        %get3A_620 = arith.constant 64 : index
        %get3A_621 = tpu.vector_load %arg9[%get3A_618, %get3A_619, %get3A_620] {strides = array<i32>} : memref<5x16x128xf32, #tpu.memory_space<vmem>>, vector<16xf32>,
        %get3A_622 = arith.constant 4 : i32
        %get3A_623 = arith.index_cast %get3A_622 : i32 to index
        %get3A_624 = arith.index_cast %scan3A_572 : i32 to index
        %get3A_625 = arith.constant 64 : index
        %get3A_626 = tpu.vector_load %arg10[%get3A_623, %get3A_624, %get3A_625] {strides = array<i32>} : memref<5x16x128xf32, #tpu.memory_space<vmem>>, vector<16xf32>,
        %mul3A_627 = arith.mulf %get3A_621, %get3A_626 : vector<16xf32>
        %get3A_628 = arith.constant 4 : i32
        %get3A_629 = arith.index_cast %get3A_628 : i32 to index
        %get3A_630 = arith.index_cast %scan3A_572 : i32 to index
        %get3A_631 = arith.constant 80 : index
        %get3A_632 = tpu.vector_load %arg9[%get3A_629, %get3A_630, %get3A_631] {strides = array<i32>} : memref<5x16x128xf32, #tpu.memory_space<vmem>>, vector<16xf32>,
        %get3A_633 = arith.constant 4 : i32
        %get3A_634 = arith.index_cast %get3A_633 : i32 to index
        %get3A_635 = arith.index_cast %scan3A_572 : i32 to index
        %get3A_636 = arith.constant 80 : index
        %get3A_637 = tpu.vector_load %arg10[%get3A_634, %get3A_635, %get3A_636] {strides = array<i32>} : memref<5x16x128xf32, #tpu.memory_space<vmem>>, vector<16xf32>,
        %mul3A_638 = arith.mulf %get3A_632, %get3A_637 : vector<16xf32>
        %get3A_639 = arith.constant 4 : i32
        %get3A_640 = arith.index_cast %get3A_639 : i32 to index
        %get3A_641 = arith.index_cast %scan3A_572 : i32 to index
        %get3A_642 = arith.constant 96 : index
        %get3A_643 = tpu.vector_load %arg9[%get3A_640, %get3A_641, %get3A_642] {strides = array<i32>} : memref<5x16x128xf32, #tpu.memory_space<vmem>>, vector<16xf32>,
        %get3A_644 = arith.constant 4 : i32
        %get3A_645 = arith.index_cast %get3A_644 : i32 to index
        %get3A_646 = arith.index_cast %scan3A_572 : i32 to index
        %get3A_647 = arith.constant 96 : index
        %get3A_648 = tpu.vector_load %arg10[%get3A_645, %get3A_646, %get3A_647] {strides = array<i32>} : memref<5x16x128xf32, #tpu.memory_space<vmem>>, vector<16xf32>,
        %mul3A_649 = arith.mulf %get3A_643, %get3A_648 : vector<16xf32>
        %get3A_650 = arith.constant 4 : i32
        %get3A_651 = arith.index_cast %get3A_650 : i32 to index
        %get3A_652 = arith.index_cast %scan3A_572 : i32 to index
        %get3A_653 = arith.constant 112 : index
        %get3A_654 = tpu.vector_load %arg9[%get3A_651, %get3A_652, %get3A_653] {strides = array<i32>} : memref<5x16x128xf32, #tpu.memory_space<vmem>>, vector<16xf32>,
        %get3A_655 = arith.constant 4 : i32
        %get3A_656 = arith.index_cast %get3A_655 : i32 to index
        %get3A_657 = arith.index_cast %scan3A_572 : i32 to index
        %get3A_658 = arith.constant 112 : index
        %get3A_659 = tpu.vector_load %arg10[%get3A_656, %get3A_657, %get3A_658] {strides = array<i32>} : memref<5x16x128xf32, #tpu.memory_space<vmem>>, vector<16xf32>,
        %mul3A_660 = arith.mulf %get3A_654, %get3A_659 : vector<16xf32>
        %add3A_661 = arith.addf %mul3A_583, %mul3A_594 : vector<16xf32>
        %add3A_662 = arith.addf %mul3A_605, %mul3A_616 : vector<16xf32>
        %add3A_663 = arith.addf %mul3A_627, %mul3A_638 : vector<16xf32>
        %add3A_664 = arith.addf %mul3A_649, %mul3A_660 : vector<16xf32>
        %add3A_665 = arith.addf %add3A_661, %add3A_662 : vector<16xf32>
        %add3A_666 = arith.addf %add3A_663, %add3A_664 : vector<16xf32>
        %add3A_667 = arith.addf %add3A_665, %add3A_666 : vector<16xf32>
        %broadcast_in_dim3A_668 = arith.constant true
        %broadcast_in_dim3A_669 = vector.broadcast %broadcast_in_dim3A_668 : i1 to vector<16xi1>
        %masked_cumsum3A = tpu.scan <sum>, %add3A_667 masked %broadcast_in_dim3A_669 : vector<16xf32>, vector<16xi1> -> vector<16xf32>
        %broadcast_in_dim3A_670 = vector.shape_cast %broadcast_in_dim3A_5 : vector<16xi32> to vector<16x1xi32>
        %gather3A = vector.shape_cast %broadcast_in_dim3A_670 : vector<16x1xi32> to vector<16xi32>
        %gather3A_671 = tpu.dynamic_gather %masked_cumsum3A[%gather3A] in [0] : vector<16xf32>, vector<16xi32> -> vector<16xf32>
        %eq3A_672 = vector.broadcast %scan3A_572 : i32 to vector<16xi32>
        %eq3A_673 = arith.cmpi eq, %iota3A, %eq3A_672 : vector<16xi32>
        %select_n3A = arith.select %eq3A_673, %gather3A_671, %scan3A_573 : vector<16xi1>, vector<16xf32>
        scf.yield %select_n3A : vector<16xf32>
      }
      %scan3A_545 = arith.constant 16 : i32
      %swap3A_546 = arith.constant 4 : i32
      %swap3A_547 = arith.index_cast %swap3A_546 : i32 to index
      %swap3A_548 = arith.constant 0 : index
      %swap3A_549 = tpu.vector_load %arg11[%swap3A_547, %swap3A_548] {strides = array<i32>} : memref<5x16xf32, #tpu.memory_space<vmem>>, vector<16xf32>,
      tpu.vector_store %arg11[%swap3A_547, %swap3A_548], %scan3A_544 {strides = array<i32>} : memref<5x16xf32, #tpu.memory_space<vmem>>, vector<16xf32>,
      %mul3A_550 = arith.constant 16 : i32
      %mul3A_551 = arith.muli %add3A_505, %mul3A_550 : i32
      %add3A_552 = arith.addi %multiple_of3A, %mul3A_551 : i32
      %multiple_of3A_553 = tpu.assume_multiple %add3A_552, 8 : i32
      %dma_start3A_554 = arith.constant 4 : i32
      %dma_start3A_555 = arith.constant 4 : i32
      %dma_start3A_556 = arith.constant 0 : i32
      %dma_start3A_557 = tpu.memref_slice %arg11[%dma_start3A_554, %dma_start3A_556] : memref<5x16xf32, #tpu.memory_space<vmem>> -> memref<1x16xf32, #tpu.memory_space<vmem>>
      %dma_start3A_558 = tpu.memref_squeeze %dma_start3A_557 : memref<1x16xf32, #tpu.memory_space<vmem>> -> memref<16xf32, #tpu.memory_space<vmem>>
      %dma_start3A_559 = tpu.memref_slice %arg5[%multiple_of3A_553] : memref<320000xf32, #tpu.memory_space<hbm>> -> memref<16xf32, #tpu.memory_space<hbm>>
      %dma_start3A_560 = tpu.memref_slice %arg14[%dma_start3A_555] : memref<5x!tpu.dma_semaphore, #tpu.memory_space<semaphore_mem>> -> memref<1x!tpu.dma_semaphore, #tpu.memory_space<semaphore_mem>>
      %dma_start3A_561 = tpu.memref_squeeze %dma_start3A_560 : memref<1x!tpu.dma_semaphore, #tpu.memory_space<semaphore_mem>> -> memref<!tpu.dma_semaphore, #tpu.memory_space<semaphore_mem>>
      %dma_start3A_562 = tpu.memref_slice %arg5[%multiple_of3A_553] : memref<320000xf32, #tpu.memory_space<hbm>> -> memref<16xf32, #tpu.memory_space<hbm>>
      %dma_start3A_563 = arith.constant 0 : i32
      %dma_start3A_564 = tpu.memref_slice %arg11[%dma_start3A_554, %dma_start3A_563] : memref<5x16xf32, #tpu.memory_space<vmem>> -> memref<1x16xf32, #tpu.memory_space<vmem>>
      %dma_start3A_565 = tpu.memref_squeeze %dma_start3A_564 : memref<1x16xf32, #tpu.memory_space<vmem>> -> memref<16xf32, #tpu.memory_space<vmem>>
      tpu.enqueue_dma source(%dma_start3A_565 : memref<16xf32, #tpu.memory_space<vmem>>) target(%dma_start3A_562 : memref<16xf32, #tpu.memory_space<hbm>>) target_semaphore(%dma_start3A_561 : memref<!tpu.dma_semaphore, #tpu.memory_space<semaphore_mem>>)
      %lt3A_566 = arith.constant 124 : i32
      %lt3A_567 = arith.cmpi slt, %scan3A_227, %lt3A_566 : i32
      %convert_element_type3A_568 = arith.extui %lt3A_567 : i1 to i32
      %cond3A_569 = arith.constant 0 : i32
      %cond3A_570 = arith.cmpi ne, %convert_element_type3A_568, %cond3A_569 : i32
      scf.if %cond3A_570 {
        %add3A_572 = arith.constant 5 : i32
        %add3A_573 = arith.addi %add3A_505, %add3A_572 : i32
        %mul3A_574 = arith.constant 16 : i32
        %mul3A_575 = arith.muli %add3A_573, %mul3A_574 : i32
        %multiple_of3A_576 = tpu.assume_multiple %mul3A_575, 8 : i32
        %dma_start3A_577 = arith.constant 4 : i32
        %dma_start3A_578 = arith.constant 4 : i32
        %dma_start3A_579 = arith.constant 0 : i32
        %dma_start3A_580 = arith.constant 0 : i32
        %dma_start3A_581 = tpu.memref_slice %arg9[%dma_start3A_577, %dma_start3A_579, %dma_start3A_580] : memref<5x16x128xf32, #tpu.memory_space<vmem>> -> memref<1x16x128xf32, #tpu.memory_space<vmem>>
        %dma_start3A_582 = tpu.memref_squeeze %dma_start3A_581 : memref<1x16x128xf32, #tpu.memory_space<vmem>> -> memref<16x128xf32, #tpu.memory_space<vmem>>
        %dma_start3A_583 = tpu.memref_slice %arg7[%multiple_of3A_576] : memref<10000xi32, #tpu.memory_space<vmem>> -> memref<16xi32, #tpu.memory_space<vmem>>
        %dma_start3A_584 = arith.constant 0 : i32
        %dma_start3A_585 = arith.constant 0 : i32
        %dma_start3A_586 = tpu.memref_slice %arg6[%dma_start3A_584, %dma_start3A_585] : memref<10000x128xf32, #tpu.memory_space<vmem_shared>> -> memref<10000x128xf32, #tpu.memory_space<vmem_shared>>
        %dma_start3A_587 = tpu.memref_slice %arg12[%dma_start3A_578] : memref<5x!tpu.dma_semaphore, #tpu.memory_space<semaphore_mem>> -> memref<1x!tpu.dma_semaphore, #tpu.memory_space<semaphore_mem>>
        %dma_start3A_588 = tpu.memref_squeeze %dma_start3A_587 : memref<1x!tpu.dma_semaphore, #tpu.memory_space<semaphore_mem>> -> memref<!tpu.dma_semaphore, #tpu.memory_space<semaphore_mem>>
        tpu.enqueue_indirect_dma source(%dma_start3A_586 : memref<10000x128xf32, #tpu.memory_space<vmem_shared>>) target(%dma_start3A_582 : memref<16x128xf32, #tpu.memory_space<vmem>>) offsets(%dma_start3A_583 : memref<16xi32, #tpu.memory_space<vmem>>) semaphore(%dma_start3A_588 : memref<!tpu.dma_semaphore, #tpu.memory_space<semaphore_mem>>)
        %dma_start3A_589 = arith.constant 4 : i32
        %dma_start3A_590 = arith.constant 4 : i32
        %dma_start3A_591 = arith.constant 0 : i32
        %dma_start3A_592 = arith.constant 0 : i32
        %dma_start3A_593 = tpu.memref_slice %arg10[%dma_start3A_589, %dma_start3A_591, %dma_start3A_592] : memref<5x16x128xf32, #tpu.memory_space<vmem>> -> memref<1x16x128xf32, #tpu.memory_space<vmem>>
        %dma_start3A_594 = tpu.memref_squeeze %dma_start3A_593 : memref<1x16x128xf32, #tpu.memory_space<vmem>> -> memref<16x128xf32, #tpu.memory_space<vmem>>
        %dma_start3A_595 = tpu.memref_slice %arg8[%multiple_of3A_576] : memref<10000xi32, #tpu.memory_space<vmem>> -> memref<16xi32, #tpu.memory_space<vmem>>
        %dma_start3A_596 = arith.constant 0 : i32
        %dma_start3A_597 = arith.constant 0 : i32
        %dma_start3A_598 = tpu.memref_slice %arg6[%dma_start3A_596, %dma_start3A_597] : memref<10000x128xf32, #tpu.memory_space<vmem_shared>> -> memref<10000x128xf32, #tpu.memory_space<vmem_shared>>
        %dma_start3A_599 = tpu.memref_slice %arg13[%dma_start3A_590] : memref<5x!tpu.dma_semaphore, #tpu.memory_space<semaphore_mem>> -> memref<1x!tpu.dma_semaphore, #tpu.memory_space<semaphore_mem>>
        %dma_start3A_600 = tpu.memref_squeeze %dma_start3A_599 : memref<1x!tpu.dma_semaphore, #tpu.memory_space<semaphore_mem>> -> memref<!tpu.dma_semaphore, #tpu.memory_space<semaphore_mem>>
        tpu.enqueue_indirect_dma source(%dma_start3A_598 : memref<10000x128xf32, #tpu.memory_space<vmem_shared>>) target(%dma_start3A_594 : memref<16x128xf32, #tpu.memory_space<vmem>>) offsets(%dma_start3A_595 : memref<16xi32, #tpu.memory_space<vmem>>) semaphore(%dma_start3A_600 : memref<!tpu.dma_semaphore, #tpu.memory_space<semaphore_mem>>)
      } else {
      }
      %scan3A_571 = arith.constant 0 : i32
      scf.yield %scan3A_571 : i32
    }
    %scan3A_152 = arith.constant 123 : i32
    %add3A_153 = arith.constant 9920 : i32
    %add3A_154 = arith.addi %multiple_of3A, %add3A_153 : i32
    %multiple_of3A_155 = tpu.assume_multiple %add3A_154, 8 : i32
    %dma_wait3A = arith.constant 0 : i32
    %dma_wait3A_156 = arith.constant 0 : i32
    %dma_wait3A_157 = arith.constant 0 : i32
    %dma_wait3A_158 = tpu.memref_slice %arg11[%dma_wait3A, %dma_wait3A_157] : memref<5x16xf32, #tpu.memory_space<vmem>> -> memref<1x16xf32, #tpu.memory_space<vmem>>
    %dma_wait3A_159 = tpu.memref_squeeze %dma_wait3A_158 : memref<1x16xf32, #tpu.memory_space<vmem>> -> memref<16xf32, #tpu.memory_space<vmem>>
    %dma_wait3A_160 = tpu.memref_slice %arg5[%multiple_of3A_155] : memref<320000xf32, #tpu.memory_space<hbm>> -> memref<16xf32, #tpu.memory_space<hbm>>
    %dma_wait3A_161 = tpu.memref_slice %arg14[%dma_wait3A_156] : memref<5x!tpu.dma_semaphore, #tpu.memory_space<semaphore_mem>> -> memref<1x!tpu.dma_semaphore, #tpu.memory_space<semaphore_mem>>
    %dma_wait3A_162 = tpu.memref_squeeze %dma_wait3A_161 : memref<1x!tpu.dma_semaphore, #tpu.memory_space<semaphore_mem>> -> memref<!tpu.dma_semaphore, #tpu.memory_space<semaphore_mem>>
    %dma_wait3A_163 = tpu.memref_slice %arg5[%multiple_of3A_155] : memref<320000xf32, #tpu.memory_space<hbm>> -> memref<16xf32, #tpu.memory_space<hbm>>
    %dma_wait3A_164 = arith.constant 0 : i32
    %dma_wait3A_165 = tpu.memref_slice %arg11[%dma_wait3A, %dma_wait3A_164] : memref<5x16xf32, #tpu.memory_space<vmem>> -> memref<1x16xf32, #tpu.memory_space<vmem>>
    %dma_wait3A_166 = tpu.memref_squeeze %dma_wait3A_165 : memref<1x16xf32, #tpu.memory_space<vmem>> -> memref<16xf32, #tpu.memory_space<vmem>>
    tpu.wait_dma2 semaphore(%dma_wait3A_162 : memref<!tpu.dma_semaphore, #tpu.memory_space<semaphore_mem>>) src(%dma_wait3A_166 : memref<16xf32, #tpu.memory_space<vmem>>) dst(%dma_wait3A_163 : memref<16xf32, #tpu.memory_space<hbm>>)
    %add3A_167 = arith.constant 9936 : i32
    %add3A_168 = arith.addi %multiple_of3A, %add3A_167 : i32
    %multiple_of3A_169 = tpu.assume_multiple %add3A_168, 8 : i32
    %dma_wait3A_170 = arith.constant 1 : i32
    %dma_wait3A_171 = arith.constant 1 : i32
    %dma_wait3A_172 = arith.constant 0 : i32
    %dma_wait3A_173 = tpu.memref_slice %arg11[%dma_wait3A_170, %dma_wait3A_172] : memref<5x16xf32, #tpu.memory_space<vmem>> -> memref<1x16xf32, #tpu.memory_space<vmem>>
    %dma_wait3A_174 = tpu.memref_squeeze %dma_wait3A_173 : memref<1x16xf32, #tpu.memory_space<vmem>> -> memref<16xf32, #tpu.memory_space<vmem>>
    %dma_wait3A_175 = tpu.memref_slice %arg5[%multiple_of3A_169] : memref<320000xf32, #tpu.memory_space<hbm>> -> memref<16xf32, #tpu.memory_space<hbm>>
    %dma_wait3A_176 = tpu.memref_slice %arg14[%dma_wait3A_171] : memref<5x!tpu.dma_semaphore, #tpu.memory_space<semaphore_mem>> -> memref<1x!tpu.dma_semaphore, #tpu.memory_space<semaphore_mem>>
    %dma_wait3A_177 = tpu.memref_squeeze %dma_wait3A_176 : memref<1x!tpu.dma_semaphore, #tpu.memory_space<semaphore_mem>> -> memref<!tpu.dma_semaphore, #tpu.memory_space<semaphore_mem>>
    %dma_wait3A_178 = tpu.memref_slice %arg5[%multiple_of3A_169] : memref<320000xf32, #tpu.memory_space<hbm>> -> memref<16xf32, #tpu.memory_space<hbm>>
    %dma_wait3A_179 = arith.constant 0 : i32
    %dma_wait3A_180 = tpu.memref_slice %arg11[%dma_wait3A_170, %dma_wait3A_179] : memref<5x16xf32, #tpu.memory_space<vmem>> -> memref<1x16xf32, #tpu.memory_space<vmem>>
    %dma_wait3A_181 = tpu.memref_squeeze %dma_wait3A_180 : memref<1x16xf32, #tpu.memory_space<vmem>> -> memref<16xf32, #tpu.memory_space<vmem>>
    tpu.wait_dma2 semaphore(%dma_wait3A_177 : memref<!tpu.dma_semaphore, #tpu.memory_space<semaphore_mem>>) src(%dma_wait3A_181 : memref<16xf32, #tpu.memory_space<vmem>>) dst(%dma_wait3A_178 : memref<16xf32, #tpu.memory_space<hbm>>)
    %add3A_182 = arith.constant 9952 : i32
    %add3A_183 = arith.addi %multiple_of3A, %add3A_182 : i32
    %multiple_of3A_184 = tpu.assume_multiple %add3A_183, 8 : i32
    %dma_wait3A_185 = arith.constant 2 : i32
    %dma_wait3A_186 = arith.constant 2 : i32
    %dma_wait3A_187 = arith.constant 0 : i32
    %dma_wait3A_188 = tpu.memref_slice %arg11[%dma_wait3A_185, %dma_wait3A_187] : memref<5x16xf32, #tpu.memory_space<vmem>> -> memref<1x16xf32, #tpu.memory_space<vmem>>
    %dma_wait3A_189 = tpu.memref_squeeze %dma_wait3A_188 : memref<1x16xf32, #tpu.memory_space<vmem>> -> memref<16xf32, #tpu.memory_space<vmem>>
    %dma_wait3A_190 = tpu.memref_slice %arg5[%multiple_of3A_184] : memref<320000xf32, #tpu.memory_space<hbm>> -> memref<16xf32, #tpu.memory_space<hbm>>
    %dma_wait3A_191 = tpu.memref_slice %arg14[%dma_wait3A_186] : memref<5x!tpu.dma_semaphore, #tpu.memory_space<semaphore_mem>> -> memref<1x!tpu.dma_semaphore, #tpu.memory_space<semaphore_mem>>
    %dma_wait3A_192 = tpu.memref_squeeze %dma_wait3A_191 : memref<1x!tpu.dma_semaphore, #tpu.memory_space<semaphore_mem>> -> memref<!tpu.dma_semaphore, #tpu.memory_space<semaphore_mem>>
    %dma_wait3A_193 = tpu.memref_slice %arg5[%multiple_of3A_184] : memref<320000xf32, #tpu.memory_space<hbm>> -> memref<16xf32, #tpu.memory_space<hbm>>
    %dma_wait3A_194 = arith.constant 0 : i32
    %dma_wait3A_195 = tpu.memref_slice %arg11[%dma_wait3A_185, %dma_wait3A_194] : memref<5x16xf32, #tpu.memory_space<vmem>> -> memref<1x16xf32, #tpu.memory_space<vmem>>
    %dma_wait3A_196 = tpu.memref_squeeze %dma_wait3A_195 : memref<1x16xf32, #tpu.memory_space<vmem>> -> memref<16xf32, #tpu.memory_space<vmem>>
    tpu.wait_dma2 semaphore(%dma_wait3A_192 : memref<!tpu.dma_semaphore, #tpu.memory_space<semaphore_mem>>) src(%dma_wait3A_196 : memref<16xf32, #tpu.memory_space<vmem>>) dst(%dma_wait3A_193 : memref<16xf32, #tpu.memory_space<hbm>>)
    %add3A_197 = arith.constant 9968 : i32
    %add3A_198 = arith.addi %multiple_of3A, %add3A_197 : i32
    %multiple_of3A_199 = tpu.assume_multiple %add3A_198, 8 : i32
    %dma_wait3A_200 = arith.constant 3 : i32
    %dma_wait3A_201 = arith.constant 3 : i32
    %dma_wait3A_202 = arith.constant 0 : i32
    %dma_wait3A_203 = tpu.memref_slice %arg11[%dma_wait3A_200, %dma_wait3A_202] : memref<5x16xf32, #tpu.memory_space<vmem>> -> memref<1x16xf32, #tpu.memory_space<vmem>>
    %dma_wait3A_204 = tpu.memref_squeeze %dma_wait3A_203 : memref<1x16xf32, #tpu.memory_space<vmem>> -> memref<16xf32, #tpu.memory_space<vmem>>
    %dma_wait3A_205 = tpu.memref_slice %arg5[%multiple_of3A_199] : memref<320000xf32, #tpu.memory_space<hbm>> -> memref<16xf32, #tpu.memory_space<hbm>>
    %dma_wait3A_206 = tpu.memref_slice %arg14[%dma_wait3A_201] : memref<5x!tpu.dma_semaphore, #tpu.memory_space<semaphore_mem>> -> memref<1x!tpu.dma_semaphore, #tpu.memory_space<semaphore_mem>>
    %dma_wait3A_207 = tpu.memref_squeeze %dma_wait3A_206 : memref<1x!tpu.dma_semaphore, #tpu.memory_space<semaphore_mem>> -> memref<!tpu.dma_semaphore, #tpu.memory_space<semaphore_mem>>
    %dma_wait3A_208 = tpu.memref_slice %arg5[%multiple_of3A_199] : memref<320000xf32, #tpu.memory_space<hbm>> -> memref<16xf32, #tpu.memory_space<hbm>>
    %dma_wait3A_209 = arith.constant 0 : i32
    %dma_wait3A_210 = tpu.memref_slice %arg11[%dma_wait3A_200, %dma_wait3A_209] : memref<5x16xf32, #tpu.memory_space<vmem>> -> memref<1x16xf32, #tpu.memory_space<vmem>>
    %dma_wait3A_211 = tpu.memref_squeeze %dma_wait3A_210 : memref<1x16xf32, #tpu.memory_space<vmem>> -> memref<16xf32, #tpu.memory_space<vmem>>
    tpu.wait_dma2 semaphore(%dma_wait3A_207 : memref<!tpu.dma_semaphore, #tpu.memory_space<semaphore_mem>>) src(%dma_wait3A_211 : memref<16xf32, #tpu.memory_space<vmem>>) dst(%dma_wait3A_208 : memref<16xf32, #tpu.memory_space<hbm>>)
    %add3A_212 = arith.constant 9984 : i32
    %add3A_213 = arith.addi %multiple_of3A, %add3A_212 : i32
    %multiple_of3A_214 = tpu.assume_multiple %add3A_213, 8 : i32
    %dma_wait3A_215 = arith.constant 4 : i32
    %dma_wait3A_216 = arith.constant 4 : i32
    %dma_wait3A_217 = arith.constant 0 : i32
    %dma_wait3A_218 = tpu.memref_slice %arg11[%dma_wait3A_215, %dma_wait3A_217] : memref<5x16xf32, #tpu.memory_space<vmem>> -> memref<1x16xf32, #tpu.memory_space<vmem>>
    %dma_wait3A_219 = tpu.memref_squeeze %dma_wait3A_218 : memref<1x16xf32, #tpu.memory_space<vmem>> -> memref<16xf32, #tpu.memory_space<vmem>>
    %dma_wait3A_220 = tpu.memref_slice %arg5[%multiple_of3A_214] : memref<320000xf32, #tpu.memory_space<hbm>> -> memref<16xf32, #tpu.memory_space<hbm>>
    %dma_wait3A_221 = tpu.memref_slice %arg14[%dma_wait3A_216] : memref<5x!tpu.dma_semaphore, #tpu.memory_space<semaphore_mem>> -> memref<1x!tpu.dma_semaphore, #tpu.memory_space<semaphore_mem>>
    %dma_wait3A_222 = tpu.memref_squeeze %dma_wait3A_221 : memref<1x!tpu.dma_semaphore, #tpu.memory_space<semaphore_mem>> -> memref<!tpu.dma_semaphore, #tpu.memory_space<semaphore_mem>>
    %dma_wait3A_223 = tpu.memref_slice %arg5[%multiple_of3A_214] : memref<320000xf32, #tpu.memory_space<hbm>> -> memref<16xf32, #tpu.memory_space<hbm>>
    %dma_wait3A_224 = arith.constant 0 : i32
    %dma_wait3A_225 = tpu.memref_slice %arg11[%dma_wait3A_215, %dma_wait3A_224] : memref<5x16xf32, #tpu.memory_space<vmem>> -> memref<1x16xf32, #tpu.memory_space<vmem>>
    %dma_wait3A_226 = tpu.memref_squeeze %dma_wait3A_225 : memref<1x16xf32, #tpu.memory_space<vmem>> -> memref<16xf32, #tpu.memory_space<vmem>>
    tpu.wait_dma2 semaphore(%dma_wait3A_222 : memref<!tpu.dma_semaphore, #tpu.memory_space<semaphore_mem>>) src(%dma_wait3A_226 : memref<16xf32, #tpu.memory_space<vmem>>) dst(%dma_wait3A_223 : memref<16xf32, #tpu.memory_space<hbm>>)
    return
  }
}

</mosaic_0001>

<sc_bundles>
// kernel: kernel.3.cloned.1.call-start
scs
__scs_entry_jumppad:
0x0: {  	(pc) =	sbr.rel $0x88, $3  }
0x1: {  	(tag) =	ssettag $0x0;
	lr =	simm.s32 $0x1  }
0x2: {  	[smem:$0x3F9E] =	sst lr;
	_ =	strace $0xD0000000  }
0x3: {  	_ = 	snop  }
0x4: {  	_ = 	snop  }
0x5: {  	_ = 	snop  }
0x6: {  	_ = 	snop  }
0x7: {  	_ = 	snop  }
__scs_overlays_trampoline_lowered:
0x8: {  	[smem:$0x3FAD] =	sst s0  }
0x9: {  	[smem:$0x3FAE] =	sst s1  }
0xa: {  	[smem:$0x3FAF] =	sst s2  }
0xb: {  	[smem:$0x3FB0] =	sst s3  }
0xc: {  	[smem:$0x3FB1] =	sst s4  }
0xd: {  	[smem:$0x3FB2] =	sst s5  }
0xe: {  	[smem:$0x3FB3] =	sst s6  }
0xf: {  	[smem:$0x3FB4] =	sst s7  }
0x10: {  	[smem:$0x3FB5] =	sst s8  }
0x11: {  	[smem:$0x3FB6] =	sst s9;
	s0 =	simm.s32 @!p0 $0x0  }
0x12: {  	s1 =	sld [smem:$0x3F9C];
	s0 =	simm.s32 @p0 $0x1  }
0x13: {  	[smem:$0x3FB7] =	sst s0;
	s0 =	simm.s32 @!p1 $0x0  }
0x14: {  	s2 =	sld [smem:$0x3F9B];
	s0 =	simm.s32 @p1 $0x1  }
0x15: {  	[smem:$0x3FB8] =	sst s0;
	s0 =	simm.s32 @!p2 $0x0  }
0x16: {  	s3 =	sld [smem:$0x3FDB];
	s0 =	simm.s32 @p2 $0x1  }
0x17: {  	s4 =	simm.s32 $0x1BF5;
	[smem:$0x3FBA] =	sst s0  }
0x18: {  	s0 =	sld [smem:$0x3F9D];
	_ =	swait.ge [sflag:s4], $0x0  }
0x19: {  	s7 =	sld [smem:$0x3F9E]  }
0x1a: {  	s8 =	sadd.s32 $0xFFFFE003, lr  }
0x1b: {  	s9 =	sadd.s32 $0xFFFFFEF7, lr;
	s5 =	simm.s32 $0xFFFFFFFF;
	p2 =	slt.u32 s8, $0xFFFFF086  }
0x1c: {  	p1 =	slt.u32 s9, $0xF7A;
	s5 =	simm.s32 @!p2 $0x0  }
0x1d: {  	s5 =	simm.s32 @p1 $0x1;
	p0 =	seq.s32 s7, s2  }
0x1e: {  	s7 =	smul.u32 @!p0 $0xF7A, s2;
	p2 =	seq.s32 @!p0 s5, $0x0  }
0x1f: {  	s9 =	smul.u32 $0xF7A, s1;
	s8 =	simm.s32 @!p0 $0x1BF5;
	p2 =	por !p2, p0  }
0x20: {  	[sflag:s8] =	ssyncset.s32 @!p0 $0xFFFFF086;
	s6 =	sadd.s32 @!p0 s3, s7;
	s7 =	simm.s32 @!p0 $0x108  }
0x21: {  	s3 =	sadd.s32 s3, s9;
	s6 =	sadd.s32 @!p0 $0x88, s6;
	s7 =	simm.s32 @p2 $0x1082  }
0x22: {  	[simem:s7], [sflag:s8] =	dma.local @!p0 [hbm:s6], $0xF7A  }
0x23: {  	s9 =	sor.u32 $0xD0000000, s2;
	s6 =	simm.s32 $0x108;
	_ =	swait.ge @!p0 [sflag:s8], $0x0  }
0x24: {  	s3 =	sadd.s32 $0x88, s3;
	s6 =	simm.s32 @!p1 $0x1082;
	[sflag:s4] =	ssyncset.s32 $0xFFFFF086  }
0x25: {  	[simem:s6], [sflag:s4] =	dma.local [hbm:s3], $0xF7A  }
0x26: {  	[smem:$0x3F9E] =	sst s1;
	(tag) =	ssettag s2;
	_ =	strace s9  }
0x27: {  	s1 =	sld [smem:$0x3FAE]  }
0x28: {  	s2 =	sld [smem:$0x3FAF]  }
0x29: {  	s4 =	sld [smem:$0x3FB1]  }
0x2a: {  	p0 =	seq.s32 s5, $0x0;
	s5 =	sld [smem:$0x3FB2]  }
0x2b: {  	s6 =	sld [smem:$0x3FB3]  }
0x2c: {  	s7 =	sld [smem:$0x3FB4]  }
0x2d: {  	s3 =	simm.s32 $0x108;
	s8 =	sld [smem:$0x3FB5]  }
0x2e: {  	s3 =	simm.s32 @!p0 $0x1082;
	s9 =	sld [smem:$0x3FB6]  }
0x2f: {  	lr =	sadd.s32 s0, s3;
	s0 =	sld [smem:$0x3FAD]  }
0x30: {  	s3 =	sld [smem:$0x3FB0]  }
0x31: {  	[smem:$0x3FB9] =	sst s10  }
0x32: {  	s10 =	sld [smem:$0x3FB7];
	_ =	sdelay $0x3  }
0x33: {  	p0 =	seq.s32 s10, $0x1;
	s10 =	sld [smem:$0x3FB9];
	_ =	sdelay $0x3  }
0x34: {  	[smem:$0x3FB9] =	sst s10  }
0x35: {  	s10 =	sld [smem:$0x3FB8];
	_ =	sdelay $0x3  }
0x36: {  	p1 =	seq.s32 s10, $0x1;
	s10 =	sld [smem:$0x3FB9];
	_ =	sdelay $0x3  }
0x37: {  	[smem:$0x3FB9] =	sst s10  }
0x38: {  	s10 =	sld [smem:$0x3FBA]  }
0x39: {  	_ = 	snop;
	(pc) =	sbr.ind lr, $3  }
0x3a: {  	_ = 	snop  }
0x3b: {  	_ = 	snop  }
0x3c: {  	p2 =	seq.s32 s10, $0x1;
	s10 =	sld [smem:$0x3FB9]  }
0x3d: {  	_ =	shalt  }
0x3e: {  	_ =	shalt  }
0x3f: {  	_ =	shalt  }
0x40: {  	_ =	shalt  }
0x41: {  	_ =	shalt  }
0x42: {  	_ =	shalt  }
0x43: {  	_ =	shalt  }
0x44: {  	_ =	shalt  }
0x45: {  	_ =	shalt  }
0x46: {  	_ =	shalt  }
0x47: {  	_ =	shalt  }
0x48: {  	_ =	shalt  }
0x49: {  	_ =	shalt  }
0x4a: {  	_ =	shalt  }
0x4b: {  	_ =	shalt  }
0x4c: {  	_ =	shalt  }
0x4d: {  	_ =	shalt  }
0x4e: {  	_ =	shalt  }
0x4f: {  	_ =	shalt  }
0x50: {  	_ =	shalt  }
0x51: {  	_ =	shalt  }
0x52: {  	_ =	shalt  }
0x53: {  	_ =	shalt  }
0x54: {  	_ =	shalt  }
0x55: {  	_ =	shalt  }
0x56: {  	_ =	shalt  }
0x57: {  	_ =	shalt  }
0x58: {  	_ =	shalt  }
0x59: {  	_ =	shalt  }
0x5a: {  	_ =	shalt  }
0x5b: {  	_ =	shalt  }
0x5c: {  	_ =	shalt  }
0x5d: {  	_ =	shalt  }
0x5e: {  	_ =	shalt  }
0x5f: {  	_ =	shalt  }
0x60: {  	_ =	shalt  }
0x61: {  	_ =	shalt  }
0x62: {  	_ =	shalt  }
0x63: {  	_ =	shalt  }
0x64: {  	_ =	shalt  }
0x65: {  	_ =	shalt  }
0x66: {  	_ =	shalt  }
0x67: {  	_ =	shalt  }
0x68: {  	_ =	shalt  }
0x69: {  	_ =	shalt  }
0x6a: {  	_ =	shalt  }
0x6b: {  	_ =	shalt  }
0x6c: {  	_ =	shalt  }
0x6d: {  	_ =	shalt  }
0x6e: {  	_ =	shalt  }
0x6f: {  	_ =	shalt  }
0x70: {  	_ =	shalt  }
0x71: {  	_ =	shalt  }
0x72: {  	_ =	shalt  }
0x73: {  	_ =	shalt  }
0x74: {  	_ =	shalt  }
0x75: {  	_ =	shalt  }
0x76: {  	_ =	shalt  }
0x77: {  	_ =	shalt  }
0x78: {  	_ =	shalt  }
0x79: {  	_ =	shalt  }
0x7a: {  	_ =	shalt  }
0x7b: {  	_ =	shalt  }
0x7c: {  	_ =	shalt  }
0x7d: {  	_ =	shalt  }
0x7e: {  	_ =	shalt  }
0x7f: {  	_ =	shalt  }
0x80: {  	_ =	shalt  }
0x81: {  	_ =	shalt  }
0x82: {  	_ =	shalt  }
0x83: {  	_ =	shalt  }
0x84: {  	_ =	shalt  }
0x85: {  	_ =	shalt  }
0x86: {  	_ =	shalt  }
0x87: {  	_ =	shalt  }
.Lfunc_end0:
.L_simem_size_0:
called_computation_lowered:
.L_overlay_start_0:
0x88: {  	s2 =	sld [smem:$0x3FD9]  }
0x89: {  	s3 =	sld [smem:$0x3FFE];
	_ =	sdelay $0x1  }
0x8a: {  	s1 =	srdreg.scid  }
0x8b: {  	s0 =	sand.u32 $0x1, s1  }
0x8c: {  	s18 =	sshll.u32 s0, $0xA;
	s2 =	sadd.s32 s3, s2  }
0x8d: {  	s2 =	sadd.s32 s2, s18  }
0x8e: {  	[smem:$0x3FC5] =	sst s2  }
0x8f: {  	_ = 	snop  }
0x90: {  	s2 =	sld [smem:$0x3FC9]  }
0x91: {  	s19 =	sld [smem:$0x3FC8]  }
0x92: {  	s4 =	sld [smem:$0x3FC7]  }
0x93: {  	s5 =	sld [smem:$0x3FD0];
	(tm) =	ssettm $0x1  }
0x94: {  	s6 =	sld [smem:$0x3FFB];
	_ =	sdelay $0x3  }
0x95: {  	_ =	strace s6  }
0x96: {  	s6 =	sld [smem:$0x3FFC];
	_ =	sdelay $0x3  }
0x97: {  	_ =	strace s6  }
0x98: {  	s6 =	sld [smem:$0x3FFD];
	_ =	sdelay $0x3  }
0x99: {  	_ =	strace s6  }
0x9a: {  	_ =	strace $0x8FFFFFFF  }
0x9b: {  	s20 =	sld [smem:$0x3FDB];
	_ =	sdelay $0x1  }
0x9c: {  	s7 =	simm.s32 $_scs_section_size  }
0x9d: {  	s8 =	simm.s32 $_size__tile_overlayer_lowered;
	s9 =	simm.s32 $_tile_overlayer_lowered  }
0x9e: {  	s23 =	simm.s32 $0x1BFF;
	s22 =	sshll.u32 s9, $0x1;
	s6 =	sadd.s32 s7, s20  }
0x9f: {  	s10 =	simm.s32 $0x0;
	s21 =	sshll.u32 s8, $0x1;
	s8 =	sadd.s32 s22, s6  }
0xa0: {  	[timem:s10], [sflag:s23] =	dma.local [hbm:s8], s21  }
0xa1: {  	_ =	swait.ge [sflag:s23], s21  }
0xa2: {  	s7 =	ssub.s32 $0x0, s21;
	[sflag:s23] =	ssyncset.done $0x0  }
0xa3: {  	[sflag:s23] =	ssyncadd.s32 s7;
	_ =	sdelay $0x1  }
0xa4: {  	s24 =	simm.s32 $0x1B8B  }
0xa5: {  	_ =	swait.ge [sflag:s24], $0x1  }
0xa6: {  	[sflag:s24] =	ssyncset.done $0x0  }
0xa7: {  	s25 =	simm.s32 $0x1B8E;
	[sflag:s24] =	ssyncadd.s32 $0xFFFFFFFF  }
0xa8: {  	s26 =	simm.s32 $execute0_lowered;
	[smem:$0x3FD2] =	sst s25  }
0xa9: {  	s7 =	sshll.u32 s26, $0x1;
	_ =	strace $0x80000046;
	[dreg:$0x1] =	wrdreg $0xFFFFFFFF  }
0xaa: {  	s28 =	simm.s32 $_size_execute0_lowered;
	s6 =	sadd.s32 s6, s7;
	[dreg:$0x0] =	wrdreg $0x0  }
0xab: {  	s7 =	sshll.u32 s28, $0x1;
	[dreg:$0x2] =	wrdreg s6  }
0xac: {  	[dreg:$0x3] =	wrdreg s7  }
0xad: {  	[dreg:$0x4] =	wrdreg $0xC0  }
0xae: {  	_ =	task [dreg:s10], $0x5FFFF  }
0xaf: {  	[dreg:$0x1] =	wrdreg $0xFFFFFFFF  }
0xb0: {  	[dreg:$0x0] =	wrdreg $0x60  }
0xb1: {  	[dreg:$0x2] =	wrdreg s2  }
0xb2: {  	[dreg:$0x3] =	wrdreg s19  }
0xb3: {  	[dreg:$0x4] =	wrdreg s4  }
0xb4: {  	[dreg:$0x5] =	wrdreg s5  }
0xb5: {  	[dreg:$0x6] =	wrdreg $0x0  }
0xb6: {  	[dreg:$0x7] =	wrdreg $0x9  }
0xb7: {  	_ =	task.clear_ibuf [dreg:s10], $0x8FFFF;
	_ =	strace $0x90000046  }
0xb8: {  	s29 =	simm.s32 $0x9;
	_ =	strace $0x80000048  }
0xb9: {  	_ =	swait.ge [sflag:s29], $0x1  }
0xba: {  	[sflag:s29] =	ssyncadd.s32 $0xFFFFFFFF  }
0xbb: {  	_ =	strace $0x90000048  }
0xbc: {  	_ =	sfence  }
0xbd: {  	s30 =	sld [smem:$0x0];
	_ =	sdelay $0x2  }
0xbe: {  	s31 =	sshll.u32 s1, $0xD;
	s1 =	sshrl.u32 s1, $0x2  }
0xbf: {  	s3 =	sand.u32 $0x4000, s31;
	s1 =	sadd.s32 s1, s30  }
0xc0: {  	s0 =	sor.u32 s3, s0;
	s1 =	sshll.u32 s1, $0x11  }
0xc1: {  	s0 =	sor.u32 s1, s0  }
0xc2: {  	s0 =	sadd.s32 $0x8F2B, s0  }
0xc3: {  	[sflag:s0] =	ssyncadd.remote.s32 $0x1  }
0xc4: {  	_ =	sfence.sel $0xFFFF  }
0xc5: {  	[dreg:$0x0] =	wrdreg $0xFFFFFFFF;
	(pc) =	sbr.abs _section_cstart, $3  }
0xc6: {  	[dreg:$0x1] =	wrdreg $0xFFFFFFFF  }
0xc7: {  	_ =	task.clear_ibuf [dreg:s10], $0x2FFFF;
	_ =	strace $0x9FFFFFFF  }
0xc8: {  	(tm) =	ssettm $0x7FFFFFFF  }
0xc9: {  	_ =	shalt  }
tec
execute0_lowered:
.L_overlay_start_1:
0x0: {  	(tag) =	ssettag $0x1  }
0x1: {  	s0 =	rddreg [dreg:$0x0]  }
0x2: {  	s1 =	rddreg [dreg:$0x1]  }
0x3: {  	s2 =	srdreg.scid;
	s6 =	stileid.u32  }
0x4: {  	s7 =	rddreg [dreg:$0x2];
	s5 =	simm.s32 $0x0;
	s17 =	simm.s32 $0x10  }
0x5: {  	s29 =	simm.s32 $0x1;
	s31 =	simm.s32 $0x6;
	s24 =	simm.s32 $0x2  }
0x6: {  	s14 =	simm.s32 $0x7;
	s13 =	simm.s32 $0x4;
	s15 =	simm.s32 $0x9  }
0x7: {  	s19 =	simm.s32 $0x5;
	s21 =	simm.s32 $0xA;
	s28 =	simm.s32 $0xC  }
0x8: {  	s30 =	simm.s32 $0xD;
	s22 =	simm.s32 $0xF;
	s16 =	simm.s32 $0x0  }
0x9: {  	s8 =	sand.u32 $0x1, s2;
	s3 =	sshll.u32 s6, $0x1;
	s2 =	rddreg [dreg:$0x3]  }
0xa: {  	[smem:$0x7FF] =	sst s5;
	p0 =	sne.s32 s6, $0x0;
	s4 =	sor.u32 s8, s3  }
0xb: {  	s6 =	simm.s32 $0x3;
	s8 =	ssub.s32 $0x2, s8;
	s4 =	smul.u32 $0x2710, s4  }
0xc: {  	s3 =	rddreg [dreg:$0x4];
	_ =	strace $0x80000047;
	s9 =	sshrl.u32 s8, $0x1  }
0xd: {  	s12 =	ssub.s32 s8, s9;
	s10 =	sshrl.u32 s4, $0x3;
	s8 =	sadd.s32 $0x10, s4  }
.Ltmp0:
0xe: {  	s9 =	sadd.s32 $0x20, s4;
	s26 =	smax.u32 s12, $0x1;
	(pc) =	sbr.rel .LBB2_1-.Ltmp0, $4  }
0xf: {  	s11 =	sadd.s32 $0x40, s4;
	s1 =	sadd.s32 s1, s10;
	[dreg:$0x8] =	wrdreg s26  }
0x10: {  	s25 =	sadd.s32 s7, s10;
	s10 =	sadd.s32 $0x30, s4;
	[dreg:$0x6] =	wrdreg s1  }
0x11: {  	s7 =	simm.s32 $0x8;
	[dreg:$0x7] =	wrdreg s25;
	s1 =	sshrl.u32 @!p0 s3, $0x3  }
0x12: {  	v0 =	vimm.s32 $0xF;
	v1 =	vlaneseq.u32;
	s25 =	simm.s32 $0x1A780;
	[dreg:$0x9] =	wrdreg s1;
	s1 =	simm.s32 $0xE  }
.LBB2_26:
0x13: {  	s12 =	simm.s32 $0xB  }
0x14: {  	_ =	swait.ge [sflag:s12], $0x10  }
0x15: {  	[sflag:s12] =	ssyncset.done $0x0  }
0x16: {  	[sflag:s12] =	ssyncadd.s32 $0xFFFFFFF0  }
0x17: {  	_ =	swait.ge [sflag:s28], $0x10  }
0x18: {  	[sflag:s28] =	ssyncset.done $0x0  }
0x19: {  	[sflag:s28] =	ssyncadd.s32 $0xFFFFFFF0  }
0x1a: {  	_ =	swait.ge [sflag:s30], $0x10  }
0x1b: {  	[sflag:s30] =	ssyncset.done $0x0  }
0x1c: {  	[sflag:s30] =	ssyncadd.s32 $0xFFFFFFF0  }
0x1d: {  	_ =	swait.ge [sflag:s1], $0x10  }
0x1e: {  	[sflag:s1] =	ssyncset.done $0x0  }
0x1f: {  	[sflag:s1] =	ssyncadd.s32 $0xFFFFFFF0  }
0x20: {  	_ =	swait.ge [sflag:s22], $0x10  }
0x21: {  	s16 =	rddreg [dreg:$0xa]  }
0x22: {  	s26 =	rddreg [dreg:$0x8];
	s16 =	sadd.s32 $0x1, s16  }
0x23: {  	p1 =	sne.s32 s16, s26  }
.Ltmp1:
0x24: {  	_ = 	snop;
	(pc) =	sbr.rel @!p1 .LBB2_27-.Ltmp1, $3  }
0x25: {  	_ =	sdelay $0x1  }
0x26: {  	[sflag:s22] =	ssyncset.done $0x0  }
0x27: {  	s25 =	simm.s32 $0x1A780;
	[sflag:s22] =	ssyncadd.s32 $0xFFFFFFF0  }
.LBB2_1:
0x28: {  	[dreg:$0xa] =	wrdreg s16  }
0x29: {  	s12 =	simm.s32 @!p0 $0x1C10;
	s16 =	rddreg [dreg:$0x9]  }
0x2a: {  	[spmem:s16], [sflag:s12] =	dma.local @!p0 [hbm:s0], $0x27100  }
0x2b: {  	s18 =	simm.s32 $0x11;
	s16 =	simm.s32 $0x13880;
	s12 =	rddreg [dreg:$0x6]  }
0x2c: {  	[tilespmem:s16], [sflag:$0x11] =	stream.linear.gather [hbm4b:s12+s5], $0x2710, $0x38;
	[tilespmem:$0x1DB80] =	vst v63  }
0x2d: {  	_ =	swait.ge [sflag:s18], $0x2710  }
0x2e: {  	[sflag:s18] =	ssyncset.done $0x0  }
0x2f: {  	s20 =	simm.s32 $0x16000;
	s23 =	rddreg [dreg:$0x7];
	[sflag:s18] =	ssyncadd.s32 $0xFFFFD8F0  }
0x30: {  	[tilespmem:s20], [sflag:$0x11] =	stream.linear.gather [hbm4b:s23+s5], $0x2710, $0x38;
	[tilespmem:$0x1DB80] =	vst v63  }
0x31: {  	_ =	swait.ge [sflag:s18], $0x2710  }
0x32: {  	[sflag:s18] =	ssyncset.done $0x0  }
0x33: {  	s26 =	simm.s32 $0x18780;
	[sflag:s18] =	ssyncadd.s32 $0xFFFFD8F0  }
0x34: {  	[tilespmem:s26], [sflag:$0x1] =	stream.indirect.gather [hbm4b:s0+s17], $0x80, s16, s17, $0xb8;
	[tilespmem:$0x1DB80] =	vst v63  }
0x35: {  	s18 =	simm.s32 $0x1AF80  }
0x36: {  	[tilespmem:s18], [sflag:$0x6] =	stream.indirect.gather [hbm4b:s0+s17], $0x80, s20, s17, $0xb8;
	[tilespmem:$0x1DB80] =	vst v63  }
0x37: {  	s23 =	simm.s32 $0x13890;
	s26 =	simm.s32 $0x18F80  }
0x38: {  	[tilespmem:s26], [sflag:$0x2] =	stream.indirect.gather [hbm4b:s0+s17], $0x80, s23, s17, $0xb8;
	[tilespmem:$0x1DB80] =	vst v63  }
0x39: {  	s18 =	simm.s32 $0x16010;
	s20 =	simm.s32 $0x1B780  }
0x3a: {  	[tilespmem:s20], [sflag:$0x7] =	stream.indirect.gather [hbm4b:s0+s17], $0x80, s18, s17, $0xb8;
	[tilespmem:$0x1DB80] =	vst v63  }
0x3b: {  	s23 =	simm.s32 $0x138A0;
	s26 =	simm.s32 $0x19780  }
0x3c: {  	[tilespmem:s26], [sflag:$0x3] =	stream.indirect.gather [hbm4b:s0+s17], $0x80, s23, s17, $0xb8;
	[tilespmem:$0x1DB80] =	vst v63  }
0x3d: {  	s18 =	simm.s32 $0x16020;
	s20 =	simm.s32 $0x1BF80  }
0x3e: {  	[tilespmem:s20], [sflag:$0x8] =	stream.indirect.gather [hbm4b:s0+s17], $0x80, s18, s17, $0xb8;
	[tilespmem:$0x1DB80] =	vst v63  }
0x3f: {  	s23 =	simm.s32 $0x138B0;
	s26 =	simm.s32 $0x19F80  }
0x40: {  	[tilespmem:s26], [sflag:$0x4] =	stream.indirect.gather [hbm4b:s0+s17], $0x80, s23, s17, $0xb8;
	[tilespmem:$0x1DB80] =	vst v63  }
0x41: {  	s16 =	simm.s32 $0x16030;
	s18 =	simm.s32 $0x1C780  }
0x42: {  	[tilespmem:s18], [sflag:$0x9] =	stream.indirect.gather [hbm4b:s0+s17], $0x80, s16, s17, $0xb8;
	[tilespmem:$0x1DB80] =	vst v63  }
0x43: {  	s20 =	simm.s32 $0x138C0  }
0x44: {  	[tilespmem:s25], [sflag:$0x5] =	stream.indirect.gather [hbm4b:s0+s17], $0x80, s20, s17, $0xb8;
	[tilespmem:$0x1DB80] =	vst v63  }
0x45: {  	s23 =	simm.s32 $0x16040;
	s26 =	simm.s32 $0x1CF80  }
0x46: {  	[tilespmem:s26], [sflag:$0xA] =	stream.indirect.gather [hbm4b:s0+s17], $0x80, s23, s17, $0xb8;
	[tilespmem:$0x1DB80] =	vst v63  }
0x47: {  	p3 =	por $0x1, $0x1;
	p2 =	por $0x0, $0x0;
	s26 =	simm.s32 $0x0  }
.LBB2_2:
0x48: {  	_ =	swait.ge [sflag:s29], $0x800  }
0x49: {  	[sflag:s29] =	ssyncset.done $0x0  }
0x4a: {  	[sflag:s29] =	ssyncadd.s32 $0xFFFFF800  }
0x4b: {  	_ =	swait.ge [sflag:s31], $0x800  }
0x4c: {  	[sflag:s31] =	ssyncset.done $0x0  }
0x4d: {  	s12 =	simm.s32 @p2 $0xB;
	[sflag:s31] =	ssyncadd.s32 $0xFFFFF800  }
0x4e: {  	_ =	swait.ge @p2 [sflag:s12], $0x10  }
0x4f: {  	[sflag:s12] =	ssyncset.done @p2 $0x0  }
0x50: {  	s20 =	simm.s32 $0x187C0;
	[sflag:s12] =	ssyncadd.s32 @p2 $0xFFFFFFF0  }
0x51: {  	s16 =	simm.s32 $0x1AFC0;
	v5 =	vld [tilespmem:s20+$0xFFFFFFC0]  }
0x52: {  	v6 =	vld [tilespmem:s16+$0xFFFFFFC0]  }
0x53: {  	v8 =	vld [tilespmem:s20+$0xFFFFFFD0]  }
0x54: {  	v9 =	vld [tilespmem:s16+$0xFFFFFFD0]  }
0x55: {  	v10 =	vld [tilespmem:s20+$0xFFFFFFE0]  }
0x56: {  	v11 =	vld [tilespmem:s16+$0xFFFFFFE0]  }
0x57: {  	v12 =	vld [tilespmem:s20+$0xFFFFFFF0]  }
0x58: {  	v13 =	vld [tilespmem:s16+$0xFFFFFFF0]  }
0x59: {  	v14 =	vld [tilespmem:s20+$0x0]  }
0x5a: {  	v15 =	vld [tilespmem:s16+$0x0]  }
0x5b: {  	v16 =	vld [tilespmem:s20+$0x10]  }
0x5c: {  	v17 =	vld [tilespmem:s16+$0x10]  }
0x5d: {  	v18 =	vld [tilespmem:s20+$0x20]  }
0x5e: {  	v19 =	vld [tilespmem:s16+$0x20]  }
0x5f: {  	v20 =	vld [tilespmem:s20+$0x30]  }
0x60: {  	s23 =	simm.s32 $0x18840;
	v21 =	vld [tilespmem:s16+$0x30]  }
0x61: {  	v7 =	vld [tilespmem:s23+$0xFFFFFFC0]  }
0x62: {  	s20 =	simm.s32 $0x1B040;
	v3 =	vld [tilespmem:s23+$0xFFFFFFD0];
	v5 =	vmul.f32 v6, v5;
	v22 =	vmul.f32 v9, v8  }
0x63: {  	v2 =	vld [tilespmem:s20+$0xFFFFFFC0];
	v11 =	vmul.f32 v11, v10;
	v12 =	vmul.f32 v13, v12  }
0x64: {  	v4 =	vld [tilespmem:s20+$0xFFFFFFD0];
	v13 =	vmul.f32 v15, v14;
	v14 =	vmul.f32 v17, v16  }
0x65: {  	v6 =	vld [tilespmem:s23+$0xFFFFFFE0];
	v15 =	vmul.f32 v19, v18;
	v16 =	vmul.f32 v21, v20  }
0x66: {  	v8 =	vld [tilespmem:s20+$0xFFFFFFE0];
	v5 =	vadd.f32 v22, v5;
	v17 =	vadd.f32 v12, v11  }
0x67: {  	v9 =	vld [tilespmem:s23+$0xFFFFFFF0];
	v14 =	vadd.f32 v14, v13;
	v15 =	vadd.f32 v16, v15  }
0x68: {  	v10 =	vld [tilespmem:s20+$0xFFFFFFF0]  }
0x69: {  	v11 =	vld [tilespmem:s23+$0x0];
	v5 =	vadd.f32 v17, v5;
	v16 =	vadd.f32 v15, v14  }
0x6a: {  	v12 =	vld [tilespmem:s20+$0x0]  }
0x6b: {  	v13 =	vld [tilespmem:s23+$0x10];
	v18 =	vadd.f32 v16, v5  }
0x6c: {  	v15 =	vld [tilespmem:s20+$0x10]  }
0x6d: {  	v14 =	vld [tilespmem:s23+$0x20];
	(xrf2) =	vadd.scan.msk.f32 $0xffff, v18  }
0x6e: {  	v17 =	vld [tilespmem:s23+$0x30]  }
0x6f: {  	p1 =	por p3, p3;
	s18 =	simm.s32 $0x188C0;
	v16 =	vld [tilespmem:s20+$0x20]  }
0x70: {  	s12 =	simm.s32 $0x1;
	s16 =	simm.s32 $0x0;
	s23 =	simm.s32 $0x2;
	v5 =	vimm.f32 $0.0e+00;
	v18 =	vld [tilespmem:s20+$0x30]  }
.LBB2_3:
0x71: {  	v19 =	vld [tilespmem:s18+$0xFFFFFFC0];
	p3 =	sne.s32 s23, $0xF;
	s20 =	sadd.s32 $0x80, s20  }
0x72: {  	v7 =	vmul.f32 v2, v7;
	v20 =	vmul.f32 v4, v3;
	v2 =	vld [tilespmem:s20+$0xFFFFFFC0]  }
0x73: {  	v21 =	vmul.f32 v8, v6;
	v9 =	vmul.f32 v10, v9;
	v3 =	vld [tilespmem:s18+$0xFFFFFFD0]  }
0x74: {  	v10 =	vmul.f32 v12, v11;
	v22 =	vmul.f32 v15, v13;
	v4 =	vld [tilespmem:s20+$0xFFFFFFD0]  }
0x75: {  	v12 =	vmul.f32 v16, v14;
	v6 =	vld [tilespmem:s18+$0xFFFFFFE0];
	v13 =	vmul.f32 v18, v17  }
0x76: {  	v14 =	vadd.f32 v20, v7;
	v15 =	vadd.f32 v9, v21;
	v8 =	vld [tilespmem:s20+$0xFFFFFFE0];
	v7 =	vmov v19  }
0x77: {  	v16 =	vadd.f32 v22, v10;
	v9 =	vld [tilespmem:s18+$0xFFFFFFF0];
	v12 =	vadd.f32 v13, v12;
	v11, _, _ =	vpop (xrf2)  }
0x78: {  	v17 =	vmov s16;
	s16 =	smov.u32 s12;
	s12 =	smov.u32 s23;
	v10 =	vld [tilespmem:s20+$0xFFFFFFF0];
	v13 =	vperm.xlane v11, v0  }
0x79: {  	v14 =	vadd.f32 v15, v14;
	vm0 =	veq.s32 v17, v1;
	v11 =	vld [tilespmem:s18+$0x0];
	v15 =	vadd.f32 v12, v16  }
0x7a: {  	v12 =	vld [tilespmem:s20+$0x0];
	v5 =	vsel vm0, v13, v5  }
0x7b: {  	v13 =	vld [tilespmem:s18+$0x10];
	v16 =	vadd.f32 v15, v14  }
.Ltmp2:
0x7c: {  	v15 =	vld [tilespmem:s20+$0x10];
	(pc) =	sbr.rel @p3 .LBB2_3-.Ltmp2, $4  }
0x7d: {  	v14 =	vld [tilespmem:s18+$0x20];
	(xrf2) =	vadd.scan.msk.f32 $0xffff, v16  }
0x7e: {  	v16 =	vld [tilespmem:s20+$0x20]  }
0x7f: {  	v17 =	vld [tilespmem:s18+$0x30]  }
0x80: {  	s23 =	sadd.s32 $0x1, s23;
	s18 =	sadd.s32 $0x80, s18;
	v18 =	vld [tilespmem:s20+$0x30]  }
0x81: {  	_ = 	snop  }
0x82: {  	v2 =	vmul.f32 v2, v7;
	v3 =	vmul.f32 v4, v3  }
0x83: {  	v4 =	vmul.f32 v8, v6;
	v6 =	vmul.f32 v10, v9  }
0x84: {  	v7 =	vmul.f32 v12, v11;
	v8 =	vmul.f32 v15, v13  }
0x85: {  	v9 =	vmul.f32 v16, v14;
	v10 =	vmul.f32 v18, v17  }
0x86: {  	v2 =	vadd.f32 v3, v2;
	v3 =	vadd.f32 v6, v4  }
0x87: {  	v4 =	vadd.f32 v8, v7;
	v6 =	vadd.f32 v10, v9;
	_ =	sdelay $0x1  }
0x88: {  	v2 =	vadd.f32 v3, v2;
	v3 =	vadd.f32 v6, v4;
	_ =	sdelay $0x1  }
0x89: {  	v2 =	vadd.f32 v3, v2;
	_ =	sdelay $0x1  }
0x8a: {  	(xrf2) =	vadd.scan.msk.f32 $0xffff, v2;
	_ =	sdelay $0x8  }
0x8b: {  	v2, _, _ =	vpop (xrf2)  }
0x8c: {  	v3 =	vmov s16;
	v2 =	vperm.xlane v2, v0;
	v4, _, _ =	vpop (xrf2)  }
0x8d: {  	vm0 =	veq.s32 v3, v1;
	v3 =	vperm.xlane v4, v0;
	v4 =	vmov s12  }
0x8e: {  	s20 =	sadd.s32 s4, s26;
	v2 =	vsel vm0, v2, v5;
	vm15 =	veq.s32 v4, v1  }
0x8f: {  	s12 =	sshrl.u32 s20, $0x3;
	v2 =	vsel vm15, v3, v2  }
0x90: {  	s23 =	simm.s32 $0x1D780;
	s12 =	sadd.s32 s2, s12;
	[tilespmem:$0x1D780] =	vst v2  }
0x91: {  	[hbm4b:s12+s5] =	stream.linear.scatter [tilespmem:s23], [sflag:$0xB], $0x10, $0x38;
	[tilespmem:$0x1DB80] =	vst v63  }
0x92: {  	s18 =	simm.s32 $0x18780;
	s16 =	sadd.s32 $0x138D0, s26  }
0x93: {  	[tilespmem:s18], [sflag:$0x1] =	stream.indirect.gather [hbm4b:s0+s17], $0x80, s16, s17, $0xb8;
	[tilespmem:$0x1DB80] =	vst v63  }
0x94: {  	s20 =	sadd.s32 $0x16050, s26;
	s23 =	simm.s32 $0x1AF80  }
0x95: {  	[tilespmem:s23], [sflag:$0x6] =	stream.indirect.gather [hbm4b:s0+s17], $0x80, s20, s17, $0xb8;
	[tilespmem:$0x1DB80] =	vst v63  }
0x96: {  	_ =	swait.ge [sflag:s24], $0x800  }
0x97: {  	[sflag:s24] =	ssyncset.done $0x0  }
0x98: {  	[sflag:s24] =	ssyncadd.s32 $0xFFFFF800  }
0x99: {  	_ =	swait.ge [sflag:s14], $0x800  }
0x9a: {  	[sflag:s14] =	ssyncset.done $0x0  }
0x9b: {  	s12 =	simm.s32 @p2 $0xC;
	[sflag:s14] =	ssyncadd.s32 $0xFFFFF800  }
0x9c: {  	_ =	swait.ge @p2 [sflag:s12], $0x10  }
0x9d: {  	[sflag:s12] =	ssyncset.done @p2 $0x0  }
0x9e: {  	s18 =	simm.s32 $0x18FF0;
	[sflag:s12] =	ssyncadd.s32 @p2 $0xFFFFFFF0  }
0x9f: {  	s20 =	simm.s32 $0x1B7F0;
	v5 =	vld [tilespmem:s18+$0xFFFFFF90]  }
0xa0: {  	v6 =	vld [tilespmem:s20+$0xFFFFFF90]  }
0xa1: {  	v8 =	vld [tilespmem:s18+$0xFFFFFFA0]  }
0xa2: {  	v9 =	vld [tilespmem:s20+$0xFFFFFFA0]  }
0xa3: {  	v10 =	vld [tilespmem:s18+$0xFFFFFFB0]  }
0xa4: {  	v11 =	vld [tilespmem:s20+$0xFFFFFFB0]  }
0xa5: {  	v12 =	vld [tilespmem:s18+$0xFFFFFFC0]  }
0xa6: {  	v13 =	vld [tilespmem:s20+$0xFFFFFFC0]  }
0xa7: {  	v14 =	vld [tilespmem:s18+$0xFFFFFFD0]  }
0xa8: {  	v15 =	vld [tilespmem:s20+$0xFFFFFFD0]  }
0xa9: {  	v16 =	vld [tilespmem:s18+$0xFFFFFFE0]  }
0xaa: {  	v17 =	vld [tilespmem:s20+$0xFFFFFFE0]  }
0xab: {  	v18 =	vld [tilespmem:s18+$0xFFFFFFF0]  }
0xac: {  	v19 =	vld [tilespmem:s20+$0xFFFFFFF0]  }
0xad: {  	v20 =	vld [tilespmem:s18+$0x0]  }
0xae: {  	s23 =	simm.s32 $0x19070;
	v21 =	vld [tilespmem:s20+$0x0]  }
0xaf: {  	v7 =	vld [tilespmem:s23+$0xFFFFFF90]  }
0xb0: {  	s20 =	simm.s32 $0x1B870;
	v3 =	vld [tilespmem:s23+$0xFFFFFFA0];
	v5 =	vmul.f32 v6, v5;
	v22 =	vmul.f32 v9, v8  }
0xb1: {  	v2 =	vld [tilespmem:s20+$0xFFFFFF90];
	v11 =	vmul.f32 v11, v10;
	v12 =	vmul.f32 v13, v12  }
0xb2: {  	v4 =	vld [tilespmem:s20+$0xFFFFFFA0];
	v13 =	vmul.f32 v15, v14;
	v14 =	vmul.f32 v17, v16  }
0xb3: {  	v6 =	vld [tilespmem:s23+$0xFFFFFFB0];
	v15 =	vmul.f32 v19, v18;
	v16 =	vmul.f32 v21, v20  }
0xb4: {  	v8 =	vld [tilespmem:s20+$0xFFFFFFB0];
	v5 =	vadd.f32 v22, v5;
	v17 =	vadd.f32 v12, v11  }
0xb5: {  	v9 =	vld [tilespmem:s23+$0xFFFFFFC0];
	v14 =	vadd.f32 v14, v13;
	v15 =	vadd.f32 v16, v15  }
0xb6: {  	v10 =	vld [tilespmem:s20+$0xFFFFFFC0]  }
0xb7: {  	v11 =	vld [tilespmem:s23+$0xFFFFFFD0];
	v5 =	vadd.f32 v17, v5;
	v16 =	vadd.f32 v15, v14  }
0xb8: {  	v12 =	vld [tilespmem:s20+$0xFFFFFFD0]  }
0xb9: {  	v13 =	vld [tilespmem:s23+$0xFFFFFFE0];
	v18 =	vadd.f32 v16, v5  }
0xba: {  	v15 =	vld [tilespmem:s20+$0xFFFFFFE0]  }
0xbb: {  	v14 =	vld [tilespmem:s23+$0xFFFFFFF0];
	(xrf2) =	vadd.scan.msk.f32 $0xffff, v18  }
0xbc: {  	v17 =	vld [tilespmem:s23+$0x0]  }
0xbd: {  	s16 =	simm.s32 $0x0;
	v16 =	vld [tilespmem:s20+$0xFFFFFFF0]  }
0xbe: {  	s12 =	simm.s32 $0x1;
	s18 =	simm.s32 $0x190F0;
	s23 =	simm.s32 $0x2;
	v5 =	vimm.f32 $0.0e+00;
	v18 =	vld [tilespmem:s20+$0x0]  }
.LBB2_5:
0xbf: {  	v19 =	vld [tilespmem:s18+$0xFFFFFF90];
	p3 =	sne.s32 s23, $0xF;
	s20 =	sadd.s32 $0x80, s20  }
0xc0: {  	v7 =	vmul.f32 v2, v7;
	v20 =	vmul.f32 v4, v3;
	v2 =	vld [tilespmem:s20+$0xFFFFFF90]  }
0xc1: {  	v21 =	vmul.f32 v8, v6;
	v9 =	vmul.f32 v10, v9;
	v3 =	vld [tilespmem:s18+$0xFFFFFFA0]  }
0xc2: {  	v10 =	vmul.f32 v12, v11;
	v22 =	vmul.f32 v15, v13;
	v4 =	vld [tilespmem:s20+$0xFFFFFFA0]  }
0xc3: {  	v12 =	vmul.f32 v16, v14;
	v6 =	vld [tilespmem:s18+$0xFFFFFFB0];
	v13 =	vmul.f32 v18, v17  }
0xc4: {  	v14 =	vadd.f32 v20, v7;
	v15 =	vadd.f32 v9, v21;
	v8 =	vld [tilespmem:s20+$0xFFFFFFB0];
	v7 =	vmov v19  }
0xc5: {  	v16 =	vadd.f32 v22, v10;
	v9 =	vld [tilespmem:s18+$0xFFFFFFC0];
	v12 =	vadd.f32 v13, v12;
	v11, _, _ =	vpop (xrf2)  }
0xc6: {  	v17 =	vmov s16;
	s16 =	smov.u32 s12;
	s12 =	smov.u32 s23;
	v10 =	vld [tilespmem:s20+$0xFFFFFFC0];
	v13 =	vperm.xlane v11, v0  }
0xc7: {  	v14 =	vadd.f32 v15, v14;
	vm0 =	veq.s32 v17, v1;
	v11 =	vld [tilespmem:s18+$0xFFFFFFD0];
	v15 =	vadd.f32 v12, v16  }
0xc8: {  	v12 =	vld [tilespmem:s20+$0xFFFFFFD0];
	v5 =	vsel vm0, v13, v5  }
0xc9: {  	v13 =	vld [tilespmem:s18+$0xFFFFFFE0];
	v16 =	vadd.f32 v15, v14  }
.Ltmp3:
0xca: {  	v15 =	vld [tilespmem:s20+$0xFFFFFFE0];
	(pc) =	sbr.rel @p3 .LBB2_5-.Ltmp3, $4  }
0xcb: {  	v14 =	vld [tilespmem:s18+$0xFFFFFFF0];
	(xrf2) =	vadd.scan.msk.f32 $0xffff, v16  }
0xcc: {  	v16 =	vld [tilespmem:s20+$0xFFFFFFF0]  }
0xcd: {  	v17 =	vld [tilespmem:s18+$0x0]  }
0xce: {  	s23 =	sadd.s32 $0x1, s23;
	s18 =	sadd.s32 $0x80, s18;
	v18 =	vld [tilespmem:s20+$0x0]  }
0xcf: {  	_ = 	snop  }
0xd0: {  	v2 =	vmul.f32 v2, v7;
	v3 =	vmul.f32 v4, v3  }
0xd1: {  	v4 =	vmul.f32 v8, v6;
	v6 =	vmul.f32 v10, v9  }
0xd2: {  	v7 =	vmul.f32 v12, v11;
	v8 =	vmul.f32 v15, v13  }
0xd3: {  	v9 =	vmul.f32 v16, v14;
	v10 =	vmul.f32 v18, v17  }
0xd4: {  	v2 =	vadd.f32 v3, v2;
	v3 =	vadd.f32 v6, v4  }
0xd5: {  	v4 =	vadd.f32 v8, v7;
	v6 =	vadd.f32 v10, v9;
	_ =	sdelay $0x1  }
0xd6: {  	v2 =	vadd.f32 v3, v2;
	v3 =	vadd.f32 v6, v4;
	_ =	sdelay $0x1  }
0xd7: {  	v2 =	vadd.f32 v3, v2;
	_ =	sdelay $0x1  }
0xd8: {  	(xrf2) =	vadd.scan.msk.f32 $0xffff, v2;
	_ =	sdelay $0x8  }
0xd9: {  	v2, _, _ =	vpop (xrf2)  }
0xda: {  	v3 =	vmov s16;
	v2 =	vperm.xlane v2, v0;
	v4, _, _ =	vpop (xrf2)  }
0xdb: {  	vm0 =	veq.s32 v3, v1;
	v3 =	vperm.xlane v4, v0;
	v4 =	vmov s12  }
0xdc: {  	s20 =	sadd.s32 s26, s8;
	v2 =	vsel vm0, v2, v5;
	vm15 =	veq.s32 v4, v1  }
0xdd: {  	s12 =	sshrl.u32 s20, $0x3;
	v2 =	vsel vm15, v3, v2  }
0xde: {  	s23 =	simm.s32 $0x1D800;
	s12 =	sadd.s32 s2, s12;
	[tilespmem:$0x1D800] =	vst v2  }
0xdf: {  	[hbm4b:s12+s5] =	stream.linear.scatter [tilespmem:s23], [sflag:$0xC], $0x10, $0x38;
	[tilespmem:$0x1DB80] =	vst v63  }
0xe0: {  	s18 =	simm.s32 $0x18F80;
	s16 =	sadd.s32 $0x138E0, s26  }
0xe1: {  	[tilespmem:s18], [sflag:$0x2] =	stream.indirect.gather [hbm4b:s0+s17], $0x80, s16, s17, $0xb8;
	[tilespmem:$0x1DB80] =	vst v63  }
0xe2: {  	s20 =	sadd.s32 $0x16060, s26;
	s23 =	simm.s32 $0x1B780  }
0xe3: {  	[tilespmem:s23], [sflag:$0x7] =	stream.indirect.gather [hbm4b:s0+s17], $0x80, s20, s17, $0xb8;
	[tilespmem:$0x1DB80] =	vst v63  }
0xe4: {  	_ =	swait.ge [sflag:s6], $0x800  }
0xe5: {  	[sflag:s6] =	ssyncset.done $0x0  }
0xe6: {  	[sflag:s6] =	ssyncadd.s32 $0xFFFFF800  }
0xe7: {  	_ =	swait.ge [sflag:s7], $0x800  }
0xe8: {  	[sflag:s7] =	ssyncset.done $0x0  }
0xe9: {  	s12 =	simm.s32 @p2 $0xD;
	[sflag:s7] =	ssyncadd.s32 $0xFFFFF800  }
0xea: {  	_ =	swait.ge @p2 [sflag:s12], $0x10  }
0xeb: {  	[sflag:s12] =	ssyncset.done @p2 $0x0  }
0xec: {  	s18 =	simm.s32 $0x197F0;
	[sflag:s12] =	ssyncadd.s32 @p2 $0xFFFFFFF0  }
0xed: {  	s20 =	simm.s32 $0x1BFF0;
	v5 =	vld [tilespmem:s18+$0xFFFFFF90]  }
0xee: {  	v6 =	vld [tilespmem:s20+$0xFFFFFF90]  }
0xef: {  	v8 =	vld [tilespmem:s18+$0xFFFFFFA0]  }
0xf0: {  	v9 =	vld [tilespmem:s20+$0xFFFFFFA0]  }
0xf1: {  	v10 =	vld [tilespmem:s18+$0xFFFFFFB0]  }
0xf2: {  	v11 =	vld [tilespmem:s20+$0xFFFFFFB0]  }
0xf3: {  	v12 =	vld [tilespmem:s18+$0xFFFFFFC0]  }
0xf4: {  	v13 =	vld [tilespmem:s20+$0xFFFFFFC0]  }
0xf5: {  	v14 =	vld [tilespmem:s18+$0xFFFFFFD0]  }
0xf6: {  	v15 =	vld [tilespmem:s20+$0xFFFFFFD0]  }
0xf7: {  	v16 =	vld [tilespmem:s18+$0xFFFFFFE0]  }
0xf8: {  	v17 =	vld [tilespmem:s20+$0xFFFFFFE0]  }
0xf9: {  	v18 =	vld [tilespmem:s18+$0xFFFFFFF0]  }
0xfa: {  	v19 =	vld [tilespmem:s20+$0xFFFFFFF0]  }
0xfb: {  	v20 =	vld [tilespmem:s18+$0x0]  }
0xfc: {  	s23 =	simm.s32 $0x19870;
	v21 =	vld [tilespmem:s20+$0x0]  }
0xfd: {  	v7 =	vld [tilespmem:s23+$0xFFFFFF90]  }
0xfe: {  	s20 =	simm.s32 $0x1C070;
	v3 =	vld [tilespmem:s23+$0xFFFFFFA0];
	v5 =	vmul.f32 v6, v5;
	v22 =	vmul.f32 v9, v8  }
0xff: {  	v2 =	vld [tilespmem:s20+$0xFFFFFF90];
	v11 =	vmul.f32 v11, v10;
	v12 =	vmul.f32 v13, v12  }
0x100: {  	v4 =	vld [tilespmem:s20+$0xFFFFFFA0];
	v13 =	vmul.f32 v15, v14;
	v14 =	vmul.f32 v17, v16  }
0x101: {  	v6 =	vld [tilespmem:s23+$0xFFFFFFB0];
	v15 =	vmul.f32 v19, v18;
	v16 =	vmul.f32 v21, v20  }
0x102: {  	v8 =	vld [tilespmem:s20+$0xFFFFFFB0];
	v5 =	vadd.f32 v22, v5;
	v17 =	vadd.f32 v12, v11  }
0x103: {  	v9 =	vld [tilespmem:s23+$0xFFFFFFC0];
	v14 =	vadd.f32 v14, v13;
	v15 =	vadd.f32 v16, v15  }
0x104: {  	v10 =	vld [tilespmem:s20+$0xFFFFFFC0]  }
0x105: {  	v11 =	vld [tilespmem:s23+$0xFFFFFFD0];
	v5 =	vadd.f32 v17, v5;
	v16 =	vadd.f32 v15, v14  }
0x106: {  	v12 =	vld [tilespmem:s20+$0xFFFFFFD0]  }
0x107: {  	v13 =	vld [tilespmem:s23+$0xFFFFFFE0];
	v18 =	vadd.f32 v16, v5  }
0x108: {  	v15 =	vld [tilespmem:s20+$0xFFFFFFE0]  }
0x109: {  	v14 =	vld [tilespmem:s23+$0xFFFFFFF0];
	(xrf2) =	vadd.scan.msk.f32 $0xffff, v18  }
0x10a: {  	v17 =	vld [tilespmem:s23+$0x0]  }
0x10b: {  	s16 =	simm.s32 $0x0;
	v16 =	vld [tilespmem:s20+$0xFFFFFFF0]  }
0x10c: {  	s12 =	simm.s32 $0x1;
	s18 =	simm.s32 $0x198F0;
	s23 =	simm.s32 $0x2;
	v5 =	vimm.f32 $0.0e+00;
	v18 =	vld [tilespmem:s20+$0x0]  }
.LBB2_7:
0x10d: {  	v19 =	vld [tilespmem:s18+$0xFFFFFF90];
	p3 =	sne.s32 s23, $0xF;
	s20 =	sadd.s32 $0x80, s20  }
0x10e: {  	v7 =	vmul.f32 v2, v7;
	v20 =	vmul.f32 v4, v3;
	v2 =	vld [tilespmem:s20+$0xFFFFFF90]  }
0x10f: {  	v21 =	vmul.f32 v8, v6;
	v9 =	vmul.f32 v10, v9;
	v3 =	vld [tilespmem:s18+$0xFFFFFFA0]  }
0x110: {  	v10 =	vmul.f32 v12, v11;
	v22 =	vmul.f32 v15, v13;
	v4 =	vld [tilespmem:s20+$0xFFFFFFA0]  }
0x111: {  	v12 =	vmul.f32 v16, v14;
	v6 =	vld [tilespmem:s18+$0xFFFFFFB0];
	v13 =	vmul.f32 v18, v17  }
0x112: {  	v14 =	vadd.f32 v20, v7;
	v15 =	vadd.f32 v9, v21;
	v8 =	vld [tilespmem:s20+$0xFFFFFFB0];
	v7 =	vmov v19  }
0x113: {  	v16 =	vadd.f32 v22, v10;
	v9 =	vld [tilespmem:s18+$0xFFFFFFC0];
	v12 =	vadd.f32 v13, v12;
	v11, _, _ =	vpop (xrf2)  }
0x114: {  	v17 =	vmov s16;
	s16 =	smov.u32 s12;
	s12 =	smov.u32 s23;
	v10 =	vld [tilespmem:s20+$0xFFFFFFC0];
	v13 =	vperm.xlane v11, v0  }
0x115: {  	v14 =	vadd.f32 v15, v14;
	vm0 =	veq.s32 v17, v1;
	v11 =	vld [tilespmem:s18+$0xFFFFFFD0];
	v15 =	vadd.f32 v12, v16  }
0x116: {  	v12 =	vld [tilespmem:s20+$0xFFFFFFD0];
	v5 =	vsel vm0, v13, v5  }
0x117: {  	v13 =	vld [tilespmem:s18+$0xFFFFFFE0];
	v16 =	vadd.f32 v15, v14  }
.Ltmp4:
0x118: {  	v15 =	vld [tilespmem:s20+$0xFFFFFFE0];
	(pc) =	sbr.rel @p3 .LBB2_7-.Ltmp4, $4  }
0x119: {  	v14 =	vld [tilespmem:s18+$0xFFFFFFF0];
	(xrf2) =	vadd.scan.msk.f32 $0xffff, v16  }
0x11a: {  	v16 =	vld [tilespmem:s20+$0xFFFFFFF0]  }
0x11b: {  	v17 =	vld [tilespmem:s18+$0x0]  }
0x11c: {  	s23 =	sadd.s32 $0x1, s23;
	s18 =	sadd.s32 $0x80, s18;
	v18 =	vld [tilespmem:s20+$0x0]  }
0x11d: {  	_ = 	snop  }
0x11e: {  	v2 =	vmul.f32 v2, v7;
	v3 =	vmul.f32 v4, v3  }
0x11f: {  	v4 =	vmul.f32 v8, v6;
	v6 =	vmul.f32 v10, v9  }
0x120: {  	v7 =	vmul.f32 v12, v11;
	v8 =	vmul.f32 v15, v13  }
0x121: {  	v9 =	vmul.f32 v16, v14;
	v10 =	vmul.f32 v18, v17  }
0x122: {  	v2 =	vadd.f32 v3, v2;
	v3 =	vadd.f32 v6, v4  }
0x123: {  	v4 =	vadd.f32 v8, v7;
	v6 =	vadd.f32 v10, v9;
	_ =	sdelay $0x1  }
0x124: {  	v2 =	vadd.f32 v3, v2;
	v3 =	vadd.f32 v6, v4;
	_ =	sdelay $0x1  }
0x125: {  	v2 =	vadd.f32 v3, v2;
	_ =	sdelay $0x1  }
0x126: {  	(xrf2) =	vadd.scan.msk.f32 $0xffff, v2;
	_ =	sdelay $0x8  }
0x127: {  	v2, _, _ =	vpop (xrf2)  }
0x128: {  	v3 =	vmov s16;
	v2 =	vperm.xlane v2, v0;
	v4, _, _ =	vpop (xrf2)  }
0x129: {  	vm0 =	veq.s32 v3, v1;
	v3 =	vperm.xlane v4, v0;
	v4 =	vmov s12  }
0x12a: {  	s20 =	sadd.s32 s26, s9;
	v2 =	vsel vm0, v2, v5;
	vm15 =	veq.s32 v4, v1  }
0x12b: {  	s12 =	sshrl.u32 s20, $0x3;
	v2 =	vsel vm15, v3, v2  }
0x12c: {  	s23 =	simm.s32 $0x1D880;
	s12 =	sadd.s32 s2, s12;
	[tilespmem:$0x1D880] =	vst v2  }
0x12d: {  	[hbm4b:s12+s5] =	stream.linear.scatter [tilespmem:s23], [sflag:$0xD], $0x10, $0x38;
	[tilespmem:$0x1DB80] =	vst v63  }
0x12e: {  	s18 =	simm.s32 $0x19780;
	s16 =	sadd.s32 $0x138F0, s26  }
0x12f: {  	[tilespmem:s18], [sflag:$0x3] =	stream.indirect.gather [hbm4b:s0+s17], $0x80, s16, s17, $0xb8;
	[tilespmem:$0x1DB80] =	vst v63  }
0x130: {  	s20 =	sadd.s32 $0x16070, s26;
	s23 =	simm.s32 $0x1BF80  }
0x131: {  	[tilespmem:s23], [sflag:$0x8] =	stream.indirect.gather [hbm4b:s0+s17], $0x80, s20, s17, $0xb8;
	[tilespmem:$0x1DB80] =	vst v63  }
0x132: {  	_ =	swait.ge [sflag:s13], $0x800  }
0x133: {  	[sflag:s13] =	ssyncset.done $0x0  }
0x134: {  	[sflag:s13] =	ssyncadd.s32 $0xFFFFF800  }
0x135: {  	_ =	swait.ge [sflag:s15], $0x800  }
0x136: {  	[sflag:s15] =	ssyncset.done $0x0  }
0x137: {  	s12 =	simm.s32 @p2 $0xE;
	[sflag:s15] =	ssyncadd.s32 $0xFFFFF800  }
0x138: {  	_ =	swait.ge @p2 [sflag:s12], $0x10  }
0x139: {  	[sflag:s12] =	ssyncset.done @p2 $0x0  }
0x13a: {  	s18 =	simm.s32 $0x19FF0;
	[sflag:s12] =	ssyncadd.s32 @p2 $0xFFFFFFF0  }
0x13b: {  	s20 =	simm.s32 $0x1C7F0;
	v5 =	vld [tilespmem:s18+$0xFFFFFF90]  }
0x13c: {  	v6 =	vld [tilespmem:s20+$0xFFFFFF90]  }
0x13d: {  	v8 =	vld [tilespmem:s18+$0xFFFFFFA0]  }
0x13e: {  	v9 =	vld [tilespmem:s20+$0xFFFFFFA0]  }
0x13f: {  	v10 =	vld [tilespmem:s18+$0xFFFFFFB0]  }
0x140: {  	v11 =	vld [tilespmem:s20+$0xFFFFFFB0]  }
0x141: {  	v12 =	vld [tilespmem:s18+$0xFFFFFFC0]  }
0x142: {  	v13 =	vld [tilespmem:s20+$0xFFFFFFC0]  }
0x143: {  	v14 =	vld [tilespmem:s18+$0xFFFFFFD0]  }
0x144: {  	v15 =	vld [tilespmem:s20+$0xFFFFFFD0]  }
0x145: {  	v16 =	vld [tilespmem:s18+$0xFFFFFFE0]  }
0x146: {  	v17 =	vld [tilespmem:s20+$0xFFFFFFE0]  }
0x147: {  	v18 =	vld [tilespmem:s18+$0xFFFFFFF0]  }
0x148: {  	v19 =	vld [tilespmem:s20+$0xFFFFFFF0]  }
0x149: {  	v20 =	vld [tilespmem:s18+$0x0]  }
0x14a: {  	s23 =	simm.s32 $0x1A070;
	v21 =	vld [tilespmem:s20+$0x0]  }
0x14b: {  	v7 =	vld [tilespmem:s23+$0xFFFFFF90]  }
0x14c: {  	s20 =	simm.s32 $0x1C870;
	v3 =	vld [tilespmem:s23+$0xFFFFFFA0];
	v5 =	vmul.f32 v6, v5;
	v22 =	vmul.f32 v9, v8  }
0x14d: {  	v2 =	vld [tilespmem:s20+$0xFFFFFF90];
	v11 =	vmul.f32 v11, v10;
	v12 =	vmul.f32 v13, v12  }
0x14e: {  	v4 =	vld [tilespmem:s20+$0xFFFFFFA0];
	v13 =	vmul.f32 v15, v14;
	v14 =	vmul.f32 v17, v16  }
0x14f: {  	v6 =	vld [tilespmem:s23+$0xFFFFFFB0];
	v15 =	vmul.f32 v19, v18;
	v16 =	vmul.f32 v21, v20  }
0x150: {  	v8 =	vld [tilespmem:s20+$0xFFFFFFB0];
	v5 =	vadd.f32 v22, v5;
	v17 =	vadd.f32 v12, v11  }
0x151: {  	v9 =	vld [tilespmem:s23+$0xFFFFFFC0];
	v14 =	vadd.f32 v14, v13;
	v15 =	vadd.f32 v16, v15  }
0x152: {  	v10 =	vld [tilespmem:s20+$0xFFFFFFC0]  }
0x153: {  	v11 =	vld [tilespmem:s23+$0xFFFFFFD0];
	v5 =	vadd.f32 v17, v5;
	v16 =	vadd.f32 v15, v14  }
0x154: {  	v12 =	vld [tilespmem:s20+$0xFFFFFFD0]  }
0x155: {  	v13 =	vld [tilespmem:s23+$0xFFFFFFE0];
	v18 =	vadd.f32 v16, v5  }
0x156: {  	v15 =	vld [tilespmem:s20+$0xFFFFFFE0]  }
0x157: {  	v14 =	vld [tilespmem:s23+$0xFFFFFFF0];
	(xrf2) =	vadd.scan.msk.f32 $0xffff, v18  }
0x158: {  	v17 =	vld [tilespmem:s23+$0x0]  }
0x159: {  	s16 =	simm.s32 $0x0;
	v16 =	vld [tilespmem:s20+$0xFFFFFFF0]  }
0x15a: {  	s12 =	simm.s32 $0x1;
	s18 =	simm.s32 $0x1A0F0;
	s23 =	simm.s32 $0x2;
	v5 =	vimm.f32 $0.0e+00;
	v18 =	vld [tilespmem:s20+$0x0]  }
.LBB2_9:
0x15b: {  	v19 =	vld [tilespmem:s18+$0xFFFFFF90];
	p3 =	sne.s32 s23, $0xF;
	s20 =	sadd.s32 $0x80, s20  }
0x15c: {  	v7 =	vmul.f32 v2, v7;
	v20 =	vmul.f32 v4, v3;
	v2 =	vld [tilespmem:s20+$0xFFFFFF90]  }
0x15d: {  	v21 =	vmul.f32 v8, v6;
	v9 =	vmul.f32 v10, v9;
	v3 =	vld [tilespmem:s18+$0xFFFFFFA0]  }
0x15e: {  	v10 =	vmul.f32 v12, v11;
	v22 =	vmul.f32 v15, v13;
	v4 =	vld [tilespmem:s20+$0xFFFFFFA0]  }
0x15f: {  	v12 =	vmul.f32 v16, v14;
	v6 =	vld [tilespmem:s18+$0xFFFFFFB0];
	v13 =	vmul.f32 v18, v17  }
0x160: {  	v14 =	vadd.f32 v20, v7;
	v15 =	vadd.f32 v9, v21;
	v8 =	vld [tilespmem:s20+$0xFFFFFFB0];
	v7 =	vmov v19  }
0x161: {  	v16 =	vadd.f32 v22, v10;
	v9 =	vld [tilespmem:s18+$0xFFFFFFC0];
	v12 =	vadd.f32 v13, v12;
	v11, _, _ =	vpop (xrf2)  }
0x162: {  	v17 =	vmov s16;
	s16 =	smov.u32 s12;
	s12 =	smov.u32 s23;
	v10 =	vld [tilespmem:s20+$0xFFFFFFC0];
	v13 =	vperm.xlane v11, v0  }
0x163: {  	v14 =	vadd.f32 v15, v14;
	vm0 =	veq.s32 v17, v1;
	v11 =	vld [tilespmem:s18+$0xFFFFFFD0];
	v15 =	vadd.f32 v12, v16  }
0x164: {  	v12 =	vld [tilespmem:s20+$0xFFFFFFD0];
	v5 =	vsel vm0, v13, v5  }
0x165: {  	v13 =	vld [tilespmem:s18+$0xFFFFFFE0];
	v16 =	vadd.f32 v15, v14  }
.Ltmp5:
0x166: {  	v15 =	vld [tilespmem:s20+$0xFFFFFFE0];
	(pc) =	sbr.rel @p3 .LBB2_9-.Ltmp5, $4  }
0x167: {  	v14 =	vld [tilespmem:s18+$0xFFFFFFF0];
	(xrf2) =	vadd.scan.msk.f32 $0xffff, v16  }
0x168: {  	v16 =	vld [tilespmem:s20+$0xFFFFFFF0]  }
0x169: {  	v17 =	vld [tilespmem:s18+$0x0]  }
0x16a: {  	s23 =	sadd.s32 $0x1, s23;
	s18 =	sadd.s32 $0x80, s18;
	v18 =	vld [tilespmem:s20+$0x0]  }
0x16b: {  	_ = 	snop  }
0x16c: {  	v2 =	vmul.f32 v2, v7;
	v3 =	vmul.f32 v4, v3  }
0x16d: {  	v4 =	vmul.f32 v8, v6;
	v6 =	vmul.f32 v10, v9  }
0x16e: {  	v7 =	vmul.f32 v12, v11;
	v8 =	vmul.f32 v15, v13  }
0x16f: {  	v9 =	vmul.f32 v16, v14;
	v10 =	vmul.f32 v18, v17  }
0x170: {  	v2 =	vadd.f32 v3, v2;
	v3 =	vadd.f32 v6, v4  }
0x171: {  	v4 =	vadd.f32 v8, v7;
	v6 =	vadd.f32 v10, v9;
	_ =	sdelay $0x1  }
0x172: {  	v2 =	vadd.f32 v3, v2;
	v3 =	vadd.f32 v6, v4;
	_ =	sdelay $0x1  }
0x173: {  	v2 =	vadd.f32 v3, v2;
	_ =	sdelay $0x1  }
0x174: {  	(xrf2) =	vadd.scan.msk.f32 $0xffff, v2;
	_ =	sdelay $0x8  }
0x175: {  	v2, _, _ =	vpop (xrf2)  }
0x176: {  	v3 =	vmov s16;
	v2 =	vperm.xlane v2, v0;
	v4, _, _ =	vpop (xrf2)  }
0x177: {  	vm0 =	veq.s32 v3, v1;
	v3 =	vperm.xlane v4, v0;
	v4 =	vmov s12  }
0x178: {  	s20 =	sadd.s32 s26, s10;
	v2 =	vsel vm0, v2, v5;
	vm15 =	veq.s32 v4, v1  }
0x179: {  	s12 =	sshrl.u32 s20, $0x3;
	v2 =	vsel vm15, v3, v2  }
0x17a: {  	s23 =	simm.s32 $0x1D900;
	s12 =	sadd.s32 s2, s12;
	[tilespmem:$0x1D900] =	vst v2  }
0x17b: {  	[hbm4b:s12+s5] =	stream.linear.scatter [tilespmem:s23], [sflag:$0xE], $0x10, $0x38;
	[tilespmem:$0x1DB80] =	vst v63  }
0x17c: {  	s18 =	simm.s32 $0x19F80;
	s16 =	sadd.s32 $0x13900, s26  }
0x17d: {  	[tilespmem:s18], [sflag:$0x4] =	stream.indirect.gather [hbm4b:s0+s17], $0x80, s16, s17, $0xb8;
	[tilespmem:$0x1DB80] =	vst v63  }
0x17e: {  	s20 =	sadd.s32 $0x16080, s26;
	s23 =	simm.s32 $0x1C780  }
0x17f: {  	[tilespmem:s23], [sflag:$0x9] =	stream.indirect.gather [hbm4b:s0+s17], $0x80, s20, s17, $0xb8;
	[tilespmem:$0x1DB80] =	vst v63  }
0x180: {  	_ =	swait.ge [sflag:s19], $0x800  }
0x181: {  	[sflag:s19] =	ssyncset.done $0x0  }
0x182: {  	[sflag:s19] =	ssyncadd.s32 $0xFFFFF800  }
0x183: {  	_ =	swait.ge [sflag:s21], $0x800  }
0x184: {  	[sflag:s21] =	ssyncset.done $0x0  }
0x185: {  	s12 =	simm.s32 @p2 $0xF;
	[sflag:s21] =	ssyncadd.s32 $0xFFFFF800  }
0x186: {  	_ =	swait.ge @p2 [sflag:s12], $0x10  }
0x187: {  	[sflag:s12] =	ssyncset.done @p2 $0x0  }
0x188: {  	s18 =	simm.s32 $0x1A7F0;
	[sflag:s12] =	ssyncadd.s32 @p2 $0xFFFFFFF0  }
0x189: {  	s20 =	simm.s32 $0x1CFF0;
	v5 =	vld [tilespmem:s18+$0xFFFFFF90]  }
0x18a: {  	v6 =	vld [tilespmem:s20+$0xFFFFFF90]  }
0x18b: {  	v8 =	vld [tilespmem:s18+$0xFFFFFFA0]  }
0x18c: {  	v9 =	vld [tilespmem:s20+$0xFFFFFFA0]  }
0x18d: {  	v10 =	vld [tilespmem:s18+$0xFFFFFFB0]  }
0x18e: {  	v11 =	vld [tilespmem:s20+$0xFFFFFFB0]  }
0x18f: {  	v12 =	vld [tilespmem:s18+$0xFFFFFFC0]  }
0x190: {  	v13 =	vld [tilespmem:s20+$0xFFFFFFC0]  }
0x191: {  	v14 =	vld [tilespmem:s18+$0xFFFFFFD0]  }
0x192: {  	v15 =	vld [tilespmem:s20+$0xFFFFFFD0]  }
0x193: {  	v16 =	vld [tilespmem:s18+$0xFFFFFFE0]  }
0x194: {  	v17 =	vld [tilespmem:s20+$0xFFFFFFE0]  }
0x195: {  	v18 =	vld [tilespmem:s18+$0xFFFFFFF0]  }
0x196: {  	v19 =	vld [tilespmem:s20+$0xFFFFFFF0]  }
0x197: {  	v20 =	vld [tilespmem:s18+$0x0]  }
0x198: {  	s23 =	simm.s32 $0x1A870;
	v21 =	vld [tilespmem:s20+$0x0]  }
0x199: {  	v7 =	vld [tilespmem:s23+$0xFFFFFF90]  }
0x19a: {  	s20 =	simm.s32 $0x1D070;
	v3 =	vld [tilespmem:s23+$0xFFFFFFA0];
	v5 =	vmul.f32 v6, v5;
	v22 =	vmul.f32 v9, v8  }
0x19b: {  	v2 =	vld [tilespmem:s20+$0xFFFFFF90];
	v11 =	vmul.f32 v11, v10;
	v12 =	vmul.f32 v13, v12  }
0x19c: {  	v4 =	vld [tilespmem:s20+$0xFFFFFFA0];
	v13 =	vmul.f32 v15, v14;
	v14 =	vmul.f32 v17, v16  }
0x19d: {  	v6 =	vld [tilespmem:s23+$0xFFFFFFB0];
	v15 =	vmul.f32 v19, v18;
	v16 =	vmul.f32 v21, v20  }
0x19e: {  	v8 =	vld [tilespmem:s20+$0xFFFFFFB0];
	v5 =	vadd.f32 v22, v5;
	v17 =	vadd.f32 v12, v11  }
0x19f: {  	v9 =	vld [tilespmem:s23+$0xFFFFFFC0];
	v14 =	vadd.f32 v14, v13;
	v15 =	vadd.f32 v16, v15  }
0x1a0: {  	v10 =	vld [tilespmem:s20+$0xFFFFFFC0]  }
0x1a1: {  	v11 =	vld [tilespmem:s23+$0xFFFFFFD0];
	v5 =	vadd.f32 v17, v5;
	v16 =	vadd.f32 v15, v14  }
0x1a2: {  	v12 =	vld [tilespmem:s20+$0xFFFFFFD0]  }
0x1a3: {  	v13 =	vld [tilespmem:s23+$0xFFFFFFE0];
	v18 =	vadd.f32 v16, v5  }
0x1a4: {  	v15 =	vld [tilespmem:s20+$0xFFFFFFE0]  }
0x1a5: {  	v14 =	vld [tilespmem:s23+$0xFFFFFFF0];
	(xrf2) =	vadd.scan.msk.f32 $0xffff, v18  }
0x1a6: {  	v17 =	vld [tilespmem:s23+$0x0]  }
0x1a7: {  	s16 =	simm.s32 $0x0;
	v16 =	vld [tilespmem:s20+$0xFFFFFFF0]  }
0x1a8: {  	s12 =	simm.s32 $0x1;
	s18 =	simm.s32 $0x1A8F0;
	s23 =	simm.s32 $0x2;
	v5 =	vimm.f32 $0.0e+00;
	v18 =	vld [tilespmem:s20+$0x0]  }
.LBB2_11:
0x1a9: {  	v19 =	vld [tilespmem:s18+$0xFFFFFF90];
	p2 =	sne.s32 s23, $0xF;
	s20 =	sadd.s32 $0x80, s20  }
0x1aa: {  	v7 =	vmul.f32 v2, v7;
	v20 =	vmul.f32 v4, v3;
	v2 =	vld [tilespmem:s20+$0xFFFFFF90]  }
0x1ab: {  	v21 =	vmul.f32 v8, v6;
	v9 =	vmul.f32 v10, v9;
	v3 =	vld [tilespmem:s18+$0xFFFFFFA0]  }
0x1ac: {  	v10 =	vmul.f32 v12, v11;
	v22 =	vmul.f32 v15, v13;
	v4 =	vld [tilespmem:s20+$0xFFFFFFA0]  }
0x1ad: {  	v12 =	vmul.f32 v16, v14;
	v6 =	vld [tilespmem:s18+$0xFFFFFFB0];
	v13 =	vmul.f32 v18, v17  }
0x1ae: {  	v14 =	vadd.f32 v20, v7;
	v15 =	vadd.f32 v9, v21;
	v8 =	vld [tilespmem:s20+$0xFFFFFFB0];
	v7 =	vmov v19  }
0x1af: {  	v16 =	vadd.f32 v22, v10;
	v9 =	vld [tilespmem:s18+$0xFFFFFFC0];
	v12 =	vadd.f32 v13, v12;
	v11, _, _ =	vpop (xrf2)  }
0x1b0: {  	v17 =	vmov s16;
	s16 =	smov.u32 s12;
	s12 =	smov.u32 s23;
	v10 =	vld [tilespmem:s20+$0xFFFFFFC0];
	v13 =	vperm.xlane v11, v0  }
0x1b1: {  	v14 =	vadd.f32 v15, v14;
	vm0 =	veq.s32 v17, v1;
	v11 =	vld [tilespmem:s18+$0xFFFFFFD0];
	v15 =	vadd.f32 v12, v16  }
0x1b2: {  	v12 =	vld [tilespmem:s20+$0xFFFFFFD0];
	v5 =	vsel vm0, v13, v5  }
0x1b3: {  	v13 =	vld [tilespmem:s18+$0xFFFFFFE0];
	v16 =	vadd.f32 v15, v14  }
.Ltmp6:
0x1b4: {  	v15 =	vld [tilespmem:s20+$0xFFFFFFE0];
	(pc) =	sbr.rel @p2 .LBB2_11-.Ltmp6, $4  }
0x1b5: {  	v14 =	vld [tilespmem:s18+$0xFFFFFFF0];
	(xrf2) =	vadd.scan.msk.f32 $0xffff, v16  }
0x1b6: {  	v16 =	vld [tilespmem:s20+$0xFFFFFFF0]  }
0x1b7: {  	v17 =	vld [tilespmem:s18+$0x0]  }
0x1b8: {  	s23 =	sadd.s32 $0x1, s23;
	s18 =	sadd.s32 $0x80, s18;
	v18 =	vld [tilespmem:s20+$0x0]  }
0x1b9: {  	_ = 	snop  }
0x1ba: {  	v2 =	vmul.f32 v2, v7;
	v3 =	vmul.f32 v4, v3  }
0x1bb: {  	v54 =	vmul.f32 v8, v6;
	v55 =	vmul.f32 v10, v9  }
0x1bc: {  	v56 =	vmul.f32 v12, v11;
	v57 =	vmul.f32 v15, v13  }
0x1bd: {  	v58 =	vmul.f32 v16, v14;
	v59 =	vmul.f32 v18, v17  }
0x1be: {  	v2 =	vadd.f32 v3, v2;
	v3 =	vadd.f32 v55, v54  }
0x1bf: {  	v60 =	vadd.f32 v57, v56;
	v61 =	vadd.f32 v59, v58;
	_ =	sdelay $0x1  }
0x1c0: {  	v2 =	vadd.f32 v3, v2;
	v3 =	vadd.f32 v61, v60;
	_ =	sdelay $0x1  }
0x1c1: {  	v2 =	vadd.f32 v3, v2;
	_ =	sdelay $0x1  }
0x1c2: {  	(xrf2) =	vadd.scan.msk.f32 $0xffff, v2;
	_ =	sdelay $0x8  }
0x1c3: {  	v2, _, _ =	vpop (xrf2)  }
0x1c4: {  	v3 =	vmov s16;
	v2 =	vperm.xlane v2, v0;
	v62, _, _ =	vpop (xrf2)  }
0x1c5: {  	v63 =	vmov s12;
	vm0 =	veq.s32 v3, v1;
	v3 =	vperm.xlane v62, v0  }
0x1c6: {  	vm15 =	veq.s32 v63, v1;
	s16 =	sadd.s32 s26, s11;
	v2 =	vsel vm0, v2, v5  }
0x1c7: {  	s12 =	sshrl.u32 s16, $0x3;
	v2 =	vsel vm15, v3, v2  }
0x1c8: {  	s18 =	simm.s32 $0x1D980;
	s12 =	sadd.s32 s2, s12;
	[tilespmem:$0x1D980] =	vst v2  }
0x1c9: {  	[hbm4b:s12+s5] =	stream.linear.scatter [tilespmem:s18], [sflag:$0xF], $0x10, $0x38;
	[tilespmem:$0x1DB80] =	vst v63  }
.Ltmp7:
0x1ca: {  	s20 =	sadd.s32 $0x13910, s26;
	(pc) =	sbr.rel @p1 .LBB2_2-.Ltmp7, $4  }
0x1cb: {  	[tilespmem:s25], [sflag:$0x5] =	stream.indirect.gather [hbm4b:s0+s17], $0x80, s20, s17, $0xb8;
	[tilespmem:$0x1DB80] =	vst v63  }
0x1cc: {  	s23 =	sadd.s32 $0x16090, s26;
	s26 =	simm.s32 $0x1CF80  }
0x1cd: {  	[tilespmem:s26], [sflag:$0xA] =	stream.indirect.gather [hbm4b:s0+s17], $0x80, s23, s17, $0xb8;
	[tilespmem:$0x1DB80] =	vst v63  }
0x1ce: {  	p3 =	por $0x0, $0x0;
	p2 =	por $0x1, $0x1;
	s26 =	simm.s32 $0x50  }
0x1cf: {  	s12 =	simm.s32 @!p0 $0x10  }
0x1d0: {  	_ =	swait.ge @!p0 [sflag:s12], $0x27100  }
0x1d1: {  	[sflag:s12] =	ssyncset.done @!p0 $0x0  }
0x1d2: {  	[sflag:s12] =	ssyncadd.s32 @!p0 $0xFFFD8F00  }
0x1d3: {  	s26 =	simm.s32 $0x2;
	[bflag:$0x0] =	sbarrier.arrive $0xFFFF  }
.LBB2_14:
0x1d4: {  	_ =	swait.ge [sflag:s29], $0x800  }
0x1d5: {  	[sflag:s29] =	ssyncset.done $0x0  }
0x1d6: {  	[sflag:s29] =	ssyncadd.s32 $0xFFFFF800  }
0x1d7: {  	_ =	swait.ge [sflag:s31], $0x800  }
0x1d8: {  	[sflag:s31] =	ssyncset.done $0x0  }
0x1d9: {  	s12 =	simm.s32 $0xB;
	[sflag:s31] =	ssyncadd.s32 $0xFFFFF800  }
0x1da: {  	_ =	swait.ge [sflag:s12], $0x10  }
0x1db: {  	[sflag:s12] =	ssyncset.done $0x0  }
0x1dc: {  	s23 =	simm.s32 $0x187C0;
	[sflag:s12] =	ssyncadd.s32 $0xFFFFFFF0  }
0x1dd: {  	s16 =	simm.s32 $0x1AFC0;
	v4 =	vld [tilespmem:s23+$0xFFFFFFC0]  }
0x1de: {  	v6 =	vld [tilespmem:s16+$0xFFFFFFC0]  }
0x1df: {  	v8 =	vld [tilespmem:s23+$0xFFFFFFD0]  }
0x1e0: {  	v9 =	vld [tilespmem:s16+$0xFFFFFFD0]  }
0x1e1: {  	v10 =	vld [tilespmem:s23+$0xFFFFFFE0]  }
0x1e2: {  	v11 =	vld [tilespmem:s16+$0xFFFFFFE0]  }
0x1e3: {  	v12 =	vld [tilespmem:s23+$0xFFFFFFF0]  }
0x1e4: {  	v13 =	vld [tilespmem:s16+$0xFFFFFFF0]  }
0x1e5: {  	v14 =	vld [tilespmem:s23+$0x0]  }
0x1e6: {  	v15 =	vld [tilespmem:s16+$0x0]  }
0x1e7: {  	v16 =	vld [tilespmem:s23+$0x10]  }
0x1e8: {  	v17 =	vld [tilespmem:s16+$0x10]  }
0x1e9: {  	v18 =	vld [tilespmem:s23+$0x20]  }
0x1ea: {  	v19 =	vld [tilespmem:s16+$0x20]  }
0x1eb: {  	v20 =	vld [tilespmem:s23+$0x30]  }
0x1ec: {  	s25 =	simm.s32 $0x18840;
	v21 =	vld [tilespmem:s16+$0x30]  }
0x1ed: {  	s20 =	simm.s32 $0x1B040;
	v7 =	vld [tilespmem:s25+$0xFFFFFFC0]  }
0x1ee: {  	v2 =	vld [tilespmem:s20+$0xFFFFFFC0];
	v4 =	vmul.f32 v6, v4;
	v22 =	vmul.f32 v9, v8  }
0x1ef: {  	v3 =	vld [tilespmem:s25+$0xFFFFFFD0];
	v11 =	vmul.f32 v11, v10;
	v12 =	vmul.f32 v13, v12  }
0x1f0: {  	v5 =	vld [tilespmem:s20+$0xFFFFFFD0];
	v13 =	vmul.f32 v15, v14;
	v14 =	vmul.f32 v17, v16  }
0x1f1: {  	v6 =	vld [tilespmem:s25+$0xFFFFFFE0];
	v15 =	vmul.f32 v19, v18;
	v16 =	vmul.f32 v21, v20  }
0x1f2: {  	v8 =	vld [tilespmem:s20+$0xFFFFFFE0];
	v4 =	vadd.f32 v22, v4;
	v17 =	vadd.f32 v12, v11  }
0x1f3: {  	v9 =	vld [tilespmem:s25+$0xFFFFFFF0];
	v14 =	vadd.f32 v14, v13;
	v15 =	vadd.f32 v16, v15  }
0x1f4: {  	v10 =	vld [tilespmem:s20+$0xFFFFFFF0]  }
0x1f5: {  	v11 =	vld [tilespmem:s25+$0x0];
	v4 =	vadd.f32 v17, v4;
	v16 =	vadd.f32 v15, v14  }
0x1f6: {  	v12 =	vld [tilespmem:s20+$0x0]  }
0x1f7: {  	v13 =	vld [tilespmem:s25+$0x10];
	v18 =	vadd.f32 v16, v4  }
0x1f8: {  	v15 =	vld [tilespmem:s20+$0x10]  }
0x1f9: {  	v14 =	vld [tilespmem:s25+$0x20];
	(xrf2) =	vadd.scan.msk.f32 $0xffff, v18  }
0x1fa: {  	v17 =	vld [tilespmem:s25+$0x30]  }
0x1fb: {  	s18 =	simm.s32 $0x188C0;
	v16 =	vld [tilespmem:s20+$0x20]  }
0x1fc: {  	s12 =	simm.s32 $0x0;
	s16 =	simm.s32 $0x1;
	s23 =	simm.s32 $0x2;
	v4 =	vimm.f32 $0.0e+00;
	v18 =	vld [tilespmem:s20+$0x30]  }
.LBB2_15:
0x1fd: {  	v19 =	vld [tilespmem:s18+$0xFFFFFFC0];
	p1 =	sne.s32 s23, $0xF;
	s20 =	sadd.s32 $0x80, s20  }
0x1fe: {  	v7 =	vmul.f32 v2, v7;
	v20 =	vmul.f32 v5, v3;
	v2 =	vld [tilespmem:s20+$0xFFFFFFC0]  }
0x1ff: {  	v21 =	vmul.f32 v8, v6;
	v9 =	vmul.f32 v10, v9;
	v3 =	vld [tilespmem:s18+$0xFFFFFFD0]  }
0x200: {  	v10 =	vmul.f32 v12, v11;
	v22 =	vmul.f32 v15, v13;
	v5 =	vld [tilespmem:s20+$0xFFFFFFD0]  }
0x201: {  	v12 =	vmul.f32 v16, v14;
	v6 =	vld [tilespmem:s18+$0xFFFFFFE0];
	v13 =	vmul.f32 v18, v17  }
0x202: {  	v14 =	vadd.f32 v20, v7;
	v15 =	vadd.f32 v9, v21;
	v8 =	vld [tilespmem:s20+$0xFFFFFFE0];
	v7 =	vmov v19  }
0x203: {  	v16 =	vadd.f32 v22, v10;
	v9 =	vld [tilespmem:s18+$0xFFFFFFF0];
	v12 =	vadd.f32 v13, v12;
	v11, _, _ =	vpop (xrf2)  }
0x204: {  	v17 =	vmov s12;
	s12 =	smov.u32 s16;
	s16 =	smov.u32 s23;
	v10 =	vld [tilespmem:s20+$0xFFFFFFF0];
	v13 =	vperm.xlane v11, v0  }
0x205: {  	v14 =	vadd.f32 v15, v14;
	vm0 =	veq.s32 v17, v1;
	v11 =	vld [tilespmem:s18+$0x0];
	v15 =	vadd.f32 v12, v16  }
0x206: {  	v12 =	vld [tilespmem:s20+$0x0];
	v4 =	vsel vm0, v13, v4  }
0x207: {  	v13 =	vld [tilespmem:s18+$0x10];
	v16 =	vadd.f32 v15, v14  }
.Ltmp8:
0x208: {  	v15 =	vld [tilespmem:s20+$0x10];
	(pc) =	sbr.rel @p1 .LBB2_15-.Ltmp8, $4  }
0x209: {  	v14 =	vld [tilespmem:s18+$0x20];
	(xrf2) =	vadd.scan.msk.f32 $0xffff, v16  }
0x20a: {  	v16 =	vld [tilespmem:s20+$0x20]  }
0x20b: {  	v17 =	vld [tilespmem:s18+$0x30]  }
0x20c: {  	s23 =	sadd.s32 $0x1, s23;
	s18 =	sadd.s32 $0x80, s18;
	v18 =	vld [tilespmem:s20+$0x30]  }
0x20d: {  	_ = 	snop  }
0x20e: {  	v2 =	vmul.f32 v2, v7;
	v3 =	vmul.f32 v5, v3  }
0x20f: {  	v5 =	vmul.f32 v8, v6;
	v6 =	vmul.f32 v10, v9  }
0x210: {  	v7 =	vmul.f32 v12, v11;
	v8 =	vmul.f32 v15, v13  }
0x211: {  	v9 =	vmul.f32 v16, v14;
	v10 =	vmul.f32 v18, v17  }
0x212: {  	v2 =	vadd.f32 v3, v2;
	v3 =	vadd.f32 v6, v5  }
0x213: {  	v5 =	vadd.f32 v8, v7;
	v6 =	vadd.f32 v10, v9;
	_ =	sdelay $0x1  }
0x214: {  	v2 =	vadd.f32 v3, v2;
	v3 =	vadd.f32 v6, v5;
	_ =	sdelay $0x1  }
0x215: {  	v2 =	vadd.f32 v3, v2;
	_ =	sdelay $0x1  }
0x216: {  	(xrf2) =	vadd.scan.msk.f32 $0xffff, v2;
	_ =	sdelay $0x8  }
0x217: {  	v2, _, _ =	vpop (xrf2)  }
0x218: {  	s20 =	smul.u32 $0x50, s26;
	v3 =	vmov s12;
	v2 =	vperm.xlane v2, v0;
	v5, _, _ =	vpop (xrf2)  }
0x219: {  	vm0 =	veq.s32 v3, v1;
	v3 =	vperm.xlane v5, v0;
	v5 =	vmov s16  }
0x21a: {  	s23 =	sadd.s32 s4, s20;
	v2 =	vsel vm0, v2, v4;
	vm15 =	veq.s32 v5, v1  }
0x21b: {  	s12 =	sshrl.u32 s23, $0x3;
	v2 =	vsel vm15, v3, v2  }
0x21c: {  	s25 =	simm.s32 $0x1D780;
	p1 =	seq.s32 s26, $0x7C;
	s12 =	sadd.s32 s2, s12;
	[tilespmem:$0x1D780] =	vst v2  }
0x21d: {  	[hbm4b:s12+s5] =	stream.linear.scatter [tilespmem:s25], [sflag:$0xB], $0x10, $0x38;
	[tilespmem:$0x1DB80] =	vst v63  }
0x21e: {  	s18 =	simm.s32 @!p1 $0x18780;
	s16 =	simm.s32 @!p1 $0x10;
	s12 =	sadd.s32 @!p1 $0x138D0, s20  }
0x21f: {  	[tilespmem:s18], [sflag:$0x1] =	stream.indirect.gather @!p1 [spmem:s3], $0x80, s12, s16, $0xb8;
	[tilespmem:$0x1DB80] =	vst v63  }
0x220: {  	s12 =	sadd.s32 @!p1 $0x16050, s20;
	s18 =	simm.s32 @!p1 $0x1AF80  }
0x221: {  	[tilespmem:s18], [sflag:$0x6] =	stream.indirect.gather @!p1 [spmem:s3], $0x80, s12, s16, $0xb8;
	[tilespmem:$0x1DB80] =	vst v63  }
0x222: {  	_ =	swait.ge [sflag:s24], $0x800  }
0x223: {  	[sflag:s24] =	ssyncset.done $0x0  }
0x224: {  	[sflag:s24] =	ssyncadd.s32 $0xFFFFF800  }
0x225: {  	_ =	swait.ge [sflag:s14], $0x800  }
0x226: {  	[sflag:s14] =	ssyncset.done $0x0  }
0x227: {  	[sflag:s14] =	ssyncadd.s32 $0xFFFFF800  }
0x228: {  	_ =	swait.ge [sflag:s28], $0x10  }
0x229: {  	[sflag:s28] =	ssyncset.done $0x0  }
0x22a: {  	s18 =	simm.s32 $0x18FF0;
	[sflag:s28] =	ssyncadd.s32 $0xFFFFFFF0  }
0x22b: {  	s23 =	simm.s32 $0x1B7F0;
	v5 =	vld [tilespmem:s18+$0xFFFFFF90]  }
0x22c: {  	v6 =	vld [tilespmem:s23+$0xFFFFFF90]  }
0x22d: {  	v8 =	vld [tilespmem:s18+$0xFFFFFFA0]  }
0x22e: {  	v9 =	vld [tilespmem:s23+$0xFFFFFFA0]  }
0x22f: {  	v10 =	vld [tilespmem:s18+$0xFFFFFFB0]  }
0x230: {  	v11 =	vld [tilespmem:s23+$0xFFFFFFB0]  }
0x231: {  	v12 =	vld [tilespmem:s18+$0xFFFFFFC0]  }
0x232: {  	v13 =	vld [tilespmem:s23+$0xFFFFFFC0]  }
0x233: {  	v14 =	vld [tilespmem:s18+$0xFFFFFFD0]  }
0x234: {  	v15 =	vld [tilespmem:s23+$0xFFFFFFD0]  }
0x235: {  	v16 =	vld [tilespmem:s18+$0xFFFFFFE0]  }
0x236: {  	v17 =	vld [tilespmem:s23+$0xFFFFFFE0]  }
0x237: {  	v18 =	vld [tilespmem:s18+$0xFFFFFFF0]  }
0x238: {  	v19 =	vld [tilespmem:s23+$0xFFFFFFF0]  }
0x239: {  	v20 =	vld [tilespmem:s18+$0x0]  }
0x23a: {  	s25 =	simm.s32 $0x19070;
	v21 =	vld [tilespmem:s23+$0x0]  }
0x23b: {  	s16 =	simm.s32 $0x1B870;
	v7 =	vld [tilespmem:s25+$0xFFFFFF90]  }
0x23c: {  	v2 =	vld [tilespmem:s16+$0xFFFFFF90];
	v5 =	vmul.f32 v6, v5;
	v22 =	vmul.f32 v9, v8  }
0x23d: {  	v3 =	vld [tilespmem:s25+$0xFFFFFFA0];
	v11 =	vmul.f32 v11, v10;
	v12 =	vmul.f32 v13, v12  }
0x23e: {  	v4 =	vld [tilespmem:s16+$0xFFFFFFA0];
	v13 =	vmul.f32 v15, v14;
	v14 =	vmul.f32 v17, v16  }
0x23f: {  	v6 =	vld [tilespmem:s25+$0xFFFFFFB0];
	v15 =	vmul.f32 v19, v18;
	v16 =	vmul.f32 v21, v20  }
0x240: {  	v8 =	vld [tilespmem:s16+$0xFFFFFFB0];
	v5 =	vadd.f32 v22, v5;
	v17 =	vadd.f32 v12, v11  }
0x241: {  	v9 =	vld [tilespmem:s25+$0xFFFFFFC0];
	v14 =	vadd.f32 v14, v13;
	v15 =	vadd.f32 v16, v15  }
0x242: {  	v10 =	vld [tilespmem:s16+$0xFFFFFFC0]  }
0x243: {  	v11 =	vld [tilespmem:s25+$0xFFFFFFD0];
	v5 =	vadd.f32 v17, v5;
	v16 =	vadd.f32 v15, v14  }
0x244: {  	v12 =	vld [tilespmem:s16+$0xFFFFFFD0]  }
0x245: {  	v13 =	vld [tilespmem:s25+$0xFFFFFFE0];
	v18 =	vadd.f32 v16, v5  }
0x246: {  	v15 =	vld [tilespmem:s16+$0xFFFFFFE0]  }
0x247: {  	v14 =	vld [tilespmem:s25+$0xFFFFFFF0];
	(xrf2) =	vadd.scan.msk.f32 $0xffff, v18  }
0x248: {  	v17 =	vld [tilespmem:s25+$0x0]  }
0x249: {  	s12 =	simm.s32 $0x1;
	v16 =	vld [tilespmem:s16+$0xFFFFFFF0]  }
0x24a: {  	s18 =	simm.s32 $0x0;
	s23 =	simm.s32 $0x190F0;
	s25 =	simm.s32 $0x2;
	v5 =	vimm.f32 $0.0e+00;
	v18 =	vld [tilespmem:s16+$0x0]  }
.LBB2_17:
0x24b: {  	v19 =	vld [tilespmem:s23+$0xFFFFFF90];
	p2 =	sne.s32 s25, $0xF;
	s16 =	sadd.s32 $0x80, s16  }
0x24c: {  	v7 =	vmul.f32 v2, v7;
	v20 =	vmul.f32 v4, v3;
	v2 =	vld [tilespmem:s16+$0xFFFFFF90]  }
0x24d: {  	v21 =	vmul.f32 v8, v6;
	v9 =	vmul.f32 v10, v9;
	v3 =	vld [tilespmem:s23+$0xFFFFFFA0]  }
0x24e: {  	v10 =	vmul.f32 v12, v11;
	v22 =	vmul.f32 v15, v13;
	v4 =	vld [tilespmem:s16+$0xFFFFFFA0]  }
0x24f: {  	v12 =	vmul.f32 v16, v14;
	v6 =	vld [tilespmem:s23+$0xFFFFFFB0];
	v13 =	vmul.f32 v18, v17  }
0x250: {  	v14 =	vadd.f32 v20, v7;
	v15 =	vadd.f32 v9, v21;
	v8 =	vld [tilespmem:s16+$0xFFFFFFB0];
	v7 =	vmov v19  }
0x251: {  	v16 =	vadd.f32 v22, v10;
	v9 =	vld [tilespmem:s23+$0xFFFFFFC0];
	v12 =	vadd.f32 v13, v12;
	v11, _, _ =	vpop (xrf2)  }
0x252: {  	v17 =	vmov s18;
	s18 =	smov.u32 s12;
	s12 =	smov.u32 s25;
	v10 =	vld [tilespmem:s16+$0xFFFFFFC0];
	v13 =	vperm.xlane v11, v0  }
0x253: {  	v14 =	vadd.f32 v15, v14;
	vm0 =	veq.s32 v17, v1;
	v11 =	vld [tilespmem:s23+$0xFFFFFFD0];
	v15 =	vadd.f32 v12, v16  }
0x254: {  	v12 =	vld [tilespmem:s16+$0xFFFFFFD0];
	v5 =	vsel vm0, v13, v5  }
0x255: {  	v13 =	vld [tilespmem:s23+$0xFFFFFFE0];
	v16 =	vadd.f32 v15, v14  }
.Ltmp9:
0x256: {  	v15 =	vld [tilespmem:s16+$0xFFFFFFE0];
	(pc) =	sbr.rel @p2 .LBB2_17-.Ltmp9, $4  }
0x257: {  	v14 =	vld [tilespmem:s23+$0xFFFFFFF0];
	(xrf2) =	vadd.scan.msk.f32 $0xffff, v16  }
0x258: {  	v16 =	vld [tilespmem:s16+$0xFFFFFFF0]  }
0x259: {  	v17 =	vld [tilespmem:s23+$0x0]  }
0x25a: {  	s25 =	sadd.s32 $0x1, s25;
	s23 =	sadd.s32 $0x80, s23;
	v18 =	vld [tilespmem:s16+$0x0]  }
0x25b: {  	_ = 	snop  }
0x25c: {  	v2 =	vmul.f32 v2, v7;
	v3 =	vmul.f32 v4, v3  }
0x25d: {  	v4 =	vmul.f32 v8, v6;
	v6 =	vmul.f32 v10, v9  }
0x25e: {  	v7 =	vmul.f32 v12, v11;
	v8 =	vmul.f32 v15, v13  }
0x25f: {  	v9 =	vmul.f32 v16, v14;
	v10 =	vmul.f32 v18, v17  }
0x260: {  	v2 =	vadd.f32 v3, v2;
	v3 =	vadd.f32 v6, v4  }
0x261: {  	v4 =	vadd.f32 v8, v7;
	v6 =	vadd.f32 v10, v9;
	_ =	sdelay $0x1  }
0x262: {  	v2 =	vadd.f32 v3, v2;
	v3 =	vadd.f32 v6, v4;
	_ =	sdelay $0x1  }
0x263: {  	v2 =	vadd.f32 v3, v2;
	_ =	sdelay $0x1  }
0x264: {  	(xrf2) =	vadd.scan.msk.f32 $0xffff, v2;
	_ =	sdelay $0x8  }
0x265: {  	v2, _, _ =	vpop (xrf2)  }
0x266: {  	v3 =	vmov s18;
	v2 =	vperm.xlane v2, v0;
	v4, _, _ =	vpop (xrf2)  }
0x267: {  	vm0 =	veq.s32 v3, v1;
	v3 =	vperm.xlane v4, v0;
	v4 =	vmov s12  }
0x268: {  	s16 =	sadd.s32 s20, s8;
	v2 =	vsel vm0, v2, v5;
	vm15 =	veq.s32 v4, v1  }
0x269: {  	s12 =	sshrl.u32 s16, $0x3;
	v2 =	vsel vm15, v3, v2  }
0x26a: {  	s16 =	simm.s32 $0x1D800;
	s12 =	sadd.s32 s2, s12;
	[tilespmem:$0x1D800] =	vst v2  }
0x26b: {  	[hbm4b:s12+s5] =	stream.linear.scatter [tilespmem:s16], [sflag:$0xC], $0x10, $0x38;
	[tilespmem:$0x1DB80] =	vst v63  }
0x26c: {  	s18 =	simm.s32 @!p1 $0x18F80;
	s12 =	sadd.s32 @!p1 $0x138E0, s20;
	s16 =	simm.s32 @!p1 $0x10  }
0x26d: {  	[tilespmem:s18], [sflag:$0x2] =	stream.indirect.gather @!p1 [spmem:s3], $0x80, s12, s16, $0xb8;
	[tilespmem:$0x1DB80] =	vst v63  }
0x26e: {  	s12 =	sadd.s32 @!p1 $0x16060, s20;
	s18 =	simm.s32 @!p1 $0x1B780  }
0x26f: {  	[tilespmem:s18], [sflag:$0x7] =	stream.indirect.gather @!p1 [spmem:s3], $0x80, s12, s16, $0xb8;
	[tilespmem:$0x1DB80] =	vst v63  }
0x270: {  	_ =	swait.ge [sflag:s6], $0x800  }
0x271: {  	[sflag:s6] =	ssyncset.done $0x0  }
0x272: {  	[sflag:s6] =	ssyncadd.s32 $0xFFFFF800  }
0x273: {  	_ =	swait.ge [sflag:s7], $0x800  }
0x274: {  	[sflag:s7] =	ssyncset.done $0x0  }
0x275: {  	[sflag:s7] =	ssyncadd.s32 $0xFFFFF800  }
0x276: {  	_ =	swait.ge [sflag:s30], $0x10  }
0x277: {  	[sflag:s30] =	ssyncset.done $0x0  }
0x278: {  	s18 =	simm.s32 $0x197F0;
	[sflag:s30] =	ssyncadd.s32 $0xFFFFFFF0  }
0x279: {  	s23 =	simm.s32 $0x1BFF0;
	v5 =	vld [tilespmem:s18+$0xFFFFFF90]  }
0x27a: {  	v6 =	vld [tilespmem:s23+$0xFFFFFF90]  }
0x27b: {  	v8 =	vld [tilespmem:s18+$0xFFFFFFA0]  }
0x27c: {  	v9 =	vld [tilespmem:s23+$0xFFFFFFA0]  }
0x27d: {  	v10 =	vld [tilespmem:s18+$0xFFFFFFB0]  }
0x27e: {  	v11 =	vld [tilespmem:s23+$0xFFFFFFB0]  }
0x27f: {  	v12 =	vld [tilespmem:s18+$0xFFFFFFC0]  }
0x280: {  	v13 =	vld [tilespmem:s23+$0xFFFFFFC0]  }
0x281: {  	v14 =	vld [tilespmem:s18+$0xFFFFFFD0]  }
0x282: {  	v15 =	vld [tilespmem:s23+$0xFFFFFFD0]  }
0x283: {  	v16 =	vld [tilespmem:s18+$0xFFFFFFE0]  }
0x284: {  	v17 =	vld [tilespmem:s23+$0xFFFFFFE0]  }
0x285: {  	v18 =	vld [tilespmem:s18+$0xFFFFFFF0]  }
0x286: {  	v19 =	vld [tilespmem:s23+$0xFFFFFFF0]  }
0x287: {  	v20 =	vld [tilespmem:s18+$0x0]  }
0x288: {  	s25 =	simm.s32 $0x19870;
	v21 =	vld [tilespmem:s23+$0x0]  }
0x289: {  	s16 =	simm.s32 $0x1C070;
	v7 =	vld [tilespmem:s25+$0xFFFFFF90]  }
0x28a: {  	v2 =	vld [tilespmem:s16+$0xFFFFFF90];
	v5 =	vmul.f32 v6, v5;
	v22 =	vmul.f32 v9, v8  }
0x28b: {  	v3 =	vld [tilespmem:s25+$0xFFFFFFA0];
	v11 =	vmul.f32 v11, v10;
	v12 =	vmul.f32 v13, v12  }
0x28c: {  	v4 =	vld [tilespmem:s16+$0xFFFFFFA0];
	v13 =	vmul.f32 v15, v14;
	v14 =	vmul.f32 v17, v16  }
0x28d: {  	v6 =	vld [tilespmem:s25+$0xFFFFFFB0];
	v15 =	vmul.f32 v19, v18;
	v16 =	vmul.f32 v21, v20  }
0x28e: {  	v8 =	vld [tilespmem:s16+$0xFFFFFFB0];
	v5 =	vadd.f32 v22, v5;
	v17 =	vadd.f32 v12, v11  }
0x28f: {  	v9 =	vld [tilespmem:s25+$0xFFFFFFC0];
	v14 =	vadd.f32 v14, v13;
	v15 =	vadd.f32 v16, v15  }
0x290: {  	v10 =	vld [tilespmem:s16+$0xFFFFFFC0]  }
0x291: {  	v11 =	vld [tilespmem:s25+$0xFFFFFFD0];
	v5 =	vadd.f32 v17, v5;
	v16 =	vadd.f32 v15, v14  }
0x292: {  	v12 =	vld [tilespmem:s16+$0xFFFFFFD0]  }
0x293: {  	v13 =	vld [tilespmem:s25+$0xFFFFFFE0];
	v18 =	vadd.f32 v16, v5  }
0x294: {  	v15 =	vld [tilespmem:s16+$0xFFFFFFE0]  }
0x295: {  	v14 =	vld [tilespmem:s25+$0xFFFFFFF0];
	(xrf2) =	vadd.scan.msk.f32 $0xffff, v18  }
0x296: {  	v17 =	vld [tilespmem:s25+$0x0]  }
0x297: {  	s12 =	simm.s32 $0x1;
	v16 =	vld [tilespmem:s16+$0xFFFFFFF0]  }
0x298: {  	s18 =	simm.s32 $0x0;
	s23 =	simm.s32 $0x198F0;
	s25 =	simm.s32 $0x2;
	v5 =	vimm.f32 $0.0e+00;
	v18 =	vld [tilespmem:s16+$0x0]  }
.LBB2_19:
0x299: {  	v19 =	vld [tilespmem:s23+$0xFFFFFF90];
	p2 =	sne.s32 s25, $0xF;
	s16 =	sadd.s32 $0x80, s16  }
0x29a: {  	v7 =	vmul.f32 v2, v7;
	v20 =	vmul.f32 v4, v3;
	v2 =	vld [tilespmem:s16+$0xFFFFFF90]  }
0x29b: {  	v21 =	vmul.f32 v8, v6;
	v9 =	vmul.f32 v10, v9;
	v3 =	vld [tilespmem:s23+$0xFFFFFFA0]  }
0x29c: {  	v10 =	vmul.f32 v12, v11;
	v22 =	vmul.f32 v15, v13;
	v4 =	vld [tilespmem:s16+$0xFFFFFFA0]  }
0x29d: {  	v12 =	vmul.f32 v16, v14;
	v6 =	vld [tilespmem:s23+$0xFFFFFFB0];
	v13 =	vmul.f32 v18, v17  }
0x29e: {  	v14 =	vadd.f32 v20, v7;
	v15 =	vadd.f32 v9, v21;
	v8 =	vld [tilespmem:s16+$0xFFFFFFB0];
	v7 =	vmov v19  }
0x29f: {  	v16 =	vadd.f32 v22, v10;
	v9 =	vld [tilespmem:s23+$0xFFFFFFC0];
	v12 =	vadd.f32 v13, v12;
	v11, _, _ =	vpop (xrf2)  }
0x2a0: {  	v17 =	vmov s18;
	s18 =	smov.u32 s12;
	s12 =	smov.u32 s25;
	v10 =	vld [tilespmem:s16+$0xFFFFFFC0];
	v13 =	vperm.xlane v11, v0  }
0x2a1: {  	v14 =	vadd.f32 v15, v14;
	vm0 =	veq.s32 v17, v1;
	v11 =	vld [tilespmem:s23+$0xFFFFFFD0];
	v15 =	vadd.f32 v12, v16  }
0x2a2: {  	v12 =	vld [tilespmem:s16+$0xFFFFFFD0];
	v5 =	vsel vm0, v13, v5  }
0x2a3: {  	v13 =	vld [tilespmem:s23+$0xFFFFFFE0];
	v16 =	vadd.f32 v15, v14  }
.Ltmp10:
0x2a4: {  	v15 =	vld [tilespmem:s16+$0xFFFFFFE0];
	(pc) =	sbr.rel @p2 .LBB2_19-.Ltmp10, $4  }
0x2a5: {  	v14 =	vld [tilespmem:s23+$0xFFFFFFF0];
	(xrf2) =	vadd.scan.msk.f32 $0xffff, v16  }
0x2a6: {  	v16 =	vld [tilespmem:s16+$0xFFFFFFF0]  }
0x2a7: {  	v17 =	vld [tilespmem:s23+$0x0]  }
0x2a8: {  	s25 =	sadd.s32 $0x1, s25;
	s23 =	sadd.s32 $0x80, s23;
	v18 =	vld [tilespmem:s16+$0x0]  }
0x2a9: {  	_ = 	snop  }
0x2aa: {  	v2 =	vmul.f32 v2, v7;
	v3 =	vmul.f32 v4, v3  }
0x2ab: {  	v4 =	vmul.f32 v8, v6;
	v6 =	vmul.f32 v10, v9  }
0x2ac: {  	v7 =	vmul.f32 v12, v11;
	v8 =	vmul.f32 v15, v13  }
0x2ad: {  	v9 =	vmul.f32 v16, v14;
	v10 =	vmul.f32 v18, v17  }
0x2ae: {  	v2 =	vadd.f32 v3, v2;
	v3 =	vadd.f32 v6, v4  }
0x2af: {  	v4 =	vadd.f32 v8, v7;
	v6 =	vadd.f32 v10, v9;
	_ =	sdelay $0x1  }
0x2b0: {  	v2 =	vadd.f32 v3, v2;
	v3 =	vadd.f32 v6, v4;
	_ =	sdelay $0x1  }
0x2b1: {  	v2 =	vadd.f32 v3, v2;
	_ =	sdelay $0x1  }
0x2b2: {  	(xrf2) =	vadd.scan.msk.f32 $0xffff, v2;
	_ =	sdelay $0x8  }
0x2b3: {  	v2, _, _ =	vpop (xrf2)  }
0x2b4: {  	v3 =	vmov s18;
	v2 =	vperm.xlane v2, v0;
	v4, _, _ =	vpop (xrf2)  }
0x2b5: {  	vm0 =	veq.s32 v3, v1;
	v3 =	vperm.xlane v4, v0;
	v4 =	vmov s12  }
0x2b6: {  	s16 =	sadd.s32 s20, s9;
	v2 =	vsel vm0, v2, v5;
	vm15 =	veq.s32 v4, v1  }
0x2b7: {  	s12 =	sshrl.u32 s16, $0x3;
	v2 =	vsel vm15, v3, v2  }
0x2b8: {  	s16 =	simm.s32 $0x1D880;
	s12 =	sadd.s32 s2, s12;
	[tilespmem:$0x1D880] =	vst v2  }
0x2b9: {  	[hbm4b:s12+s5] =	stream.linear.scatter [tilespmem:s16], [sflag:$0xD], $0x10, $0x38;
	[tilespmem:$0x1DB80] =	vst v63  }
0x2ba: {  	s18 =	simm.s32 @!p1 $0x19780;
	s12 =	sadd.s32 @!p1 $0x138F0, s20;
	s16 =	simm.s32 @!p1 $0x10  }
0x2bb: {  	[tilespmem:s18], [sflag:$0x3] =	stream.indirect.gather @!p1 [spmem:s3], $0x80, s12, s16, $0xb8;
	[tilespmem:$0x1DB80] =	vst v63  }
0x2bc: {  	s12 =	sadd.s32 @!p1 $0x16070, s20;
	s18 =	simm.s32 @!p1 $0x1BF80  }
0x2bd: {  	[tilespmem:s18], [sflag:$0x8] =	stream.indirect.gather @!p1 [spmem:s3], $0x80, s12, s16, $0xb8;
	[tilespmem:$0x1DB80] =	vst v63  }
0x2be: {  	_ =	swait.ge [sflag:s13], $0x800  }
0x2bf: {  	[sflag:s13] =	ssyncset.done $0x0  }
0x2c0: {  	[sflag:s13] =	ssyncadd.s32 $0xFFFFF800  }
0x2c1: {  	_ =	swait.ge [sflag:s15], $0x800  }
0x2c2: {  	[sflag:s15] =	ssyncset.done $0x0  }
0x2c3: {  	[sflag:s15] =	ssyncadd.s32 $0xFFFFF800  }
0x2c4: {  	_ =	swait.ge [sflag:s1], $0x10  }
0x2c5: {  	[sflag:s1] =	ssyncset.done $0x0  }
0x2c6: {  	s18 =	simm.s32 $0x19FF0;
	[sflag:s1] =	ssyncadd.s32 $0xFFFFFFF0  }
0x2c7: {  	s23 =	simm.s32 $0x1C7F0;
	v5 =	vld [tilespmem:s18+$0xFFFFFF90]  }
0x2c8: {  	v6 =	vld [tilespmem:s23+$0xFFFFFF90]  }
0x2c9: {  	v8 =	vld [tilespmem:s18+$0xFFFFFFA0]  }
0x2ca: {  	v9 =	vld [tilespmem:s23+$0xFFFFFFA0]  }
0x2cb: {  	v10 =	vld [tilespmem:s18+$0xFFFFFFB0]  }
0x2cc: {  	v11 =	vld [tilespmem:s23+$0xFFFFFFB0]  }
0x2cd: {  	v12 =	vld [tilespmem:s18+$0xFFFFFFC0]  }
0x2ce: {  	v13 =	vld [tilespmem:s23+$0xFFFFFFC0]  }
0x2cf: {  	v14 =	vld [tilespmem:s18+$0xFFFFFFD0]  }
0x2d0: {  	v15 =	vld [tilespmem:s23+$0xFFFFFFD0]  }
0x2d1: {  	v16 =	vld [tilespmem:s18+$0xFFFFFFE0]  }
0x2d2: {  	v17 =	vld [tilespmem:s23+$0xFFFFFFE0]  }
0x2d3: {  	v18 =	vld [tilespmem:s18+$0xFFFFFFF0]  }
0x2d4: {  	v19 =	vld [tilespmem:s23+$0xFFFFFFF0]  }
0x2d5: {  	v20 =	vld [tilespmem:s18+$0x0]  }
0x2d6: {  	s25 =	simm.s32 $0x1A070;
	v21 =	vld [tilespmem:s23+$0x0]  }
0x2d7: {  	s16 =	simm.s32 $0x1C870;
	v7 =	vld [tilespmem:s25+$0xFFFFFF90]  }
0x2d8: {  	v2 =	vld [tilespmem:s16+$0xFFFFFF90];
	v5 =	vmul.f32 v6, v5;
	v22 =	vmul.f32 v9, v8  }
0x2d9: {  	v3 =	vld [tilespmem:s25+$0xFFFFFFA0];
	v11 =	vmul.f32 v11, v10;
	v12 =	vmul.f32 v13, v12  }
0x2da: {  	v4 =	vld [tilespmem:s16+$0xFFFFFFA0];
	v13 =	vmul.f32 v15, v14;
	v14 =	vmul.f32 v17, v16  }
0x2db: {  	v6 =	vld [tilespmem:s25+$0xFFFFFFB0];
	v15 =	vmul.f32 v19, v18;
	v16 =	vmul.f32 v21, v20  }
0x2dc: {  	v8 =	vld [tilespmem:s16+$0xFFFFFFB0];
	v5 =	vadd.f32 v22, v5;
	v17 =	vadd.f32 v12, v11  }
0x2dd: {  	v9 =	vld [tilespmem:s25+$0xFFFFFFC0];
	v14 =	vadd.f32 v14, v13;
	v15 =	vadd.f32 v16, v15  }
0x2de: {  	v10 =	vld [tilespmem:s16+$0xFFFFFFC0]  }
0x2df: {  	v11 =	vld [tilespmem:s25+$0xFFFFFFD0];
	v5 =	vadd.f32 v17, v5;
	v16 =	vadd.f32 v15, v14  }
0x2e0: {  	v12 =	vld [tilespmem:s16+$0xFFFFFFD0]  }
0x2e1: {  	v13 =	vld [tilespmem:s25+$0xFFFFFFE0];
	v18 =	vadd.f32 v16, v5  }
0x2e2: {  	v15 =	vld [tilespmem:s16+$0xFFFFFFE0]  }
0x2e3: {  	v14 =	vld [tilespmem:s25+$0xFFFFFFF0];
	(xrf2) =	vadd.scan.msk.f32 $0xffff, v18  }
0x2e4: {  	v17 =	vld [tilespmem:s25+$0x0]  }
0x2e5: {  	s12 =	simm.s32 $0x1;
	v16 =	vld [tilespmem:s16+$0xFFFFFFF0]  }
0x2e6: {  	s18 =	simm.s32 $0x0;
	s23 =	simm.s32 $0x1A0F0;
	s25 =	simm.s32 $0x2;
	v5 =	vimm.f32 $0.0e+00;
	v18 =	vld [tilespmem:s16+$0x0]  }
.LBB2_21:
0x2e7: {  	v19 =	vld [tilespmem:s23+$0xFFFFFF90];
	p2 =	sne.s32 s25, $0xF;
	s16 =	sadd.s32 $0x80, s16  }
0x2e8: {  	v7 =	vmul.f32 v2, v7;
	v20 =	vmul.f32 v4, v3;
	v2 =	vld [tilespmem:s16+$0xFFFFFF90]  }
0x2e9: {  	v21 =	vmul.f32 v8, v6;
	v9 =	vmul.f32 v10, v9;
	v3 =	vld [tilespmem:s23+$0xFFFFFFA0]  }
0x2ea: {  	v10 =	vmul.f32 v12, v11;
	v22 =	vmul.f32 v15, v13;
	v4 =	vld [tilespmem:s16+$0xFFFFFFA0]  }
0x2eb: {  	v12 =	vmul.f32 v16, v14;
	v6 =	vld [tilespmem:s23+$0xFFFFFFB0];
	v13 =	vmul.f32 v18, v17  }
0x2ec: {  	v14 =	vadd.f32 v20, v7;
	v15 =	vadd.f32 v9, v21;
	v8 =	vld [tilespmem:s16+$0xFFFFFFB0];
	v7 =	vmov v19  }
0x2ed: {  	v16 =	vadd.f32 v22, v10;
	v9 =	vld [tilespmem:s23+$0xFFFFFFC0];
	v12 =	vadd.f32 v13, v12;
	v11, _, _ =	vpop (xrf2)  }
0x2ee: {  	v17 =	vmov s18;
	s18 =	smov.u32 s12;
	s12 =	smov.u32 s25;
	v10 =	vld [tilespmem:s16+$0xFFFFFFC0];
	v13 =	vperm.xlane v11, v0  }
0x2ef: {  	v14 =	vadd.f32 v15, v14;
	vm0 =	veq.s32 v17, v1;
	v11 =	vld [tilespmem:s23+$0xFFFFFFD0];
	v15 =	vadd.f32 v12, v16  }
0x2f0: {  	v12 =	vld [tilespmem:s16+$0xFFFFFFD0];
	v5 =	vsel vm0, v13, v5  }
0x2f1: {  	v13 =	vld [tilespmem:s23+$0xFFFFFFE0];
	v16 =	vadd.f32 v15, v14  }
.Ltmp11:
0x2f2: {  	v15 =	vld [tilespmem:s16+$0xFFFFFFE0];
	(pc) =	sbr.rel @p2 .LBB2_21-.Ltmp11, $4  }
0x2f3: {  	v14 =	vld [tilespmem:s23+$0xFFFFFFF0];
	(xrf2) =	vadd.scan.msk.f32 $0xffff, v16  }
0x2f4: {  	v16 =	vld [tilespmem:s16+$0xFFFFFFF0]  }
0x2f5: {  	v17 =	vld [tilespmem:s23+$0x0]  }
0x2f6: {  	s25 =	sadd.s32 $0x1, s25;
	s23 =	sadd.s32 $0x80, s23;
	v18 =	vld [tilespmem:s16+$0x0]  }
0x2f7: {  	_ = 	snop  }
0x2f8: {  	v2 =	vmul.f32 v2, v7;
	v3 =	vmul.f32 v4, v3  }
0x2f9: {  	v4 =	vmul.f32 v8, v6;
	v6 =	vmul.f32 v10, v9  }
0x2fa: {  	v7 =	vmul.f32 v12, v11;
	v8 =	vmul.f32 v15, v13  }
0x2fb: {  	v9 =	vmul.f32 v16, v14;
	v10 =	vmul.f32 v18, v17  }
0x2fc: {  	v2 =	vadd.f32 v3, v2;
	v3 =	vadd.f32 v6, v4  }
0x2fd: {  	v4 =	vadd.f32 v8, v7;
	v6 =	vadd.f32 v10, v9;
	_ =	sdelay $0x1  }
0x2fe: {  	v2 =	vadd.f32 v3, v2;
	v3 =	vadd.f32 v6, v4;
	_ =	sdelay $0x1  }
0x2ff: {  	v2 =	vadd.f32 v3, v2;
	_ =	sdelay $0x1  }
0x300: {  	(xrf2) =	vadd.scan.msk.f32 $0xffff, v2;
	_ =	sdelay $0x8  }
0x301: {  	v2, _, _ =	vpop (xrf2)  }
0x302: {  	v3 =	vmov s18;
	v2 =	vperm.xlane v2, v0;
	v4, _, _ =	vpop (xrf2)  }
0x303: {  	vm0 =	veq.s32 v3, v1;
	v3 =	vperm.xlane v4, v0;
	v4 =	vmov s12  }
0x304: {  	s16 =	sadd.s32 s20, s10;
	v2 =	vsel vm0, v2, v5;
	vm15 =	veq.s32 v4, v1  }
0x305: {  	s12 =	sshrl.u32 s16, $0x3;
	v2 =	vsel vm15, v3, v2  }
0x306: {  	s16 =	simm.s32 $0x1D900;
	s12 =	sadd.s32 s2, s12;
	[tilespmem:$0x1D900] =	vst v2  }
0x307: {  	[hbm4b:s12+s5] =	stream.linear.scatter [tilespmem:s16], [sflag:$0xE], $0x10, $0x38;
	[tilespmem:$0x1DB80] =	vst v63  }
0x308: {  	s18 =	simm.s32 @!p1 $0x19F80;
	s12 =	sadd.s32 @!p1 $0x13900, s20;
	s16 =	simm.s32 @!p1 $0x10  }
0x309: {  	[tilespmem:s18], [sflag:$0x4] =	stream.indirect.gather @!p1 [spmem:s3], $0x80, s12, s16, $0xb8;
	[tilespmem:$0x1DB80] =	vst v63  }
0x30a: {  	s12 =	sadd.s32 @!p1 $0x16080, s20;
	s18 =	simm.s32 @!p1 $0x1C780  }
0x30b: {  	[tilespmem:s18], [sflag:$0x9] =	stream.indirect.gather @!p1 [spmem:s3], $0x80, s12, s16, $0xb8;
	[tilespmem:$0x1DB80] =	vst v63  }
0x30c: {  	_ =	swait.ge [sflag:s19], $0x800  }
0x30d: {  	[sflag:s19] =	ssyncset.done $0x0  }
0x30e: {  	[sflag:s19] =	ssyncadd.s32 $0xFFFFF800  }
0x30f: {  	_ =	swait.ge [sflag:s21], $0x800  }
0x310: {  	[sflag:s21] =	ssyncset.done $0x0  }
0x311: {  	[sflag:s21] =	ssyncadd.s32 $0xFFFFF800  }
0x312: {  	_ =	swait.ge [sflag:s22], $0x10  }
0x313: {  	[sflag:s22] =	ssyncset.done $0x0  }
0x314: {  	s18 =	simm.s32 $0x1A7F0;
	[sflag:s22] =	ssyncadd.s32 $0xFFFFFFF0  }
0x315: {  	s23 =	simm.s32 $0x1CFF0;
	v5 =	vld [tilespmem:s18+$0xFFFFFF90]  }
0x316: {  	v6 =	vld [tilespmem:s23+$0xFFFFFF90]  }
0x317: {  	v8 =	vld [tilespmem:s18+$0xFFFFFFA0]  }
0x318: {  	v9 =	vld [tilespmem:s23+$0xFFFFFFA0]  }
0x319: {  	v10 =	vld [tilespmem:s18+$0xFFFFFFB0]  }
0x31a: {  	v11 =	vld [tilespmem:s23+$0xFFFFFFB0]  }
0x31b: {  	v12 =	vld [tilespmem:s18+$0xFFFFFFC0]  }
0x31c: {  	v13 =	vld [tilespmem:s23+$0xFFFFFFC0]  }
0x31d: {  	v14 =	vld [tilespmem:s18+$0xFFFFFFD0]  }
0x31e: {  	v15 =	vld [tilespmem:s23+$0xFFFFFFD0]  }
0x31f: {  	v16 =	vld [tilespmem:s18+$0xFFFFFFE0]  }
0x320: {  	v17 =	vld [tilespmem:s23+$0xFFFFFFE0]  }
0x321: {  	v18 =	vld [tilespmem:s18+$0xFFFFFFF0]  }
0x322: {  	v19 =	vld [tilespmem:s23+$0xFFFFFFF0]  }
0x323: {  	v20 =	vld [tilespmem:s18+$0x0]  }
0x324: {  	s25 =	simm.s32 $0x1A870;
	v21 =	vld [tilespmem:s23+$0x0]  }
0x325: {  	s16 =	simm.s32 $0x1D070;
	v7 =	vld [tilespmem:s25+$0xFFFFFF90]  }
0x326: {  	v2 =	vld [tilespmem:s16+$0xFFFFFF90];
	v5 =	vmul.f32 v6, v5;
	v22 =	vmul.f32 v9, v8  }
0x327: {  	v3 =	vld [tilespmem:s25+$0xFFFFFFA0];
	v11 =	vmul.f32 v11, v10;
	v12 =	vmul.f32 v13, v12  }
0x328: {  	v4 =	vld [tilespmem:s16+$0xFFFFFFA0];
	v13 =	vmul.f32 v15, v14;
	v14 =	vmul.f32 v17, v16  }
0x329: {  	v6 =	vld [tilespmem:s25+$0xFFFFFFB0];
	v15 =	vmul.f32 v19, v18;
	v16 =	vmul.f32 v21, v20  }
0x32a: {  	v8 =	vld [tilespmem:s16+$0xFFFFFFB0];
	v5 =	vadd.f32 v22, v5;
	v17 =	vadd.f32 v12, v11  }
0x32b: {  	v9 =	vld [tilespmem:s25+$0xFFFFFFC0];
	v14 =	vadd.f32 v14, v13;
	v15 =	vadd.f32 v16, v15  }
0x32c: {  	v10 =	vld [tilespmem:s16+$0xFFFFFFC0]  }
0x32d: {  	v11 =	vld [tilespmem:s25+$0xFFFFFFD0];
	v5 =	vadd.f32 v17, v5;
	v16 =	vadd.f32 v15, v14  }
0x32e: {  	v12 =	vld [tilespmem:s16+$0xFFFFFFD0]  }
0x32f: {  	v13 =	vld [tilespmem:s25+$0xFFFFFFE0];
	v18 =	vadd.f32 v16, v5  }
0x330: {  	v15 =	vld [tilespmem:s16+$0xFFFFFFE0]  }
0x331: {  	v14 =	vld [tilespmem:s25+$0xFFFFFFF0];
	(xrf2) =	vadd.scan.msk.f32 $0xffff, v18  }
0x332: {  	v17 =	vld [tilespmem:s25+$0x0]  }
0x333: {  	s12 =	simm.s32 $0x1;
	v16 =	vld [tilespmem:s16+$0xFFFFFFF0]  }
0x334: {  	s18 =	simm.s32 $0x0;
	s23 =	simm.s32 $0x1A8F0;
	s25 =	simm.s32 $0x2;
	v5 =	vimm.f32 $0.0e+00;
	v18 =	vld [tilespmem:s16+$0x0]  }
.LBB2_23:
0x335: {  	v19 =	vld [tilespmem:s23+$0xFFFFFF90];
	p2 =	sne.s32 s25, $0xF;
	s16 =	sadd.s32 $0x80, s16  }
0x336: {  	v7 =	vmul.f32 v2, v7;
	v20 =	vmul.f32 v4, v3;
	v2 =	vld [tilespmem:s16+$0xFFFFFF90]  }
0x337: {  	v21 =	vmul.f32 v8, v6;
	v9 =	vmul.f32 v10, v9;
	v3 =	vld [tilespmem:s23+$0xFFFFFFA0]  }
0x338: {  	v10 =	vmul.f32 v12, v11;
	v22 =	vmul.f32 v15, v13;
	v4 =	vld [tilespmem:s16+$0xFFFFFFA0]  }
0x339: {  	v12 =	vmul.f32 v16, v14;
	v6 =	vld [tilespmem:s23+$0xFFFFFFB0];
	v13 =	vmul.f32 v18, v17  }
0x33a: {  	v14 =	vadd.f32 v20, v7;
	v15 =	vadd.f32 v9, v21;
	v8 =	vld [tilespmem:s16+$0xFFFFFFB0];
	v7 =	vmov v19  }
0x33b: {  	v16 =	vadd.f32 v22, v10;
	v9 =	vld [tilespmem:s23+$0xFFFFFFC0];
	v12 =	vadd.f32 v13, v12;
	v11, _, _ =	vpop (xrf2)  }
0x33c: {  	v17 =	vmov s18;
	s18 =	smov.u32 s12;
	s12 =	smov.u32 s25;
	v10 =	vld [tilespmem:s16+$0xFFFFFFC0];
	v13 =	vperm.xlane v11, v0  }
0x33d: {  	v14 =	vadd.f32 v15, v14;
	vm0 =	veq.s32 v17, v1;
	v11 =	vld [tilespmem:s23+$0xFFFFFFD0];
	v15 =	vadd.f32 v12, v16  }
0x33e: {  	v12 =	vld [tilespmem:s16+$0xFFFFFFD0];
	v5 =	vsel vm0, v13, v5  }
0x33f: {  	v13 =	vld [tilespmem:s23+$0xFFFFFFE0];
	v16 =	vadd.f32 v15, v14  }
.Ltmp12:
0x340: {  	v15 =	vld [tilespmem:s16+$0xFFFFFFE0];
	(pc) =	sbr.rel @p2 .LBB2_23-.Ltmp12, $4  }
0x341: {  	v14 =	vld [tilespmem:s23+$0xFFFFFFF0];
	(xrf2) =	vadd.scan.msk.f32 $0xffff, v16  }
0x342: {  	v16 =	vld [tilespmem:s16+$0xFFFFFFF0]  }
0x343: {  	v17 =	vld [tilespmem:s23+$0x0]  }
0x344: {  	s25 =	sadd.s32 $0x1, s25;
	s23 =	sadd.s32 $0x80, s23;
	v18 =	vld [tilespmem:s16+$0x0]  }
0x345: {  	_ = 	snop  }
0x346: {  	v2 =	vmul.f32 v2, v7;
	v3 =	vmul.f32 v4, v3  }
0x347: {  	v54 =	vmul.f32 v8, v6;
	v55 =	vmul.f32 v10, v9  }
0x348: {  	v56 =	vmul.f32 v12, v11;
	v57 =	vmul.f32 v15, v13  }
0x349: {  	v58 =	vmul.f32 v16, v14;
	v59 =	vmul.f32 v18, v17  }
0x34a: {  	v2 =	vadd.f32 v3, v2;
	v3 =	vadd.f32 v55, v54  }
0x34b: {  	v60 =	vadd.f32 v57, v56;
	v61 =	vadd.f32 v59, v58;
	_ =	sdelay $0x1  }
0x34c: {  	v2 =	vadd.f32 v3, v2;
	v3 =	vadd.f32 v61, v60;
	_ =	sdelay $0x1  }
0x34d: {  	v2 =	vadd.f32 v3, v2;
	_ =	sdelay $0x1  }
0x34e: {  	(xrf2) =	vadd.scan.msk.f32 $0xffff, v2;
	_ =	sdelay $0x8  }
0x34f: {  	v2, _, _ =	vpop (xrf2)  }
0x350: {  	v3 =	vmov s18;
	v2 =	vperm.xlane v2, v0;
	v62, _, _ =	vpop (xrf2)  }
.Ltmp13:
0x351: {  	v63 =	vmov s12;
	vm0 =	veq.s32 v3, v1;
	v3 =	vperm.xlane v62, v0;
	(pc) =	sbr.rel @p1 .LBB2_26-.Ltmp13, $4  }
0x352: {  	s25 =	sadd.s32 s20, s11;
	vm15 =	veq.s32 v63, v1;
	v2 =	vsel vm0, v2, v5  }
0x353: {  	s12 =	sshrl.u32 s25, $0x3;
	v2 =	vsel vm15, v3, v2  }
0x354: {  	s16 =	simm.s32 $0x1D980;
	s12 =	sadd.s32 s2, s12;
	[tilespmem:$0x1D980] =	vst v2  }
0x355: {  	[hbm4b:s12+s5] =	stream.linear.scatter [tilespmem:s16], [sflag:$0xF], $0x10, $0x38;
	[tilespmem:$0x1DB80] =	vst v63  }
.Ltmp14:
0x356: {  	(pc) =	sbr.rel .LBB2_14-.Ltmp14, $4  }
0x357: {  	s12 =	sadd.s32 $0x13910, s20;
	s16 =	simm.s32 $0x1A780  }
0x358: {  	[tilespmem:s16], [sflag:$0x5] =	stream.indirect.gather [spmem:s3], $0x80, s12, s17, $0xb8;
	[tilespmem:$0x1DB80] =	vst v63  }
0x359: {  	s23 =	sadd.s32 $0x16090, s20;
	s25 =	simm.s32 $0x1CF80;
	s26 =	sadd.s32 $0x1, s26  }
0x35a: {  	[tilespmem:s25], [sflag:$0xA] =	stream.indirect.gather [spmem:s3], $0x80, s23, s17, $0xb8;
	[tilespmem:$0x1DB80] =	vst v63  }
.LBB2_27:
0x35b: {  	_ =	sfence.sel $0x180000  }
0x35c: {  	[bflag:$0x0] =	sbarrier.arrive $0xFFFF  }
0x35d: {  	_ =	strace $0x90000047  }
0x35e: {  	[bflag:$0x2] =	sbarrier.arrive $0xFFFF  }
0x35f: {  	s0 =	rddreg [dreg:$0x5]  }
0x360: {  	s0 =	sadd.s32 @!p0 $0x100000, s0  }
0x361: {  	[sflag:s0] =	ssyncadd.tile.s32 @!p0 $0x1;
	_ =	shalt  }
.Lfunc_end2:
_tile_overlayer_lowered:
.L_overlay_start_2:
0x362: {  	(tag) =	ssettag $0x2  }
0x363: {  	s0 =	rddreg [dreg:$0x0];
	s2 =	stileid.u32  }
0x364: {  	s1 =	rddreg [dreg:$0x1];
	p0 =	sne.s32 s2, $0x0  }
0x365: {  	s3 =	rddreg [dreg:$0x2];
	[bflag:$0x3] =	sbarrier.arrive $0xFFFF;
	s2 =	simm.s32 @!p0 $0x1C11  }
0x366: {  	[timem:s3], [sflag:s2] =	dma.local @!p0 [hbm:s0], s1  }
0x367: {  	s0 =	simm.s32 @!p0 $0x11  }
0x368: {  	_ =	swait.ge @!p0 [sflag:s0], s1  }
0x369: {  	s1 =	ssub.s32 @!p0 $0x0, s1;
	[sflag:s0] =	ssyncset.done @!p0 $0x0  }
0x36a: {  	[sflag:s0] =	ssyncadd.s32 @!p0 s1  }
0x36b: {  	[bflag:$0x3] =	sbarrier.arrive $0xFFFF  }
0x36c: {  	_ =	shalt  }

</sc_bundles>
